<compile_context>
chip_gen: v7x
topology: tpu7x:2x2x1
jax: 0.10.2.dev20260603
libtpu: 0.0.44.dev20260713+nightly
codegen_flags: <defaults>
</compile_context>

<pallas_src>
import functools

import jax
import jax.numpy as jnp
from jax import lax
from jax.experimental import pallas as pl
from jax.experimental.pallas import tpu as pltpu
from jax.experimental.pallas import tpu_sc as plsc

EMB = 64
LANES = 16
VPR = EMB // LANES

_info = plsc.get_sparse_core_info()
NC, NS = _info.num_cores, _info.num_subcores
NW = NC * NS


def _sc_partials(B, NEG, V):
    CHUNK = B // NW
    S = 32
    STEPS = CHUNK // S
    NEG_CH = (S * NEG) // 128
    NROWS = CHUNK * NEG // 128
    assert S * NEG % 128 == 0 and CHUNK % S == 0 and B % NW == 0

    mesh = plsc.VectorSubcoreMesh(core_axis_name="c", subcore_axis_name="s")

    @functools.partial(
        pl.kernel,
        mesh=mesh,
        compiler_params=pltpu.CompilerParams(use_tc_tiling_on_sc=False),
        out_type=[
            jax.ShapeDtypeStruct((B, LANES), jnp.float32),
            jax.ShapeDtypeStruct((B, LANES), jnp.float32),
        ],
        scratch_types=[
            pltpu.VMEM((STEPS, S), jnp.int32),
            pltpu.VMEM((STEPS, S), jnp.int32),
            pltpu.VMEM((NROWS, 128), jnp.int32),
            pltpu.VMEM((S, EMB), jnp.float32),
            pltpu.VMEM((S, EMB), jnp.float32),
            pltpu.VMEM((S, EMB), jnp.float32),
            pltpu.VMEM((S, EMB), jnp.float32),
            pltpu.VMEM((S * NEG, EMB), jnp.float32),
            pltpu.VMEM((S * NEG, EMB), jnp.float32),
            pltpu.VMEM((CHUNK, LANES), jnp.float32),
            pltpu.VMEM((CHUNK, LANES), jnp.float32),
            pltpu.SemaphoreType.DMA,
            pltpu.SemaphoreType.DMA,
        ],
    )
    def sc_kernel(tgt_idx_hbm, ctx_idx_hbm, neg_idx_hbm, wt_hbm, wc_hbm,
                  pos_out, neg_out,
                  tgt_idx_v, ctx_idx_v, neg_idx_v,
                  tb0, tb1, cb0, cb1, rb0, rb1,
                  outp_v, outn_v, sem0, sem1):
        wid = lax.axis_index("s") * NC + lax.axis_index("c")
        tb = (tb0, tb1)
        cb = (cb0, cb1)
        rb = (rb0, rb1)
        sems = (sem0, sem1)

        pltpu.sync_copy(tgt_idx_hbm.at[pl.ds(wid * STEPS, STEPS), :], tgt_idx_v)
        pltpu.sync_copy(ctx_idx_hbm.at[pl.ds(wid * STEPS, STEPS), :], ctx_idx_v)
        pltpu.sync_copy(neg_idx_hbm.at[pl.ds(wid * NROWS, NROWS), :], neg_idx_v)

        def issue(s, p):
            for ch in range(NEG_CH):
                pltpu.async_copy(
                    wc_hbm.at[neg_idx_v.at[s * NEG_CH + ch]],
                    rb[p].at[pl.ds(ch * 128, 128), :],
                    sems[p])
            pltpu.async_copy(wt_hbm.at[tgt_idx_v.at[s]], tb[p], sems[p])
            pltpu.async_copy(wc_hbm.at[ctx_idx_v.at[s]], cb[p], sems[p])

        def drain(p):
            pltpu.make_async_copy(wc_hbm.at[pl.ds(0, S * NEG), :], rb[p], sems[p]).wait()
            pltpu.make_async_copy(wt_hbm.at[pl.ds(0, S), :], tb[p], sems[p]).wait()
            pltpu.make_async_copy(wc_hbm.at[pl.ds(0, S), :], cb[p], sems[p]).wait()

        def compute(s, p):
            rbp, tbp, cbp = rb[p], tb[p], cb[p]

            def bbody(b, carry):
                g = s * S + b
                r0 = b * NEG
                accs = [rbp[r0, pl.ds(k * LANES, LANES)] for k in range(VPR)]
                for j in range(1, NEG):
                    for k in range(VPR):
                        accs[k] = accs[k] + rbp[r0 + j, pl.ds(k * LANES, LANES)]
                npart = None
                ppart = None
                for k in range(VPR):
                    tk = tbp[b, pl.ds(k * LANES, LANES)]
                    ck = cbp[b, pl.ds(k * LANES, LANES)]
                    nk = accs[k] * tk
                    pk = tk * ck
                    npart = nk if npart is None else npart + nk
                    ppart = pk if ppart is None else ppart + pk
                outp_v[g, :] = ppart
                outn_v[g, :] = npart
                return carry

            lax.fori_loop(0, S, bbody, 0)

        issue(0, 0)
        issue(1, 1)

        def lbody(i, carry):
            for p in range(2):
                cur = 2 * i + p
                drain(p)
                compute(cur, p)
                issue(cur + 2, p)
            return carry

        lax.fori_loop(0, STEPS // 2 - 1, lbody, 0)
        for p in range(2):
            drain(p)
            compute(STEPS - 2 + p, p)

        pltpu.sync_copy(outp_v, pos_out.at[pl.ds(wid * CHUNK, CHUNK), :])
        pltpu.sync_copy(outn_v, neg_out.at[pl.ds(wid * CHUNK, CHUNK), :])

    return sc_kernel


def _tc_reduce_body(p_ref, n_ref, o_ref):
    ri = lax.broadcasted_iota(jnp.int32, (128, 128 // LANES), 0)
    cj = lax.broadcasted_iota(jnp.int32, (128, 128 // LANES), 1)
    sel = jnp.where(ri // LANES == cj, 1.0, 0.0).astype(jnp.float32)
    pos = lax.dot(p_ref[...], sel, precision=lax.Precision.HIGHEST)
    neg = lax.dot(n_ref[...], sel, precision=lax.Precision.HIGHEST)

    def logsig(x):
        return jnp.minimum(x, 0.0) - jnp.log1p(jnp.exp(-jnp.abs(x)))

    o_ref[0, 0] = -(jnp.sum(logsig(pos)) + jnp.sum(logsig(-neg)))


def kernel(target_word, context_word, negative_example, W_target, W_context):
    B = target_word.shape[0]
    NEG = negative_example.shape[1]
    V = W_target.shape[0]

    t2 = target_word.astype(jnp.int32).reshape(B // 32, 32)
    c2 = context_word.astype(jnp.int32).reshape(B // 32, 32)
    n2 = negative_example.astype(jnp.int32).reshape(B * NEG // 128, 128)

    pos_p, neg_p = _sc_partials(B, NEG, V)(t2, c2, n2, W_target, W_context)

    reduce_call = pl.pallas_call(
        _tc_reduce_body,
        out_shape=jax.ShapeDtypeStruct((1, 1), jnp.float32),
        out_specs=pl.BlockSpec(memory_space=pltpu.SMEM),
    )
    loss = reduce_call(pos_p.reshape(-1, 128), neg_p.reshape(-1, 128))
    return loss[0, 0]

# --- scband reference (transcript-rebuilt; emitter-appended) ---
"""Pipeline reference for scband-word2-vec-89627377533056 (READ-ONLY COPY).

The authoritative reference and input builder live on the scoring server;
editing this copy changes nothing except your own understanding.
"""

import jax, jax.numpy as jnp
import numpy as np

VOCAB = 1000000
EMB = 64
B = 16384
NEG = 20

def setup_inputs(seed: int = 0) -> dict:
    key = jax.random.key(seed)
    k1, k2, k3, k4, k5 = jax.random.split(key, 5)
    target_word = jax.random.randint(k1, (B,), 0, VOCAB, dtype=jnp.int64) if jax.config.jax_enable_x64 else jax.random.randint(k1, (B,), 0, VOCAB).astype(jnp.int32)
    context_word = jax.random.randint(k2, (B,), 0, VOCAB).astype(target_word.dtype)
    negative_example = jax.random.randint(k3, (B, NEG), 0, VOCAB).astype(target_word.dtype)
    W_target = jax.random.normal(k4, (VOCAB, EMB), dtype=jnp.float32)
    W_context = jax.random.normal(k5, (VOCAB, EMB), dtype=jnp.float32)
    return {
        'target_word': target_word,
        'context_word': context_word,
        'negative_example': negative_example,
        'W_target': W_target,
        'W_context': W_context,
    }

def reference(target_word, context_word, negative_example, W_target, W_context):
    # embeddings_target(target_word)
    emb_target = jnp.take(W_target, target_word, axis=0)          # [B, E]
    # embeddings_context(context_word)
    emb_context = jnp.take(W_context, context_word, axis=0)       # [B, E]
    emb_product = emb_target * emb_context
    emb_product = jnp.sum(emb_product, axis=1)                    # [B]
    out = jnp.sum(jax.nn.log_sigmoid(emb_product))
    # embeddings_context(negative_example)
    emb_negative = jnp.take(W_context, negative_example, axis=0)  # [B, NEG, E]
    # torch.bmm(emb_negative, emb_target.unsqueeze(2)) -> [B, NEG, 1]
    neg_product = jnp.einsum('bne,be->bn', emb_negative, emb_target)[..., None]
    neg_product = jnp.sum(neg_product, axis=1)                    # [B, 1]
    out = out + jnp.sum(jax.nn.log_sigmoid(-neg_product))
    return -out

if __name__ == "__main__":
    import jax
    _d = setup_inputs()
    print(jax.jit(kernel)(*tuple(_d.values())))

</pallas_src>

<mosaic_0001>
#map = affine_map<(d0, d1) -> (0, 0)>
module attributes {stable_mosaic.version = 14 : i64} {
  func.func @sc_kernel(%arg0: i32, %arg1: i32, %arg2: memref<512x32xi32, #tpu.memory_space<hbm>>, %arg3: memref<512x32xi32, #tpu.memory_space<hbm>>, %arg4: memref<2560x128xi32, #tpu.memory_space<hbm>>, %arg5: memref<1000000x64xf32, #tpu.memory_space<hbm>>, %arg6: memref<1000000x64xf32, #tpu.memory_space<hbm>>, %arg7: memref<16384x16xf32, #tpu.memory_space<hbm>>, %arg8: memref<16384x16xf32, #tpu.memory_space<hbm>>, %arg9: memref<16x32xi32, #tpu.memory_space<vmem>>, %arg10: memref<16x32xi32, #tpu.memory_space<vmem>>, %arg11: memref<80x128xi32, #tpu.memory_space<vmem>>, %arg12: memref<32x64xf32, #tpu.memory_space<vmem>>, %arg13: memref<32x64xf32, #tpu.memory_space<vmem>>, %arg14: memref<32x64xf32, #tpu.memory_space<vmem>>, %arg15: memref<32x64xf32, #tpu.memory_space<vmem>>, %arg16: memref<640x64xf32, #tpu.memory_space<vmem>>, %arg17: memref<640x64xf32, #tpu.memory_space<vmem>>, %arg18: memref<512x16xf32, #tpu.memory_space<vmem>>, %arg19: memref<512x16xf32, #tpu.memory_space<vmem>>, %arg20: memref<!tpu.dma_semaphore, #tpu.memory_space<semaphore_mem>>, %arg21: memref<!tpu.dma_semaphore, #tpu.memory_space<semaphore_mem>>) attributes {dimension_semantics = [#tpu.dimension_semantics<core_parallel>, #tpu.dimension_semantics<subcore_parallel>], iteration_bounds = array<i64: 2, 16>, scalar_prefetch = 0 : i64, scratch_operands = 13 : i64, tpu.core_type = #tpu.core_type<sc_vector_subcore>, window_params = [{transform_indices = #map}, {transform_indices = #map}, {transform_indices = #map}, {transform_indices = #map}, {transform_indices = #map}, {transform_indices = #map}, {transform_indices = #map}]} {
    %mul3A = arith.constant 2 : i32
    %mul3A_0 = arith.muli %arg1, %mul3A : i32
    %add3A = arith.addi %mul3A_0, %arg0 : i32
    %mul3A_1 = arith.constant 16 : i32
    %mul3A_2 = arith.muli %add3A, %mul3A_1 : i32
    "tpu.region"() ({
      %run_scoped3A = tpu.sem_alloc : memref<!tpu.dma_semaphore, #tpu.memory_space<semaphore_mem>>
      %dma_start3A_190 = arith.constant 0 : i32
      %dma_start3A_191 = tpu.memref_slice %arg2[%mul3A_2, %dma_start3A_190] : memref<512x32xi32, #tpu.memory_space<hbm>> -> memref<16x32xi32, #tpu.memory_space<hbm>>
      %dma_start3A_192 = arith.constant 0 : i32
      %dma_start3A_193 = tpu.memref_slice %arg2[%mul3A_2, %dma_start3A_192] : memref<512x32xi32, #tpu.memory_space<hbm>> -> memref<16x32xi32, #tpu.memory_space<hbm>>
      tpu.enqueue_dma source(%dma_start3A_193 : memref<16x32xi32, #tpu.memory_space<hbm>>) target(%arg9 : memref<16x32xi32, #tpu.memory_space<vmem>>) target_semaphore(%run_scoped3A : memref<!tpu.dma_semaphore, #tpu.memory_space<semaphore_mem>>)
      %dma_wait3A_194 = arith.constant 0 : i32
      %dma_wait3A_195 = tpu.memref_slice %arg2[%mul3A_2, %dma_wait3A_194] : memref<512x32xi32, #tpu.memory_space<hbm>> -> memref<16x32xi32, #tpu.memory_space<hbm>>
      %dma_wait3A_196 = arith.constant 0 : i32
      %dma_wait3A_197 = tpu.memref_slice %arg2[%mul3A_2, %dma_wait3A_196] : memref<512x32xi32, #tpu.memory_space<hbm>> -> memref<16x32xi32, #tpu.memory_space<hbm>>
      tpu.wait_dma2 semaphore(%run_scoped3A : memref<!tpu.dma_semaphore, #tpu.memory_space<semaphore_mem>>) src(%dma_wait3A_197 : memref<16x32xi32, #tpu.memory_space<hbm>>) dst(%arg9 : memref<16x32xi32, #tpu.memory_space<vmem>>)
      tpu.yield
    }) : () -> ()
    %mul3A_3 = arith.constant 16 : i32
    %mul3A_4 = arith.muli %add3A, %mul3A_3 : i32
    "tpu.region"() ({
      %run_scoped3A = tpu.sem_alloc : memref<!tpu.dma_semaphore, #tpu.memory_space<semaphore_mem>>
      %dma_start3A_190 = arith.constant 0 : i32
      %dma_start3A_191 = tpu.memref_slice %arg3[%mul3A_4, %dma_start3A_190] : memref<512x32xi32, #tpu.memory_space<hbm>> -> memref<16x32xi32, #tpu.memory_space<hbm>>
      %dma_start3A_192 = arith.constant 0 : i32
      %dma_start3A_193 = tpu.memref_slice %arg3[%mul3A_4, %dma_start3A_192] : memref<512x32xi32, #tpu.memory_space<hbm>> -> memref<16x32xi32, #tpu.memory_space<hbm>>
      tpu.enqueue_dma source(%dma_start3A_193 : memref<16x32xi32, #tpu.memory_space<hbm>>) target(%arg10 : memref<16x32xi32, #tpu.memory_space<vmem>>) target_semaphore(%run_scoped3A : memref<!tpu.dma_semaphore, #tpu.memory_space<semaphore_mem>>)
      %dma_wait3A_194 = arith.constant 0 : i32
      %dma_wait3A_195 = tpu.memref_slice %arg3[%mul3A_4, %dma_wait3A_194] : memref<512x32xi32, #tpu.memory_space<hbm>> -> memref<16x32xi32, #tpu.memory_space<hbm>>
      %dma_wait3A_196 = arith.constant 0 : i32
      %dma_wait3A_197 = tpu.memref_slice %arg3[%mul3A_4, %dma_wait3A_196] : memref<512x32xi32, #tpu.memory_space<hbm>> -> memref<16x32xi32, #tpu.memory_space<hbm>>
      tpu.wait_dma2 semaphore(%run_scoped3A : memref<!tpu.dma_semaphore, #tpu.memory_space<semaphore_mem>>) src(%dma_wait3A_197 : memref<16x32xi32, #tpu.memory_space<hbm>>) dst(%arg10 : memref<16x32xi32, #tpu.memory_space<vmem>>)
      tpu.yield
    }) : () -> ()
    %mul3A_5 = arith.constant 80 : i32
    %mul3A_6 = arith.muli %add3A, %mul3A_5 : i32
    "tpu.region"() ({
      %run_scoped3A = tpu.sem_alloc : memref<!tpu.dma_semaphore, #tpu.memory_space<semaphore_mem>>
      %dma_start3A_190 = arith.constant 0 : i32
      %dma_start3A_191 = tpu.memref_slice %arg4[%mul3A_6, %dma_start3A_190] : memref<2560x128xi32, #tpu.memory_space<hbm>> -> memref<80x128xi32, #tpu.memory_space<hbm>>
      %dma_start3A_192 = arith.constant 0 : i32
      %dma_start3A_193 = tpu.memref_slice %arg4[%mul3A_6, %dma_start3A_192] : memref<2560x128xi32, #tpu.memory_space<hbm>> -> memref<80x128xi32, #tpu.memory_space<hbm>>
      tpu.enqueue_dma source(%dma_start3A_193 : memref<80x128xi32, #tpu.memory_space<hbm>>) target(%arg11 : memref<80x128xi32, #tpu.memory_space<vmem>>) target_semaphore(%run_scoped3A : memref<!tpu.dma_semaphore, #tpu.memory_space<semaphore_mem>>)
      %dma_wait3A_194 = arith.constant 0 : i32
      %dma_wait3A_195 = tpu.memref_slice %arg4[%mul3A_6, %dma_wait3A_194] : memref<2560x128xi32, #tpu.memory_space<hbm>> -> memref<80x128xi32, #tpu.memory_space<hbm>>
      %dma_wait3A_196 = arith.constant 0 : i32
      %dma_wait3A_197 = tpu.memref_slice %arg4[%mul3A_6, %dma_wait3A_196] : memref<2560x128xi32, #tpu.memory_space<hbm>> -> memref<80x128xi32, #tpu.memory_space<hbm>>
      tpu.wait_dma2 semaphore(%run_scoped3A : memref<!tpu.dma_semaphore, #tpu.memory_space<semaphore_mem>>) src(%dma_wait3A_197 : memref<80x128xi32, #tpu.memory_space<hbm>>) dst(%arg11 : memref<80x128xi32, #tpu.memory_space<vmem>>)
      tpu.yield
    }) : () -> ()
    %dma_start3A = arith.constant 0 : i32
    %dma_start3A_7 = arith.constant 0 : i32
    %dma_start3A_8 = arith.constant 0 : i32
    %dma_start3A_9 = tpu.memref_slice %arg16[%dma_start3A_7, %dma_start3A_8] : memref<640x64xf32, #tpu.memory_space<vmem>> -> memref<128x64xf32, #tpu.memory_space<vmem>>
    %dma_start3A_10 = arith.constant 0 : i32
    %dma_start3A_11 = tpu.memref_slice %arg11[%dma_start3A, %dma_start3A_10] : memref<80x128xi32, #tpu.memory_space<vmem>> -> memref<1x128xi32, #tpu.memory_space<vmem>>
    %dma_start3A_12 = tpu.memref_squeeze %dma_start3A_11 : memref<1x128xi32, #tpu.memory_space<vmem>> -> memref<128xi32, #tpu.memory_space<vmem>>
    %dma_start3A_13 = arith.constant 0 : i32
    %dma_start3A_14 = arith.constant 0 : i32
    %dma_start3A_15 = tpu.memref_slice %arg6[%dma_start3A_13, %dma_start3A_14] : memref<1000000x64xf32, #tpu.memory_space<hbm>> -> memref<1000000x64xf32, #tpu.memory_space<hbm>>
    tpu.enqueue_indirect_dma source(%dma_start3A_15 : memref<1000000x64xf32, #tpu.memory_space<hbm>>) target(%dma_start3A_9 : memref<128x64xf32, #tpu.memory_space<vmem>>) offsets(%dma_start3A_12 : memref<128xi32, #tpu.memory_space<vmem>>) semaphore(%arg20 : memref<!tpu.dma_semaphore, #tpu.memory_space<semaphore_mem>>)
    %dma_start3A_16 = arith.constant 1 : i32
    %dma_start3A_17 = arith.constant 128 : i32
    %dma_start3A_18 = arith.constant 0 : i32
    %dma_start3A_19 = tpu.memref_slice %arg16[%dma_start3A_17, %dma_start3A_18] : memref<640x64xf32, #tpu.memory_space<vmem>> -> memref<128x64xf32, #tpu.memory_space<vmem>>
    %dma_start3A_20 = arith.constant 0 : i32
    %dma_start3A_21 = tpu.memref_slice %arg11[%dma_start3A_16, %dma_start3A_20] : memref<80x128xi32, #tpu.memory_space<vmem>> -> memref<1x128xi32, #tpu.memory_space<vmem>>
    %dma_start3A_22 = tpu.memref_squeeze %dma_start3A_21 : memref<1x128xi32, #tpu.memory_space<vmem>> -> memref<128xi32, #tpu.memory_space<vmem>>
    %dma_start3A_23 = arith.constant 0 : i32
    %dma_start3A_24 = arith.constant 0 : i32
    %dma_start3A_25 = tpu.memref_slice %arg6[%dma_start3A_23, %dma_start3A_24] : memref<1000000x64xf32, #tpu.memory_space<hbm>> -> memref<1000000x64xf32, #tpu.memory_space<hbm>>
    tpu.enqueue_indirect_dma source(%dma_start3A_25 : memref<1000000x64xf32, #tpu.memory_space<hbm>>) target(%dma_start3A_19 : memref<128x64xf32, #tpu.memory_space<vmem>>) offsets(%dma_start3A_22 : memref<128xi32, #tpu.memory_space<vmem>>) semaphore(%arg20 : memref<!tpu.dma_semaphore, #tpu.memory_space<semaphore_mem>>)
    %dma_start3A_26 = arith.constant 2 : i32
    %dma_start3A_27 = arith.constant 256 : i32
    %dma_start3A_28 = arith.constant 0 : i32
    %dma_start3A_29 = tpu.memref_slice %arg16[%dma_start3A_27, %dma_start3A_28] : memref<640x64xf32, #tpu.memory_space<vmem>> -> memref<128x64xf32, #tpu.memory_space<vmem>>
    %dma_start3A_30 = arith.constant 0 : i32
    %dma_start3A_31 = tpu.memref_slice %arg11[%dma_start3A_26, %dma_start3A_30] : memref<80x128xi32, #tpu.memory_space<vmem>> -> memref<1x128xi32, #tpu.memory_space<vmem>>
    %dma_start3A_32 = tpu.memref_squeeze %dma_start3A_31 : memref<1x128xi32, #tpu.memory_space<vmem>> -> memref<128xi32, #tpu.memory_space<vmem>>
    %dma_start3A_33 = arith.constant 0 : i32
    %dma_start3A_34 = arith.constant 0 : i32
    %dma_start3A_35 = tpu.memref_slice %arg6[%dma_start3A_33, %dma_start3A_34] : memref<1000000x64xf32, #tpu.memory_space<hbm>> -> memref<1000000x64xf32, #tpu.memory_space<hbm>>
    tpu.enqueue_indirect_dma source(%dma_start3A_35 : memref<1000000x64xf32, #tpu.memory_space<hbm>>) target(%dma_start3A_29 : memref<128x64xf32, #tpu.memory_space<vmem>>) offsets(%dma_start3A_32 : memref<128xi32, #tpu.memory_space<vmem>>) semaphore(%arg20 : memref<!tpu.dma_semaphore, #tpu.memory_space<semaphore_mem>>)
    %dma_start3A_36 = arith.constant 3 : i32
    %dma_start3A_37 = arith.constant 384 : i32
    %dma_start3A_38 = arith.constant 0 : i32
    %dma_start3A_39 = tpu.memref_slice %arg16[%dma_start3A_37, %dma_start3A_38] : memref<640x64xf32, #tpu.memory_space<vmem>> -> memref<128x64xf32, #tpu.memory_space<vmem>>
    %dma_start3A_40 = arith.constant 0 : i32
    %dma_start3A_41 = tpu.memref_slice %arg11[%dma_start3A_36, %dma_start3A_40] : memref<80x128xi32, #tpu.memory_space<vmem>> -> memref<1x128xi32, #tpu.memory_space<vmem>>
    %dma_start3A_42 = tpu.memref_squeeze %dma_start3A_41 : memref<1x128xi32, #tpu.memory_space<vmem>> -> memref<128xi32, #tpu.memory_space<vmem>>
    %dma_start3A_43 = arith.constant 0 : i32
    %dma_start3A_44 = arith.constant 0 : i32
    %dma_start3A_45 = tpu.memref_slice %arg6[%dma_start3A_43, %dma_start3A_44] : memref<1000000x64xf32, #tpu.memory_space<hbm>> -> memref<1000000x64xf32, #tpu.memory_space<hbm>>
    tpu.enqueue_indirect_dma source(%dma_start3A_45 : memref<1000000x64xf32, #tpu.memory_space<hbm>>) target(%dma_start3A_39 : memref<128x64xf32, #tpu.memory_space<vmem>>) offsets(%dma_start3A_42 : memref<128xi32, #tpu.memory_space<vmem>>) semaphore(%arg20 : memref<!tpu.dma_semaphore, #tpu.memory_space<semaphore_mem>>)
    %dma_start3A_46 = arith.constant 4 : i32
    %dma_start3A_47 = arith.constant 512 : i32
    %dma_start3A_48 = arith.constant 0 : i32
    %dma_start3A_49 = tpu.memref_slice %arg16[%dma_start3A_47, %dma_start3A_48] : memref<640x64xf32, #tpu.memory_space<vmem>> -> memref<128x64xf32, #tpu.memory_space<vmem>>
    %dma_start3A_50 = arith.constant 0 : i32
    %dma_start3A_51 = tpu.memref_slice %arg11[%dma_start3A_46, %dma_start3A_50] : memref<80x128xi32, #tpu.memory_space<vmem>> -> memref<1x128xi32, #tpu.memory_space<vmem>>
    %dma_start3A_52 = tpu.memref_squeeze %dma_start3A_51 : memref<1x128xi32, #tpu.memory_space<vmem>> -> memref<128xi32, #tpu.memory_space<vmem>>
    %dma_start3A_53 = arith.constant 0 : i32
    %dma_start3A_54 = arith.constant 0 : i32
    %dma_start3A_55 = tpu.memref_slice %arg6[%dma_start3A_53, %dma_start3A_54] : memref<1000000x64xf32, #tpu.memory_space<hbm>> -> memref<1000000x64xf32, #tpu.memory_space<hbm>>
    tpu.enqueue_indirect_dma source(%dma_start3A_55 : memref<1000000x64xf32, #tpu.memory_space<hbm>>) target(%dma_start3A_49 : memref<128x64xf32, #tpu.memory_space<vmem>>) offsets(%dma_start3A_52 : memref<128xi32, #tpu.memory_space<vmem>>) semaphore(%arg20 : memref<!tpu.dma_semaphore, #tpu.memory_space<semaphore_mem>>)
    %dma_start3A_56 = arith.constant 0 : i32
    %dma_start3A_57 = arith.constant 0 : i32
    %dma_start3A_58 = tpu.memref_slice %arg9[%dma_start3A_56, %dma_start3A_57] : memref<16x32xi32, #tpu.memory_space<vmem>> -> memref<1x32xi32, #tpu.memory_space<vmem>>
    %dma_start3A_59 = tpu.memref_squeeze %dma_start3A_58 : memref<1x32xi32, #tpu.memory_space<vmem>> -> memref<32xi32, #tpu.memory_space<vmem>>
    %dma_start3A_60 = arith.constant 0 : i32
    %dma_start3A_61 = arith.constant 0 : i32
    %dma_start3A_62 = tpu.memref_slice %arg5[%dma_start3A_60, %dma_start3A_61] : memref<1000000x64xf32, #tpu.memory_space<hbm>> -> memref<1000000x64xf32, #tpu.memory_space<hbm>>
    tpu.enqueue_indirect_dma source(%dma_start3A_62 : memref<1000000x64xf32, #tpu.memory_space<hbm>>) target(%arg12 : memref<32x64xf32, #tpu.memory_space<vmem>>) offsets(%dma_start3A_59 : memref<32xi32, #tpu.memory_space<vmem>>) semaphore(%arg20 : memref<!tpu.dma_semaphore, #tpu.memory_space<semaphore_mem>>)
    %dma_start3A_63 = arith.constant 0 : i32
    %dma_start3A_64 = arith.constant 0 : i32
    %dma_start3A_65 = tpu.memref_slice %arg10[%dma_start3A_63, %dma_start3A_64] : memref<16x32xi32, #tpu.memory_space<vmem>> -> memref<1x32xi32, #tpu.memory_space<vmem>>
    %dma_start3A_66 = tpu.memref_squeeze %dma_start3A_65 : memref<1x32xi32, #tpu.memory_space<vmem>> -> memref<32xi32, #tpu.memory_space<vmem>>
    %dma_start3A_67 = arith.constant 0 : i32
    %dma_start3A_68 = arith.constant 0 : i32
    %dma_start3A_69 = tpu.memref_slice %arg6[%dma_start3A_67, %dma_start3A_68] : memref<1000000x64xf32, #tpu.memory_space<hbm>> -> memref<1000000x64xf32, #tpu.memory_space<hbm>>
    tpu.enqueue_indirect_dma source(%dma_start3A_69 : memref<1000000x64xf32, #tpu.memory_space<hbm>>) target(%arg14 : memref<32x64xf32, #tpu.memory_space<vmem>>) offsets(%dma_start3A_66 : memref<32xi32, #tpu.memory_space<vmem>>) semaphore(%arg20 : memref<!tpu.dma_semaphore, #tpu.memory_space<semaphore_mem>>)
    %dma_start3A_70 = arith.constant 5 : i32
    %dma_start3A_71 = arith.constant 0 : i32
    %dma_start3A_72 = arith.constant 0 : i32
    %dma_start3A_73 = tpu.memref_slice %arg17[%dma_start3A_71, %dma_start3A_72] : memref<640x64xf32, #tpu.memory_space<vmem>> -> memref<128x64xf32, #tpu.memory_space<vmem>>
    %dma_start3A_74 = arith.constant 0 : i32
    %dma_start3A_75 = tpu.memref_slice %arg11[%dma_start3A_70, %dma_start3A_74] : memref<80x128xi32, #tpu.memory_space<vmem>> -> memref<1x128xi32, #tpu.memory_space<vmem>>
    %dma_start3A_76 = tpu.memref_squeeze %dma_start3A_75 : memref<1x128xi32, #tpu.memory_space<vmem>> -> memref<128xi32, #tpu.memory_space<vmem>>
    %dma_start3A_77 = arith.constant 0 : i32
    %dma_start3A_78 = arith.constant 0 : i32
    %dma_start3A_79 = tpu.memref_slice %arg6[%dma_start3A_77, %dma_start3A_78] : memref<1000000x64xf32, #tpu.memory_space<hbm>> -> memref<1000000x64xf32, #tpu.memory_space<hbm>>
    tpu.enqueue_indirect_dma source(%dma_start3A_79 : memref<1000000x64xf32, #tpu.memory_space<hbm>>) target(%dma_start3A_73 : memref<128x64xf32, #tpu.memory_space<vmem>>) offsets(%dma_start3A_76 : memref<128xi32, #tpu.memory_space<vmem>>) semaphore(%arg21 : memref<!tpu.dma_semaphore, #tpu.memory_space<semaphore_mem>>)
    %dma_start3A_80 = arith.constant 6 : i32
    %dma_start3A_81 = arith.constant 128 : i32
    %dma_start3A_82 = arith.constant 0 : i32
    %dma_start3A_83 = tpu.memref_slice %arg17[%dma_start3A_81, %dma_start3A_82] : memref<640x64xf32, #tpu.memory_space<vmem>> -> memref<128x64xf32, #tpu.memory_space<vmem>>
    %dma_start3A_84 = arith.constant 0 : i32
    %dma_start3A_85 = tpu.memref_slice %arg11[%dma_start3A_80, %dma_start3A_84] : memref<80x128xi32, #tpu.memory_space<vmem>> -> memref<1x128xi32, #tpu.memory_space<vmem>>
    %dma_start3A_86 = tpu.memref_squeeze %dma_start3A_85 : memref<1x128xi32, #tpu.memory_space<vmem>> -> memref<128xi32, #tpu.memory_space<vmem>>
    %dma_start3A_87 = arith.constant 0 : i32
    %dma_start3A_88 = arith.constant 0 : i32
    %dma_start3A_89 = tpu.memref_slice %arg6[%dma_start3A_87, %dma_start3A_88] : memref<1000000x64xf32, #tpu.memory_space<hbm>> -> memref<1000000x64xf32, #tpu.memory_space<hbm>>
    tpu.enqueue_indirect_dma source(%dma_start3A_89 : memref<1000000x64xf32, #tpu.memory_space<hbm>>) target(%dma_start3A_83 : memref<128x64xf32, #tpu.memory_space<vmem>>) offsets(%dma_start3A_86 : memref<128xi32, #tpu.memory_space<vmem>>) semaphore(%arg21 : memref<!tpu.dma_semaphore, #tpu.memory_space<semaphore_mem>>)
    %dma_start3A_90 = arith.constant 7 : i32
    %dma_start3A_91 = arith.constant 256 : i32
    %dma_start3A_92 = arith.constant 0 : i32
    %dma_start3A_93 = tpu.memref_slice %arg17[%dma_start3A_91, %dma_start3A_92] : memref<640x64xf32, #tpu.memory_space<vmem>> -> memref<128x64xf32, #tpu.memory_space<vmem>>
    %dma_start3A_94 = arith.constant 0 : i32
    %dma_start3A_95 = tpu.memref_slice %arg11[%dma_start3A_90, %dma_start3A_94] : memref<80x128xi32, #tpu.memory_space<vmem>> -> memref<1x128xi32, #tpu.memory_space<vmem>>
    %dma_start3A_96 = tpu.memref_squeeze %dma_start3A_95 : memref<1x128xi32, #tpu.memory_space<vmem>> -> memref<128xi32, #tpu.memory_space<vmem>>
    %dma_start3A_97 = arith.constant 0 : i32
    %dma_start3A_98 = arith.constant 0 : i32
    %dma_start3A_99 = tpu.memref_slice %arg6[%dma_start3A_97, %dma_start3A_98] : memref<1000000x64xf32, #tpu.memory_space<hbm>> -> memref<1000000x64xf32, #tpu.memory_space<hbm>>
    tpu.enqueue_indirect_dma source(%dma_start3A_99 : memref<1000000x64xf32, #tpu.memory_space<hbm>>) target(%dma_start3A_93 : memref<128x64xf32, #tpu.memory_space<vmem>>) offsets(%dma_start3A_96 : memref<128xi32, #tpu.memory_space<vmem>>) semaphore(%arg21 : memref<!tpu.dma_semaphore, #tpu.memory_space<semaphore_mem>>)
    %dma_start3A_100 = arith.constant 8 : i32
    %dma_start3A_101 = arith.constant 384 : i32
    %dma_start3A_102 = arith.constant 0 : i32
    %dma_start3A_103 = tpu.memref_slice %arg17[%dma_start3A_101, %dma_start3A_102] : memref<640x64xf32, #tpu.memory_space<vmem>> -> memref<128x64xf32, #tpu.memory_space<vmem>>
    %dma_start3A_104 = arith.constant 0 : i32
    %dma_start3A_105 = tpu.memref_slice %arg11[%dma_start3A_100, %dma_start3A_104] : memref<80x128xi32, #tpu.memory_space<vmem>> -> memref<1x128xi32, #tpu.memory_space<vmem>>
    %dma_start3A_106 = tpu.memref_squeeze %dma_start3A_105 : memref<1x128xi32, #tpu.memory_space<vmem>> -> memref<128xi32, #tpu.memory_space<vmem>>
    %dma_start3A_107 = arith.constant 0 : i32
    %dma_start3A_108 = arith.constant 0 : i32
    %dma_start3A_109 = tpu.memref_slice %arg6[%dma_start3A_107, %dma_start3A_108] : memref<1000000x64xf32, #tpu.memory_space<hbm>> -> memref<1000000x64xf32, #tpu.memory_space<hbm>>
    tpu.enqueue_indirect_dma source(%dma_start3A_109 : memref<1000000x64xf32, #tpu.memory_space<hbm>>) target(%dma_start3A_103 : memref<128x64xf32, #tpu.memory_space<vmem>>) offsets(%dma_start3A_106 : memref<128xi32, #tpu.memory_space<vmem>>) semaphore(%arg21 : memref<!tpu.dma_semaphore, #tpu.memory_space<semaphore_mem>>)
    %dma_start3A_110 = arith.constant 9 : i32
    %dma_start3A_111 = arith.constant 512 : i32
    %dma_start3A_112 = arith.constant 0 : i32
    %dma_start3A_113 = tpu.memref_slice %arg17[%dma_start3A_111, %dma_start3A_112] : memref<640x64xf32, #tpu.memory_space<vmem>> -> memref<128x64xf32, #tpu.memory_space<vmem>>
    %dma_start3A_114 = arith.constant 0 : i32
    %dma_start3A_115 = tpu.memref_slice %arg11[%dma_start3A_110, %dma_start3A_114] : memref<80x128xi32, #tpu.memory_space<vmem>> -> memref<1x128xi32, #tpu.memory_space<vmem>>
    %dma_start3A_116 = tpu.memref_squeeze %dma_start3A_115 : memref<1x128xi32, #tpu.memory_space<vmem>> -> memref<128xi32, #tpu.memory_space<vmem>>
    %dma_start3A_117 = arith.constant 0 : i32
    %dma_start3A_118 = arith.constant 0 : i32
    %dma_start3A_119 = tpu.memref_slice %arg6[%dma_start3A_117, %dma_start3A_118] : memref<1000000x64xf32, #tpu.memory_space<hbm>> -> memref<1000000x64xf32, #tpu.memory_space<hbm>>
    tpu.enqueue_indirect_dma source(%dma_start3A_119 : memref<1000000x64xf32, #tpu.memory_space<hbm>>) target(%dma_start3A_113 : memref<128x64xf32, #tpu.memory_space<vmem>>) offsets(%dma_start3A_116 : memref<128xi32, #tpu.memory_space<vmem>>) semaphore(%arg21 : memref<!tpu.dma_semaphore, #tpu.memory_space<semaphore_mem>>)
    %dma_start3A_120 = arith.constant 1 : i32
    %dma_start3A_121 = arith.constant 0 : i32
    %dma_start3A_122 = tpu.memref_slice %arg9[%dma_start3A_120, %dma_start3A_121] : memref<16x32xi32, #tpu.memory_space<vmem>> -> memref<1x32xi32, #tpu.memory_space<vmem>>
    %dma_start3A_123 = tpu.memref_squeeze %dma_start3A_122 : memref<1x32xi32, #tpu.memory_space<vmem>> -> memref<32xi32, #tpu.memory_space<vmem>>
    %dma_start3A_124 = arith.constant 0 : i32
    %dma_start3A_125 = arith.constant 0 : i32
    %dma_start3A_126 = tpu.memref_slice %arg5[%dma_start3A_124, %dma_start3A_125] : memref<1000000x64xf32, #tpu.memory_space<hbm>> -> memref<1000000x64xf32, #tpu.memory_space<hbm>>
    tpu.enqueue_indirect_dma source(%dma_start3A_126 : memref<1000000x64xf32, #tpu.memory_space<hbm>>) target(%arg13 : memref<32x64xf32, #tpu.memory_space<vmem>>) offsets(%dma_start3A_123 : memref<32xi32, #tpu.memory_space<vmem>>) semaphore(%arg21 : memref<!tpu.dma_semaphore, #tpu.memory_space<semaphore_mem>>)
    %dma_start3A_127 = arith.constant 1 : i32
    %dma_start3A_128 = arith.constant 0 : i32
    %dma_start3A_129 = tpu.memref_slice %arg10[%dma_start3A_127, %dma_start3A_128] : memref<16x32xi32, #tpu.memory_space<vmem>> -> memref<1x32xi32, #tpu.memory_space<vmem>>
    %dma_start3A_130 = tpu.memref_squeeze %dma_start3A_129 : memref<1x32xi32, #tpu.memory_space<vmem>> -> memref<32xi32, #tpu.memory_space<vmem>>
    %dma_start3A_131 = arith.constant 0 : i32
    %dma_start3A_132 = arith.constant 0 : i32
    %dma_start3A_133 = tpu.memref_slice %arg6[%dma_start3A_131, %dma_start3A_132] : memref<1000000x64xf32, #tpu.memory_space<hbm>> -> memref<1000000x64xf32, #tpu.memory_space<hbm>>
    tpu.enqueue_indirect_dma source(%dma_start3A_133 : memref<1000000x64xf32, #tpu.memory_space<hbm>>) target(%arg15 : memref<32x64xf32, #tpu.memory_space<vmem>>) offsets(%dma_start3A_130 : memref<32xi32, #tpu.memory_space<vmem>>) semaphore(%arg21 : memref<!tpu.dma_semaphore, #tpu.memory_space<semaphore_mem>>)
    %scan3A = arith.constant 0 : i32
    %scan3A_134 = arith.constant 0 : i32
    %scan3A_135 = arith.constant 7 : i32
    %scan3A_136 = arith.addi %scan3A_134, %scan3A_135 : i32
    %scan3A_137 = arith.constant 1 : i32
    scf.for %scan3A_190 = %scan3A_134 to %scan3A_136 step %scan3A_137  : i32 {
      %mul3A_191 = arith.constant 2 : i32
      %mul3A_192 = arith.muli %mul3A_191, %scan3A_190 : i32
      %add3A_193 = arith.constant 0 : i32
      %add3A_194 = arith.addi %mul3A_192, %add3A_193 : i32
      %dma_wait3A_195 = arith.constant 0 : i32
      %dma_wait3A_196 = arith.constant 0 : i32
      %dma_wait3A_197 = tpu.memref_slice %arg6[%dma_wait3A_195, %dma_wait3A_196] : memref<1000000x64xf32, #tpu.memory_space<hbm>> -> memref<640x64xf32, #tpu.memory_space<hbm>>
      %dma_wait3A_198 = arith.constant 0 : i32
      %dma_wait3A_199 = arith.constant 0 : i32
      %dma_wait3A_200 = tpu.memref_slice %arg6[%dma_wait3A_198, %dma_wait3A_199] : memref<1000000x64xf32, #tpu.memory_space<hbm>> -> memref<640x64xf32, #tpu.memory_space<hbm>>
      tpu.wait_dma2 semaphore(%arg20 : memref<!tpu.dma_semaphore, #tpu.memory_space<semaphore_mem>>) src(%dma_wait3A_200 : memref<640x64xf32, #tpu.memory_space<hbm>>) dst(%arg16 : memref<640x64xf32, #tpu.memory_space<vmem>>)
      %dma_wait3A_201 = arith.constant 0 : i32
      %dma_wait3A_202 = arith.constant 0 : i32
      %dma_wait3A_203 = tpu.memref_slice %arg5[%dma_wait3A_201, %dma_wait3A_202] : memref<1000000x64xf32, #tpu.memory_space<hbm>> -> memref<32x64xf32, #tpu.memory_space<hbm>>
      %dma_wait3A_204 = arith.constant 0 : i32
      %dma_wait3A_205 = arith.constant 0 : i32
      %dma_wait3A_206 = tpu.memref_slice %arg5[%dma_wait3A_204, %dma_wait3A_205] : memref<1000000x64xf32, #tpu.memory_space<hbm>> -> memref<32x64xf32, #tpu.memory_space<hbm>>
      tpu.wait_dma2 semaphore(%arg20 : memref<!tpu.dma_semaphore, #tpu.memory_space<semaphore_mem>>) src(%dma_wait3A_206 : memref<32x64xf32, #tpu.memory_space<hbm>>) dst(%arg12 : memref<32x64xf32, #tpu.memory_space<vmem>>)
      %dma_wait3A_207 = arith.constant 0 : i32
      %dma_wait3A_208 = arith.constant 0 : i32
      %dma_wait3A_209 = tpu.memref_slice %arg6[%dma_wait3A_207, %dma_wait3A_208] : memref<1000000x64xf32, #tpu.memory_space<hbm>> -> memref<32x64xf32, #tpu.memory_space<hbm>>
      %dma_wait3A_210 = arith.constant 0 : i32
      %dma_wait3A_211 = arith.constant 0 : i32
      %dma_wait3A_212 = tpu.memref_slice %arg6[%dma_wait3A_210, %dma_wait3A_211] : memref<1000000x64xf32, #tpu.memory_space<hbm>> -> memref<32x64xf32, #tpu.memory_space<hbm>>
      tpu.wait_dma2 semaphore(%arg20 : memref<!tpu.dma_semaphore, #tpu.memory_space<semaphore_mem>>) src(%dma_wait3A_212 : memref<32x64xf32, #tpu.memory_space<hbm>>) dst(%arg14 : memref<32x64xf32, #tpu.memory_space<vmem>>)
      %scan3A_213 = arith.constant 0 : i32
      %scan3A_214 = arith.constant 0 : i32
      %scan3A_215 = arith.constant 32 : i32
      %scan3A_216 = arith.addi %scan3A_214, %scan3A_215 : i32
      %scan3A_217 = arith.constant 1 : i32
      scf.for %scan3A_405 = %scan3A_214 to %scan3A_216 step %scan3A_217  : i32 {
        %mul3A_406 = arith.constant 32 : i32
        %mul3A_407 = arith.muli %add3A_194, %mul3A_406 : i32
        %add3A_408 = arith.addi %mul3A_407, %scan3A_405 : i32
        %mul3A_409 = arith.constant 20 : i32
        %mul3A_410 = arith.muli %scan3A_405, %mul3A_409 : i32
        %get3A = arith.index_cast %mul3A_410 : i32 to index
        %get3A_411 = arith.constant 0 : index
        %get3A_412 = tpu.vector_load %arg16[%get3A, %get3A_411] {strides = array<i32>} : memref<640x64xf32, #tpu.memory_space<vmem>>, vector<1x16xf32>,
        %get3A_413 = vector.shape_cast %get3A_412 : vector<1x16xf32> to vector<16xf32>
        %get3A_414 = arith.index_cast %mul3A_410 : i32 to index
        %get3A_415 = arith.constant 16 : index
        %get3A_416 = tpu.vector_load %arg16[%get3A_414, %get3A_415] {strides = array<i32>} : memref<640x64xf32, #tpu.memory_space<vmem>>, vector<1x16xf32>,
        %get3A_417 = vector.shape_cast %get3A_416 : vector<1x16xf32> to vector<16xf32>
        %get3A_418 = arith.index_cast %mul3A_410 : i32 to index
        %get3A_419 = arith.constant 32 : index
        %get3A_420 = tpu.vector_load %arg16[%get3A_418, %get3A_419] {strides = array<i32>} : memref<640x64xf32, #tpu.memory_space<vmem>>, vector<1x16xf32>,
        %get3A_421 = vector.shape_cast %get3A_420 : vector<1x16xf32> to vector<16xf32>
        %get3A_422 = arith.index_cast %mul3A_410 : i32 to index
        %get3A_423 = arith.constant 48 : index
        %get3A_424 = tpu.vector_load %arg16[%get3A_422, %get3A_423] {strides = array<i32>} : memref<640x64xf32, #tpu.memory_space<vmem>>, vector<1x16xf32>,
        %get3A_425 = vector.shape_cast %get3A_424 : vector<1x16xf32> to vector<16xf32>
        %add3A_426 = arith.constant 1 : i32
        %add3A_427 = arith.addi %mul3A_410, %add3A_426 : i32
        %get3A_428 = arith.index_cast %add3A_427 : i32 to index
        %get3A_429 = arith.constant 0 : index
        %get3A_430 = tpu.vector_load %arg16[%get3A_428, %get3A_429] {strides = array<i32>} : memref<640x64xf32, #tpu.memory_space<vmem>>, vector<1x16xf32>,
        %get3A_431 = vector.shape_cast %get3A_430 : vector<1x16xf32> to vector<16xf32>
        %add3A_432 = arith.addf %get3A_413, %get3A_431 : vector<16xf32>
        %add3A_433 = arith.constant 1 : i32
        %add3A_434 = arith.addi %mul3A_410, %add3A_433 : i32
        %get3A_435 = arith.index_cast %add3A_434 : i32 to index
        %get3A_436 = arith.constant 16 : index
        %get3A_437 = tpu.vector_load %arg16[%get3A_435, %get3A_436] {strides = array<i32>} : memref<640x64xf32, #tpu.memory_space<vmem>>, vector<1x16xf32>,
        %get3A_438 = vector.shape_cast %get3A_437 : vector<1x16xf32> to vector<16xf32>
        %add3A_439 = arith.addf %get3A_417, %get3A_438 : vector<16xf32>
        %add3A_440 = arith.constant 1 : i32
        %add3A_441 = arith.addi %mul3A_410, %add3A_440 : i32
        %get3A_442 = arith.index_cast %add3A_441 : i32 to index
        %get3A_443 = arith.constant 32 : index
        %get3A_444 = tpu.vector_load %arg16[%get3A_442, %get3A_443] {strides = array<i32>} : memref<640x64xf32, #tpu.memory_space<vmem>>, vector<1x16xf32>,
        %get3A_445 = vector.shape_cast %get3A_444 : vector<1x16xf32> to vector<16xf32>
        %add3A_446 = arith.addf %get3A_421, %get3A_445 : vector<16xf32>
        %add3A_447 = arith.constant 1 : i32
        %add3A_448 = arith.addi %mul3A_410, %add3A_447 : i32
        %get3A_449 = arith.index_cast %add3A_448 : i32 to index
        %get3A_450 = arith.constant 48 : index
        %get3A_451 = tpu.vector_load %arg16[%get3A_449, %get3A_450] {strides = array<i32>} : memref<640x64xf32, #tpu.memory_space<vmem>>, vector<1x16xf32>,
        %get3A_452 = vector.shape_cast %get3A_451 : vector<1x16xf32> to vector<16xf32>
        %add3A_453 = arith.addf %get3A_425, %get3A_452 : vector<16xf32>
        %add3A_454 = arith.constant 2 : i32
        %add3A_455 = arith.addi %mul3A_410, %add3A_454 : i32
        %get3A_456 = arith.index_cast %add3A_455 : i32 to index
        %get3A_457 = arith.constant 0 : index
        %get3A_458 = tpu.vector_load %arg16[%get3A_456, %get3A_457] {strides = array<i32>} : memref<640x64xf32, #tpu.memory_space<vmem>>, vector<1x16xf32>,
        %get3A_459 = vector.shape_cast %get3A_458 : vector<1x16xf32> to vector<16xf32>
        %add3A_460 = arith.addf %add3A_432, %get3A_459 : vector<16xf32>
        %add3A_461 = arith.constant 2 : i32
        %add3A_462 = arith.addi %mul3A_410, %add3A_461 : i32
        %get3A_463 = arith.index_cast %add3A_462 : i32 to index
        %get3A_464 = arith.constant 16 : index
        %get3A_465 = tpu.vector_load %arg16[%get3A_463, %get3A_464] {strides = array<i32>} : memref<640x64xf32, #tpu.memory_space<vmem>>, vector<1x16xf32>,
        %get3A_466 = vector.shape_cast %get3A_465 : vector<1x16xf32> to vector<16xf32>
        %add3A_467 = arith.addf %add3A_439, %get3A_466 : vector<16xf32>
        %add3A_468 = arith.constant 2 : i32
        %add3A_469 = arith.addi %mul3A_410, %add3A_468 : i32
        %get3A_470 = arith.index_cast %add3A_469 : i32 to index
        %get3A_471 = arith.constant 32 : index
        %get3A_472 = tpu.vector_load %arg16[%get3A_470, %get3A_471] {strides = array<i32>} : memref<640x64xf32, #tpu.memory_space<vmem>>, vector<1x16xf32>,
        %get3A_473 = vector.shape_cast %get3A_472 : vector<1x16xf32> to vector<16xf32>
        %add3A_474 = arith.addf %add3A_446, %get3A_473 : vector<16xf32>
        %add3A_475 = arith.constant 2 : i32
        %add3A_476 = arith.addi %mul3A_410, %add3A_475 : i32
        %get3A_477 = arith.index_cast %add3A_476 : i32 to index
        %get3A_478 = arith.constant 48 : index
        %get3A_479 = tpu.vector_load %arg16[%get3A_477, %get3A_478] {strides = array<i32>} : memref<640x64xf32, #tpu.memory_space<vmem>>, vector<1x16xf32>,
        %get3A_480 = vector.shape_cast %get3A_479 : vector<1x16xf32> to vector<16xf32>
        %add3A_481 = arith.addf %add3A_453, %get3A_480 : vector<16xf32>
        %add3A_482 = arith.constant 3 : i32
        %add3A_483 = arith.addi %mul3A_410, %add3A_482 : i32
        %get3A_484 = arith.index_cast %add3A_483 : i32 to index
        %get3A_485 = arith.constant 0 : index
        %get3A_486 = tpu.vector_load %arg16[%get3A_484, %get3A_485] {strides = array<i32>} : memref<640x64xf32, #tpu.memory_space<vmem>>, vector<1x16xf32>,
        %get3A_487 = vector.shape_cast %get3A_486 : vector<1x16xf32> to vector<16xf32>
        %add3A_488 = arith.addf %add3A_460, %get3A_487 : vector<16xf32>
        %add3A_489 = arith.constant 3 : i32
        %add3A_490 = arith.addi %mul3A_410, %add3A_489 : i32
        %get3A_491 = arith.index_cast %add3A_490 : i32 to index
        %get3A_492 = arith.constant 16 : index
        %get3A_493 = tpu.vector_load %arg16[%get3A_491, %get3A_492] {strides = array<i32>} : memref<640x64xf32, #tpu.memory_space<vmem>>, vector<1x16xf32>,
        %get3A_494 = vector.shape_cast %get3A_493 : vector<1x16xf32> to vector<16xf32>
        %add3A_495 = arith.addf %add3A_467, %get3A_494 : vector<16xf32>
        %add3A_496 = arith.constant 3 : i32
        %add3A_497 = arith.addi %mul3A_410, %add3A_496 : i32
        %get3A_498 = arith.index_cast %add3A_497 : i32 to index
        %get3A_499 = arith.constant 32 : index
        %get3A_500 = tpu.vector_load %arg16[%get3A_498, %get3A_499] {strides = array<i32>} : memref<640x64xf32, #tpu.memory_space<vmem>>, vector<1x16xf32>,
        %get3A_501 = vector.shape_cast %get3A_500 : vector<1x16xf32> to vector<16xf32>
        %add3A_502 = arith.addf %add3A_474, %get3A_501 : vector<16xf32>
        %add3A_503 = arith.constant 3 : i32
        %add3A_504 = arith.addi %mul3A_410, %add3A_503 : i32
        %get3A_505 = arith.index_cast %add3A_504 : i32 to index
        %get3A_506 = arith.constant 48 : index
        %get3A_507 = tpu.vector_load %arg16[%get3A_505, %get3A_506] {strides = array<i32>} : memref<640x64xf32, #tpu.memory_space<vmem>>, vector<1x16xf32>,
        %get3A_508 = vector.shape_cast %get3A_507 : vector<1x16xf32> to vector<16xf32>
        %add3A_509 = arith.addf %add3A_481, %get3A_508 : vector<16xf32>
        %add3A_510 = arith.constant 4 : i32
        %add3A_511 = arith.addi %mul3A_410, %add3A_510 : i32
        %get3A_512 = arith.index_cast %add3A_511 : i32 to index
        %get3A_513 = arith.constant 0 : index
        %get3A_514 = tpu.vector_load %arg16[%get3A_512, %get3A_513] {strides = array<i32>} : memref<640x64xf32, #tpu.memory_space<vmem>>, vector<1x16xf32>,
        %get3A_515 = vector.shape_cast %get3A_514 : vector<1x16xf32> to vector<16xf32>
        %add3A_516 = arith.addf %add3A_488, %get3A_515 : vector<16xf32>
        %add3A_517 = arith.constant 4 : i32
        %add3A_518 = arith.addi %mul3A_410, %add3A_517 : i32
        %get3A_519 = arith.index_cast %add3A_518 : i32 to index
        %get3A_520 = arith.constant 16 : index
        %get3A_521 = tpu.vector_load %arg16[%get3A_519, %get3A_520] {strides = array<i32>} : memref<640x64xf32, #tpu.memory_space<vmem>>, vector<1x16xf32>,
        %get3A_522 = vector.shape_cast %get3A_521 : vector<1x16xf32> to vector<16xf32>
        %add3A_523 = arith.addf %add3A_495, %get3A_522 : vector<16xf32>
        %add3A_524 = arith.constant 4 : i32
        %add3A_525 = arith.addi %mul3A_410, %add3A_524 : i32
        %get3A_526 = arith.index_cast %add3A_525 : i32 to index
        %get3A_527 = arith.constant 32 : index
        %get3A_528 = tpu.vector_load %arg16[%get3A_526, %get3A_527] {strides = array<i32>} : memref<640x64xf32, #tpu.memory_space<vmem>>, vector<1x16xf32>,
        %get3A_529 = vector.shape_cast %get3A_528 : vector<1x16xf32> to vector<16xf32>
        %add3A_530 = arith.addf %add3A_502, %get3A_529 : vector<16xf32>
        %add3A_531 = arith.constant 4 : i32
        %add3A_532 = arith.addi %mul3A_410, %add3A_531 : i32
        %get3A_533 = arith.index_cast %add3A_532 : i32 to index
        %get3A_534 = arith.constant 48 : index
        %get3A_535 = tpu.vector_load %arg16[%get3A_533, %get3A_534] {strides = array<i32>} : memref<640x64xf32, #tpu.memory_space<vmem>>, vector<1x16xf32>,
        %get3A_536 = vector.shape_cast %get3A_535 : vector<1x16xf32> to vector<16xf32>
        %add3A_537 = arith.addf %add3A_509, %get3A_536 : vector<16xf32>
        %add3A_538 = arith.constant 5 : i32
        %add3A_539 = arith.addi %mul3A_410, %add3A_538 : i32
        %get3A_540 = arith.index_cast %add3A_539 : i32 to index
        %get3A_541 = arith.constant 0 : index
        %get3A_542 = tpu.vector_load %arg16[%get3A_540, %get3A_541] {strides = array<i32>} : memref<640x64xf32, #tpu.memory_space<vmem>>, vector<1x16xf32>,
        %get3A_543 = vector.shape_cast %get3A_542 : vector<1x16xf32> to vector<16xf32>
        %add3A_544 = arith.addf %add3A_516, %get3A_543 : vector<16xf32>
        %add3A_545 = arith.constant 5 : i32
        %add3A_546 = arith.addi %mul3A_410, %add3A_545 : i32
        %get3A_547 = arith.index_cast %add3A_546 : i32 to index
        %get3A_548 = arith.constant 16 : index
        %get3A_549 = tpu.vector_load %arg16[%get3A_547, %get3A_548] {strides = array<i32>} : memref<640x64xf32, #tpu.memory_space<vmem>>, vector<1x16xf32>,
        %get3A_550 = vector.shape_cast %get3A_549 : vector<1x16xf32> to vector<16xf32>
        %add3A_551 = arith.addf %add3A_523, %get3A_550 : vector<16xf32>
        %add3A_552 = arith.constant 5 : i32
        %add3A_553 = arith.addi %mul3A_410, %add3A_552 : i32
        %get3A_554 = arith.index_cast %add3A_553 : i32 to index
        %get3A_555 = arith.constant 32 : index
        %get3A_556 = tpu.vector_load %arg16[%get3A_554, %get3A_555] {strides = array<i32>} : memref<640x64xf32, #tpu.memory_space<vmem>>, vector<1x16xf32>,
        %get3A_557 = vector.shape_cast %get3A_556 : vector<1x16xf32> to vector<16xf32>
        %add3A_558 = arith.addf %add3A_530, %get3A_557 : vector<16xf32>
        %add3A_559 = arith.constant 5 : i32
        %add3A_560 = arith.addi %mul3A_410, %add3A_559 : i32
        %get3A_561 = arith.index_cast %add3A_560 : i32 to index
        %get3A_562 = arith.constant 48 : index
        %get3A_563 = tpu.vector_load %arg16[%get3A_561, %get3A_562] {strides = array<i32>} : memref<640x64xf32, #tpu.memory_space<vmem>>, vector<1x16xf32>,
        %get3A_564 = vector.shape_cast %get3A_563 : vector<1x16xf32> to vector<16xf32>
        %add3A_565 = arith.addf %add3A_537, %get3A_564 : vector<16xf32>
        %add3A_566 = arith.constant 6 : i32
        %add3A_567 = arith.addi %mul3A_410, %add3A_566 : i32
        %get3A_568 = arith.index_cast %add3A_567 : i32 to index
        %get3A_569 = arith.constant 0 : index
        %get3A_570 = tpu.vector_load %arg16[%get3A_568, %get3A_569] {strides = array<i32>} : memref<640x64xf32, #tpu.memory_space<vmem>>, vector<1x16xf32>,
        %get3A_571 = vector.shape_cast %get3A_570 : vector<1x16xf32> to vector<16xf32>
        %add3A_572 = arith.addf %add3A_544, %get3A_571 : vector<16xf32>
        %add3A_573 = arith.constant 6 : i32
        %add3A_574 = arith.addi %mul3A_410, %add3A_573 : i32
        %get3A_575 = arith.index_cast %add3A_574 : i32 to index
        %get3A_576 = arith.constant 16 : index
        %get3A_577 = tpu.vector_load %arg16[%get3A_575, %get3A_576] {strides = array<i32>} : memref<640x64xf32, #tpu.memory_space<vmem>>, vector<1x16xf32>,
        %get3A_578 = vector.shape_cast %get3A_577 : vector<1x16xf32> to vector<16xf32>
        %add3A_579 = arith.addf %add3A_551, %get3A_578 : vector<16xf32>
        %add3A_580 = arith.constant 6 : i32
        %add3A_581 = arith.addi %mul3A_410, %add3A_580 : i32
        %get3A_582 = arith.index_cast %add3A_581 : i32 to index
        %get3A_583 = arith.constant 32 : index
        %get3A_584 = tpu.vector_load %arg16[%get3A_582, %get3A_583] {strides = array<i32>} : memref<640x64xf32, #tpu.memory_space<vmem>>, vector<1x16xf32>,
        %get3A_585 = vector.shape_cast %get3A_584 : vector<1x16xf32> to vector<16xf32>
        %add3A_586 = arith.addf %add3A_558, %get3A_585 : vector<16xf32>
        %add3A_587 = arith.constant 6 : i32
        %add3A_588 = arith.addi %mul3A_410, %add3A_587 : i32
        %get3A_589 = arith.index_cast %add3A_588 : i32 to index
        %get3A_590 = arith.constant 48 : index
        %get3A_591 = tpu.vector_load %arg16[%get3A_589, %get3A_590] {strides = array<i32>} : memref<640x64xf32, #tpu.memory_space<vmem>>, vector<1x16xf32>,
        %get3A_592 = vector.shape_cast %get3A_591 : vector<1x16xf32> to vector<16xf32>
        %add3A_593 = arith.addf %add3A_565, %get3A_592 : vector<16xf32>
        %add3A_594 = arith.constant 7 : i32
        %add3A_595 = arith.addi %mul3A_410, %add3A_594 : i32
        %get3A_596 = arith.index_cast %add3A_595 : i32 to index
        %get3A_597 = arith.constant 0 : index
        %get3A_598 = tpu.vector_load %arg16[%get3A_596, %get3A_597] {strides = array<i32>} : memref<640x64xf32, #tpu.memory_space<vmem>>, vector<1x16xf32>,
        %get3A_599 = vector.shape_cast %get3A_598 : vector<1x16xf32> to vector<16xf32>
        %add3A_600 = arith.addf %add3A_572, %get3A_599 : vector<16xf32>
        %add3A_601 = arith.constant 7 : i32
        %add3A_602 = arith.addi %mul3A_410, %add3A_601 : i32
        %get3A_603 = arith.index_cast %add3A_602 : i32 to index
        %get3A_604 = arith.constant 16 : index
        %get3A_605 = tpu.vector_load %arg16[%get3A_603, %get3A_604] {strides = array<i32>} : memref<640x64xf32, #tpu.memory_space<vmem>>, vector<1x16xf32>,
        %get3A_606 = vector.shape_cast %get3A_605 : vector<1x16xf32> to vector<16xf32>
        %add3A_607 = arith.addf %add3A_579, %get3A_606 : vector<16xf32>
        %add3A_608 = arith.constant 7 : i32
        %add3A_609 = arith.addi %mul3A_410, %add3A_608 : i32
        %get3A_610 = arith.index_cast %add3A_609 : i32 to index
        %get3A_611 = arith.constant 32 : index
        %get3A_612 = tpu.vector_load %arg16[%get3A_610, %get3A_611] {strides = array<i32>} : memref<640x64xf32, #tpu.memory_space<vmem>>, vector<1x16xf32>,
        %get3A_613 = vector.shape_cast %get3A_612 : vector<1x16xf32> to vector<16xf32>
        %add3A_614 = arith.addf %add3A_586, %get3A_613 : vector<16xf32>
        %add3A_615 = arith.constant 7 : i32
        %add3A_616 = arith.addi %mul3A_410, %add3A_615 : i32
        %get3A_617 = arith.index_cast %add3A_616 : i32 to index
        %get3A_618 = arith.constant 48 : index
        %get3A_619 = tpu.vector_load %arg16[%get3A_617, %get3A_618] {strides = array<i32>} : memref<640x64xf32, #tpu.memory_space<vmem>>, vector<1x16xf32>,
        %get3A_620 = vector.shape_cast %get3A_619 : vector<1x16xf32> to vector<16xf32>
        %add3A_621 = arith.addf %add3A_593, %get3A_620 : vector<16xf32>
        %add3A_622 = arith.constant 8 : i32
        %add3A_623 = arith.addi %mul3A_410, %add3A_622 : i32
        %get3A_624 = arith.index_cast %add3A_623 : i32 to index
        %get3A_625 = arith.constant 0 : index
        %get3A_626 = tpu.vector_load %arg16[%get3A_624, %get3A_625] {strides = array<i32>} : memref<640x64xf32, #tpu.memory_space<vmem>>, vector<1x16xf32>,
        %get3A_627 = vector.shape_cast %get3A_626 : vector<1x16xf32> to vector<16xf32>
        %add3A_628 = arith.addf %add3A_600, %get3A_627 : vector<16xf32>
        %add3A_629 = arith.constant 8 : i32
        %add3A_630 = arith.addi %mul3A_410, %add3A_629 : i32
        %get3A_631 = arith.index_cast %add3A_630 : i32 to index
        %get3A_632 = arith.constant 16 : index
        %get3A_633 = tpu.vector_load %arg16[%get3A_631, %get3A_632] {strides = array<i32>} : memref<640x64xf32, #tpu.memory_space<vmem>>, vector<1x16xf32>,
        %get3A_634 = vector.shape_cast %get3A_633 : vector<1x16xf32> to vector<16xf32>
        %add3A_635 = arith.addf %add3A_607, %get3A_634 : vector<16xf32>
        %add3A_636 = arith.constant 8 : i32
        %add3A_637 = arith.addi %mul3A_410, %add3A_636 : i32
        %get3A_638 = arith.index_cast %add3A_637 : i32 to index
        %get3A_639 = arith.constant 32 : index
        %get3A_640 = tpu.vector_load %arg16[%get3A_638, %get3A_639] {strides = array<i32>} : memref<640x64xf32, #tpu.memory_space<vmem>>, vector<1x16xf32>,
        %get3A_641 = vector.shape_cast %get3A_640 : vector<1x16xf32> to vector<16xf32>
        %add3A_642 = arith.addf %add3A_614, %get3A_641 : vector<16xf32>
        %add3A_643 = arith.constant 8 : i32
        %add3A_644 = arith.addi %mul3A_410, %add3A_643 : i32
        %get3A_645 = arith.index_cast %add3A_644 : i32 to index
        %get3A_646 = arith.constant 48 : index
        %get3A_647 = tpu.vector_load %arg16[%get3A_645, %get3A_646] {strides = array<i32>} : memref<640x64xf32, #tpu.memory_space<vmem>>, vector<1x16xf32>,
        %get3A_648 = vector.shape_cast %get3A_647 : vector<1x16xf32> to vector<16xf32>
        %add3A_649 = arith.addf %add3A_621, %get3A_648 : vector<16xf32>
        %add3A_650 = arith.constant 9 : i32
        %add3A_651 = arith.addi %mul3A_410, %add3A_650 : i32
        %get3A_652 = arith.index_cast %add3A_651 : i32 to index
        %get3A_653 = arith.constant 0 : index
        %get3A_654 = tpu.vector_load %arg16[%get3A_652, %get3A_653] {strides = array<i32>} : memref<640x64xf32, #tpu.memory_space<vmem>>, vector<1x16xf32>,
        %get3A_655 = vector.shape_cast %get3A_654 : vector<1x16xf32> to vector<16xf32>
        %add3A_656 = arith.addf %add3A_628, %get3A_655 : vector<16xf32>
        %add3A_657 = arith.constant 9 : i32
        %add3A_658 = arith.addi %mul3A_410, %add3A_657 : i32
        %get3A_659 = arith.index_cast %add3A_658 : i32 to index
        %get3A_660 = arith.constant 16 : index
        %get3A_661 = tpu.vector_load %arg16[%get3A_659, %get3A_660] {strides = array<i32>} : memref<640x64xf32, #tpu.memory_space<vmem>>, vector<1x16xf32>,
        %get3A_662 = vector.shape_cast %get3A_661 : vector<1x16xf32> to vector<16xf32>
        %add3A_663 = arith.addf %add3A_635, %get3A_662 : vector<16xf32>
        %add3A_664 = arith.constant 9 : i32
        %add3A_665 = arith.addi %mul3A_410, %add3A_664 : i32
        %get3A_666 = arith.index_cast %add3A_665 : i32 to index
        %get3A_667 = arith.constant 32 : index
        %get3A_668 = tpu.vector_load %arg16[%get3A_666, %get3A_667] {strides = array<i32>} : memref<640x64xf32, #tpu.memory_space<vmem>>, vector<1x16xf32>,
        %get3A_669 = vector.shape_cast %get3A_668 : vector<1x16xf32> to vector<16xf32>
        %add3A_670 = arith.addf %add3A_642, %get3A_669 : vector<16xf32>
        %add3A_671 = arith.constant 9 : i32
        %add3A_672 = arith.addi %mul3A_410, %add3A_671 : i32
        %get3A_673 = arith.index_cast %add3A_672 : i32 to index
        %get3A_674 = arith.constant 48 : index
        %get3A_675 = tpu.vector_load %arg16[%get3A_673, %get3A_674] {strides = array<i32>} : memref<640x64xf32, #tpu.memory_space<vmem>>, vector<1x16xf32>,
        %get3A_676 = vector.shape_cast %get3A_675 : vector<1x16xf32> to vector<16xf32>
        %add3A_677 = arith.addf %add3A_649, %get3A_676 : vector<16xf32>
        %add3A_678 = arith.constant 10 : i32
        %add3A_679 = arith.addi %mul3A_410, %add3A_678 : i32
        %get3A_680 = arith.index_cast %add3A_679 : i32 to index
        %get3A_681 = arith.constant 0 : index
        %get3A_682 = tpu.vector_load %arg16[%get3A_680, %get3A_681] {strides = array<i32>} : memref<640x64xf32, #tpu.memory_space<vmem>>, vector<1x16xf32>,
        %get3A_683 = vector.shape_cast %get3A_682 : vector<1x16xf32> to vector<16xf32>
        %add3A_684 = arith.addf %add3A_656, %get3A_683 : vector<16xf32>
        %add3A_685 = arith.constant 10 : i32
        %add3A_686 = arith.addi %mul3A_410, %add3A_685 : i32
        %get3A_687 = arith.index_cast %add3A_686 : i32 to index
        %get3A_688 = arith.constant 16 : index
        %get3A_689 = tpu.vector_load %arg16[%get3A_687, %get3A_688] {strides = array<i32>} : memref<640x64xf32, #tpu.memory_space<vmem>>, vector<1x16xf32>,
        %get3A_690 = vector.shape_cast %get3A_689 : vector<1x16xf32> to vector<16xf32>
        %add3A_691 = arith.addf %add3A_663, %get3A_690 : vector<16xf32>
        %add3A_692 = arith.constant 10 : i32
        %add3A_693 = arith.addi %mul3A_410, %add3A_692 : i32
        %get3A_694 = arith.index_cast %add3A_693 : i32 to index
        %get3A_695 = arith.constant 32 : index
        %get3A_696 = tpu.vector_load %arg16[%get3A_694, %get3A_695] {strides = array<i32>} : memref<640x64xf32, #tpu.memory_space<vmem>>, vector<1x16xf32>,
        %get3A_697 = vector.shape_cast %get3A_696 : vector<1x16xf32> to vector<16xf32>
        %add3A_698 = arith.addf %add3A_670, %get3A_697 : vector<16xf32>
        %add3A_699 = arith.constant 10 : i32
        %add3A_700 = arith.addi %mul3A_410, %add3A_699 : i32
        %get3A_701 = arith.index_cast %add3A_700 : i32 to index
        %get3A_702 = arith.constant 48 : index
        %get3A_703 = tpu.vector_load %arg16[%get3A_701, %get3A_702] {strides = array<i32>} : memref<640x64xf32, #tpu.memory_space<vmem>>, vector<1x16xf32>,
        %get3A_704 = vector.shape_cast %get3A_703 : vector<1x16xf32> to vector<16xf32>
        %add3A_705 = arith.addf %add3A_677, %get3A_704 : vector<16xf32>
        %add3A_706 = arith.constant 11 : i32
        %add3A_707 = arith.addi %mul3A_410, %add3A_706 : i32
        %get3A_708 = arith.index_cast %add3A_707 : i32 to index
        %get3A_709 = arith.constant 0 : index
        %get3A_710 = tpu.vector_load %arg16[%get3A_708, %get3A_709] {strides = array<i32>} : memref<640x64xf32, #tpu.memory_space<vmem>>, vector<1x16xf32>,
        %get3A_711 = vector.shape_cast %get3A_710 : vector<1x16xf32> to vector<16xf32>
        %add3A_712 = arith.addf %add3A_684, %get3A_711 : vector<16xf32>
        %add3A_713 = arith.constant 11 : i32
        %add3A_714 = arith.addi %mul3A_410, %add3A_713 : i32
        %get3A_715 = arith.index_cast %add3A_714 : i32 to index
        %get3A_716 = arith.constant 16 : index
        %get3A_717 = tpu.vector_load %arg16[%get3A_715, %get3A_716] {strides = array<i32>} : memref<640x64xf32, #tpu.memory_space<vmem>>, vector<1x16xf32>,
        %get3A_718 = vector.shape_cast %get3A_717 : vector<1x16xf32> to vector<16xf32>
        %add3A_719 = arith.addf %add3A_691, %get3A_718 : vector<16xf32>
        %add3A_720 = arith.constant 11 : i32
        %add3A_721 = arith.addi %mul3A_410, %add3A_720 : i32
        %get3A_722 = arith.index_cast %add3A_721 : i32 to index
        %get3A_723 = arith.constant 32 : index
        %get3A_724 = tpu.vector_load %arg16[%get3A_722, %get3A_723] {strides = array<i32>} : memref<640x64xf32, #tpu.memory_space<vmem>>, vector<1x16xf32>,
        %get3A_725 = vector.shape_cast %get3A_724 : vector<1x16xf32> to vector<16xf32>
        %add3A_726 = arith.addf %add3A_698, %get3A_725 : vector<16xf32>
        %add3A_727 = arith.constant 11 : i32
        %add3A_728 = arith.addi %mul3A_410, %add3A_727 : i32
        %get3A_729 = arith.index_cast %add3A_728 : i32 to index
        %get3A_730 = arith.constant 48 : index
        %get3A_731 = tpu.vector_load %arg16[%get3A_729, %get3A_730] {strides = array<i32>} : memref<640x64xf32, #tpu.memory_space<vmem>>, vector<1x16xf32>,
        %get3A_732 = vector.shape_cast %get3A_731 : vector<1x16xf32> to vector<16xf32>
        %add3A_733 = arith.addf %add3A_705, %get3A_732 : vector<16xf32>
        %add3A_734 = arith.constant 12 : i32
        %add3A_735 = arith.addi %mul3A_410, %add3A_734 : i32
        %get3A_736 = arith.index_cast %add3A_735 : i32 to index
        %get3A_737 = arith.constant 0 : index
        %get3A_738 = tpu.vector_load %arg16[%get3A_736, %get3A_737] {strides = array<i32>} : memref<640x64xf32, #tpu.memory_space<vmem>>, vector<1x16xf32>,
        %get3A_739 = vector.shape_cast %get3A_738 : vector<1x16xf32> to vector<16xf32>
        %add3A_740 = arith.addf %add3A_712, %get3A_739 : vector<16xf32>
        %add3A_741 = arith.constant 12 : i32
        %add3A_742 = arith.addi %mul3A_410, %add3A_741 : i32
        %get3A_743 = arith.index_cast %add3A_742 : i32 to index
        %get3A_744 = arith.constant 16 : index
        %get3A_745 = tpu.vector_load %arg16[%get3A_743, %get3A_744] {strides = array<i32>} : memref<640x64xf32, #tpu.memory_space<vmem>>, vector<1x16xf32>,
        %get3A_746 = vector.shape_cast %get3A_745 : vector<1x16xf32> to vector<16xf32>
        %add3A_747 = arith.addf %add3A_719, %get3A_746 : vector<16xf32>
        %add3A_748 = arith.constant 12 : i32
        %add3A_749 = arith.addi %mul3A_410, %add3A_748 : i32
        %get3A_750 = arith.index_cast %add3A_749 : i32 to index
        %get3A_751 = arith.constant 32 : index
        %get3A_752 = tpu.vector_load %arg16[%get3A_750, %get3A_751] {strides = array<i32>} : memref<640x64xf32, #tpu.memory_space<vmem>>, vector<1x16xf32>,
        %get3A_753 = vector.shape_cast %get3A_752 : vector<1x16xf32> to vector<16xf32>
        %add3A_754 = arith.addf %add3A_726, %get3A_753 : vector<16xf32>
        %add3A_755 = arith.constant 12 : i32
        %add3A_756 = arith.addi %mul3A_410, %add3A_755 : i32
        %get3A_757 = arith.index_cast %add3A_756 : i32 to index
        %get3A_758 = arith.constant 48 : index
        %get3A_759 = tpu.vector_load %arg16[%get3A_757, %get3A_758] {strides = array<i32>} : memref<640x64xf32, #tpu.memory_space<vmem>>, vector<1x16xf32>,
        %get3A_760 = vector.shape_cast %get3A_759 : vector<1x16xf32> to vector<16xf32>
        %add3A_761 = arith.addf %add3A_733, %get3A_760 : vector<16xf32>
        %add3A_762 = arith.constant 13 : i32
        %add3A_763 = arith.addi %mul3A_410, %add3A_762 : i32
        %get3A_764 = arith.index_cast %add3A_763 : i32 to index
        %get3A_765 = arith.constant 0 : index
        %get3A_766 = tpu.vector_load %arg16[%get3A_764, %get3A_765] {strides = array<i32>} : memref<640x64xf32, #tpu.memory_space<vmem>>, vector<1x16xf32>,
        %get3A_767 = vector.shape_cast %get3A_766 : vector<1x16xf32> to vector<16xf32>
        %add3A_768 = arith.addf %add3A_740, %get3A_767 : vector<16xf32>
        %add3A_769 = arith.constant 13 : i32
        %add3A_770 = arith.addi %mul3A_410, %add3A_769 : i32
        %get3A_771 = arith.index_cast %add3A_770 : i32 to index
        %get3A_772 = arith.constant 16 : index
        %get3A_773 = tpu.vector_load %arg16[%get3A_771, %get3A_772] {strides = array<i32>} : memref<640x64xf32, #tpu.memory_space<vmem>>, vector<1x16xf32>,
        %get3A_774 = vector.shape_cast %get3A_773 : vector<1x16xf32> to vector<16xf32>
        %add3A_775 = arith.addf %add3A_747, %get3A_774 : vector<16xf32>
        %add3A_776 = arith.constant 13 : i32
        %add3A_777 = arith.addi %mul3A_410, %add3A_776 : i32
        %get3A_778 = arith.index_cast %add3A_777 : i32 to index
        %get3A_779 = arith.constant 32 : index
        %get3A_780 = tpu.vector_load %arg16[%get3A_778, %get3A_779] {strides = array<i32>} : memref<640x64xf32, #tpu.memory_space<vmem>>, vector<1x16xf32>,
        %get3A_781 = vector.shape_cast %get3A_780 : vector<1x16xf32> to vector<16xf32>
        %add3A_782 = arith.addf %add3A_754, %get3A_781 : vector<16xf32>
        %add3A_783 = arith.constant 13 : i32
        %add3A_784 = arith.addi %mul3A_410, %add3A_783 : i32
        %get3A_785 = arith.index_cast %add3A_784 : i32 to index
        %get3A_786 = arith.constant 48 : index
        %get3A_787 = tpu.vector_load %arg16[%get3A_785, %get3A_786] {strides = array<i32>} : memref<640x64xf32, #tpu.memory_space<vmem>>, vector<1x16xf32>,
        %get3A_788 = vector.shape_cast %get3A_787 : vector<1x16xf32> to vector<16xf32>
        %add3A_789 = arith.addf %add3A_761, %get3A_788 : vector<16xf32>
        %add3A_790 = arith.constant 14 : i32
        %add3A_791 = arith.addi %mul3A_410, %add3A_790 : i32
        %get3A_792 = arith.index_cast %add3A_791 : i32 to index
        %get3A_793 = arith.constant 0 : index
        %get3A_794 = tpu.vector_load %arg16[%get3A_792, %get3A_793] {strides = array<i32>} : memref<640x64xf32, #tpu.memory_space<vmem>>, vector<1x16xf32>,
        %get3A_795 = vector.shape_cast %get3A_794 : vector<1x16xf32> to vector<16xf32>
        %add3A_796 = arith.addf %add3A_768, %get3A_795 : vector<16xf32>
        %add3A_797 = arith.constant 14 : i32
        %add3A_798 = arith.addi %mul3A_410, %add3A_797 : i32
        %get3A_799 = arith.index_cast %add3A_798 : i32 to index
        %get3A_800 = arith.constant 16 : index
        %get3A_801 = tpu.vector_load %arg16[%get3A_799, %get3A_800] {strides = array<i32>} : memref<640x64xf32, #tpu.memory_space<vmem>>, vector<1x16xf32>,
        %get3A_802 = vector.shape_cast %get3A_801 : vector<1x16xf32> to vector<16xf32>
        %add3A_803 = arith.addf %add3A_775, %get3A_802 : vector<16xf32>
        %add3A_804 = arith.constant 14 : i32
        %add3A_805 = arith.addi %mul3A_410, %add3A_804 : i32
        %get3A_806 = arith.index_cast %add3A_805 : i32 to index
        %get3A_807 = arith.constant 32 : index
        %get3A_808 = tpu.vector_load %arg16[%get3A_806, %get3A_807] {strides = array<i32>} : memref<640x64xf32, #tpu.memory_space<vmem>>, vector<1x16xf32>,
        %get3A_809 = vector.shape_cast %get3A_808 : vector<1x16xf32> to vector<16xf32>
        %add3A_810 = arith.addf %add3A_782, %get3A_809 : vector<16xf32>
        %add3A_811 = arith.constant 14 : i32
        %add3A_812 = arith.addi %mul3A_410, %add3A_811 : i32
        %get3A_813 = arith.index_cast %add3A_812 : i32 to index
        %get3A_814 = arith.constant 48 : index
        %get3A_815 = tpu.vector_load %arg16[%get3A_813, %get3A_814] {strides = array<i32>} : memref<640x64xf32, #tpu.memory_space<vmem>>, vector<1x16xf32>,
        %get3A_816 = vector.shape_cast %get3A_815 : vector<1x16xf32> to vector<16xf32>
        %add3A_817 = arith.addf %add3A_789, %get3A_816 : vector<16xf32>
        %add3A_818 = arith.constant 15 : i32
        %add3A_819 = arith.addi %mul3A_410, %add3A_818 : i32
        %get3A_820 = arith.index_cast %add3A_819 : i32 to index
        %get3A_821 = arith.constant 0 : index
        %get3A_822 = tpu.vector_load %arg16[%get3A_820, %get3A_821] {strides = array<i32>} : memref<640x64xf32, #tpu.memory_space<vmem>>, vector<1x16xf32>,
        %get3A_823 = vector.shape_cast %get3A_822 : vector<1x16xf32> to vector<16xf32>
        %add3A_824 = arith.addf %add3A_796, %get3A_823 : vector<16xf32>
        %add3A_825 = arith.constant 15 : i32
        %add3A_826 = arith.addi %mul3A_410, %add3A_825 : i32
        %get3A_827 = arith.index_cast %add3A_826 : i32 to index
        %get3A_828 = arith.constant 16 : index
        %get3A_829 = tpu.vector_load %arg16[%get3A_827, %get3A_828] {strides = array<i32>} : memref<640x64xf32, #tpu.memory_space<vmem>>, vector<1x16xf32>,
        %get3A_830 = vector.shape_cast %get3A_829 : vector<1x16xf32> to vector<16xf32>
        %add3A_831 = arith.addf %add3A_803, %get3A_830 : vector<16xf32>
        %add3A_832 = arith.constant 15 : i32
        %add3A_833 = arith.addi %mul3A_410, %add3A_832 : i32
        %get3A_834 = arith.index_cast %add3A_833 : i32 to index
        %get3A_835 = arith.constant 32 : index
        %get3A_836 = tpu.vector_load %arg16[%get3A_834, %get3A_835] {strides = array<i32>} : memref<640x64xf32, #tpu.memory_space<vmem>>, vector<1x16xf32>,
        %get3A_837 = vector.shape_cast %get3A_836 : vector<1x16xf32> to vector<16xf32>
        %add3A_838 = arith.addf %add3A_810, %get3A_837 : vector<16xf32>
        %add3A_839 = arith.constant 15 : i32
        %add3A_840 = arith.addi %mul3A_410, %add3A_839 : i32
        %get3A_841 = arith.index_cast %add3A_840 : i32 to index
        %get3A_842 = arith.constant 48 : index
        %get3A_843 = tpu.vector_load %arg16[%get3A_841, %get3A_842] {strides = array<i32>} : memref<640x64xf32, #tpu.memory_space<vmem>>, vector<1x16xf32>,
        %get3A_844 = vector.shape_cast %get3A_843 : vector<1x16xf32> to vector<16xf32>
        %add3A_845 = arith.addf %add3A_817, %get3A_844 : vector<16xf32>
        %add3A_846 = arith.constant 16 : i32
        %add3A_847 = arith.addi %mul3A_410, %add3A_846 : i32
        %get3A_848 = arith.index_cast %add3A_847 : i32 to index
        %get3A_849 = arith.constant 0 : index
        %get3A_850 = tpu.vector_load %arg16[%get3A_848, %get3A_849] {strides = array<i32>} : memref<640x64xf32, #tpu.memory_space<vmem>>, vector<1x16xf32>,
        %get3A_851 = vector.shape_cast %get3A_850 : vector<1x16xf32> to vector<16xf32>
        %add3A_852 = arith.addf %add3A_824, %get3A_851 : vector<16xf32>
        %add3A_853 = arith.constant 16 : i32
        %add3A_854 = arith.addi %mul3A_410, %add3A_853 : i32
        %get3A_855 = arith.index_cast %add3A_854 : i32 to index
        %get3A_856 = arith.constant 16 : index
        %get3A_857 = tpu.vector_load %arg16[%get3A_855, %get3A_856] {strides = array<i32>} : memref<640x64xf32, #tpu.memory_space<vmem>>, vector<1x16xf32>,
        %get3A_858 = vector.shape_cast %get3A_857 : vector<1x16xf32> to vector<16xf32>
        %add3A_859 = arith.addf %add3A_831, %get3A_858 : vector<16xf32>
        %add3A_860 = arith.constant 16 : i32
        %add3A_861 = arith.addi %mul3A_410, %add3A_860 : i32
        %get3A_862 = arith.index_cast %add3A_861 : i32 to index
        %get3A_863 = arith.constant 32 : index
        %get3A_864 = tpu.vector_load %arg16[%get3A_862, %get3A_863] {strides = array<i32>} : memref<640x64xf32, #tpu.memory_space<vmem>>, vector<1x16xf32>,
        %get3A_865 = vector.shape_cast %get3A_864 : vector<1x16xf32> to vector<16xf32>
        %add3A_866 = arith.addf %add3A_838, %get3A_865 : vector<16xf32>
        %add3A_867 = arith.constant 16 : i32
        %add3A_868 = arith.addi %mul3A_410, %add3A_867 : i32
        %get3A_869 = arith.index_cast %add3A_868 : i32 to index
        %get3A_870 = arith.constant 48 : index
        %get3A_871 = tpu.vector_load %arg16[%get3A_869, %get3A_870] {strides = array<i32>} : memref<640x64xf32, #tpu.memory_space<vmem>>, vector<1x16xf32>,
        %get3A_872 = vector.shape_cast %get3A_871 : vector<1x16xf32> to vector<16xf32>
        %add3A_873 = arith.addf %add3A_845, %get3A_872 : vector<16xf32>
        %add3A_874 = arith.constant 17 : i32
        %add3A_875 = arith.addi %mul3A_410, %add3A_874 : i32
        %get3A_876 = arith.index_cast %add3A_875 : i32 to index
        %get3A_877 = arith.constant 0 : index
        %get3A_878 = tpu.vector_load %arg16[%get3A_876, %get3A_877] {strides = array<i32>} : memref<640x64xf32, #tpu.memory_space<vmem>>, vector<1x16xf32>,
        %get3A_879 = vector.shape_cast %get3A_878 : vector<1x16xf32> to vector<16xf32>
        %add3A_880 = arith.addf %add3A_852, %get3A_879 : vector<16xf32>
        %add3A_881 = arith.constant 17 : i32
        %add3A_882 = arith.addi %mul3A_410, %add3A_881 : i32
        %get3A_883 = arith.index_cast %add3A_882 : i32 to index
        %get3A_884 = arith.constant 16 : index
        %get3A_885 = tpu.vector_load %arg16[%get3A_883, %get3A_884] {strides = array<i32>} : memref<640x64xf32, #tpu.memory_space<vmem>>, vector<1x16xf32>,
        %get3A_886 = vector.shape_cast %get3A_885 : vector<1x16xf32> to vector<16xf32>
        %add3A_887 = arith.addf %add3A_859, %get3A_886 : vector<16xf32>
        %add3A_888 = arith.constant 17 : i32
        %add3A_889 = arith.addi %mul3A_410, %add3A_888 : i32
        %get3A_890 = arith.index_cast %add3A_889 : i32 to index
        %get3A_891 = arith.constant 32 : index
        %get3A_892 = tpu.vector_load %arg16[%get3A_890, %get3A_891] {strides = array<i32>} : memref<640x64xf32, #tpu.memory_space<vmem>>, vector<1x16xf32>,
        %get3A_893 = vector.shape_cast %get3A_892 : vector<1x16xf32> to vector<16xf32>
        %add3A_894 = arith.addf %add3A_866, %get3A_893 : vector<16xf32>
        %add3A_895 = arith.constant 17 : i32
        %add3A_896 = arith.addi %mul3A_410, %add3A_895 : i32
        %get3A_897 = arith.index_cast %add3A_896 : i32 to index
        %get3A_898 = arith.constant 48 : index
        %get3A_899 = tpu.vector_load %arg16[%get3A_897, %get3A_898] {strides = array<i32>} : memref<640x64xf32, #tpu.memory_space<vmem>>, vector<1x16xf32>,
        %get3A_900 = vector.shape_cast %get3A_899 : vector<1x16xf32> to vector<16xf32>
        %add3A_901 = arith.addf %add3A_873, %get3A_900 : vector<16xf32>
        %add3A_902 = arith.constant 18 : i32
        %add3A_903 = arith.addi %mul3A_410, %add3A_902 : i32
        %get3A_904 = arith.index_cast %add3A_903 : i32 to index
        %get3A_905 = arith.constant 0 : index
        %get3A_906 = tpu.vector_load %arg16[%get3A_904, %get3A_905] {strides = array<i32>} : memref<640x64xf32, #tpu.memory_space<vmem>>, vector<1x16xf32>,
        %get3A_907 = vector.shape_cast %get3A_906 : vector<1x16xf32> to vector<16xf32>
        %add3A_908 = arith.addf %add3A_880, %get3A_907 : vector<16xf32>
        %add3A_909 = arith.constant 18 : i32
        %add3A_910 = arith.addi %mul3A_410, %add3A_909 : i32
        %get3A_911 = arith.index_cast %add3A_910 : i32 to index
        %get3A_912 = arith.constant 16 : index
        %get3A_913 = tpu.vector_load %arg16[%get3A_911, %get3A_912] {strides = array<i32>} : memref<640x64xf32, #tpu.memory_space<vmem>>, vector<1x16xf32>,
        %get3A_914 = vector.shape_cast %get3A_913 : vector<1x16xf32> to vector<16xf32>
        %add3A_915 = arith.addf %add3A_887, %get3A_914 : vector<16xf32>
        %add3A_916 = arith.constant 18 : i32
        %add3A_917 = arith.addi %mul3A_410, %add3A_916 : i32
        %get3A_918 = arith.index_cast %add3A_917 : i32 to index
        %get3A_919 = arith.constant 32 : index
        %get3A_920 = tpu.vector_load %arg16[%get3A_918, %get3A_919] {strides = array<i32>} : memref<640x64xf32, #tpu.memory_space<vmem>>, vector<1x16xf32>,
        %get3A_921 = vector.shape_cast %get3A_920 : vector<1x16xf32> to vector<16xf32>
        %add3A_922 = arith.addf %add3A_894, %get3A_921 : vector<16xf32>
        %add3A_923 = arith.constant 18 : i32
        %add3A_924 = arith.addi %mul3A_410, %add3A_923 : i32
        %get3A_925 = arith.index_cast %add3A_924 : i32 to index
        %get3A_926 = arith.constant 48 : index
        %get3A_927 = tpu.vector_load %arg16[%get3A_925, %get3A_926] {strides = array<i32>} : memref<640x64xf32, #tpu.memory_space<vmem>>, vector<1x16xf32>,
        %get3A_928 = vector.shape_cast %get3A_927 : vector<1x16xf32> to vector<16xf32>
        %add3A_929 = arith.addf %add3A_901, %get3A_928 : vector<16xf32>
        %add3A_930 = arith.constant 19 : i32
        %add3A_931 = arith.addi %mul3A_410, %add3A_930 : i32
        %get3A_932 = arith.index_cast %add3A_931 : i32 to index
        %get3A_933 = arith.constant 0 : index
        %get3A_934 = tpu.vector_load %arg16[%get3A_932, %get3A_933] {strides = array<i32>} : memref<640x64xf32, #tpu.memory_space<vmem>>, vector<1x16xf32>,
        %get3A_935 = vector.shape_cast %get3A_934 : vector<1x16xf32> to vector<16xf32>
        %add3A_936 = arith.addf %add3A_908, %get3A_935 : vector<16xf32>
        %add3A_937 = arith.constant 19 : i32
        %add3A_938 = arith.addi %mul3A_410, %add3A_937 : i32
        %get3A_939 = arith.index_cast %add3A_938 : i32 to index
        %get3A_940 = arith.constant 16 : index
        %get3A_941 = tpu.vector_load %arg16[%get3A_939, %get3A_940] {strides = array<i32>} : memref<640x64xf32, #tpu.memory_space<vmem>>, vector<1x16xf32>,
        %get3A_942 = vector.shape_cast %get3A_941 : vector<1x16xf32> to vector<16xf32>
        %add3A_943 = arith.addf %add3A_915, %get3A_942 : vector<16xf32>
        %add3A_944 = arith.constant 19 : i32
        %add3A_945 = arith.addi %mul3A_410, %add3A_944 : i32
        %get3A_946 = arith.index_cast %add3A_945 : i32 to index
        %get3A_947 = arith.constant 32 : index
        %get3A_948 = tpu.vector_load %arg16[%get3A_946, %get3A_947] {strides = array<i32>} : memref<640x64xf32, #tpu.memory_space<vmem>>, vector<1x16xf32>,
        %get3A_949 = vector.shape_cast %get3A_948 : vector<1x16xf32> to vector<16xf32>
        %add3A_950 = arith.addf %add3A_922, %get3A_949 : vector<16xf32>
        %add3A_951 = arith.constant 19 : i32
        %add3A_952 = arith.addi %mul3A_410, %add3A_951 : i32
        %get3A_953 = arith.index_cast %add3A_952 : i32 to index
        %get3A_954 = arith.constant 48 : index
        %get3A_955 = tpu.vector_load %arg16[%get3A_953, %get3A_954] {strides = array<i32>} : memref<640x64xf32, #tpu.memory_space<vmem>>, vector<1x16xf32>,
        %get3A_956 = vector.shape_cast %get3A_955 : vector<1x16xf32> to vector<16xf32>
        %add3A_957 = arith.addf %add3A_929, %get3A_956 : vector<16xf32>
        %get3A_958 = arith.index_cast %scan3A_405 : i32 to index
        %get3A_959 = arith.constant 0 : index
        %get3A_960 = tpu.vector_load %arg12[%get3A_958, %get3A_959] {strides = array<i32>} : memref<32x64xf32, #tpu.memory_space<vmem>>, vector<1x16xf32>,
        %get3A_961 = vector.shape_cast %get3A_960 : vector<1x16xf32> to vector<16xf32>
        %get3A_962 = arith.index_cast %scan3A_405 : i32 to index
        %get3A_963 = arith.constant 0 : index
        %get3A_964 = tpu.vector_load %arg14[%get3A_962, %get3A_963] {strides = array<i32>} : memref<32x64xf32, #tpu.memory_space<vmem>>, vector<1x16xf32>,
        %get3A_965 = vector.shape_cast %get3A_964 : vector<1x16xf32> to vector<16xf32>
        %mul3A_966 = arith.mulf %add3A_936, %get3A_961 : vector<16xf32>
        %mul3A_967 = arith.mulf %get3A_961, %get3A_965 : vector<16xf32>
        %get3A_968 = arith.index_cast %scan3A_405 : i32 to index
        %get3A_969 = arith.constant 16 : index
        %get3A_970 = tpu.vector_load %arg12[%get3A_968, %get3A_969] {strides = array<i32>} : memref<32x64xf32, #tpu.memory_space<vmem>>, vector<1x16xf32>,
        %get3A_971 = vector.shape_cast %get3A_970 : vector<1x16xf32> to vector<16xf32>
        %get3A_972 = arith.index_cast %scan3A_405 : i32 to index
        %get3A_973 = arith.constant 16 : index
        %get3A_974 = tpu.vector_load %arg14[%get3A_972, %get3A_973] {strides = array<i32>} : memref<32x64xf32, #tpu.memory_space<vmem>>, vector<1x16xf32>,
        %get3A_975 = vector.shape_cast %get3A_974 : vector<1x16xf32> to vector<16xf32>
        %mul3A_976 = arith.mulf %add3A_943, %get3A_971 : vector<16xf32>
        %mul3A_977 = arith.mulf %get3A_971, %get3A_975 : vector<16xf32>
        %add3A_978 = arith.addf %mul3A_966, %mul3A_976 : vector<16xf32>
        %add3A_979 = arith.addf %mul3A_967, %mul3A_977 : vector<16xf32>
        %get3A_980 = arith.index_cast %scan3A_405 : i32 to index
        %get3A_981 = arith.constant 32 : index
        %get3A_982 = tpu.vector_load %arg12[%get3A_980, %get3A_981] {strides = array<i32>} : memref<32x64xf32, #tpu.memory_space<vmem>>, vector<1x16xf32>,
        %get3A_983 = vector.shape_cast %get3A_982 : vector<1x16xf32> to vector<16xf32>
        %get3A_984 = arith.index_cast %scan3A_405 : i32 to index
        %get3A_985 = arith.constant 32 : index
        %get3A_986 = tpu.vector_load %arg14[%get3A_984, %get3A_985] {strides = array<i32>} : memref<32x64xf32, #tpu.memory_space<vmem>>, vector<1x16xf32>,
        %get3A_987 = vector.shape_cast %get3A_986 : vector<1x16xf32> to vector<16xf32>
        %mul3A_988 = arith.mulf %add3A_950, %get3A_983 : vector<16xf32>
        %mul3A_989 = arith.mulf %get3A_983, %get3A_987 : vector<16xf32>
        %add3A_990 = arith.addf %add3A_978, %mul3A_988 : vector<16xf32>
        %add3A_991 = arith.addf %add3A_979, %mul3A_989 : vector<16xf32>
        %get3A_992 = arith.index_cast %scan3A_405 : i32 to index
        %get3A_993 = arith.constant 48 : index
        %get3A_994 = tpu.vector_load %arg12[%get3A_992, %get3A_993] {strides = array<i32>} : memref<32x64xf32, #tpu.memory_space<vmem>>, vector<1x16xf32>,
        %get3A_995 = vector.shape_cast %get3A_994 : vector<1x16xf32> to vector<16xf32>
        %get3A_996 = arith.index_cast %scan3A_405 : i32 to index
        %get3A_997 = arith.constant 48 : index
        %get3A_998 = tpu.vector_load %arg14[%get3A_996, %get3A_997] {strides = array<i32>} : memref<32x64xf32, #tpu.memory_space<vmem>>, vector<1x16xf32>,
        %get3A_999 = vector.shape_cast %get3A_998 : vector<1x16xf32> to vector<16xf32>
        %mul3A_1000 = arith.mulf %add3A_957, %get3A_995 : vector<16xf32>
        %mul3A_1001 = arith.mulf %get3A_995, %get3A_999 : vector<16xf32>
        %add3A_1002 = arith.addf %add3A_990, %mul3A_1000 : vector<16xf32>
        %add3A_1003 = arith.addf %add3A_991, %mul3A_1001 : vector<16xf32>
        %swap3A = arith.index_cast %add3A_408 : i32 to index
        %swap3A_1004 = arith.constant 0 : index
        %swap3A_1005 = tpu.vector_load %arg18[%swap3A, %swap3A_1004] {strides = array<i32>} : memref<512x16xf32, #tpu.memory_space<vmem>>, vector<1x16xf32>,
        %swap3A_1006 = vector.shape_cast %swap3A_1005 : vector<1x16xf32> to vector<16xf32>
        %swap3A_1007 = vector.shape_cast %add3A_1003 : vector<16xf32> to vector<1x16xf32>
        tpu.vector_store %arg18[%swap3A, %swap3A_1004], %swap3A_1007 {strides = array<i32>} : memref<512x16xf32, #tpu.memory_space<vmem>>, vector<1x16xf32>,
        %swap3A_1008 = arith.index_cast %add3A_408 : i32 to index
        %swap3A_1009 = arith.constant 0 : index
        %swap3A_1010 = tpu.vector_load %arg19[%swap3A_1008, %swap3A_1009] {strides = array<i32>} : memref<512x16xf32, #tpu.memory_space<vmem>>, vector<1x16xf32>,
        %swap3A_1011 = vector.shape_cast %swap3A_1010 : vector<1x16xf32> to vector<16xf32>
        %swap3A_1012 = vector.shape_cast %add3A_1002 : vector<16xf32> to vector<1x16xf32>
        tpu.vector_store %arg19[%swap3A_1008, %swap3A_1009], %swap3A_1012 {strides = array<i32>} : memref<512x16xf32, #tpu.memory_space<vmem>>, vector<1x16xf32>,
      }
      %scan3A_218 = arith.constant 32 : i32
      %add3A_219 = arith.constant 2 : i32
      %add3A_220 = arith.addi %add3A_194, %add3A_219 : i32
      %mul3A_221 = arith.constant 5 : i32
      %mul3A_222 = arith.muli %add3A_220, %mul3A_221 : i32
      %add3A_223 = arith.constant 0 : i32
      %add3A_224 = arith.addi %mul3A_222, %add3A_223 : i32
      %dma_start3A_225 = arith.constant 0 : i32
      %dma_start3A_226 = arith.constant 0 : i32
      %dma_start3A_227 = tpu.memref_slice %arg16[%dma_start3A_225, %dma_start3A_226] : memref<640x64xf32, #tpu.memory_space<vmem>> -> memref<128x64xf32, #tpu.memory_space<vmem>>
      %dma_start3A_228 = arith.constant 0 : i32
      %dma_start3A_229 = tpu.memref_slice %arg11[%add3A_224, %dma_start3A_228] : memref<80x128xi32, #tpu.memory_space<vmem>> -> memref<1x128xi32, #tpu.memory_space<vmem>>
      %dma_start3A_230 = tpu.memref_squeeze %dma_start3A_229 : memref<1x128xi32, #tpu.memory_space<vmem>> -> memref<128xi32, #tpu.memory_space<vmem>>
      %dma_start3A_231 = arith.constant 0 : i32
      %dma_start3A_232 = arith.constant 0 : i32
      %dma_start3A_233 = tpu.memref_slice %arg6[%dma_start3A_231, %dma_start3A_232] : memref<1000000x64xf32, #tpu.memory_space<hbm>> -> memref<1000000x64xf32, #tpu.memory_space<hbm>>
      tpu.enqueue_indirect_dma source(%dma_start3A_233 : memref<1000000x64xf32, #tpu.memory_space<hbm>>) target(%dma_start3A_227 : memref<128x64xf32, #tpu.memory_space<vmem>>) offsets(%dma_start3A_230 : memref<128xi32, #tpu.memory_space<vmem>>) semaphore(%arg20 : memref<!tpu.dma_semaphore, #tpu.memory_space<semaphore_mem>>)
      %mul3A_234 = arith.constant 5 : i32
      %mul3A_235 = arith.muli %add3A_220, %mul3A_234 : i32
      %add3A_236 = arith.constant 1 : i32
      %add3A_237 = arith.addi %mul3A_235, %add3A_236 : i32
      %dma_start3A_238 = arith.constant 128 : i32
      %dma_start3A_239 = arith.constant 0 : i32
      %dma_start3A_240 = tpu.memref_slice %arg16[%dma_start3A_238, %dma_start3A_239] : memref<640x64xf32, #tpu.memory_space<vmem>> -> memref<128x64xf32, #tpu.memory_space<vmem>>
      %dma_start3A_241 = arith.constant 0 : i32
      %dma_start3A_242 = tpu.memref_slice %arg11[%add3A_237, %dma_start3A_241] : memref<80x128xi32, #tpu.memory_space<vmem>> -> memref<1x128xi32, #tpu.memory_space<vmem>>
      %dma_start3A_243 = tpu.memref_squeeze %dma_start3A_242 : memref<1x128xi32, #tpu.memory_space<vmem>> -> memref<128xi32, #tpu.memory_space<vmem>>
      %dma_start3A_244 = arith.constant 0 : i32
      %dma_start3A_245 = arith.constant 0 : i32
      %dma_start3A_246 = tpu.memref_slice %arg6[%dma_start3A_244, %dma_start3A_245] : memref<1000000x64xf32, #tpu.memory_space<hbm>> -> memref<1000000x64xf32, #tpu.memory_space<hbm>>
      tpu.enqueue_indirect_dma source(%dma_start3A_246 : memref<1000000x64xf32, #tpu.memory_space<hbm>>) target(%dma_start3A_240 : memref<128x64xf32, #tpu.memory_space<vmem>>) offsets(%dma_start3A_243 : memref<128xi32, #tpu.memory_space<vmem>>) semaphore(%arg20 : memref<!tpu.dma_semaphore, #tpu.memory_space<semaphore_mem>>)
      %mul3A_247 = arith.constant 5 : i32
      %mul3A_248 = arith.muli %add3A_220, %mul3A_247 : i32
      %add3A_249 = arith.constant 2 : i32
      %add3A_250 = arith.addi %mul3A_248, %add3A_249 : i32
      %dma_start3A_251 = arith.constant 256 : i32
      %dma_start3A_252 = arith.constant 0 : i32
      %dma_start3A_253 = tpu.memref_slice %arg16[%dma_start3A_251, %dma_start3A_252] : memref<640x64xf32, #tpu.memory_space<vmem>> -> memref<128x64xf32, #tpu.memory_space<vmem>>
      %dma_start3A_254 = arith.constant 0 : i32
      %dma_start3A_255 = tpu.memref_slice %arg11[%add3A_250, %dma_start3A_254] : memref<80x128xi32, #tpu.memory_space<vmem>> -> memref<1x128xi32, #tpu.memory_space<vmem>>
      %dma_start3A_256 = tpu.memref_squeeze %dma_start3A_255 : memref<1x128xi32, #tpu.memory_space<vmem>> -> memref<128xi32, #tpu.memory_space<vmem>>
      %dma_start3A_257 = arith.constant 0 : i32
      %dma_start3A_258 = arith.constant 0 : i32
      %dma_start3A_259 = tpu.memref_slice %arg6[%dma_start3A_257, %dma_start3A_258] : memref<1000000x64xf32, #tpu.memory_space<hbm>> -> memref<1000000x64xf32, #tpu.memory_space<hbm>>
      tpu.enqueue_indirect_dma source(%dma_start3A_259 : memref<1000000x64xf32, #tpu.memory_space<hbm>>) target(%dma_start3A_253 : memref<128x64xf32, #tpu.memory_space<vmem>>) offsets(%dma_start3A_256 : memref<128xi32, #tpu.memory_space<vmem>>) semaphore(%arg20 : memref<!tpu.dma_semaphore, #tpu.memory_space<semaphore_mem>>)
      %mul3A_260 = arith.constant 5 : i32
      %mul3A_261 = arith.muli %add3A_220, %mul3A_260 : i32
      %add3A_262 = arith.constant 3 : i32
      %add3A_263 = arith.addi %mul3A_261, %add3A_262 : i32
      %dma_start3A_264 = arith.constant 384 : i32
      %dma_start3A_265 = arith.constant 0 : i32
      %dma_start3A_266 = tpu.memref_slice %arg16[%dma_start3A_264, %dma_start3A_265] : memref<640x64xf32, #tpu.memory_space<vmem>> -> memref<128x64xf32, #tpu.memory_space<vmem>>
      %dma_start3A_267 = arith.constant 0 : i32
      %dma_start3A_268 = tpu.memref_slice %arg11[%add3A_263, %dma_start3A_267] : memref<80x128xi32, #tpu.memory_space<vmem>> -> memref<1x128xi32, #tpu.memory_space<vmem>>
      %dma_start3A_269 = tpu.memref_squeeze %dma_start3A_268 : memref<1x128xi32, #tpu.memory_space<vmem>> -> memref<128xi32, #tpu.memory_space<vmem>>
      %dma_start3A_270 = arith.constant 0 : i32
      %dma_start3A_271 = arith.constant 0 : i32
      %dma_start3A_272 = tpu.memref_slice %arg6[%dma_start3A_270, %dma_start3A_271] : memref<1000000x64xf32, #tpu.memory_space<hbm>> -> memref<1000000x64xf32, #tpu.memory_space<hbm>>
      tpu.enqueue_indirect_dma source(%dma_start3A_272 : memref<1000000x64xf32, #tpu.memory_space<hbm>>) target(%dma_start3A_266 : memref<128x64xf32, #tpu.memory_space<vmem>>) offsets(%dma_start3A_269 : memref<128xi32, #tpu.memory_space<vmem>>) semaphore(%arg20 : memref<!tpu.dma_semaphore, #tpu.memory_space<semaphore_mem>>)
      %mul3A_273 = arith.constant 5 : i32
      %mul3A_274 = arith.muli %add3A_220, %mul3A_273 : i32
      %add3A_275 = arith.constant 4 : i32
      %add3A_276 = arith.addi %mul3A_274, %add3A_275 : i32
      %dma_start3A_277 = arith.constant 512 : i32
      %dma_start3A_278 = arith.constant 0 : i32
      %dma_start3A_279 = tpu.memref_slice %arg16[%dma_start3A_277, %dma_start3A_278] : memref<640x64xf32, #tpu.memory_space<vmem>> -> memref<128x64xf32, #tpu.memory_space<vmem>>
      %dma_start3A_280 = arith.constant 0 : i32
      %dma_start3A_281 = tpu.memref_slice %arg11[%add3A_276, %dma_start3A_280] : memref<80x128xi32, #tpu.memory_space<vmem>> -> memref<1x128xi32, #tpu.memory_space<vmem>>
      %dma_start3A_282 = tpu.memref_squeeze %dma_start3A_281 : memref<1x128xi32, #tpu.memory_space<vmem>> -> memref<128xi32, #tpu.memory_space<vmem>>
      %dma_start3A_283 = arith.constant 0 : i32
      %dma_start3A_284 = arith.constant 0 : i32
      %dma_start3A_285 = tpu.memref_slice %arg6[%dma_start3A_283, %dma_start3A_284] : memref<1000000x64xf32, #tpu.memory_space<hbm>> -> memref<1000000x64xf32, #tpu.memory_space<hbm>>
      tpu.enqueue_indirect_dma source(%dma_start3A_285 : memref<1000000x64xf32, #tpu.memory_space<hbm>>) target(%dma_start3A_279 : memref<128x64xf32, #tpu.memory_space<vmem>>) offsets(%dma_start3A_282 : memref<128xi32, #tpu.memory_space<vmem>>) semaphore(%arg20 : memref<!tpu.dma_semaphore, #tpu.memory_space<semaphore_mem>>)
      %dma_start3A_286 = arith.constant 0 : i32
      %dma_start3A_287 = tpu.memref_slice %arg9[%add3A_220, %dma_start3A_286] : memref<16x32xi32, #tpu.memory_space<vmem>> -> memref<1x32xi32, #tpu.memory_space<vmem>>
      %dma_start3A_288 = tpu.memref_squeeze %dma_start3A_287 : memref<1x32xi32, #tpu.memory_space<vmem>> -> memref<32xi32, #tpu.memory_space<vmem>>
      %dma_start3A_289 = arith.constant 0 : i32
      %dma_start3A_290 = arith.constant 0 : i32
      %dma_start3A_291 = tpu.memref_slice %arg5[%dma_start3A_289, %dma_start3A_290] : memref<1000000x64xf32, #tpu.memory_space<hbm>> -> memref<1000000x64xf32, #tpu.memory_space<hbm>>
      tpu.enqueue_indirect_dma source(%dma_start3A_291 : memref<1000000x64xf32, #tpu.memory_space<hbm>>) target(%arg12 : memref<32x64xf32, #tpu.memory_space<vmem>>) offsets(%dma_start3A_288 : memref<32xi32, #tpu.memory_space<vmem>>) semaphore(%arg20 : memref<!tpu.dma_semaphore, #tpu.memory_space<semaphore_mem>>)
      %dma_start3A_292 = arith.constant 0 : i32
      %dma_start3A_293 = tpu.memref_slice %arg10[%add3A_220, %dma_start3A_292] : memref<16x32xi32, #tpu.memory_space<vmem>> -> memref<1x32xi32, #tpu.memory_space<vmem>>
      %dma_start3A_294 = tpu.memref_squeeze %dma_start3A_293 : memref<1x32xi32, #tpu.memory_space<vmem>> -> memref<32xi32, #tpu.memory_space<vmem>>
      %dma_start3A_295 = arith.constant 0 : i32
      %dma_start3A_296 = arith.constant 0 : i32
      %dma_start3A_297 = tpu.memref_slice %arg6[%dma_start3A_295, %dma_start3A_296] : memref<1000000x64xf32, #tpu.memory_space<hbm>> -> memref<1000000x64xf32, #tpu.memory_space<hbm>>
      tpu.enqueue_indirect_dma source(%dma_start3A_297 : memref<1000000x64xf32, #tpu.memory_space<hbm>>) target(%arg14 : memref<32x64xf32, #tpu.memory_space<vmem>>) offsets(%dma_start3A_294 : memref<32xi32, #tpu.memory_space<vmem>>) semaphore(%arg20 : memref<!tpu.dma_semaphore, #tpu.memory_space<semaphore_mem>>)
      %mul3A_298 = arith.constant 2 : i32
      %mul3A_299 = arith.muli %mul3A_298, %scan3A_190 : i32
      %add3A_300 = arith.constant 1 : i32
      %add3A_301 = arith.addi %mul3A_299, %add3A_300 : i32
      %dma_wait3A_302 = arith.constant 0 : i32
      %dma_wait3A_303 = arith.constant 0 : i32
      %dma_wait3A_304 = tpu.memref_slice %arg6[%dma_wait3A_302, %dma_wait3A_303] : memref<1000000x64xf32, #tpu.memory_space<hbm>> -> memref<640x64xf32, #tpu.memory_space<hbm>>
      %dma_wait3A_305 = arith.constant 0 : i32
      %dma_wait3A_306 = arith.constant 0 : i32
      %dma_wait3A_307 = tpu.memref_slice %arg6[%dma_wait3A_305, %dma_wait3A_306] : memref<1000000x64xf32, #tpu.memory_space<hbm>> -> memref<640x64xf32, #tpu.memory_space<hbm>>
      tpu.wait_dma2 semaphore(%arg21 : memref<!tpu.dma_semaphore, #tpu.memory_space<semaphore_mem>>) src(%dma_wait3A_307 : memref<640x64xf32, #tpu.memory_space<hbm>>) dst(%arg17 : memref<640x64xf32, #tpu.memory_space<vmem>>)
      %dma_wait3A_308 = arith.constant 0 : i32
      %dma_wait3A_309 = arith.constant 0 : i32
      %dma_wait3A_310 = tpu.memref_slice %arg5[%dma_wait3A_308, %dma_wait3A_309] : memref<1000000x64xf32, #tpu.memory_space<hbm>> -> memref<32x64xf32, #tpu.memory_space<hbm>>
      %dma_wait3A_311 = arith.constant 0 : i32
      %dma_wait3A_312 = arith.constant 0 : i32
      %dma_wait3A_313 = tpu.memref_slice %arg5[%dma_wait3A_311, %dma_wait3A_312] : memref<1000000x64xf32, #tpu.memory_space<hbm>> -> memref<32x64xf32, #tpu.memory_space<hbm>>
      tpu.wait_dma2 semaphore(%arg21 : memref<!tpu.dma_semaphore, #tpu.memory_space<semaphore_mem>>) src(%dma_wait3A_313 : memref<32x64xf32, #tpu.memory_space<hbm>>) dst(%arg13 : memref<32x64xf32, #tpu.memory_space<vmem>>)
      %dma_wait3A_314 = arith.constant 0 : i32
      %dma_wait3A_315 = arith.constant 0 : i32
      %dma_wait3A_316 = tpu.memref_slice %arg6[%dma_wait3A_314, %dma_wait3A_315] : memref<1000000x64xf32, #tpu.memory_space<hbm>> -> memref<32x64xf32, #tpu.memory_space<hbm>>
      %dma_wait3A_317 = arith.constant 0 : i32
      %dma_wait3A_318 = arith.constant 0 : i32
      %dma_wait3A_319 = tpu.memref_slice %arg6[%dma_wait3A_317, %dma_wait3A_318] : memref<1000000x64xf32, #tpu.memory_space<hbm>> -> memref<32x64xf32, #tpu.memory_space<hbm>>
      tpu.wait_dma2 semaphore(%arg21 : memref<!tpu.dma_semaphore, #tpu.memory_space<semaphore_mem>>) src(%dma_wait3A_319 : memref<32x64xf32, #tpu.memory_space<hbm>>) dst(%arg15 : memref<32x64xf32, #tpu.memory_space<vmem>>)
      %scan3A_320 = arith.constant 0 : i32
      %scan3A_321 = arith.constant 0 : i32
      %scan3A_322 = arith.constant 32 : i32
      %scan3A_323 = arith.addi %scan3A_321, %scan3A_322 : i32
      %scan3A_324 = arith.constant 1 : i32
      scf.for %scan3A_405 = %scan3A_321 to %scan3A_323 step %scan3A_324  : i32 {
        %mul3A_406 = arith.constant 32 : i32
        %mul3A_407 = arith.muli %add3A_301, %mul3A_406 : i32
        %add3A_408 = arith.addi %mul3A_407, %scan3A_405 : i32
        %mul3A_409 = arith.constant 20 : i32
        %mul3A_410 = arith.muli %scan3A_405, %mul3A_409 : i32
        %get3A = arith.index_cast %mul3A_410 : i32 to index
        %get3A_411 = arith.constant 0 : index
        %get3A_412 = tpu.vector_load %arg17[%get3A, %get3A_411] {strides = array<i32>} : memref<640x64xf32, #tpu.memory_space<vmem>>, vector<1x16xf32>,
        %get3A_413 = vector.shape_cast %get3A_412 : vector<1x16xf32> to vector<16xf32>
        %get3A_414 = arith.index_cast %mul3A_410 : i32 to index
        %get3A_415 = arith.constant 16 : index
        %get3A_416 = tpu.vector_load %arg17[%get3A_414, %get3A_415] {strides = array<i32>} : memref<640x64xf32, #tpu.memory_space<vmem>>, vector<1x16xf32>,
        %get3A_417 = vector.shape_cast %get3A_416 : vector<1x16xf32> to vector<16xf32>
        %get3A_418 = arith.index_cast %mul3A_410 : i32 to index
        %get3A_419 = arith.constant 32 : index
        %get3A_420 = tpu.vector_load %arg17[%get3A_418, %get3A_419] {strides = array<i32>} : memref<640x64xf32, #tpu.memory_space<vmem>>, vector<1x16xf32>,
        %get3A_421 = vector.shape_cast %get3A_420 : vector<1x16xf32> to vector<16xf32>
        %get3A_422 = arith.index_cast %mul3A_410 : i32 to index
        %get3A_423 = arith.constant 48 : index
        %get3A_424 = tpu.vector_load %arg17[%get3A_422, %get3A_423] {strides = array<i32>} : memref<640x64xf32, #tpu.memory_space<vmem>>, vector<1x16xf32>,
        %get3A_425 = vector.shape_cast %get3A_424 : vector<1x16xf32> to vector<16xf32>
        %add3A_426 = arith.constant 1 : i32
        %add3A_427 = arith.addi %mul3A_410, %add3A_426 : i32
        %get3A_428 = arith.index_cast %add3A_427 : i32 to index
        %get3A_429 = arith.constant 0 : index
        %get3A_430 = tpu.vector_load %arg17[%get3A_428, %get3A_429] {strides = array<i32>} : memref<640x64xf32, #tpu.memory_space<vmem>>, vector<1x16xf32>,
        %get3A_431 = vector.shape_cast %get3A_430 : vector<1x16xf32> to vector<16xf32>
        %add3A_432 = arith.addf %get3A_413, %get3A_431 : vector<16xf32>
        %add3A_433 = arith.constant 1 : i32
        %add3A_434 = arith.addi %mul3A_410, %add3A_433 : i32
        %get3A_435 = arith.index_cast %add3A_434 : i32 to index
        %get3A_436 = arith.constant 16 : index
        %get3A_437 = tpu.vector_load %arg17[%get3A_435, %get3A_436] {strides = array<i32>} : memref<640x64xf32, #tpu.memory_space<vmem>>, vector<1x16xf32>,
        %get3A_438 = vector.shape_cast %get3A_437 : vector<1x16xf32> to vector<16xf32>
        %add3A_439 = arith.addf %get3A_417, %get3A_438 : vector<16xf32>
        %add3A_440 = arith.constant 1 : i32
        %add3A_441 = arith.addi %mul3A_410, %add3A_440 : i32
        %get3A_442 = arith.index_cast %add3A_441 : i32 to index
        %get3A_443 = arith.constant 32 : index
        %get3A_444 = tpu.vector_load %arg17[%get3A_442, %get3A_443] {strides = array<i32>} : memref<640x64xf32, #tpu.memory_space<vmem>>, vector<1x16xf32>,
        %get3A_445 = vector.shape_cast %get3A_444 : vector<1x16xf32> to vector<16xf32>
        %add3A_446 = arith.addf %get3A_421, %get3A_445 : vector<16xf32>
        %add3A_447 = arith.constant 1 : i32
        %add3A_448 = arith.addi %mul3A_410, %add3A_447 : i32
        %get3A_449 = arith.index_cast %add3A_448 : i32 to index
        %get3A_450 = arith.constant 48 : index
        %get3A_451 = tpu.vector_load %arg17[%get3A_449, %get3A_450] {strides = array<i32>} : memref<640x64xf32, #tpu.memory_space<vmem>>, vector<1x16xf32>,
        %get3A_452 = vector.shape_cast %get3A_451 : vector<1x16xf32> to vector<16xf32>
        %add3A_453 = arith.addf %get3A_425, %get3A_452 : vector<16xf32>
        %add3A_454 = arith.constant 2 : i32
        %add3A_455 = arith.addi %mul3A_410, %add3A_454 : i32
        %get3A_456 = arith.index_cast %add3A_455 : i32 to index
        %get3A_457 = arith.constant 0 : index
        %get3A_458 = tpu.vector_load %arg17[%get3A_456, %get3A_457] {strides = array<i32>} : memref<640x64xf32, #tpu.memory_space<vmem>>, vector<1x16xf32>,
        %get3A_459 = vector.shape_cast %get3A_458 : vector<1x16xf32> to vector<16xf32>
        %add3A_460 = arith.addf %add3A_432, %get3A_459 : vector<16xf32>
        %add3A_461 = arith.constant 2 : i32
        %add3A_462 = arith.addi %mul3A_410, %add3A_461 : i32
        %get3A_463 = arith.index_cast %add3A_462 : i32 to index
        %get3A_464 = arith.constant 16 : index
        %get3A_465 = tpu.vector_load %arg17[%get3A_463, %get3A_464] {strides = array<i32>} : memref<640x64xf32, #tpu.memory_space<vmem>>, vector<1x16xf32>,
        %get3A_466 = vector.shape_cast %get3A_465 : vector<1x16xf32> to vector<16xf32>
        %add3A_467 = arith.addf %add3A_439, %get3A_466 : vector<16xf32>
        %add3A_468 = arith.constant 2 : i32
        %add3A_469 = arith.addi %mul3A_410, %add3A_468 : i32
        %get3A_470 = arith.index_cast %add3A_469 : i32 to index
        %get3A_471 = arith.constant 32 : index
        %get3A_472 = tpu.vector_load %arg17[%get3A_470, %get3A_471] {strides = array<i32>} : memref<640x64xf32, #tpu.memory_space<vmem>>, vector<1x16xf32>,
        %get3A_473 = vector.shape_cast %get3A_472 : vector<1x16xf32> to vector<16xf32>
        %add3A_474 = arith.addf %add3A_446, %get3A_473 : vector<16xf32>
        %add3A_475 = arith.constant 2 : i32
        %add3A_476 = arith.addi %mul3A_410, %add3A_475 : i32
        %get3A_477 = arith.index_cast %add3A_476 : i32 to index
        %get3A_478 = arith.constant 48 : index
        %get3A_479 = tpu.vector_load %arg17[%get3A_477, %get3A_478] {strides = array<i32>} : memref<640x64xf32, #tpu.memory_space<vmem>>, vector<1x16xf32>,
        %get3A_480 = vector.shape_cast %get3A_479 : vector<1x16xf32> to vector<16xf32>
        %add3A_481 = arith.addf %add3A_453, %get3A_480 : vector<16xf32>
        %add3A_482 = arith.constant 3 : i32
        %add3A_483 = arith.addi %mul3A_410, %add3A_482 : i32
        %get3A_484 = arith.index_cast %add3A_483 : i32 to index
        %get3A_485 = arith.constant 0 : index
        %get3A_486 = tpu.vector_load %arg17[%get3A_484, %get3A_485] {strides = array<i32>} : memref<640x64xf32, #tpu.memory_space<vmem>>, vector<1x16xf32>,
        %get3A_487 = vector.shape_cast %get3A_486 : vector<1x16xf32> to vector<16xf32>
        %add3A_488 = arith.addf %add3A_460, %get3A_487 : vector<16xf32>
        %add3A_489 = arith.constant 3 : i32
        %add3A_490 = arith.addi %mul3A_410, %add3A_489 : i32
        %get3A_491 = arith.index_cast %add3A_490 : i32 to index
        %get3A_492 = arith.constant 16 : index
        %get3A_493 = tpu.vector_load %arg17[%get3A_491, %get3A_492] {strides = array<i32>} : memref<640x64xf32, #tpu.memory_space<vmem>>, vector<1x16xf32>,
        %get3A_494 = vector.shape_cast %get3A_493 : vector<1x16xf32> to vector<16xf32>
        %add3A_495 = arith.addf %add3A_467, %get3A_494 : vector<16xf32>
        %add3A_496 = arith.constant 3 : i32
        %add3A_497 = arith.addi %mul3A_410, %add3A_496 : i32
        %get3A_498 = arith.index_cast %add3A_497 : i32 to index
        %get3A_499 = arith.constant 32 : index
        %get3A_500 = tpu.vector_load %arg17[%get3A_498, %get3A_499] {strides = array<i32>} : memref<640x64xf32, #tpu.memory_space<vmem>>, vector<1x16xf32>,
        %get3A_501 = vector.shape_cast %get3A_500 : vector<1x16xf32> to vector<16xf32>
        %add3A_502 = arith.addf %add3A_474, %get3A_501 : vector<16xf32>
        %add3A_503 = arith.constant 3 : i32
        %add3A_504 = arith.addi %mul3A_410, %add3A_503 : i32
        %get3A_505 = arith.index_cast %add3A_504 : i32 to index
        %get3A_506 = arith.constant 48 : index
        %get3A_507 = tpu.vector_load %arg17[%get3A_505, %get3A_506] {strides = array<i32>} : memref<640x64xf32, #tpu.memory_space<vmem>>, vector<1x16xf32>,
        %get3A_508 = vector.shape_cast %get3A_507 : vector<1x16xf32> to vector<16xf32>
        %add3A_509 = arith.addf %add3A_481, %get3A_508 : vector<16xf32>
        %add3A_510 = arith.constant 4 : i32
        %add3A_511 = arith.addi %mul3A_410, %add3A_510 : i32
        %get3A_512 = arith.index_cast %add3A_511 : i32 to index
        %get3A_513 = arith.constant 0 : index
        %get3A_514 = tpu.vector_load %arg17[%get3A_512, %get3A_513] {strides = array<i32>} : memref<640x64xf32, #tpu.memory_space<vmem>>, vector<1x16xf32>,
        %get3A_515 = vector.shape_cast %get3A_514 : vector<1x16xf32> to vector<16xf32>
        %add3A_516 = arith.addf %add3A_488, %get3A_515 : vector<16xf32>
        %add3A_517 = arith.constant 4 : i32
        %add3A_518 = arith.addi %mul3A_410, %add3A_517 : i32
        %get3A_519 = arith.index_cast %add3A_518 : i32 to index
        %get3A_520 = arith.constant 16 : index
        %get3A_521 = tpu.vector_load %arg17[%get3A_519, %get3A_520] {strides = array<i32>} : memref<640x64xf32, #tpu.memory_space<vmem>>, vector<1x16xf32>,
        %get3A_522 = vector.shape_cast %get3A_521 : vector<1x16xf32> to vector<16xf32>
        %add3A_523 = arith.addf %add3A_495, %get3A_522 : vector<16xf32>
        %add3A_524 = arith.constant 4 : i32
        %add3A_525 = arith.addi %mul3A_410, %add3A_524 : i32
        %get3A_526 = arith.index_cast %add3A_525 : i32 to index
        %get3A_527 = arith.constant 32 : index
        %get3A_528 = tpu.vector_load %arg17[%get3A_526, %get3A_527] {strides = array<i32>} : memref<640x64xf32, #tpu.memory_space<vmem>>, vector<1x16xf32>,
        %get3A_529 = vector.shape_cast %get3A_528 : vector<1x16xf32> to vector<16xf32>
        %add3A_530 = arith.addf %add3A_502, %get3A_529 : vector<16xf32>
        %add3A_531 = arith.constant 4 : i32
        %add3A_532 = arith.addi %mul3A_410, %add3A_531 : i32
        %get3A_533 = arith.index_cast %add3A_532 : i32 to index
        %get3A_534 = arith.constant 48 : index
        %get3A_535 = tpu.vector_load %arg17[%get3A_533, %get3A_534] {strides = array<i32>} : memref<640x64xf32, #tpu.memory_space<vmem>>, vector<1x16xf32>,
        %get3A_536 = vector.shape_cast %get3A_535 : vector<1x16xf32> to vector<16xf32>
        %add3A_537 = arith.addf %add3A_509, %get3A_536 : vector<16xf32>
        %add3A_538 = arith.constant 5 : i32
        %add3A_539 = arith.addi %mul3A_410, %add3A_538 : i32
        %get3A_540 = arith.index_cast %add3A_539 : i32 to index
        %get3A_541 = arith.constant 0 : index
        %get3A_542 = tpu.vector_load %arg17[%get3A_540, %get3A_541] {strides = array<i32>} : memref<640x64xf32, #tpu.memory_space<vmem>>, vector<1x16xf32>,
        %get3A_543 = vector.shape_cast %get3A_542 : vector<1x16xf32> to vector<16xf32>
        %add3A_544 = arith.addf %add3A_516, %get3A_543 : vector<16xf32>
        %add3A_545 = arith.constant 5 : i32
        %add3A_546 = arith.addi %mul3A_410, %add3A_545 : i32
        %get3A_547 = arith.index_cast %add3A_546 : i32 to index
        %get3A_548 = arith.constant 16 : index
        %get3A_549 = tpu.vector_load %arg17[%get3A_547, %get3A_548] {strides = array<i32>} : memref<640x64xf32, #tpu.memory_space<vmem>>, vector<1x16xf32>,
        %get3A_550 = vector.shape_cast %get3A_549 : vector<1x16xf32> to vector<16xf32>
        %add3A_551 = arith.addf %add3A_523, %get3A_550 : vector<16xf32>
        %add3A_552 = arith.constant 5 : i32
        %add3A_553 = arith.addi %mul3A_410, %add3A_552 : i32
        %get3A_554 = arith.index_cast %add3A_553 : i32 to index
        %get3A_555 = arith.constant 32 : index
        %get3A_556 = tpu.vector_load %arg17[%get3A_554, %get3A_555] {strides = array<i32>} : memref<640x64xf32, #tpu.memory_space<vmem>>, vector<1x16xf32>,
        %get3A_557 = vector.shape_cast %get3A_556 : vector<1x16xf32> to vector<16xf32>
        %add3A_558 = arith.addf %add3A_530, %get3A_557 : vector<16xf32>
        %add3A_559 = arith.constant 5 : i32
        %add3A_560 = arith.addi %mul3A_410, %add3A_559 : i32
        %get3A_561 = arith.index_cast %add3A_560 : i32 to index
        %get3A_562 = arith.constant 48 : index
        %get3A_563 = tpu.vector_load %arg17[%get3A_561, %get3A_562] {strides = array<i32>} : memref<640x64xf32, #tpu.memory_space<vmem>>, vector<1x16xf32>,
        %get3A_564 = vector.shape_cast %get3A_563 : vector<1x16xf32> to vector<16xf32>
        %add3A_565 = arith.addf %add3A_537, %get3A_564 : vector<16xf32>
        %add3A_566 = arith.constant 6 : i32
        %add3A_567 = arith.addi %mul3A_410, %add3A_566 : i32
        %get3A_568 = arith.index_cast %add3A_567 : i32 to index
        %get3A_569 = arith.constant 0 : index
        %get3A_570 = tpu.vector_load %arg17[%get3A_568, %get3A_569] {strides = array<i32>} : memref<640x64xf32, #tpu.memory_space<vmem>>, vector<1x16xf32>,
        %get3A_571 = vector.shape_cast %get3A_570 : vector<1x16xf32> to vector<16xf32>
        %add3A_572 = arith.addf %add3A_544, %get3A_571 : vector<16xf32>
        %add3A_573 = arith.constant 6 : i32
        %add3A_574 = arith.addi %mul3A_410, %add3A_573 : i32
        %get3A_575 = arith.index_cast %add3A_574 : i32 to index
        %get3A_576 = arith.constant 16 : index
        %get3A_577 = tpu.vector_load %arg17[%get3A_575, %get3A_576] {strides = array<i32>} : memref<640x64xf32, #tpu.memory_space<vmem>>, vector<1x16xf32>,
        %get3A_578 = vector.shape_cast %get3A_577 : vector<1x16xf32> to vector<16xf32>
        %add3A_579 = arith.addf %add3A_551, %get3A_578 : vector<16xf32>
        %add3A_580 = arith.constant 6 : i32
        %add3A_581 = arith.addi %mul3A_410, %add3A_580 : i32
        %get3A_582 = arith.index_cast %add3A_581 : i32 to index
        %get3A_583 = arith.constant 32 : index
        %get3A_584 = tpu.vector_load %arg17[%get3A_582, %get3A_583] {strides = array<i32>} : memref<640x64xf32, #tpu.memory_space<vmem>>, vector<1x16xf32>,
        %get3A_585 = vector.shape_cast %get3A_584 : vector<1x16xf32> to vector<16xf32>
        %add3A_586 = arith.addf %add3A_558, %get3A_585 : vector<16xf32>
        %add3A_587 = arith.constant 6 : i32
        %add3A_588 = arith.addi %mul3A_410, %add3A_587 : i32
        %get3A_589 = arith.index_cast %add3A_588 : i32 to index
        %get3A_590 = arith.constant 48 : index
        %get3A_591 = tpu.vector_load %arg17[%get3A_589, %get3A_590] {strides = array<i32>} : memref<640x64xf32, #tpu.memory_space<vmem>>, vector<1x16xf32>,
        %get3A_592 = vector.shape_cast %get3A_591 : vector<1x16xf32> to vector<16xf32>
        %add3A_593 = arith.addf %add3A_565, %get3A_592 : vector<16xf32>
        %add3A_594 = arith.constant 7 : i32
        %add3A_595 = arith.addi %mul3A_410, %add3A_594 : i32
        %get3A_596 = arith.index_cast %add3A_595 : i32 to index
        %get3A_597 = arith.constant 0 : index
        %get3A_598 = tpu.vector_load %arg17[%get3A_596, %get3A_597] {strides = array<i32>} : memref<640x64xf32, #tpu.memory_space<vmem>>, vector<1x16xf32>,
        %get3A_599 = vector.shape_cast %get3A_598 : vector<1x16xf32> to vector<16xf32>
        %add3A_600 = arith.addf %add3A_572, %get3A_599 : vector<16xf32>
        %add3A_601 = arith.constant 7 : i32
        %add3A_602 = arith.addi %mul3A_410, %add3A_601 : i32
        %get3A_603 = arith.index_cast %add3A_602 : i32 to index
        %get3A_604 = arith.constant 16 : index
        %get3A_605 = tpu.vector_load %arg17[%get3A_603, %get3A_604] {strides = array<i32>} : memref<640x64xf32, #tpu.memory_space<vmem>>, vector<1x16xf32>,
        %get3A_606 = vector.shape_cast %get3A_605 : vector<1x16xf32> to vector<16xf32>
        %add3A_607 = arith.addf %add3A_579, %get3A_606 : vector<16xf32>
        %add3A_608 = arith.constant 7 : i32
        %add3A_609 = arith.addi %mul3A_410, %add3A_608 : i32
        %get3A_610 = arith.index_cast %add3A_609 : i32 to index
        %get3A_611 = arith.constant 32 : index
        %get3A_612 = tpu.vector_load %arg17[%get3A_610, %get3A_611] {strides = array<i32>} : memref<640x64xf32, #tpu.memory_space<vmem>>, vector<1x16xf32>,
        %get3A_613 = vector.shape_cast %get3A_612 : vector<1x16xf32> to vector<16xf32>
        %add3A_614 = arith.addf %add3A_586, %get3A_613 : vector<16xf32>
        %add3A_615 = arith.constant 7 : i32
        %add3A_616 = arith.addi %mul3A_410, %add3A_615 : i32
        %get3A_617 = arith.index_cast %add3A_616 : i32 to index
        %get3A_618 = arith.constant 48 : index
        %get3A_619 = tpu.vector_load %arg17[%get3A_617, %get3A_618] {strides = array<i32>} : memref<640x64xf32, #tpu.memory_space<vmem>>, vector<1x16xf32>,
        %get3A_620 = vector.shape_cast %get3A_619 : vector<1x16xf32> to vector<16xf32>
        %add3A_621 = arith.addf %add3A_593, %get3A_620 : vector<16xf32>
        %add3A_622 = arith.constant 8 : i32
        %add3A_623 = arith.addi %mul3A_410, %add3A_622 : i32
        %get3A_624 = arith.index_cast %add3A_623 : i32 to index
        %get3A_625 = arith.constant 0 : index
        %get3A_626 = tpu.vector_load %arg17[%get3A_624, %get3A_625] {strides = array<i32>} : memref<640x64xf32, #tpu.memory_space<vmem>>, vector<1x16xf32>,
        %get3A_627 = vector.shape_cast %get3A_626 : vector<1x16xf32> to vector<16xf32>
        %add3A_628 = arith.addf %add3A_600, %get3A_627 : vector<16xf32>
        %add3A_629 = arith.constant 8 : i32
        %add3A_630 = arith.addi %mul3A_410, %add3A_629 : i32
        %get3A_631 = arith.index_cast %add3A_630 : i32 to index
        %get3A_632 = arith.constant 16 : index
        %get3A_633 = tpu.vector_load %arg17[%get3A_631, %get3A_632] {strides = array<i32>} : memref<640x64xf32, #tpu.memory_space<vmem>>, vector<1x16xf32>,
        %get3A_634 = vector.shape_cast %get3A_633 : vector<1x16xf32> to vector<16xf32>
        %add3A_635 = arith.addf %add3A_607, %get3A_634 : vector<16xf32>
        %add3A_636 = arith.constant 8 : i32
        %add3A_637 = arith.addi %mul3A_410, %add3A_636 : i32
        %get3A_638 = arith.index_cast %add3A_637 : i32 to index
        %get3A_639 = arith.constant 32 : index
        %get3A_640 = tpu.vector_load %arg17[%get3A_638, %get3A_639] {strides = array<i32>} : memref<640x64xf32, #tpu.memory_space<vmem>>, vector<1x16xf32>,
        %get3A_641 = vector.shape_cast %get3A_640 : vector<1x16xf32> to vector<16xf32>
        %add3A_642 = arith.addf %add3A_614, %get3A_641 : vector<16xf32>
        %add3A_643 = arith.constant 8 : i32
        %add3A_644 = arith.addi %mul3A_410, %add3A_643 : i32
        %get3A_645 = arith.index_cast %add3A_644 : i32 to index
        %get3A_646 = arith.constant 48 : index
        %get3A_647 = tpu.vector_load %arg17[%get3A_645, %get3A_646] {strides = array<i32>} : memref<640x64xf32, #tpu.memory_space<vmem>>, vector<1x16xf32>,
        %get3A_648 = vector.shape_cast %get3A_647 : vector<1x16xf32> to vector<16xf32>
        %add3A_649 = arith.addf %add3A_621, %get3A_648 : vector<16xf32>
        %add3A_650 = arith.constant 9 : i32
        %add3A_651 = arith.addi %mul3A_410, %add3A_650 : i32
        %get3A_652 = arith.index_cast %add3A_651 : i32 to index
        %get3A_653 = arith.constant 0 : index
        %get3A_654 = tpu.vector_load %arg17[%get3A_652, %get3A_653] {strides = array<i32>} : memref<640x64xf32, #tpu.memory_space<vmem>>, vector<1x16xf32>,
        %get3A_655 = vector.shape_cast %get3A_654 : vector<1x16xf32> to vector<16xf32>
        %add3A_656 = arith.addf %add3A_628, %get3A_655 : vector<16xf32>
        %add3A_657 = arith.constant 9 : i32
        %add3A_658 = arith.addi %mul3A_410, %add3A_657 : i32
        %get3A_659 = arith.index_cast %add3A_658 : i32 to index
        %get3A_660 = arith.constant 16 : index
        %get3A_661 = tpu.vector_load %arg17[%get3A_659, %get3A_660] {strides = array<i32>} : memref<640x64xf32, #tpu.memory_space<vmem>>, vector<1x16xf32>,
        %get3A_662 = vector.shape_cast %get3A_661 : vector<1x16xf32> to vector<16xf32>
        %add3A_663 = arith.addf %add3A_635, %get3A_662 : vector<16xf32>
        %add3A_664 = arith.constant 9 : i32
        %add3A_665 = arith.addi %mul3A_410, %add3A_664 : i32
        %get3A_666 = arith.index_cast %add3A_665 : i32 to index
        %get3A_667 = arith.constant 32 : index
        %get3A_668 = tpu.vector_load %arg17[%get3A_666, %get3A_667] {strides = array<i32>} : memref<640x64xf32, #tpu.memory_space<vmem>>, vector<1x16xf32>,
        %get3A_669 = vector.shape_cast %get3A_668 : vector<1x16xf32> to vector<16xf32>
        %add3A_670 = arith.addf %add3A_642, %get3A_669 : vector<16xf32>
        %add3A_671 = arith.constant 9 : i32
        %add3A_672 = arith.addi %mul3A_410, %add3A_671 : i32
        %get3A_673 = arith.index_cast %add3A_672 : i32 to index
        %get3A_674 = arith.constant 48 : index
        %get3A_675 = tpu.vector_load %arg17[%get3A_673, %get3A_674] {strides = array<i32>} : memref<640x64xf32, #tpu.memory_space<vmem>>, vector<1x16xf32>,
        %get3A_676 = vector.shape_cast %get3A_675 : vector<1x16xf32> to vector<16xf32>
        %add3A_677 = arith.addf %add3A_649, %get3A_676 : vector<16xf32>
        %add3A_678 = arith.constant 10 : i32
        %add3A_679 = arith.addi %mul3A_410, %add3A_678 : i32
        %get3A_680 = arith.index_cast %add3A_679 : i32 to index
        %get3A_681 = arith.constant 0 : index
        %get3A_682 = tpu.vector_load %arg17[%get3A_680, %get3A_681] {strides = array<i32>} : memref<640x64xf32, #tpu.memory_space<vmem>>, vector<1x16xf32>,
        %get3A_683 = vector.shape_cast %get3A_682 : vector<1x16xf32> to vector<16xf32>
        %add3A_684 = arith.addf %add3A_656, %get3A_683 : vector<16xf32>
        %add3A_685 = arith.constant 10 : i32
        %add3A_686 = arith.addi %mul3A_410, %add3A_685 : i32
        %get3A_687 = arith.index_cast %add3A_686 : i32 to index
        %get3A_688 = arith.constant 16 : index
        %get3A_689 = tpu.vector_load %arg17[%get3A_687, %get3A_688] {strides = array<i32>} : memref<640x64xf32, #tpu.memory_space<vmem>>, vector<1x16xf32>,
        %get3A_690 = vector.shape_cast %get3A_689 : vector<1x16xf32> to vector<16xf32>
        %add3A_691 = arith.addf %add3A_663, %get3A_690 : vector<16xf32>
        %add3A_692 = arith.constant 10 : i32
        %add3A_693 = arith.addi %mul3A_410, %add3A_692 : i32
        %get3A_694 = arith.index_cast %add3A_693 : i32 to index
        %get3A_695 = arith.constant 32 : index
        %get3A_696 = tpu.vector_load %arg17[%get3A_694, %get3A_695] {strides = array<i32>} : memref<640x64xf32, #tpu.memory_space<vmem>>, vector<1x16xf32>,
        %get3A_697 = vector.shape_cast %get3A_696 : vector<1x16xf32> to vector<16xf32>
        %add3A_698 = arith.addf %add3A_670, %get3A_697 : vector<16xf32>
        %add3A_699 = arith.constant 10 : i32
        %add3A_700 = arith.addi %mul3A_410, %add3A_699 : i32
        %get3A_701 = arith.index_cast %add3A_700 : i32 to index
        %get3A_702 = arith.constant 48 : index
        %get3A_703 = tpu.vector_load %arg17[%get3A_701, %get3A_702] {strides = array<i32>} : memref<640x64xf32, #tpu.memory_space<vmem>>, vector<1x16xf32>,
        %get3A_704 = vector.shape_cast %get3A_703 : vector<1x16xf32> to vector<16xf32>
        %add3A_705 = arith.addf %add3A_677, %get3A_704 : vector<16xf32>
        %add3A_706 = arith.constant 11 : i32
        %add3A_707 = arith.addi %mul3A_410, %add3A_706 : i32
        %get3A_708 = arith.index_cast %add3A_707 : i32 to index
        %get3A_709 = arith.constant 0 : index
        %get3A_710 = tpu.vector_load %arg17[%get3A_708, %get3A_709] {strides = array<i32>} : memref<640x64xf32, #tpu.memory_space<vmem>>, vector<1x16xf32>,
        %get3A_711 = vector.shape_cast %get3A_710 : vector<1x16xf32> to vector<16xf32>
        %add3A_712 = arith.addf %add3A_684, %get3A_711 : vector<16xf32>
        %add3A_713 = arith.constant 11 : i32
        %add3A_714 = arith.addi %mul3A_410, %add3A_713 : i32
        %get3A_715 = arith.index_cast %add3A_714 : i32 to index
        %get3A_716 = arith.constant 16 : index
        %get3A_717 = tpu.vector_load %arg17[%get3A_715, %get3A_716] {strides = array<i32>} : memref<640x64xf32, #tpu.memory_space<vmem>>, vector<1x16xf32>,
        %get3A_718 = vector.shape_cast %get3A_717 : vector<1x16xf32> to vector<16xf32>
        %add3A_719 = arith.addf %add3A_691, %get3A_718 : vector<16xf32>
        %add3A_720 = arith.constant 11 : i32
        %add3A_721 = arith.addi %mul3A_410, %add3A_720 : i32
        %get3A_722 = arith.index_cast %add3A_721 : i32 to index
        %get3A_723 = arith.constant 32 : index
        %get3A_724 = tpu.vector_load %arg17[%get3A_722, %get3A_723] {strides = array<i32>} : memref<640x64xf32, #tpu.memory_space<vmem>>, vector<1x16xf32>,
        %get3A_725 = vector.shape_cast %get3A_724 : vector<1x16xf32> to vector<16xf32>
        %add3A_726 = arith.addf %add3A_698, %get3A_725 : vector<16xf32>
        %add3A_727 = arith.constant 11 : i32
        %add3A_728 = arith.addi %mul3A_410, %add3A_727 : i32
        %get3A_729 = arith.index_cast %add3A_728 : i32 to index
        %get3A_730 = arith.constant 48 : index
        %get3A_731 = tpu.vector_load %arg17[%get3A_729, %get3A_730] {strides = array<i32>} : memref<640x64xf32, #tpu.memory_space<vmem>>, vector<1x16xf32>,
        %get3A_732 = vector.shape_cast %get3A_731 : vector<1x16xf32> to vector<16xf32>
        %add3A_733 = arith.addf %add3A_705, %get3A_732 : vector<16xf32>
        %add3A_734 = arith.constant 12 : i32
        %add3A_735 = arith.addi %mul3A_410, %add3A_734 : i32
        %get3A_736 = arith.index_cast %add3A_735 : i32 to index
        %get3A_737 = arith.constant 0 : index
        %get3A_738 = tpu.vector_load %arg17[%get3A_736, %get3A_737] {strides = array<i32>} : memref<640x64xf32, #tpu.memory_space<vmem>>, vector<1x16xf32>,
        %get3A_739 = vector.shape_cast %get3A_738 : vector<1x16xf32> to vector<16xf32>
        %add3A_740 = arith.addf %add3A_712, %get3A_739 : vector<16xf32>
        %add3A_741 = arith.constant 12 : i32
        %add3A_742 = arith.addi %mul3A_410, %add3A_741 : i32
        %get3A_743 = arith.index_cast %add3A_742 : i32 to index
        %get3A_744 = arith.constant 16 : index
        %get3A_745 = tpu.vector_load %arg17[%get3A_743, %get3A_744] {strides = array<i32>} : memref<640x64xf32, #tpu.memory_space<vmem>>, vector<1x16xf32>,
        %get3A_746 = vector.shape_cast %get3A_745 : vector<1x16xf32> to vector<16xf32>
        %add3A_747 = arith.addf %add3A_719, %get3A_746 : vector<16xf32>
        %add3A_748 = arith.constant 12 : i32
        %add3A_749 = arith.addi %mul3A_410, %add3A_748 : i32
        %get3A_750 = arith.index_cast %add3A_749 : i32 to index
        %get3A_751 = arith.constant 32 : index
        %get3A_752 = tpu.vector_load %arg17[%get3A_750, %get3A_751] {strides = array<i32>} : memref<640x64xf32, #tpu.memory_space<vmem>>, vector<1x16xf32>,
        %get3A_753 = vector.shape_cast %get3A_752 : vector<1x16xf32> to vector<16xf32>
        %add3A_754 = arith.addf %add3A_726, %get3A_753 : vector<16xf32>
        %add3A_755 = arith.constant 12 : i32
        %add3A_756 = arith.addi %mul3A_410, %add3A_755 : i32
        %get3A_757 = arith.index_cast %add3A_756 : i32 to index
        %get3A_758 = arith.constant 48 : index
        %get3A_759 = tpu.vector_load %arg17[%get3A_757, %get3A_758] {strides = array<i32>} : memref<640x64xf32, #tpu.memory_space<vmem>>, vector<1x16xf32>,
        %get3A_760 = vector.shape_cast %get3A_759 : vector<1x16xf32> to vector<16xf32>
        %add3A_761 = arith.addf %add3A_733, %get3A_760 : vector<16xf32>
        %add3A_762 = arith.constant 13 : i32
        %add3A_763 = arith.addi %mul3A_410, %add3A_762 : i32
        %get3A_764 = arith.index_cast %add3A_763 : i32 to index
        %get3A_765 = arith.constant 0 : index
        %get3A_766 = tpu.vector_load %arg17[%get3A_764, %get3A_765] {strides = array<i32>} : memref<640x64xf32, #tpu.memory_space<vmem>>, vector<1x16xf32>,
        %get3A_767 = vector.shape_cast %get3A_766 : vector<1x16xf32> to vector<16xf32>
        %add3A_768 = arith.addf %add3A_740, %get3A_767 : vector<16xf32>
        %add3A_769 = arith.constant 13 : i32
        %add3A_770 = arith.addi %mul3A_410, %add3A_769 : i32
        %get3A_771 = arith.index_cast %add3A_770 : i32 to index
        %get3A_772 = arith.constant 16 : index
        %get3A_773 = tpu.vector_load %arg17[%get3A_771, %get3A_772] {strides = array<i32>} : memref<640x64xf32, #tpu.memory_space<vmem>>, vector<1x16xf32>,
        %get3A_774 = vector.shape_cast %get3A_773 : vector<1x16xf32> to vector<16xf32>
        %add3A_775 = arith.addf %add3A_747, %get3A_774 : vector<16xf32>
        %add3A_776 = arith.constant 13 : i32
        %add3A_777 = arith.addi %mul3A_410, %add3A_776 : i32
        %get3A_778 = arith.index_cast %add3A_777 : i32 to index
        %get3A_779 = arith.constant 32 : index
        %get3A_780 = tpu.vector_load %arg17[%get3A_778, %get3A_779] {strides = array<i32>} : memref<640x64xf32, #tpu.memory_space<vmem>>, vector<1x16xf32>,
        %get3A_781 = vector.shape_cast %get3A_780 : vector<1x16xf32> to vector<16xf32>
        %add3A_782 = arith.addf %add3A_754, %get3A_781 : vector<16xf32>
        %add3A_783 = arith.constant 13 : i32
        %add3A_784 = arith.addi %mul3A_410, %add3A_783 : i32
        %get3A_785 = arith.index_cast %add3A_784 : i32 to index
        %get3A_786 = arith.constant 48 : index
        %get3A_787 = tpu.vector_load %arg17[%get3A_785, %get3A_786] {strides = array<i32>} : memref<640x64xf32, #tpu.memory_space<vmem>>, vector<1x16xf32>,
        %get3A_788 = vector.shape_cast %get3A_787 : vector<1x16xf32> to vector<16xf32>
        %add3A_789 = arith.addf %add3A_761, %get3A_788 : vector<16xf32>
        %add3A_790 = arith.constant 14 : i32
        %add3A_791 = arith.addi %mul3A_410, %add3A_790 : i32
        %get3A_792 = arith.index_cast %add3A_791 : i32 to index
        %get3A_793 = arith.constant 0 : index
        %get3A_794 = tpu.vector_load %arg17[%get3A_792, %get3A_793] {strides = array<i32>} : memref<640x64xf32, #tpu.memory_space<vmem>>, vector<1x16xf32>,
        %get3A_795 = vector.shape_cast %get3A_794 : vector<1x16xf32> to vector<16xf32>
        %add3A_796 = arith.addf %add3A_768, %get3A_795 : vector<16xf32>
        %add3A_797 = arith.constant 14 : i32
        %add3A_798 = arith.addi %mul3A_410, %add3A_797 : i32
        %get3A_799 = arith.index_cast %add3A_798 : i32 to index
        %get3A_800 = arith.constant 16 : index
        %get3A_801 = tpu.vector_load %arg17[%get3A_799, %get3A_800] {strides = array<i32>} : memref<640x64xf32, #tpu.memory_space<vmem>>, vector<1x16xf32>,
        %get3A_802 = vector.shape_cast %get3A_801 : vector<1x16xf32> to vector<16xf32>
        %add3A_803 = arith.addf %add3A_775, %get3A_802 : vector<16xf32>
        %add3A_804 = arith.constant 14 : i32
        %add3A_805 = arith.addi %mul3A_410, %add3A_804 : i32
        %get3A_806 = arith.index_cast %add3A_805 : i32 to index
        %get3A_807 = arith.constant 32 : index
        %get3A_808 = tpu.vector_load %arg17[%get3A_806, %get3A_807] {strides = array<i32>} : memref<640x64xf32, #tpu.memory_space<vmem>>, vector<1x16xf32>,
        %get3A_809 = vector.shape_cast %get3A_808 : vector<1x16xf32> to vector<16xf32>
        %add3A_810 = arith.addf %add3A_782, %get3A_809 : vector<16xf32>
        %add3A_811 = arith.constant 14 : i32
        %add3A_812 = arith.addi %mul3A_410, %add3A_811 : i32
        %get3A_813 = arith.index_cast %add3A_812 : i32 to index
        %get3A_814 = arith.constant 48 : index
        %get3A_815 = tpu.vector_load %arg17[%get3A_813, %get3A_814] {strides = array<i32>} : memref<640x64xf32, #tpu.memory_space<vmem>>, vector<1x16xf32>,
        %get3A_816 = vector.shape_cast %get3A_815 : vector<1x16xf32> to vector<16xf32>
        %add3A_817 = arith.addf %add3A_789, %get3A_816 : vector<16xf32>
        %add3A_818 = arith.constant 15 : i32
        %add3A_819 = arith.addi %mul3A_410, %add3A_818 : i32
        %get3A_820 = arith.index_cast %add3A_819 : i32 to index
        %get3A_821 = arith.constant 0 : index
        %get3A_822 = tpu.vector_load %arg17[%get3A_820, %get3A_821] {strides = array<i32>} : memref<640x64xf32, #tpu.memory_space<vmem>>, vector<1x16xf32>,
        %get3A_823 = vector.shape_cast %get3A_822 : vector<1x16xf32> to vector<16xf32>
        %add3A_824 = arith.addf %add3A_796, %get3A_823 : vector<16xf32>
        %add3A_825 = arith.constant 15 : i32
        %add3A_826 = arith.addi %mul3A_410, %add3A_825 : i32
        %get3A_827 = arith.index_cast %add3A_826 : i32 to index
        %get3A_828 = arith.constant 16 : index
        %get3A_829 = tpu.vector_load %arg17[%get3A_827, %get3A_828] {strides = array<i32>} : memref<640x64xf32, #tpu.memory_space<vmem>>, vector<1x16xf32>,
        %get3A_830 = vector.shape_cast %get3A_829 : vector<1x16xf32> to vector<16xf32>
        %add3A_831 = arith.addf %add3A_803, %get3A_830 : vector<16xf32>
        %add3A_832 = arith.constant 15 : i32
        %add3A_833 = arith.addi %mul3A_410, %add3A_832 : i32
        %get3A_834 = arith.index_cast %add3A_833 : i32 to index
        %get3A_835 = arith.constant 32 : index
        %get3A_836 = tpu.vector_load %arg17[%get3A_834, %get3A_835] {strides = array<i32>} : memref<640x64xf32, #tpu.memory_space<vmem>>, vector<1x16xf32>,
        %get3A_837 = vector.shape_cast %get3A_836 : vector<1x16xf32> to vector<16xf32>
        %add3A_838 = arith.addf %add3A_810, %get3A_837 : vector<16xf32>
        %add3A_839 = arith.constant 15 : i32
        %add3A_840 = arith.addi %mul3A_410, %add3A_839 : i32
        %get3A_841 = arith.index_cast %add3A_840 : i32 to index
        %get3A_842 = arith.constant 48 : index
        %get3A_843 = tpu.vector_load %arg17[%get3A_841, %get3A_842] {strides = array<i32>} : memref<640x64xf32, #tpu.memory_space<vmem>>, vector<1x16xf32>,
        %get3A_844 = vector.shape_cast %get3A_843 : vector<1x16xf32> to vector<16xf32>
        %add3A_845 = arith.addf %add3A_817, %get3A_844 : vector<16xf32>
        %add3A_846 = arith.constant 16 : i32
        %add3A_847 = arith.addi %mul3A_410, %add3A_846 : i32
        %get3A_848 = arith.index_cast %add3A_847 : i32 to index
        %get3A_849 = arith.constant 0 : index
        %get3A_850 = tpu.vector_load %arg17[%get3A_848, %get3A_849] {strides = array<i32>} : memref<640x64xf32, #tpu.memory_space<vmem>>, vector<1x16xf32>,
        %get3A_851 = vector.shape_cast %get3A_850 : vector<1x16xf32> to vector<16xf32>
        %add3A_852 = arith.addf %add3A_824, %get3A_851 : vector<16xf32>
        %add3A_853 = arith.constant 16 : i32
        %add3A_854 = arith.addi %mul3A_410, %add3A_853 : i32
        %get3A_855 = arith.index_cast %add3A_854 : i32 to index
        %get3A_856 = arith.constant 16 : index
        %get3A_857 = tpu.vector_load %arg17[%get3A_855, %get3A_856] {strides = array<i32>} : memref<640x64xf32, #tpu.memory_space<vmem>>, vector<1x16xf32>,
        %get3A_858 = vector.shape_cast %get3A_857 : vector<1x16xf32> to vector<16xf32>
        %add3A_859 = arith.addf %add3A_831, %get3A_858 : vector<16xf32>
        %add3A_860 = arith.constant 16 : i32
        %add3A_861 = arith.addi %mul3A_410, %add3A_860 : i32
        %get3A_862 = arith.index_cast %add3A_861 : i32 to index
        %get3A_863 = arith.constant 32 : index
        %get3A_864 = tpu.vector_load %arg17[%get3A_862, %get3A_863] {strides = array<i32>} : memref<640x64xf32, #tpu.memory_space<vmem>>, vector<1x16xf32>,
        %get3A_865 = vector.shape_cast %get3A_864 : vector<1x16xf32> to vector<16xf32>
        %add3A_866 = arith.addf %add3A_838, %get3A_865 : vector<16xf32>
        %add3A_867 = arith.constant 16 : i32
        %add3A_868 = arith.addi %mul3A_410, %add3A_867 : i32
        %get3A_869 = arith.index_cast %add3A_868 : i32 to index
        %get3A_870 = arith.constant 48 : index
        %get3A_871 = tpu.vector_load %arg17[%get3A_869, %get3A_870] {strides = array<i32>} : memref<640x64xf32, #tpu.memory_space<vmem>>, vector<1x16xf32>,
        %get3A_872 = vector.shape_cast %get3A_871 : vector<1x16xf32> to vector<16xf32>
        %add3A_873 = arith.addf %add3A_845, %get3A_872 : vector<16xf32>
        %add3A_874 = arith.constant 17 : i32
        %add3A_875 = arith.addi %mul3A_410, %add3A_874 : i32
        %get3A_876 = arith.index_cast %add3A_875 : i32 to index
        %get3A_877 = arith.constant 0 : index
        %get3A_878 = tpu.vector_load %arg17[%get3A_876, %get3A_877] {strides = array<i32>} : memref<640x64xf32, #tpu.memory_space<vmem>>, vector<1x16xf32>,
        %get3A_879 = vector.shape_cast %get3A_878 : vector<1x16xf32> to vector<16xf32>
        %add3A_880 = arith.addf %add3A_852, %get3A_879 : vector<16xf32>
        %add3A_881 = arith.constant 17 : i32
        %add3A_882 = arith.addi %mul3A_410, %add3A_881 : i32
        %get3A_883 = arith.index_cast %add3A_882 : i32 to index
        %get3A_884 = arith.constant 16 : index
        %get3A_885 = tpu.vector_load %arg17[%get3A_883, %get3A_884] {strides = array<i32>} : memref<640x64xf32, #tpu.memory_space<vmem>>, vector<1x16xf32>,
        %get3A_886 = vector.shape_cast %get3A_885 : vector<1x16xf32> to vector<16xf32>
        %add3A_887 = arith.addf %add3A_859, %get3A_886 : vector<16xf32>
        %add3A_888 = arith.constant 17 : i32
        %add3A_889 = arith.addi %mul3A_410, %add3A_888 : i32
        %get3A_890 = arith.index_cast %add3A_889 : i32 to index
        %get3A_891 = arith.constant 32 : index
        %get3A_892 = tpu.vector_load %arg17[%get3A_890, %get3A_891] {strides = array<i32>} : memref<640x64xf32, #tpu.memory_space<vmem>>, vector<1x16xf32>,
        %get3A_893 = vector.shape_cast %get3A_892 : vector<1x16xf32> to vector<16xf32>
        %add3A_894 = arith.addf %add3A_866, %get3A_893 : vector<16xf32>
        %add3A_895 = arith.constant 17 : i32
        %add3A_896 = arith.addi %mul3A_410, %add3A_895 : i32
        %get3A_897 = arith.index_cast %add3A_896 : i32 to index
        %get3A_898 = arith.constant 48 : index
        %get3A_899 = tpu.vector_load %arg17[%get3A_897, %get3A_898] {strides = array<i32>} : memref<640x64xf32, #tpu.memory_space<vmem>>, vector<1x16xf32>,
        %get3A_900 = vector.shape_cast %get3A_899 : vector<1x16xf32> to vector<16xf32>
        %add3A_901 = arith.addf %add3A_873, %get3A_900 : vector<16xf32>
        %add3A_902 = arith.constant 18 : i32
        %add3A_903 = arith.addi %mul3A_410, %add3A_902 : i32
        %get3A_904 = arith.index_cast %add3A_903 : i32 to index
        %get3A_905 = arith.constant 0 : index
        %get3A_906 = tpu.vector_load %arg17[%get3A_904, %get3A_905] {strides = array<i32>} : memref<640x64xf32, #tpu.memory_space<vmem>>, vector<1x16xf32>,
        %get3A_907 = vector.shape_cast %get3A_906 : vector<1x16xf32> to vector<16xf32>
        %add3A_908 = arith.addf %add3A_880, %get3A_907 : vector<16xf32>
        %add3A_909 = arith.constant 18 : i32
        %add3A_910 = arith.addi %mul3A_410, %add3A_909 : i32
        %get3A_911 = arith.index_cast %add3A_910 : i32 to index
        %get3A_912 = arith.constant 16 : index
        %get3A_913 = tpu.vector_load %arg17[%get3A_911, %get3A_912] {strides = array<i32>} : memref<640x64xf32, #tpu.memory_space<vmem>>, vector<1x16xf32>,
        %get3A_914 = vector.shape_cast %get3A_913 : vector<1x16xf32> to vector<16xf32>
        %add3A_915 = arith.addf %add3A_887, %get3A_914 : vector<16xf32>
        %add3A_916 = arith.constant 18 : i32
        %add3A_917 = arith.addi %mul3A_410, %add3A_916 : i32
        %get3A_918 = arith.index_cast %add3A_917 : i32 to index
        %get3A_919 = arith.constant 32 : index
        %get3A_920 = tpu.vector_load %arg17[%get3A_918, %get3A_919] {strides = array<i32>} : memref<640x64xf32, #tpu.memory_space<vmem>>, vector<1x16xf32>,
        %get3A_921 = vector.shape_cast %get3A_920 : vector<1x16xf32> to vector<16xf32>
        %add3A_922 = arith.addf %add3A_894, %get3A_921 : vector<16xf32>
        %add3A_923 = arith.constant 18 : i32
        %add3A_924 = arith.addi %mul3A_410, %add3A_923 : i32
        %get3A_925 = arith.index_cast %add3A_924 : i32 to index
        %get3A_926 = arith.constant 48 : index
        %get3A_927 = tpu.vector_load %arg17[%get3A_925, %get3A_926] {strides = array<i32>} : memref<640x64xf32, #tpu.memory_space<vmem>>, vector<1x16xf32>,
        %get3A_928 = vector.shape_cast %get3A_927 : vector<1x16xf32> to vector<16xf32>
        %add3A_929 = arith.addf %add3A_901, %get3A_928 : vector<16xf32>
        %add3A_930 = arith.constant 19 : i32
        %add3A_931 = arith.addi %mul3A_410, %add3A_930 : i32
        %get3A_932 = arith.index_cast %add3A_931 : i32 to index
        %get3A_933 = arith.constant 0 : index
        %get3A_934 = tpu.vector_load %arg17[%get3A_932, %get3A_933] {strides = array<i32>} : memref<640x64xf32, #tpu.memory_space<vmem>>, vector<1x16xf32>,
        %get3A_935 = vector.shape_cast %get3A_934 : vector<1x16xf32> to vector<16xf32>
        %add3A_936 = arith.addf %add3A_908, %get3A_935 : vector<16xf32>
        %add3A_937 = arith.constant 19 : i32
        %add3A_938 = arith.addi %mul3A_410, %add3A_937 : i32
        %get3A_939 = arith.index_cast %add3A_938 : i32 to index
        %get3A_940 = arith.constant 16 : index
        %get3A_941 = tpu.vector_load %arg17[%get3A_939, %get3A_940] {strides = array<i32>} : memref<640x64xf32, #tpu.memory_space<vmem>>, vector<1x16xf32>,
        %get3A_942 = vector.shape_cast %get3A_941 : vector<1x16xf32> to vector<16xf32>
        %add3A_943 = arith.addf %add3A_915, %get3A_942 : vector<16xf32>
        %add3A_944 = arith.constant 19 : i32
        %add3A_945 = arith.addi %mul3A_410, %add3A_944 : i32
        %get3A_946 = arith.index_cast %add3A_945 : i32 to index
        %get3A_947 = arith.constant 32 : index
        %get3A_948 = tpu.vector_load %arg17[%get3A_946, %get3A_947] {strides = array<i32>} : memref<640x64xf32, #tpu.memory_space<vmem>>, vector<1x16xf32>,
        %get3A_949 = vector.shape_cast %get3A_948 : vector<1x16xf32> to vector<16xf32>
        %add3A_950 = arith.addf %add3A_922, %get3A_949 : vector<16xf32>
        %add3A_951 = arith.constant 19 : i32
        %add3A_952 = arith.addi %mul3A_410, %add3A_951 : i32
        %get3A_953 = arith.index_cast %add3A_952 : i32 to index
        %get3A_954 = arith.constant 48 : index
        %get3A_955 = tpu.vector_load %arg17[%get3A_953, %get3A_954] {strides = array<i32>} : memref<640x64xf32, #tpu.memory_space<vmem>>, vector<1x16xf32>,
        %get3A_956 = vector.shape_cast %get3A_955 : vector<1x16xf32> to vector<16xf32>
        %add3A_957 = arith.addf %add3A_929, %get3A_956 : vector<16xf32>
        %get3A_958 = arith.index_cast %scan3A_405 : i32 to index
        %get3A_959 = arith.constant 0 : index
        %get3A_960 = tpu.vector_load %arg13[%get3A_958, %get3A_959] {strides = array<i32>} : memref<32x64xf32, #tpu.memory_space<vmem>>, vector<1x16xf32>,
        %get3A_961 = vector.shape_cast %get3A_960 : vector<1x16xf32> to vector<16xf32>
        %get3A_962 = arith.index_cast %scan3A_405 : i32 to index
        %get3A_963 = arith.constant 0 : index
        %get3A_964 = tpu.vector_load %arg15[%get3A_962, %get3A_963] {strides = array<i32>} : memref<32x64xf32, #tpu.memory_space<vmem>>, vector<1x16xf32>,
        %get3A_965 = vector.shape_cast %get3A_964 : vector<1x16xf32> to vector<16xf32>
        %mul3A_966 = arith.mulf %add3A_936, %get3A_961 : vector<16xf32>
        %mul3A_967 = arith.mulf %get3A_961, %get3A_965 : vector<16xf32>
        %get3A_968 = arith.index_cast %scan3A_405 : i32 to index
        %get3A_969 = arith.constant 16 : index
        %get3A_970 = tpu.vector_load %arg13[%get3A_968, %get3A_969] {strides = array<i32>} : memref<32x64xf32, #tpu.memory_space<vmem>>, vector<1x16xf32>,
        %get3A_971 = vector.shape_cast %get3A_970 : vector<1x16xf32> to vector<16xf32>
        %get3A_972 = arith.index_cast %scan3A_405 : i32 to index
        %get3A_973 = arith.constant 16 : index
        %get3A_974 = tpu.vector_load %arg15[%get3A_972, %get3A_973] {strides = array<i32>} : memref<32x64xf32, #tpu.memory_space<vmem>>, vector<1x16xf32>,
        %get3A_975 = vector.shape_cast %get3A_974 : vector<1x16xf32> to vector<16xf32>
        %mul3A_976 = arith.mulf %add3A_943, %get3A_971 : vector<16xf32>
        %mul3A_977 = arith.mulf %get3A_971, %get3A_975 : vector<16xf32>
        %add3A_978 = arith.addf %mul3A_966, %mul3A_976 : vector<16xf32>
        %add3A_979 = arith.addf %mul3A_967, %mul3A_977 : vector<16xf32>
        %get3A_980 = arith.index_cast %scan3A_405 : i32 to index
        %get3A_981 = arith.constant 32 : index
        %get3A_982 = tpu.vector_load %arg13[%get3A_980, %get3A_981] {strides = array<i32>} : memref<32x64xf32, #tpu.memory_space<vmem>>, vector<1x16xf32>,
        %get3A_983 = vector.shape_cast %get3A_982 : vector<1x16xf32> to vector<16xf32>
        %get3A_984 = arith.index_cast %scan3A_405 : i32 to index
        %get3A_985 = arith.constant 32 : index
        %get3A_986 = tpu.vector_load %arg15[%get3A_984, %get3A_985] {strides = array<i32>} : memref<32x64xf32, #tpu.memory_space<vmem>>, vector<1x16xf32>,
        %get3A_987 = vector.shape_cast %get3A_986 : vector<1x16xf32> to vector<16xf32>
        %mul3A_988 = arith.mulf %add3A_950, %get3A_983 : vector<16xf32>
        %mul3A_989 = arith.mulf %get3A_983, %get3A_987 : vector<16xf32>
        %add3A_990 = arith.addf %add3A_978, %mul3A_988 : vector<16xf32>
        %add3A_991 = arith.addf %add3A_979, %mul3A_989 : vector<16xf32>
        %get3A_992 = arith.index_cast %scan3A_405 : i32 to index
        %get3A_993 = arith.constant 48 : index
        %get3A_994 = tpu.vector_load %arg13[%get3A_992, %get3A_993] {strides = array<i32>} : memref<32x64xf32, #tpu.memory_space<vmem>>, vector<1x16xf32>,
        %get3A_995 = vector.shape_cast %get3A_994 : vector<1x16xf32> to vector<16xf32>
        %get3A_996 = arith.index_cast %scan3A_405 : i32 to index
        %get3A_997 = arith.constant 48 : index
        %get3A_998 = tpu.vector_load %arg15[%get3A_996, %get3A_997] {strides = array<i32>} : memref<32x64xf32, #tpu.memory_space<vmem>>, vector<1x16xf32>,
        %get3A_999 = vector.shape_cast %get3A_998 : vector<1x16xf32> to vector<16xf32>
        %mul3A_1000 = arith.mulf %add3A_957, %get3A_995 : vector<16xf32>
        %mul3A_1001 = arith.mulf %get3A_995, %get3A_999 : vector<16xf32>
        %add3A_1002 = arith.addf %add3A_990, %mul3A_1000 : vector<16xf32>
        %add3A_1003 = arith.addf %add3A_991, %mul3A_1001 : vector<16xf32>
        %swap3A = arith.index_cast %add3A_408 : i32 to index
        %swap3A_1004 = arith.constant 0 : index
        %swap3A_1005 = tpu.vector_load %arg18[%swap3A, %swap3A_1004] {strides = array<i32>} : memref<512x16xf32, #tpu.memory_space<vmem>>, vector<1x16xf32>,
        %swap3A_1006 = vector.shape_cast %swap3A_1005 : vector<1x16xf32> to vector<16xf32>
        %swap3A_1007 = vector.shape_cast %add3A_1003 : vector<16xf32> to vector<1x16xf32>
        tpu.vector_store %arg18[%swap3A, %swap3A_1004], %swap3A_1007 {strides = array<i32>} : memref<512x16xf32, #tpu.memory_space<vmem>>, vector<1x16xf32>,
        %swap3A_1008 = arith.index_cast %add3A_408 : i32 to index
        %swap3A_1009 = arith.constant 0 : index
        %swap3A_1010 = tpu.vector_load %arg19[%swap3A_1008, %swap3A_1009] {strides = array<i32>} : memref<512x16xf32, #tpu.memory_space<vmem>>, vector<1x16xf32>,
        %swap3A_1011 = vector.shape_cast %swap3A_1010 : vector<1x16xf32> to vector<16xf32>
        %swap3A_1012 = vector.shape_cast %add3A_1002 : vector<16xf32> to vector<1x16xf32>
        tpu.vector_store %arg19[%swap3A_1008, %swap3A_1009], %swap3A_1012 {strides = array<i32>} : memref<512x16xf32, #tpu.memory_space<vmem>>, vector<1x16xf32>,
      }
      %scan3A_325 = arith.constant 32 : i32
      %add3A_326 = arith.constant 2 : i32
      %add3A_327 = arith.addi %add3A_301, %add3A_326 : i32
      %mul3A_328 = arith.constant 5 : i32
      %mul3A_329 = arith.muli %add3A_327, %mul3A_328 : i32
      %add3A_330 = arith.constant 0 : i32
      %add3A_331 = arith.addi %mul3A_329, %add3A_330 : i32
      %dma_start3A_332 = arith.constant 0 : i32
      %dma_start3A_333 = arith.constant 0 : i32
      %dma_start3A_334 = tpu.memref_slice %arg17[%dma_start3A_332, %dma_start3A_333] : memref<640x64xf32, #tpu.memory_space<vmem>> -> memref<128x64xf32, #tpu.memory_space<vmem>>
      %dma_start3A_335 = arith.constant 0 : i32
      %dma_start3A_336 = tpu.memref_slice %arg11[%add3A_331, %dma_start3A_335] : memref<80x128xi32, #tpu.memory_space<vmem>> -> memref<1x128xi32, #tpu.memory_space<vmem>>
      %dma_start3A_337 = tpu.memref_squeeze %dma_start3A_336 : memref<1x128xi32, #tpu.memory_space<vmem>> -> memref<128xi32, #tpu.memory_space<vmem>>
      %dma_start3A_338 = arith.constant 0 : i32
      %dma_start3A_339 = arith.constant 0 : i32
      %dma_start3A_340 = tpu.memref_slice %arg6[%dma_start3A_338, %dma_start3A_339] : memref<1000000x64xf32, #tpu.memory_space<hbm>> -> memref<1000000x64xf32, #tpu.memory_space<hbm>>
      tpu.enqueue_indirect_dma source(%dma_start3A_340 : memref<1000000x64xf32, #tpu.memory_space<hbm>>) target(%dma_start3A_334 : memref<128x64xf32, #tpu.memory_space<vmem>>) offsets(%dma_start3A_337 : memref<128xi32, #tpu.memory_space<vmem>>) semaphore(%arg21 : memref<!tpu.dma_semaphore, #tpu.memory_space<semaphore_mem>>)
      %mul3A_341 = arith.constant 5 : i32
      %mul3A_342 = arith.muli %add3A_327, %mul3A_341 : i32
      %add3A_343 = arith.constant 1 : i32
      %add3A_344 = arith.addi %mul3A_342, %add3A_343 : i32
      %dma_start3A_345 = arith.constant 128 : i32
      %dma_start3A_346 = arith.constant 0 : i32
      %dma_start3A_347 = tpu.memref_slice %arg17[%dma_start3A_345, %dma_start3A_346] : memref<640x64xf32, #tpu.memory_space<vmem>> -> memref<128x64xf32, #tpu.memory_space<vmem>>
      %dma_start3A_348 = arith.constant 0 : i32
      %dma_start3A_349 = tpu.memref_slice %arg11[%add3A_344, %dma_start3A_348] : memref<80x128xi32, #tpu.memory_space<vmem>> -> memref<1x128xi32, #tpu.memory_space<vmem>>
      %dma_start3A_350 = tpu.memref_squeeze %dma_start3A_349 : memref<1x128xi32, #tpu.memory_space<vmem>> -> memref<128xi32, #tpu.memory_space<vmem>>
      %dma_start3A_351 = arith.constant 0 : i32
      %dma_start3A_352 = arith.constant 0 : i32
      %dma_start3A_353 = tpu.memref_slice %arg6[%dma_start3A_351, %dma_start3A_352] : memref<1000000x64xf32, #tpu.memory_space<hbm>> -> memref<1000000x64xf32, #tpu.memory_space<hbm>>
      tpu.enqueue_indirect_dma source(%dma_start3A_353 : memref<1000000x64xf32, #tpu.memory_space<hbm>>) target(%dma_start3A_347 : memref<128x64xf32, #tpu.memory_space<vmem>>) offsets(%dma_start3A_350 : memref<128xi32, #tpu.memory_space<vmem>>) semaphore(%arg21 : memref<!tpu.dma_semaphore, #tpu.memory_space<semaphore_mem>>)
      %mul3A_354 = arith.constant 5 : i32
      %mul3A_355 = arith.muli %add3A_327, %mul3A_354 : i32
      %add3A_356 = arith.constant 2 : i32
      %add3A_357 = arith.addi %mul3A_355, %add3A_356 : i32
      %dma_start3A_358 = arith.constant 256 : i32
      %dma_start3A_359 = arith.constant 0 : i32
      %dma_start3A_360 = tpu.memref_slice %arg17[%dma_start3A_358, %dma_start3A_359] : memref<640x64xf32, #tpu.memory_space<vmem>> -> memref<128x64xf32, #tpu.memory_space<vmem>>
      %dma_start3A_361 = arith.constant 0 : i32
      %dma_start3A_362 = tpu.memref_slice %arg11[%add3A_357, %dma_start3A_361] : memref<80x128xi32, #tpu.memory_space<vmem>> -> memref<1x128xi32, #tpu.memory_space<vmem>>
      %dma_start3A_363 = tpu.memref_squeeze %dma_start3A_362 : memref<1x128xi32, #tpu.memory_space<vmem>> -> memref<128xi32, #tpu.memory_space<vmem>>
      %dma_start3A_364 = arith.constant 0 : i32
      %dma_start3A_365 = arith.constant 0 : i32
      %dma_start3A_366 = tpu.memref_slice %arg6[%dma_start3A_364, %dma_start3A_365] : memref<1000000x64xf32, #tpu.memory_space<hbm>> -> memref<1000000x64xf32, #tpu.memory_space<hbm>>
      tpu.enqueue_indirect_dma source(%dma_start3A_366 : memref<1000000x64xf32, #tpu.memory_space<hbm>>) target(%dma_start3A_360 : memref<128x64xf32, #tpu.memory_space<vmem>>) offsets(%dma_start3A_363 : memref<128xi32, #tpu.memory_space<vmem>>) semaphore(%arg21 : memref<!tpu.dma_semaphore, #tpu.memory_space<semaphore_mem>>)
      %mul3A_367 = arith.constant 5 : i32
      %mul3A_368 = arith.muli %add3A_327, %mul3A_367 : i32
      %add3A_369 = arith.constant 3 : i32
      %add3A_370 = arith.addi %mul3A_368, %add3A_369 : i32
      %dma_start3A_371 = arith.constant 384 : i32
      %dma_start3A_372 = arith.constant 0 : i32
      %dma_start3A_373 = tpu.memref_slice %arg17[%dma_start3A_371, %dma_start3A_372] : memref<640x64xf32, #tpu.memory_space<vmem>> -> memref<128x64xf32, #tpu.memory_space<vmem>>
      %dma_start3A_374 = arith.constant 0 : i32
      %dma_start3A_375 = tpu.memref_slice %arg11[%add3A_370, %dma_start3A_374] : memref<80x128xi32, #tpu.memory_space<vmem>> -> memref<1x128xi32, #tpu.memory_space<vmem>>
      %dma_start3A_376 = tpu.memref_squeeze %dma_start3A_375 : memref<1x128xi32, #tpu.memory_space<vmem>> -> memref<128xi32, #tpu.memory_space<vmem>>
      %dma_start3A_377 = arith.constant 0 : i32
      %dma_start3A_378 = arith.constant 0 : i32
      %dma_start3A_379 = tpu.memref_slice %arg6[%dma_start3A_377, %dma_start3A_378] : memref<1000000x64xf32, #tpu.memory_space<hbm>> -> memref<1000000x64xf32, #tpu.memory_space<hbm>>
      tpu.enqueue_indirect_dma source(%dma_start3A_379 : memref<1000000x64xf32, #tpu.memory_space<hbm>>) target(%dma_start3A_373 : memref<128x64xf32, #tpu.memory_space<vmem>>) offsets(%dma_start3A_376 : memref<128xi32, #tpu.memory_space<vmem>>) semaphore(%arg21 : memref<!tpu.dma_semaphore, #tpu.memory_space<semaphore_mem>>)
      %mul3A_380 = arith.constant 5 : i32
      %mul3A_381 = arith.muli %add3A_327, %mul3A_380 : i32
      %add3A_382 = arith.constant 4 : i32
      %add3A_383 = arith.addi %mul3A_381, %add3A_382 : i32
      %dma_start3A_384 = arith.constant 512 : i32
      %dma_start3A_385 = arith.constant 0 : i32
      %dma_start3A_386 = tpu.memref_slice %arg17[%dma_start3A_384, %dma_start3A_385] : memref<640x64xf32, #tpu.memory_space<vmem>> -> memref<128x64xf32, #tpu.memory_space<vmem>>
      %dma_start3A_387 = arith.constant 0 : i32
      %dma_start3A_388 = tpu.memref_slice %arg11[%add3A_383, %dma_start3A_387] : memref<80x128xi32, #tpu.memory_space<vmem>> -> memref<1x128xi32, #tpu.memory_space<vmem>>
      %dma_start3A_389 = tpu.memref_squeeze %dma_start3A_388 : memref<1x128xi32, #tpu.memory_space<vmem>> -> memref<128xi32, #tpu.memory_space<vmem>>
      %dma_start3A_390 = arith.constant 0 : i32
      %dma_start3A_391 = arith.constant 0 : i32
      %dma_start3A_392 = tpu.memref_slice %arg6[%dma_start3A_390, %dma_start3A_391] : memref<1000000x64xf32, #tpu.memory_space<hbm>> -> memref<1000000x64xf32, #tpu.memory_space<hbm>>
      tpu.enqueue_indirect_dma source(%dma_start3A_392 : memref<1000000x64xf32, #tpu.memory_space<hbm>>) target(%dma_start3A_386 : memref<128x64xf32, #tpu.memory_space<vmem>>) offsets(%dma_start3A_389 : memref<128xi32, #tpu.memory_space<vmem>>) semaphore(%arg21 : memref<!tpu.dma_semaphore, #tpu.memory_space<semaphore_mem>>)
      %dma_start3A_393 = arith.constant 0 : i32
      %dma_start3A_394 = tpu.memref_slice %arg9[%add3A_327, %dma_start3A_393] : memref<16x32xi32, #tpu.memory_space<vmem>> -> memref<1x32xi32, #tpu.memory_space<vmem>>
      %dma_start3A_395 = tpu.memref_squeeze %dma_start3A_394 : memref<1x32xi32, #tpu.memory_space<vmem>> -> memref<32xi32, #tpu.memory_space<vmem>>
      %dma_start3A_396 = arith.constant 0 : i32
      %dma_start3A_397 = arith.constant 0 : i32
      %dma_start3A_398 = tpu.memref_slice %arg5[%dma_start3A_396, %dma_start3A_397] : memref<1000000x64xf32, #tpu.memory_space<hbm>> -> memref<1000000x64xf32, #tpu.memory_space<hbm>>
      tpu.enqueue_indirect_dma source(%dma_start3A_398 : memref<1000000x64xf32, #tpu.memory_space<hbm>>) target(%arg13 : memref<32x64xf32, #tpu.memory_space<vmem>>) offsets(%dma_start3A_395 : memref<32xi32, #tpu.memory_space<vmem>>) semaphore(%arg21 : memref<!tpu.dma_semaphore, #tpu.memory_space<semaphore_mem>>)
      %dma_start3A_399 = arith.constant 0 : i32
      %dma_start3A_400 = tpu.memref_slice %arg10[%add3A_327, %dma_start3A_399] : memref<16x32xi32, #tpu.memory_space<vmem>> -> memref<1x32xi32, #tpu.memory_space<vmem>>
      %dma_start3A_401 = tpu.memref_squeeze %dma_start3A_400 : memref<1x32xi32, #tpu.memory_space<vmem>> -> memref<32xi32, #tpu.memory_space<vmem>>
      %dma_start3A_402 = arith.constant 0 : i32
      %dma_start3A_403 = arith.constant 0 : i32
      %dma_start3A_404 = tpu.memref_slice %arg6[%dma_start3A_402, %dma_start3A_403] : memref<1000000x64xf32, #tpu.memory_space<hbm>> -> memref<1000000x64xf32, #tpu.memory_space<hbm>>
      tpu.enqueue_indirect_dma source(%dma_start3A_404 : memref<1000000x64xf32, #tpu.memory_space<hbm>>) target(%arg15 : memref<32x64xf32, #tpu.memory_space<vmem>>) offsets(%dma_start3A_401 : memref<32xi32, #tpu.memory_space<vmem>>) semaphore(%arg21 : memref<!tpu.dma_semaphore, #tpu.memory_space<semaphore_mem>>)
    }
    %scan3A_138 = arith.constant 7 : i32
    %dma_wait3A = arith.constant 0 : i32
    %dma_wait3A_139 = arith.constant 0 : i32
    %dma_wait3A_140 = tpu.memref_slice %arg6[%dma_wait3A, %dma_wait3A_139] : memref<1000000x64xf32, #tpu.memory_space<hbm>> -> memref<640x64xf32, #tpu.memory_space<hbm>>
    %dma_wait3A_141 = arith.constant 0 : i32
    %dma_wait3A_142 = arith.constant 0 : i32
    %dma_wait3A_143 = tpu.memref_slice %arg6[%dma_wait3A_141, %dma_wait3A_142] : memref<1000000x64xf32, #tpu.memory_space<hbm>> -> memref<640x64xf32, #tpu.memory_space<hbm>>
    tpu.wait_dma2 semaphore(%arg20 : memref<!tpu.dma_semaphore, #tpu.memory_space<semaphore_mem>>) src(%dma_wait3A_143 : memref<640x64xf32, #tpu.memory_space<hbm>>) dst(%arg16 : memref<640x64xf32, #tpu.memory_space<vmem>>)
    %dma_wait3A_144 = arith.constant 0 : i32
    %dma_wait3A_145 = arith.constant 0 : i32
    %dma_wait3A_146 = tpu.memref_slice %arg5[%dma_wait3A_144, %dma_wait3A_145] : memref<1000000x64xf32, #tpu.memory_space<hbm>> -> memref<32x64xf32, #tpu.memory_space<hbm>>
    %dma_wait3A_147 = arith.constant 0 : i32
    %dma_wait3A_148 = arith.constant 0 : i32
    %dma_wait3A_149 = tpu.memref_slice %arg5[%dma_wait3A_147, %dma_wait3A_148] : memref<1000000x64xf32, #tpu.memory_space<hbm>> -> memref<32x64xf32, #tpu.memory_space<hbm>>
    tpu.wait_dma2 semaphore(%arg20 : memref<!tpu.dma_semaphore, #tpu.memory_space<semaphore_mem>>) src(%dma_wait3A_149 : memref<32x64xf32, #tpu.memory_space<hbm>>) dst(%arg12 : memref<32x64xf32, #tpu.memory_space<vmem>>)
    %dma_wait3A_150 = arith.constant 0 : i32
    %dma_wait3A_151 = arith.constant 0 : i32
    %dma_wait3A_152 = tpu.memref_slice %arg6[%dma_wait3A_150, %dma_wait3A_151] : memref<1000000x64xf32, #tpu.memory_space<hbm>> -> memref<32x64xf32, #tpu.memory_space<hbm>>
    %dma_wait3A_153 = arith.constant 0 : i32
    %dma_wait3A_154 = arith.constant 0 : i32
    %dma_wait3A_155 = tpu.memref_slice %arg6[%dma_wait3A_153, %dma_wait3A_154] : memref<1000000x64xf32, #tpu.memory_space<hbm>> -> memref<32x64xf32, #tpu.memory_space<hbm>>
    tpu.wait_dma2 semaphore(%arg20 : memref<!tpu.dma_semaphore, #tpu.memory_space<semaphore_mem>>) src(%dma_wait3A_155 : memref<32x64xf32, #tpu.memory_space<hbm>>) dst(%arg14 : memref<32x64xf32, #tpu.memory_space<vmem>>)
    %scan3A_156 = arith.constant 0 : i32
    %scan3A_157 = arith.constant 0 : i32
    %scan3A_158 = arith.constant 32 : i32
    %scan3A_159 = arith.addi %scan3A_157, %scan3A_158 : i32
    %scan3A_160 = arith.constant 1 : i32
    scf.for %scan3A_190 = %scan3A_157 to %scan3A_159 step %scan3A_160  : i32 {
      %add3A_191 = arith.constant 448 : i32
      %add3A_192 = arith.addi %add3A_191, %scan3A_190 : i32
      %mul3A_193 = arith.constant 20 : i32
      %mul3A_194 = arith.muli %scan3A_190, %mul3A_193 : i32
      %get3A = arith.index_cast %mul3A_194 : i32 to index
      %get3A_195 = arith.constant 0 : index
      %get3A_196 = tpu.vector_load %arg16[%get3A, %get3A_195] {strides = array<i32>} : memref<640x64xf32, #tpu.memory_space<vmem>>, vector<1x16xf32>,
      %get3A_197 = vector.shape_cast %get3A_196 : vector<1x16xf32> to vector<16xf32>
      %get3A_198 = arith.index_cast %mul3A_194 : i32 to index
      %get3A_199 = arith.constant 16 : index
      %get3A_200 = tpu.vector_load %arg16[%get3A_198, %get3A_199] {strides = array<i32>} : memref<640x64xf32, #tpu.memory_space<vmem>>, vector<1x16xf32>,
      %get3A_201 = vector.shape_cast %get3A_200 : vector<1x16xf32> to vector<16xf32>
      %get3A_202 = arith.index_cast %mul3A_194 : i32 to index
      %get3A_203 = arith.constant 32 : index
      %get3A_204 = tpu.vector_load %arg16[%get3A_202, %get3A_203] {strides = array<i32>} : memref<640x64xf32, #tpu.memory_space<vmem>>, vector<1x16xf32>,
      %get3A_205 = vector.shape_cast %get3A_204 : vector<1x16xf32> to vector<16xf32>
      %get3A_206 = arith.index_cast %mul3A_194 : i32 to index
      %get3A_207 = arith.constant 48 : index
      %get3A_208 = tpu.vector_load %arg16[%get3A_206, %get3A_207] {strides = array<i32>} : memref<640x64xf32, #tpu.memory_space<vmem>>, vector<1x16xf32>,
      %get3A_209 = vector.shape_cast %get3A_208 : vector<1x16xf32> to vector<16xf32>
      %add3A_210 = arith.constant 1 : i32
      %add3A_211 = arith.addi %mul3A_194, %add3A_210 : i32
      %get3A_212 = arith.index_cast %add3A_211 : i32 to index
      %get3A_213 = arith.constant 0 : index
      %get3A_214 = tpu.vector_load %arg16[%get3A_212, %get3A_213] {strides = array<i32>} : memref<640x64xf32, #tpu.memory_space<vmem>>, vector<1x16xf32>,
      %get3A_215 = vector.shape_cast %get3A_214 : vector<1x16xf32> to vector<16xf32>
      %add3A_216 = arith.addf %get3A_197, %get3A_215 : vector<16xf32>
      %add3A_217 = arith.constant 1 : i32
      %add3A_218 = arith.addi %mul3A_194, %add3A_217 : i32
      %get3A_219 = arith.index_cast %add3A_218 : i32 to index
      %get3A_220 = arith.constant 16 : index
      %get3A_221 = tpu.vector_load %arg16[%get3A_219, %get3A_220] {strides = array<i32>} : memref<640x64xf32, #tpu.memory_space<vmem>>, vector<1x16xf32>,
      %get3A_222 = vector.shape_cast %get3A_221 : vector<1x16xf32> to vector<16xf32>
      %add3A_223 = arith.addf %get3A_201, %get3A_222 : vector<16xf32>
      %add3A_224 = arith.constant 1 : i32
      %add3A_225 = arith.addi %mul3A_194, %add3A_224 : i32
      %get3A_226 = arith.index_cast %add3A_225 : i32 to index
      %get3A_227 = arith.constant 32 : index
      %get3A_228 = tpu.vector_load %arg16[%get3A_226, %get3A_227] {strides = array<i32>} : memref<640x64xf32, #tpu.memory_space<vmem>>, vector<1x16xf32>,
      %get3A_229 = vector.shape_cast %get3A_228 : vector<1x16xf32> to vector<16xf32>
      %add3A_230 = arith.addf %get3A_205, %get3A_229 : vector<16xf32>
      %add3A_231 = arith.constant 1 : i32
      %add3A_232 = arith.addi %mul3A_194, %add3A_231 : i32
      %get3A_233 = arith.index_cast %add3A_232 : i32 to index
      %get3A_234 = arith.constant 48 : index
      %get3A_235 = tpu.vector_load %arg16[%get3A_233, %get3A_234] {strides = array<i32>} : memref<640x64xf32, #tpu.memory_space<vmem>>, vector<1x16xf32>,
      %get3A_236 = vector.shape_cast %get3A_235 : vector<1x16xf32> to vector<16xf32>
      %add3A_237 = arith.addf %get3A_209, %get3A_236 : vector<16xf32>
      %add3A_238 = arith.constant 2 : i32
      %add3A_239 = arith.addi %mul3A_194, %add3A_238 : i32
      %get3A_240 = arith.index_cast %add3A_239 : i32 to index
      %get3A_241 = arith.constant 0 : index
      %get3A_242 = tpu.vector_load %arg16[%get3A_240, %get3A_241] {strides = array<i32>} : memref<640x64xf32, #tpu.memory_space<vmem>>, vector<1x16xf32>,
      %get3A_243 = vector.shape_cast %get3A_242 : vector<1x16xf32> to vector<16xf32>
      %add3A_244 = arith.addf %add3A_216, %get3A_243 : vector<16xf32>
      %add3A_245 = arith.constant 2 : i32
      %add3A_246 = arith.addi %mul3A_194, %add3A_245 : i32
      %get3A_247 = arith.index_cast %add3A_246 : i32 to index
      %get3A_248 = arith.constant 16 : index
      %get3A_249 = tpu.vector_load %arg16[%get3A_247, %get3A_248] {strides = array<i32>} : memref<640x64xf32, #tpu.memory_space<vmem>>, vector<1x16xf32>,
      %get3A_250 = vector.shape_cast %get3A_249 : vector<1x16xf32> to vector<16xf32>
      %add3A_251 = arith.addf %add3A_223, %get3A_250 : vector<16xf32>
      %add3A_252 = arith.constant 2 : i32
      %add3A_253 = arith.addi %mul3A_194, %add3A_252 : i32
      %get3A_254 = arith.index_cast %add3A_253 : i32 to index
      %get3A_255 = arith.constant 32 : index
      %get3A_256 = tpu.vector_load %arg16[%get3A_254, %get3A_255] {strides = array<i32>} : memref<640x64xf32, #tpu.memory_space<vmem>>, vector<1x16xf32>,
      %get3A_257 = vector.shape_cast %get3A_256 : vector<1x16xf32> to vector<16xf32>
      %add3A_258 = arith.addf %add3A_230, %get3A_257 : vector<16xf32>
      %add3A_259 = arith.constant 2 : i32
      %add3A_260 = arith.addi %mul3A_194, %add3A_259 : i32
      %get3A_261 = arith.index_cast %add3A_260 : i32 to index
      %get3A_262 = arith.constant 48 : index
      %get3A_263 = tpu.vector_load %arg16[%get3A_261, %get3A_262] {strides = array<i32>} : memref<640x64xf32, #tpu.memory_space<vmem>>, vector<1x16xf32>,
      %get3A_264 = vector.shape_cast %get3A_263 : vector<1x16xf32> to vector<16xf32>
      %add3A_265 = arith.addf %add3A_237, %get3A_264 : vector<16xf32>
      %add3A_266 = arith.constant 3 : i32
      %add3A_267 = arith.addi %mul3A_194, %add3A_266 : i32
      %get3A_268 = arith.index_cast %add3A_267 : i32 to index
      %get3A_269 = arith.constant 0 : index
      %get3A_270 = tpu.vector_load %arg16[%get3A_268, %get3A_269] {strides = array<i32>} : memref<640x64xf32, #tpu.memory_space<vmem>>, vector<1x16xf32>,
      %get3A_271 = vector.shape_cast %get3A_270 : vector<1x16xf32> to vector<16xf32>
      %add3A_272 = arith.addf %add3A_244, %get3A_271 : vector<16xf32>
      %add3A_273 = arith.constant 3 : i32
      %add3A_274 = arith.addi %mul3A_194, %add3A_273 : i32
      %get3A_275 = arith.index_cast %add3A_274 : i32 to index
      %get3A_276 = arith.constant 16 : index
      %get3A_277 = tpu.vector_load %arg16[%get3A_275, %get3A_276] {strides = array<i32>} : memref<640x64xf32, #tpu.memory_space<vmem>>, vector<1x16xf32>,
      %get3A_278 = vector.shape_cast %get3A_277 : vector<1x16xf32> to vector<16xf32>
      %add3A_279 = arith.addf %add3A_251, %get3A_278 : vector<16xf32>
      %add3A_280 = arith.constant 3 : i32
      %add3A_281 = arith.addi %mul3A_194, %add3A_280 : i32
      %get3A_282 = arith.index_cast %add3A_281 : i32 to index
      %get3A_283 = arith.constant 32 : index
      %get3A_284 = tpu.vector_load %arg16[%get3A_282, %get3A_283] {strides = array<i32>} : memref<640x64xf32, #tpu.memory_space<vmem>>, vector<1x16xf32>,
      %get3A_285 = vector.shape_cast %get3A_284 : vector<1x16xf32> to vector<16xf32>
      %add3A_286 = arith.addf %add3A_258, %get3A_285 : vector<16xf32>
      %add3A_287 = arith.constant 3 : i32
      %add3A_288 = arith.addi %mul3A_194, %add3A_287 : i32
      %get3A_289 = arith.index_cast %add3A_288 : i32 to index
      %get3A_290 = arith.constant 48 : index
      %get3A_291 = tpu.vector_load %arg16[%get3A_289, %get3A_290] {strides = array<i32>} : memref<640x64xf32, #tpu.memory_space<vmem>>, vector<1x16xf32>,
      %get3A_292 = vector.shape_cast %get3A_291 : vector<1x16xf32> to vector<16xf32>
      %add3A_293 = arith.addf %add3A_265, %get3A_292 : vector<16xf32>
      %add3A_294 = arith.constant 4 : i32
      %add3A_295 = arith.addi %mul3A_194, %add3A_294 : i32
      %get3A_296 = arith.index_cast %add3A_295 : i32 to index
      %get3A_297 = arith.constant 0 : index
      %get3A_298 = tpu.vector_load %arg16[%get3A_296, %get3A_297] {strides = array<i32>} : memref<640x64xf32, #tpu.memory_space<vmem>>, vector<1x16xf32>,
      %get3A_299 = vector.shape_cast %get3A_298 : vector<1x16xf32> to vector<16xf32>
      %add3A_300 = arith.addf %add3A_272, %get3A_299 : vector<16xf32>
      %add3A_301 = arith.constant 4 : i32
      %add3A_302 = arith.addi %mul3A_194, %add3A_301 : i32
      %get3A_303 = arith.index_cast %add3A_302 : i32 to index
      %get3A_304 = arith.constant 16 : index
      %get3A_305 = tpu.vector_load %arg16[%get3A_303, %get3A_304] {strides = array<i32>} : memref<640x64xf32, #tpu.memory_space<vmem>>, vector<1x16xf32>,
      %get3A_306 = vector.shape_cast %get3A_305 : vector<1x16xf32> to vector<16xf32>
      %add3A_307 = arith.addf %add3A_279, %get3A_306 : vector<16xf32>
      %add3A_308 = arith.constant 4 : i32
      %add3A_309 = arith.addi %mul3A_194, %add3A_308 : i32
      %get3A_310 = arith.index_cast %add3A_309 : i32 to index
      %get3A_311 = arith.constant 32 : index
      %get3A_312 = tpu.vector_load %arg16[%get3A_310, %get3A_311] {strides = array<i32>} : memref<640x64xf32, #tpu.memory_space<vmem>>, vector<1x16xf32>,
      %get3A_313 = vector.shape_cast %get3A_312 : vector<1x16xf32> to vector<16xf32>
      %add3A_314 = arith.addf %add3A_286, %get3A_313 : vector<16xf32>
      %add3A_315 = arith.constant 4 : i32
      %add3A_316 = arith.addi %mul3A_194, %add3A_315 : i32
      %get3A_317 = arith.index_cast %add3A_316 : i32 to index
      %get3A_318 = arith.constant 48 : index
      %get3A_319 = tpu.vector_load %arg16[%get3A_317, %get3A_318] {strides = array<i32>} : memref<640x64xf32, #tpu.memory_space<vmem>>, vector<1x16xf32>,
      %get3A_320 = vector.shape_cast %get3A_319 : vector<1x16xf32> to vector<16xf32>
      %add3A_321 = arith.addf %add3A_293, %get3A_320 : vector<16xf32>
      %add3A_322 = arith.constant 5 : i32
      %add3A_323 = arith.addi %mul3A_194, %add3A_322 : i32
      %get3A_324 = arith.index_cast %add3A_323 : i32 to index
      %get3A_325 = arith.constant 0 : index
      %get3A_326 = tpu.vector_load %arg16[%get3A_324, %get3A_325] {strides = array<i32>} : memref<640x64xf32, #tpu.memory_space<vmem>>, vector<1x16xf32>,
      %get3A_327 = vector.shape_cast %get3A_326 : vector<1x16xf32> to vector<16xf32>
      %add3A_328 = arith.addf %add3A_300, %get3A_327 : vector<16xf32>
      %add3A_329 = arith.constant 5 : i32
      %add3A_330 = arith.addi %mul3A_194, %add3A_329 : i32
      %get3A_331 = arith.index_cast %add3A_330 : i32 to index
      %get3A_332 = arith.constant 16 : index
      %get3A_333 = tpu.vector_load %arg16[%get3A_331, %get3A_332] {strides = array<i32>} : memref<640x64xf32, #tpu.memory_space<vmem>>, vector<1x16xf32>,
      %get3A_334 = vector.shape_cast %get3A_333 : vector<1x16xf32> to vector<16xf32>
      %add3A_335 = arith.addf %add3A_307, %get3A_334 : vector<16xf32>
      %add3A_336 = arith.constant 5 : i32
      %add3A_337 = arith.addi %mul3A_194, %add3A_336 : i32
      %get3A_338 = arith.index_cast %add3A_337 : i32 to index
      %get3A_339 = arith.constant 32 : index
      %get3A_340 = tpu.vector_load %arg16[%get3A_338, %get3A_339] {strides = array<i32>} : memref<640x64xf32, #tpu.memory_space<vmem>>, vector<1x16xf32>,
      %get3A_341 = vector.shape_cast %get3A_340 : vector<1x16xf32> to vector<16xf32>
      %add3A_342 = arith.addf %add3A_314, %get3A_341 : vector<16xf32>
      %add3A_343 = arith.constant 5 : i32
      %add3A_344 = arith.addi %mul3A_194, %add3A_343 : i32
      %get3A_345 = arith.index_cast %add3A_344 : i32 to index
      %get3A_346 = arith.constant 48 : index
      %get3A_347 = tpu.vector_load %arg16[%get3A_345, %get3A_346] {strides = array<i32>} : memref<640x64xf32, #tpu.memory_space<vmem>>, vector<1x16xf32>,
      %get3A_348 = vector.shape_cast %get3A_347 : vector<1x16xf32> to vector<16xf32>
      %add3A_349 = arith.addf %add3A_321, %get3A_348 : vector<16xf32>
      %add3A_350 = arith.constant 6 : i32
      %add3A_351 = arith.addi %mul3A_194, %add3A_350 : i32
      %get3A_352 = arith.index_cast %add3A_351 : i32 to index
      %get3A_353 = arith.constant 0 : index
      %get3A_354 = tpu.vector_load %arg16[%get3A_352, %get3A_353] {strides = array<i32>} : memref<640x64xf32, #tpu.memory_space<vmem>>, vector<1x16xf32>,
      %get3A_355 = vector.shape_cast %get3A_354 : vector<1x16xf32> to vector<16xf32>
      %add3A_356 = arith.addf %add3A_328, %get3A_355 : vector<16xf32>
      %add3A_357 = arith.constant 6 : i32
      %add3A_358 = arith.addi %mul3A_194, %add3A_357 : i32
      %get3A_359 = arith.index_cast %add3A_358 : i32 to index
      %get3A_360 = arith.constant 16 : index
      %get3A_361 = tpu.vector_load %arg16[%get3A_359, %get3A_360] {strides = array<i32>} : memref<640x64xf32, #tpu.memory_space<vmem>>, vector<1x16xf32>,
      %get3A_362 = vector.shape_cast %get3A_361 : vector<1x16xf32> to vector<16xf32>
      %add3A_363 = arith.addf %add3A_335, %get3A_362 : vector<16xf32>
      %add3A_364 = arith.constant 6 : i32
      %add3A_365 = arith.addi %mul3A_194, %add3A_364 : i32
      %get3A_366 = arith.index_cast %add3A_365 : i32 to index
      %get3A_367 = arith.constant 32 : index
      %get3A_368 = tpu.vector_load %arg16[%get3A_366, %get3A_367] {strides = array<i32>} : memref<640x64xf32, #tpu.memory_space<vmem>>, vector<1x16xf32>,
      %get3A_369 = vector.shape_cast %get3A_368 : vector<1x16xf32> to vector<16xf32>
      %add3A_370 = arith.addf %add3A_342, %get3A_369 : vector<16xf32>
      %add3A_371 = arith.constant 6 : i32
      %add3A_372 = arith.addi %mul3A_194, %add3A_371 : i32
      %get3A_373 = arith.index_cast %add3A_372 : i32 to index
      %get3A_374 = arith.constant 48 : index
      %get3A_375 = tpu.vector_load %arg16[%get3A_373, %get3A_374] {strides = array<i32>} : memref<640x64xf32, #tpu.memory_space<vmem>>, vector<1x16xf32>,
      %get3A_376 = vector.shape_cast %get3A_375 : vector<1x16xf32> to vector<16xf32>
      %add3A_377 = arith.addf %add3A_349, %get3A_376 : vector<16xf32>
      %add3A_378 = arith.constant 7 : i32
      %add3A_379 = arith.addi %mul3A_194, %add3A_378 : i32
      %get3A_380 = arith.index_cast %add3A_379 : i32 to index
      %get3A_381 = arith.constant 0 : index
      %get3A_382 = tpu.vector_load %arg16[%get3A_380, %get3A_381] {strides = array<i32>} : memref<640x64xf32, #tpu.memory_space<vmem>>, vector<1x16xf32>,
      %get3A_383 = vector.shape_cast %get3A_382 : vector<1x16xf32> to vector<16xf32>
      %add3A_384 = arith.addf %add3A_356, %get3A_383 : vector<16xf32>
      %add3A_385 = arith.constant 7 : i32
      %add3A_386 = arith.addi %mul3A_194, %add3A_385 : i32
      %get3A_387 = arith.index_cast %add3A_386 : i32 to index
      %get3A_388 = arith.constant 16 : index
      %get3A_389 = tpu.vector_load %arg16[%get3A_387, %get3A_388] {strides = array<i32>} : memref<640x64xf32, #tpu.memory_space<vmem>>, vector<1x16xf32>,
      %get3A_390 = vector.shape_cast %get3A_389 : vector<1x16xf32> to vector<16xf32>
      %add3A_391 = arith.addf %add3A_363, %get3A_390 : vector<16xf32>
      %add3A_392 = arith.constant 7 : i32
      %add3A_393 = arith.addi %mul3A_194, %add3A_392 : i32
      %get3A_394 = arith.index_cast %add3A_393 : i32 to index
      %get3A_395 = arith.constant 32 : index
      %get3A_396 = tpu.vector_load %arg16[%get3A_394, %get3A_395] {strides = array<i32>} : memref<640x64xf32, #tpu.memory_space<vmem>>, vector<1x16xf32>,
      %get3A_397 = vector.shape_cast %get3A_396 : vector<1x16xf32> to vector<16xf32>
      %add3A_398 = arith.addf %add3A_370, %get3A_397 : vector<16xf32>
      %add3A_399 = arith.constant 7 : i32
      %add3A_400 = arith.addi %mul3A_194, %add3A_399 : i32
      %get3A_401 = arith.index_cast %add3A_400 : i32 to index
      %get3A_402 = arith.constant 48 : index
      %get3A_403 = tpu.vector_load %arg16[%get3A_401, %get3A_402] {strides = array<i32>} : memref<640x64xf32, #tpu.memory_space<vmem>>, vector<1x16xf32>,
      %get3A_404 = vector.shape_cast %get3A_403 : vector<1x16xf32> to vector<16xf32>
      %add3A_405 = arith.addf %add3A_377, %get3A_404 : vector<16xf32>
      %add3A_406 = arith.constant 8 : i32
      %add3A_407 = arith.addi %mul3A_194, %add3A_406 : i32
      %get3A_408 = arith.index_cast %add3A_407 : i32 to index
      %get3A_409 = arith.constant 0 : index
      %get3A_410 = tpu.vector_load %arg16[%get3A_408, %get3A_409] {strides = array<i32>} : memref<640x64xf32, #tpu.memory_space<vmem>>, vector<1x16xf32>,
      %get3A_411 = vector.shape_cast %get3A_410 : vector<1x16xf32> to vector<16xf32>
      %add3A_412 = arith.addf %add3A_384, %get3A_411 : vector<16xf32>
      %add3A_413 = arith.constant 8 : i32
      %add3A_414 = arith.addi %mul3A_194, %add3A_413 : i32
      %get3A_415 = arith.index_cast %add3A_414 : i32 to index
      %get3A_416 = arith.constant 16 : index
      %get3A_417 = tpu.vector_load %arg16[%get3A_415, %get3A_416] {strides = array<i32>} : memref<640x64xf32, #tpu.memory_space<vmem>>, vector<1x16xf32>,
      %get3A_418 = vector.shape_cast %get3A_417 : vector<1x16xf32> to vector<16xf32>
      %add3A_419 = arith.addf %add3A_391, %get3A_418 : vector<16xf32>
      %add3A_420 = arith.constant 8 : i32
      %add3A_421 = arith.addi %mul3A_194, %add3A_420 : i32
      %get3A_422 = arith.index_cast %add3A_421 : i32 to index
      %get3A_423 = arith.constant 32 : index
      %get3A_424 = tpu.vector_load %arg16[%get3A_422, %get3A_423] {strides = array<i32>} : memref<640x64xf32, #tpu.memory_space<vmem>>, vector<1x16xf32>,
      %get3A_425 = vector.shape_cast %get3A_424 : vector<1x16xf32> to vector<16xf32>
      %add3A_426 = arith.addf %add3A_398, %get3A_425 : vector<16xf32>
      %add3A_427 = arith.constant 8 : i32
      %add3A_428 = arith.addi %mul3A_194, %add3A_427 : i32
      %get3A_429 = arith.index_cast %add3A_428 : i32 to index
      %get3A_430 = arith.constant 48 : index
      %get3A_431 = tpu.vector_load %arg16[%get3A_429, %get3A_430] {strides = array<i32>} : memref<640x64xf32, #tpu.memory_space<vmem>>, vector<1x16xf32>,
      %get3A_432 = vector.shape_cast %get3A_431 : vector<1x16xf32> to vector<16xf32>
      %add3A_433 = arith.addf %add3A_405, %get3A_432 : vector<16xf32>
      %add3A_434 = arith.constant 9 : i32
      %add3A_435 = arith.addi %mul3A_194, %add3A_434 : i32
      %get3A_436 = arith.index_cast %add3A_435 : i32 to index
      %get3A_437 = arith.constant 0 : index
      %get3A_438 = tpu.vector_load %arg16[%get3A_436, %get3A_437] {strides = array<i32>} : memref<640x64xf32, #tpu.memory_space<vmem>>, vector<1x16xf32>,
      %get3A_439 = vector.shape_cast %get3A_438 : vector<1x16xf32> to vector<16xf32>
      %add3A_440 = arith.addf %add3A_412, %get3A_439 : vector<16xf32>
      %add3A_441 = arith.constant 9 : i32
      %add3A_442 = arith.addi %mul3A_194, %add3A_441 : i32
      %get3A_443 = arith.index_cast %add3A_442 : i32 to index
      %get3A_444 = arith.constant 16 : index
      %get3A_445 = tpu.vector_load %arg16[%get3A_443, %get3A_444] {strides = array<i32>} : memref<640x64xf32, #tpu.memory_space<vmem>>, vector<1x16xf32>,
      %get3A_446 = vector.shape_cast %get3A_445 : vector<1x16xf32> to vector<16xf32>
      %add3A_447 = arith.addf %add3A_419, %get3A_446 : vector<16xf32>
      %add3A_448 = arith.constant 9 : i32
      %add3A_449 = arith.addi %mul3A_194, %add3A_448 : i32
      %get3A_450 = arith.index_cast %add3A_449 : i32 to index
      %get3A_451 = arith.constant 32 : index
      %get3A_452 = tpu.vector_load %arg16[%get3A_450, %get3A_451] {strides = array<i32>} : memref<640x64xf32, #tpu.memory_space<vmem>>, vector<1x16xf32>,
      %get3A_453 = vector.shape_cast %get3A_452 : vector<1x16xf32> to vector<16xf32>
      %add3A_454 = arith.addf %add3A_426, %get3A_453 : vector<16xf32>
      %add3A_455 = arith.constant 9 : i32
      %add3A_456 = arith.addi %mul3A_194, %add3A_455 : i32
      %get3A_457 = arith.index_cast %add3A_456 : i32 to index
      %get3A_458 = arith.constant 48 : index
      %get3A_459 = tpu.vector_load %arg16[%get3A_457, %get3A_458] {strides = array<i32>} : memref<640x64xf32, #tpu.memory_space<vmem>>, vector<1x16xf32>,
      %get3A_460 = vector.shape_cast %get3A_459 : vector<1x16xf32> to vector<16xf32>
      %add3A_461 = arith.addf %add3A_433, %get3A_460 : vector<16xf32>
      %add3A_462 = arith.constant 10 : i32
      %add3A_463 = arith.addi %mul3A_194, %add3A_462 : i32
      %get3A_464 = arith.index_cast %add3A_463 : i32 to index
      %get3A_465 = arith.constant 0 : index
      %get3A_466 = tpu.vector_load %arg16[%get3A_464, %get3A_465] {strides = array<i32>} : memref<640x64xf32, #tpu.memory_space<vmem>>, vector<1x16xf32>,
      %get3A_467 = vector.shape_cast %get3A_466 : vector<1x16xf32> to vector<16xf32>
      %add3A_468 = arith.addf %add3A_440, %get3A_467 : vector<16xf32>
      %add3A_469 = arith.constant 10 : i32
      %add3A_470 = arith.addi %mul3A_194, %add3A_469 : i32
      %get3A_471 = arith.index_cast %add3A_470 : i32 to index
      %get3A_472 = arith.constant 16 : index
      %get3A_473 = tpu.vector_load %arg16[%get3A_471, %get3A_472] {strides = array<i32>} : memref<640x64xf32, #tpu.memory_space<vmem>>, vector<1x16xf32>,
      %get3A_474 = vector.shape_cast %get3A_473 : vector<1x16xf32> to vector<16xf32>
      %add3A_475 = arith.addf %add3A_447, %get3A_474 : vector<16xf32>
      %add3A_476 = arith.constant 10 : i32
      %add3A_477 = arith.addi %mul3A_194, %add3A_476 : i32
      %get3A_478 = arith.index_cast %add3A_477 : i32 to index
      %get3A_479 = arith.constant 32 : index
      %get3A_480 = tpu.vector_load %arg16[%get3A_478, %get3A_479] {strides = array<i32>} : memref<640x64xf32, #tpu.memory_space<vmem>>, vector<1x16xf32>,
      %get3A_481 = vector.shape_cast %get3A_480 : vector<1x16xf32> to vector<16xf32>
      %add3A_482 = arith.addf %add3A_454, %get3A_481 : vector<16xf32>
      %add3A_483 = arith.constant 10 : i32
      %add3A_484 = arith.addi %mul3A_194, %add3A_483 : i32
      %get3A_485 = arith.index_cast %add3A_484 : i32 to index
      %get3A_486 = arith.constant 48 : index
      %get3A_487 = tpu.vector_load %arg16[%get3A_485, %get3A_486] {strides = array<i32>} : memref<640x64xf32, #tpu.memory_space<vmem>>, vector<1x16xf32>,
      %get3A_488 = vector.shape_cast %get3A_487 : vector<1x16xf32> to vector<16xf32>
      %add3A_489 = arith.addf %add3A_461, %get3A_488 : vector<16xf32>
      %add3A_490 = arith.constant 11 : i32
      %add3A_491 = arith.addi %mul3A_194, %add3A_490 : i32
      %get3A_492 = arith.index_cast %add3A_491 : i32 to index
      %get3A_493 = arith.constant 0 : index
      %get3A_494 = tpu.vector_load %arg16[%get3A_492, %get3A_493] {strides = array<i32>} : memref<640x64xf32, #tpu.memory_space<vmem>>, vector<1x16xf32>,
      %get3A_495 = vector.shape_cast %get3A_494 : vector<1x16xf32> to vector<16xf32>
      %add3A_496 = arith.addf %add3A_468, %get3A_495 : vector<16xf32>
      %add3A_497 = arith.constant 11 : i32
      %add3A_498 = arith.addi %mul3A_194, %add3A_497 : i32
      %get3A_499 = arith.index_cast %add3A_498 : i32 to index
      %get3A_500 = arith.constant 16 : index
      %get3A_501 = tpu.vector_load %arg16[%get3A_499, %get3A_500] {strides = array<i32>} : memref<640x64xf32, #tpu.memory_space<vmem>>, vector<1x16xf32>,
      %get3A_502 = vector.shape_cast %get3A_501 : vector<1x16xf32> to vector<16xf32>
      %add3A_503 = arith.addf %add3A_475, %get3A_502 : vector<16xf32>
      %add3A_504 = arith.constant 11 : i32
      %add3A_505 = arith.addi %mul3A_194, %add3A_504 : i32
      %get3A_506 = arith.index_cast %add3A_505 : i32 to index
      %get3A_507 = arith.constant 32 : index
      %get3A_508 = tpu.vector_load %arg16[%get3A_506, %get3A_507] {strides = array<i32>} : memref<640x64xf32, #tpu.memory_space<vmem>>, vector<1x16xf32>,
      %get3A_509 = vector.shape_cast %get3A_508 : vector<1x16xf32> to vector<16xf32>
      %add3A_510 = arith.addf %add3A_482, %get3A_509 : vector<16xf32>
      %add3A_511 = arith.constant 11 : i32
      %add3A_512 = arith.addi %mul3A_194, %add3A_511 : i32
      %get3A_513 = arith.index_cast %add3A_512 : i32 to index
      %get3A_514 = arith.constant 48 : index
      %get3A_515 = tpu.vector_load %arg16[%get3A_513, %get3A_514] {strides = array<i32>} : memref<640x64xf32, #tpu.memory_space<vmem>>, vector<1x16xf32>,
      %get3A_516 = vector.shape_cast %get3A_515 : vector<1x16xf32> to vector<16xf32>
      %add3A_517 = arith.addf %add3A_489, %get3A_516 : vector<16xf32>
      %add3A_518 = arith.constant 12 : i32
      %add3A_519 = arith.addi %mul3A_194, %add3A_518 : i32
      %get3A_520 = arith.index_cast %add3A_519 : i32 to index
      %get3A_521 = arith.constant 0 : index
      %get3A_522 = tpu.vector_load %arg16[%get3A_520, %get3A_521] {strides = array<i32>} : memref<640x64xf32, #tpu.memory_space<vmem>>, vector<1x16xf32>,
      %get3A_523 = vector.shape_cast %get3A_522 : vector<1x16xf32> to vector<16xf32>
      %add3A_524 = arith.addf %add3A_496, %get3A_523 : vector<16xf32>
      %add3A_525 = arith.constant 12 : i32
      %add3A_526 = arith.addi %mul3A_194, %add3A_525 : i32
      %get3A_527 = arith.index_cast %add3A_526 : i32 to index
      %get3A_528 = arith.constant 16 : index
      %get3A_529 = tpu.vector_load %arg16[%get3A_527, %get3A_528] {strides = array<i32>} : memref<640x64xf32, #tpu.memory_space<vmem>>, vector<1x16xf32>,
      %get3A_530 = vector.shape_cast %get3A_529 : vector<1x16xf32> to vector<16xf32>
      %add3A_531 = arith.addf %add3A_503, %get3A_530 : vector<16xf32>
      %add3A_532 = arith.constant 12 : i32
      %add3A_533 = arith.addi %mul3A_194, %add3A_532 : i32
      %get3A_534 = arith.index_cast %add3A_533 : i32 to index
      %get3A_535 = arith.constant 32 : index
      %get3A_536 = tpu.vector_load %arg16[%get3A_534, %get3A_535] {strides = array<i32>} : memref<640x64xf32, #tpu.memory_space<vmem>>, vector<1x16xf32>,
      %get3A_537 = vector.shape_cast %get3A_536 : vector<1x16xf32> to vector<16xf32>
      %add3A_538 = arith.addf %add3A_510, %get3A_537 : vector<16xf32>
      %add3A_539 = arith.constant 12 : i32
      %add3A_540 = arith.addi %mul3A_194, %add3A_539 : i32
      %get3A_541 = arith.index_cast %add3A_540 : i32 to index
      %get3A_542 = arith.constant 48 : index
      %get3A_543 = tpu.vector_load %arg16[%get3A_541, %get3A_542] {strides = array<i32>} : memref<640x64xf32, #tpu.memory_space<vmem>>, vector<1x16xf32>,
      %get3A_544 = vector.shape_cast %get3A_543 : vector<1x16xf32> to vector<16xf32>
      %add3A_545 = arith.addf %add3A_517, %get3A_544 : vector<16xf32>
      %add3A_546 = arith.constant 13 : i32
      %add3A_547 = arith.addi %mul3A_194, %add3A_546 : i32
      %get3A_548 = arith.index_cast %add3A_547 : i32 to index
      %get3A_549 = arith.constant 0 : index
      %get3A_550 = tpu.vector_load %arg16[%get3A_548, %get3A_549] {strides = array<i32>} : memref<640x64xf32, #tpu.memory_space<vmem>>, vector<1x16xf32>,
      %get3A_551 = vector.shape_cast %get3A_550 : vector<1x16xf32> to vector<16xf32>
      %add3A_552 = arith.addf %add3A_524, %get3A_551 : vector<16xf32>
      %add3A_553 = arith.constant 13 : i32
      %add3A_554 = arith.addi %mul3A_194, %add3A_553 : i32
      %get3A_555 = arith.index_cast %add3A_554 : i32 to index
      %get3A_556 = arith.constant 16 : index
      %get3A_557 = tpu.vector_load %arg16[%get3A_555, %get3A_556] {strides = array<i32>} : memref<640x64xf32, #tpu.memory_space<vmem>>, vector<1x16xf32>,
      %get3A_558 = vector.shape_cast %get3A_557 : vector<1x16xf32> to vector<16xf32>
      %add3A_559 = arith.addf %add3A_531, %get3A_558 : vector<16xf32>
      %add3A_560 = arith.constant 13 : i32
      %add3A_561 = arith.addi %mul3A_194, %add3A_560 : i32
      %get3A_562 = arith.index_cast %add3A_561 : i32 to index
      %get3A_563 = arith.constant 32 : index
      %get3A_564 = tpu.vector_load %arg16[%get3A_562, %get3A_563] {strides = array<i32>} : memref<640x64xf32, #tpu.memory_space<vmem>>, vector<1x16xf32>,
      %get3A_565 = vector.shape_cast %get3A_564 : vector<1x16xf32> to vector<16xf32>
      %add3A_566 = arith.addf %add3A_538, %get3A_565 : vector<16xf32>
      %add3A_567 = arith.constant 13 : i32
      %add3A_568 = arith.addi %mul3A_194, %add3A_567 : i32
      %get3A_569 = arith.index_cast %add3A_568 : i32 to index
      %get3A_570 = arith.constant 48 : index
      %get3A_571 = tpu.vector_load %arg16[%get3A_569, %get3A_570] {strides = array<i32>} : memref<640x64xf32, #tpu.memory_space<vmem>>, vector<1x16xf32>,
      %get3A_572 = vector.shape_cast %get3A_571 : vector<1x16xf32> to vector<16xf32>
      %add3A_573 = arith.addf %add3A_545, %get3A_572 : vector<16xf32>
      %add3A_574 = arith.constant 14 : i32
      %add3A_575 = arith.addi %mul3A_194, %add3A_574 : i32
      %get3A_576 = arith.index_cast %add3A_575 : i32 to index
      %get3A_577 = arith.constant 0 : index
      %get3A_578 = tpu.vector_load %arg16[%get3A_576, %get3A_577] {strides = array<i32>} : memref<640x64xf32, #tpu.memory_space<vmem>>, vector<1x16xf32>,
      %get3A_579 = vector.shape_cast %get3A_578 : vector<1x16xf32> to vector<16xf32>
      %add3A_580 = arith.addf %add3A_552, %get3A_579 : vector<16xf32>
      %add3A_581 = arith.constant 14 : i32
      %add3A_582 = arith.addi %mul3A_194, %add3A_581 : i32
      %get3A_583 = arith.index_cast %add3A_582 : i32 to index
      %get3A_584 = arith.constant 16 : index
      %get3A_585 = tpu.vector_load %arg16[%get3A_583, %get3A_584] {strides = array<i32>} : memref<640x64xf32, #tpu.memory_space<vmem>>, vector<1x16xf32>,
      %get3A_586 = vector.shape_cast %get3A_585 : vector<1x16xf32> to vector<16xf32>
      %add3A_587 = arith.addf %add3A_559, %get3A_586 : vector<16xf32>
      %add3A_588 = arith.constant 14 : i32
      %add3A_589 = arith.addi %mul3A_194, %add3A_588 : i32
      %get3A_590 = arith.index_cast %add3A_589 : i32 to index
      %get3A_591 = arith.constant 32 : index
      %get3A_592 = tpu.vector_load %arg16[%get3A_590, %get3A_591] {strides = array<i32>} : memref<640x64xf32, #tpu.memory_space<vmem>>, vector<1x16xf32>,
      %get3A_593 = vector.shape_cast %get3A_592 : vector<1x16xf32> to vector<16xf32>
      %add3A_594 = arith.addf %add3A_566, %get3A_593 : vector<16xf32>
      %add3A_595 = arith.constant 14 : i32
      %add3A_596 = arith.addi %mul3A_194, %add3A_595 : i32
      %get3A_597 = arith.index_cast %add3A_596 : i32 to index
      %get3A_598 = arith.constant 48 : index
      %get3A_599 = tpu.vector_load %arg16[%get3A_597, %get3A_598] {strides = array<i32>} : memref<640x64xf32, #tpu.memory_space<vmem>>, vector<1x16xf32>,
      %get3A_600 = vector.shape_cast %get3A_599 : vector<1x16xf32> to vector<16xf32>
      %add3A_601 = arith.addf %add3A_573, %get3A_600 : vector<16xf32>
      %add3A_602 = arith.constant 15 : i32
      %add3A_603 = arith.addi %mul3A_194, %add3A_602 : i32
      %get3A_604 = arith.index_cast %add3A_603 : i32 to index
      %get3A_605 = arith.constant 0 : index
      %get3A_606 = tpu.vector_load %arg16[%get3A_604, %get3A_605] {strides = array<i32>} : memref<640x64xf32, #tpu.memory_space<vmem>>, vector<1x16xf32>,
      %get3A_607 = vector.shape_cast %get3A_606 : vector<1x16xf32> to vector<16xf32>
      %add3A_608 = arith.addf %add3A_580, %get3A_607 : vector<16xf32>
      %add3A_609 = arith.constant 15 : i32
      %add3A_610 = arith.addi %mul3A_194, %add3A_609 : i32
      %get3A_611 = arith.index_cast %add3A_610 : i32 to index
      %get3A_612 = arith.constant 16 : index
      %get3A_613 = tpu.vector_load %arg16[%get3A_611, %get3A_612] {strides = array<i32>} : memref<640x64xf32, #tpu.memory_space<vmem>>, vector<1x16xf32>,
      %get3A_614 = vector.shape_cast %get3A_613 : vector<1x16xf32> to vector<16xf32>
      %add3A_615 = arith.addf %add3A_587, %get3A_614 : vector<16xf32>
      %add3A_616 = arith.constant 15 : i32
      %add3A_617 = arith.addi %mul3A_194, %add3A_616 : i32
      %get3A_618 = arith.index_cast %add3A_617 : i32 to index
      %get3A_619 = arith.constant 32 : index
      %get3A_620 = tpu.vector_load %arg16[%get3A_618, %get3A_619] {strides = array<i32>} : memref<640x64xf32, #tpu.memory_space<vmem>>, vector<1x16xf32>,
      %get3A_621 = vector.shape_cast %get3A_620 : vector<1x16xf32> to vector<16xf32>
      %add3A_622 = arith.addf %add3A_594, %get3A_621 : vector<16xf32>
      %add3A_623 = arith.constant 15 : i32
      %add3A_624 = arith.addi %mul3A_194, %add3A_623 : i32
      %get3A_625 = arith.index_cast %add3A_624 : i32 to index
      %get3A_626 = arith.constant 48 : index
      %get3A_627 = tpu.vector_load %arg16[%get3A_625, %get3A_626] {strides = array<i32>} : memref<640x64xf32, #tpu.memory_space<vmem>>, vector<1x16xf32>,
      %get3A_628 = vector.shape_cast %get3A_627 : vector<1x16xf32> to vector<16xf32>
      %add3A_629 = arith.addf %add3A_601, %get3A_628 : vector<16xf32>
      %add3A_630 = arith.constant 16 : i32
      %add3A_631 = arith.addi %mul3A_194, %add3A_630 : i32
      %get3A_632 = arith.index_cast %add3A_631 : i32 to index
      %get3A_633 = arith.constant 0 : index
      %get3A_634 = tpu.vector_load %arg16[%get3A_632, %get3A_633] {strides = array<i32>} : memref<640x64xf32, #tpu.memory_space<vmem>>, vector<1x16xf32>,
      %get3A_635 = vector.shape_cast %get3A_634 : vector<1x16xf32> to vector<16xf32>
      %add3A_636 = arith.addf %add3A_608, %get3A_635 : vector<16xf32>
      %add3A_637 = arith.constant 16 : i32
      %add3A_638 = arith.addi %mul3A_194, %add3A_637 : i32
      %get3A_639 = arith.index_cast %add3A_638 : i32 to index
      %get3A_640 = arith.constant 16 : index
      %get3A_641 = tpu.vector_load %arg16[%get3A_639, %get3A_640] {strides = array<i32>} : memref<640x64xf32, #tpu.memory_space<vmem>>, vector<1x16xf32>,
      %get3A_642 = vector.shape_cast %get3A_641 : vector<1x16xf32> to vector<16xf32>
      %add3A_643 = arith.addf %add3A_615, %get3A_642 : vector<16xf32>
      %add3A_644 = arith.constant 16 : i32
      %add3A_645 = arith.addi %mul3A_194, %add3A_644 : i32
      %get3A_646 = arith.index_cast %add3A_645 : i32 to index
      %get3A_647 = arith.constant 32 : index
      %get3A_648 = tpu.vector_load %arg16[%get3A_646, %get3A_647] {strides = array<i32>} : memref<640x64xf32, #tpu.memory_space<vmem>>, vector<1x16xf32>,
      %get3A_649 = vector.shape_cast %get3A_648 : vector<1x16xf32> to vector<16xf32>
      %add3A_650 = arith.addf %add3A_622, %get3A_649 : vector<16xf32>
      %add3A_651 = arith.constant 16 : i32
      %add3A_652 = arith.addi %mul3A_194, %add3A_651 : i32
      %get3A_653 = arith.index_cast %add3A_652 : i32 to index
      %get3A_654 = arith.constant 48 : index
      %get3A_655 = tpu.vector_load %arg16[%get3A_653, %get3A_654] {strides = array<i32>} : memref<640x64xf32, #tpu.memory_space<vmem>>, vector<1x16xf32>,
      %get3A_656 = vector.shape_cast %get3A_655 : vector<1x16xf32> to vector<16xf32>
      %add3A_657 = arith.addf %add3A_629, %get3A_656 : vector<16xf32>
      %add3A_658 = arith.constant 17 : i32
      %add3A_659 = arith.addi %mul3A_194, %add3A_658 : i32
      %get3A_660 = arith.index_cast %add3A_659 : i32 to index
      %get3A_661 = arith.constant 0 : index
      %get3A_662 = tpu.vector_load %arg16[%get3A_660, %get3A_661] {strides = array<i32>} : memref<640x64xf32, #tpu.memory_space<vmem>>, vector<1x16xf32>,
      %get3A_663 = vector.shape_cast %get3A_662 : vector<1x16xf32> to vector<16xf32>
      %add3A_664 = arith.addf %add3A_636, %get3A_663 : vector<16xf32>
      %add3A_665 = arith.constant 17 : i32
      %add3A_666 = arith.addi %mul3A_194, %add3A_665 : i32
      %get3A_667 = arith.index_cast %add3A_666 : i32 to index
      %get3A_668 = arith.constant 16 : index
      %get3A_669 = tpu.vector_load %arg16[%get3A_667, %get3A_668] {strides = array<i32>} : memref<640x64xf32, #tpu.memory_space<vmem>>, vector<1x16xf32>,
      %get3A_670 = vector.shape_cast %get3A_669 : vector<1x16xf32> to vector<16xf32>
      %add3A_671 = arith.addf %add3A_643, %get3A_670 : vector<16xf32>
      %add3A_672 = arith.constant 17 : i32
      %add3A_673 = arith.addi %mul3A_194, %add3A_672 : i32
      %get3A_674 = arith.index_cast %add3A_673 : i32 to index
      %get3A_675 = arith.constant 32 : index
      %get3A_676 = tpu.vector_load %arg16[%get3A_674, %get3A_675] {strides = array<i32>} : memref<640x64xf32, #tpu.memory_space<vmem>>, vector<1x16xf32>,
      %get3A_677 = vector.shape_cast %get3A_676 : vector<1x16xf32> to vector<16xf32>
      %add3A_678 = arith.addf %add3A_650, %get3A_677 : vector<16xf32>
      %add3A_679 = arith.constant 17 : i32
      %add3A_680 = arith.addi %mul3A_194, %add3A_679 : i32
      %get3A_681 = arith.index_cast %add3A_680 : i32 to index
      %get3A_682 = arith.constant 48 : index
      %get3A_683 = tpu.vector_load %arg16[%get3A_681, %get3A_682] {strides = array<i32>} : memref<640x64xf32, #tpu.memory_space<vmem>>, vector<1x16xf32>,
      %get3A_684 = vector.shape_cast %get3A_683 : vector<1x16xf32> to vector<16xf32>
      %add3A_685 = arith.addf %add3A_657, %get3A_684 : vector<16xf32>
      %add3A_686 = arith.constant 18 : i32
      %add3A_687 = arith.addi %mul3A_194, %add3A_686 : i32
      %get3A_688 = arith.index_cast %add3A_687 : i32 to index
      %get3A_689 = arith.constant 0 : index
      %get3A_690 = tpu.vector_load %arg16[%get3A_688, %get3A_689] {strides = array<i32>} : memref<640x64xf32, #tpu.memory_space<vmem>>, vector<1x16xf32>,
      %get3A_691 = vector.shape_cast %get3A_690 : vector<1x16xf32> to vector<16xf32>
      %add3A_692 = arith.addf %add3A_664, %get3A_691 : vector<16xf32>
      %add3A_693 = arith.constant 18 : i32
      %add3A_694 = arith.addi %mul3A_194, %add3A_693 : i32
      %get3A_695 = arith.index_cast %add3A_694 : i32 to index
      %get3A_696 = arith.constant 16 : index
      %get3A_697 = tpu.vector_load %arg16[%get3A_695, %get3A_696] {strides = array<i32>} : memref<640x64xf32, #tpu.memory_space<vmem>>, vector<1x16xf32>,
      %get3A_698 = vector.shape_cast %get3A_697 : vector<1x16xf32> to vector<16xf32>
      %add3A_699 = arith.addf %add3A_671, %get3A_698 : vector<16xf32>
      %add3A_700 = arith.constant 18 : i32
      %add3A_701 = arith.addi %mul3A_194, %add3A_700 : i32
      %get3A_702 = arith.index_cast %add3A_701 : i32 to index
      %get3A_703 = arith.constant 32 : index
      %get3A_704 = tpu.vector_load %arg16[%get3A_702, %get3A_703] {strides = array<i32>} : memref<640x64xf32, #tpu.memory_space<vmem>>, vector<1x16xf32>,
      %get3A_705 = vector.shape_cast %get3A_704 : vector<1x16xf32> to vector<16xf32>
      %add3A_706 = arith.addf %add3A_678, %get3A_705 : vector<16xf32>
      %add3A_707 = arith.constant 18 : i32
      %add3A_708 = arith.addi %mul3A_194, %add3A_707 : i32
      %get3A_709 = arith.index_cast %add3A_708 : i32 to index
      %get3A_710 = arith.constant 48 : index
      %get3A_711 = tpu.vector_load %arg16[%get3A_709, %get3A_710] {strides = array<i32>} : memref<640x64xf32, #tpu.memory_space<vmem>>, vector<1x16xf32>,
      %get3A_712 = vector.shape_cast %get3A_711 : vector<1x16xf32> to vector<16xf32>
      %add3A_713 = arith.addf %add3A_685, %get3A_712 : vector<16xf32>
      %add3A_714 = arith.constant 19 : i32
      %add3A_715 = arith.addi %mul3A_194, %add3A_714 : i32
      %get3A_716 = arith.index_cast %add3A_715 : i32 to index
      %get3A_717 = arith.constant 0 : index
      %get3A_718 = tpu.vector_load %arg16[%get3A_716, %get3A_717] {strides = array<i32>} : memref<640x64xf32, #tpu.memory_space<vmem>>, vector<1x16xf32>,
      %get3A_719 = vector.shape_cast %get3A_718 : vector<1x16xf32> to vector<16xf32>
      %add3A_720 = arith.addf %add3A_692, %get3A_719 : vector<16xf32>
      %add3A_721 = arith.constant 19 : i32
      %add3A_722 = arith.addi %mul3A_194, %add3A_721 : i32
      %get3A_723 = arith.index_cast %add3A_722 : i32 to index
      %get3A_724 = arith.constant 16 : index
      %get3A_725 = tpu.vector_load %arg16[%get3A_723, %get3A_724] {strides = array<i32>} : memref<640x64xf32, #tpu.memory_space<vmem>>, vector<1x16xf32>,
      %get3A_726 = vector.shape_cast %get3A_725 : vector<1x16xf32> to vector<16xf32>
      %add3A_727 = arith.addf %add3A_699, %get3A_726 : vector<16xf32>
      %add3A_728 = arith.constant 19 : i32
      %add3A_729 = arith.addi %mul3A_194, %add3A_728 : i32
      %get3A_730 = arith.index_cast %add3A_729 : i32 to index
      %get3A_731 = arith.constant 32 : index
      %get3A_732 = tpu.vector_load %arg16[%get3A_730, %get3A_731] {strides = array<i32>} : memref<640x64xf32, #tpu.memory_space<vmem>>, vector<1x16xf32>,
      %get3A_733 = vector.shape_cast %get3A_732 : vector<1x16xf32> to vector<16xf32>
      %add3A_734 = arith.addf %add3A_706, %get3A_733 : vector<16xf32>
      %add3A_735 = arith.constant 19 : i32
      %add3A_736 = arith.addi %mul3A_194, %add3A_735 : i32
      %get3A_737 = arith.index_cast %add3A_736 : i32 to index
      %get3A_738 = arith.constant 48 : index
      %get3A_739 = tpu.vector_load %arg16[%get3A_737, %get3A_738] {strides = array<i32>} : memref<640x64xf32, #tpu.memory_space<vmem>>, vector<1x16xf32>,
      %get3A_740 = vector.shape_cast %get3A_739 : vector<1x16xf32> to vector<16xf32>
      %add3A_741 = arith.addf %add3A_713, %get3A_740 : vector<16xf32>
      %get3A_742 = arith.index_cast %scan3A_190 : i32 to index
      %get3A_743 = arith.constant 0 : index
      %get3A_744 = tpu.vector_load %arg12[%get3A_742, %get3A_743] {strides = array<i32>} : memref<32x64xf32, #tpu.memory_space<vmem>>, vector<1x16xf32>,
      %get3A_745 = vector.shape_cast %get3A_744 : vector<1x16xf32> to vector<16xf32>
      %get3A_746 = arith.index_cast %scan3A_190 : i32 to index
      %get3A_747 = arith.constant 0 : index
      %get3A_748 = tpu.vector_load %arg14[%get3A_746, %get3A_747] {strides = array<i32>} : memref<32x64xf32, #tpu.memory_space<vmem>>, vector<1x16xf32>,
      %get3A_749 = vector.shape_cast %get3A_748 : vector<1x16xf32> to vector<16xf32>
      %mul3A_750 = arith.mulf %add3A_720, %get3A_745 : vector<16xf32>
      %mul3A_751 = arith.mulf %get3A_745, %get3A_749 : vector<16xf32>
      %get3A_752 = arith.index_cast %scan3A_190 : i32 to index
      %get3A_753 = arith.constant 16 : index
      %get3A_754 = tpu.vector_load %arg12[%get3A_752, %get3A_753] {strides = array<i32>} : memref<32x64xf32, #tpu.memory_space<vmem>>, vector<1x16xf32>,
      %get3A_755 = vector.shape_cast %get3A_754 : vector<1x16xf32> to vector<16xf32>
      %get3A_756 = arith.index_cast %scan3A_190 : i32 to index
      %get3A_757 = arith.constant 16 : index
      %get3A_758 = tpu.vector_load %arg14[%get3A_756, %get3A_757] {strides = array<i32>} : memref<32x64xf32, #tpu.memory_space<vmem>>, vector<1x16xf32>,
      %get3A_759 = vector.shape_cast %get3A_758 : vector<1x16xf32> to vector<16xf32>
      %mul3A_760 = arith.mulf %add3A_727, %get3A_755 : vector<16xf32>
      %mul3A_761 = arith.mulf %get3A_755, %get3A_759 : vector<16xf32>
      %add3A_762 = arith.addf %mul3A_750, %mul3A_760 : vector<16xf32>
      %add3A_763 = arith.addf %mul3A_751, %mul3A_761 : vector<16xf32>
      %get3A_764 = arith.index_cast %scan3A_190 : i32 to index
      %get3A_765 = arith.constant 32 : index
      %get3A_766 = tpu.vector_load %arg12[%get3A_764, %get3A_765] {strides = array<i32>} : memref<32x64xf32, #tpu.memory_space<vmem>>, vector<1x16xf32>,
      %get3A_767 = vector.shape_cast %get3A_766 : vector<1x16xf32> to vector<16xf32>
      %get3A_768 = arith.index_cast %scan3A_190 : i32 to index
      %get3A_769 = arith.constant 32 : index
      %get3A_770 = tpu.vector_load %arg14[%get3A_768, %get3A_769] {strides = array<i32>} : memref<32x64xf32, #tpu.memory_space<vmem>>, vector<1x16xf32>,
      %get3A_771 = vector.shape_cast %get3A_770 : vector<1x16xf32> to vector<16xf32>
      %mul3A_772 = arith.mulf %add3A_734, %get3A_767 : vector<16xf32>
      %mul3A_773 = arith.mulf %get3A_767, %get3A_771 : vector<16xf32>
      %add3A_774 = arith.addf %add3A_762, %mul3A_772 : vector<16xf32>
      %add3A_775 = arith.addf %add3A_763, %mul3A_773 : vector<16xf32>
      %get3A_776 = arith.index_cast %scan3A_190 : i32 to index
      %get3A_777 = arith.constant 48 : index
      %get3A_778 = tpu.vector_load %arg12[%get3A_776, %get3A_777] {strides = array<i32>} : memref<32x64xf32, #tpu.memory_space<vmem>>, vector<1x16xf32>,
      %get3A_779 = vector.shape_cast %get3A_778 : vector<1x16xf32> to vector<16xf32>
      %get3A_780 = arith.index_cast %scan3A_190 : i32 to index
      %get3A_781 = arith.constant 48 : index
      %get3A_782 = tpu.vector_load %arg14[%get3A_780, %get3A_781] {strides = array<i32>} : memref<32x64xf32, #tpu.memory_space<vmem>>, vector<1x16xf32>,
      %get3A_783 = vector.shape_cast %get3A_782 : vector<1x16xf32> to vector<16xf32>
      %mul3A_784 = arith.mulf %add3A_741, %get3A_779 : vector<16xf32>
      %mul3A_785 = arith.mulf %get3A_779, %get3A_783 : vector<16xf32>
      %add3A_786 = arith.addf %add3A_774, %mul3A_784 : vector<16xf32>
      %add3A_787 = arith.addf %add3A_775, %mul3A_785 : vector<16xf32>
      %swap3A = arith.index_cast %add3A_192 : i32 to index
      %swap3A_788 = arith.constant 0 : index
      %swap3A_789 = tpu.vector_load %arg18[%swap3A, %swap3A_788] {strides = array<i32>} : memref<512x16xf32, #tpu.memory_space<vmem>>, vector<1x16xf32>,
      %swap3A_790 = vector.shape_cast %swap3A_789 : vector<1x16xf32> to vector<16xf32>
      %swap3A_791 = vector.shape_cast %add3A_787 : vector<16xf32> to vector<1x16xf32>
      tpu.vector_store %arg18[%swap3A, %swap3A_788], %swap3A_791 {strides = array<i32>} : memref<512x16xf32, #tpu.memory_space<vmem>>, vector<1x16xf32>,
      %swap3A_792 = arith.index_cast %add3A_192 : i32 to index
      %swap3A_793 = arith.constant 0 : index
      %swap3A_794 = tpu.vector_load %arg19[%swap3A_792, %swap3A_793] {strides = array<i32>} : memref<512x16xf32, #tpu.memory_space<vmem>>, vector<1x16xf32>,
      %swap3A_795 = vector.shape_cast %swap3A_794 : vector<1x16xf32> to vector<16xf32>
      %swap3A_796 = vector.shape_cast %add3A_786 : vector<16xf32> to vector<1x16xf32>
      tpu.vector_store %arg19[%swap3A_792, %swap3A_793], %swap3A_796 {strides = array<i32>} : memref<512x16xf32, #tpu.memory_space<vmem>>, vector<1x16xf32>,
    }
    %scan3A_161 = arith.constant 32 : i32
    %dma_wait3A_162 = arith.constant 0 : i32
    %dma_wait3A_163 = arith.constant 0 : i32
    %dma_wait3A_164 = tpu.memref_slice %arg6[%dma_wait3A_162, %dma_wait3A_163] : memref<1000000x64xf32, #tpu.memory_space<hbm>> -> memref<640x64xf32, #tpu.memory_space<hbm>>
    %dma_wait3A_165 = arith.constant 0 : i32
    %dma_wait3A_166 = arith.constant 0 : i32
    %dma_wait3A_167 = tpu.memref_slice %arg6[%dma_wait3A_165, %dma_wait3A_166] : memref<1000000x64xf32, #tpu.memory_space<hbm>> -> memref<640x64xf32, #tpu.memory_space<hbm>>
    tpu.wait_dma2 semaphore(%arg21 : memref<!tpu.dma_semaphore, #tpu.memory_space<semaphore_mem>>) src(%dma_wait3A_167 : memref<640x64xf32, #tpu.memory_space<hbm>>) dst(%arg17 : memref<640x64xf32, #tpu.memory_space<vmem>>)
    %dma_wait3A_168 = arith.constant 0 : i32
    %dma_wait3A_169 = arith.constant 0 : i32
    %dma_wait3A_170 = tpu.memref_slice %arg5[%dma_wait3A_168, %dma_wait3A_169] : memref<1000000x64xf32, #tpu.memory_space<hbm>> -> memref<32x64xf32, #tpu.memory_space<hbm>>
    %dma_wait3A_171 = arith.constant 0 : i32
    %dma_wait3A_172 = arith.constant 0 : i32
    %dma_wait3A_173 = tpu.memref_slice %arg5[%dma_wait3A_171, %dma_wait3A_172] : memref<1000000x64xf32, #tpu.memory_space<hbm>> -> memref<32x64xf32, #tpu.memory_space<hbm>>
    tpu.wait_dma2 semaphore(%arg21 : memref<!tpu.dma_semaphore, #tpu.memory_space<semaphore_mem>>) src(%dma_wait3A_173 : memref<32x64xf32, #tpu.memory_space<hbm>>) dst(%arg13 : memref<32x64xf32, #tpu.memory_space<vmem>>)
    %dma_wait3A_174 = arith.constant 0 : i32
    %dma_wait3A_175 = arith.constant 0 : i32
    %dma_wait3A_176 = tpu.memref_slice %arg6[%dma_wait3A_174, %dma_wait3A_175] : memref<1000000x64xf32, #tpu.memory_space<hbm>> -> memref<32x64xf32, #tpu.memory_space<hbm>>
    %dma_wait3A_177 = arith.constant 0 : i32
    %dma_wait3A_178 = arith.constant 0 : i32
    %dma_wait3A_179 = tpu.memref_slice %arg6[%dma_wait3A_177, %dma_wait3A_178] : memref<1000000x64xf32, #tpu.memory_space<hbm>> -> memref<32x64xf32, #tpu.memory_space<hbm>>
    tpu.wait_dma2 semaphore(%arg21 : memref<!tpu.dma_semaphore, #tpu.memory_space<semaphore_mem>>) src(%dma_wait3A_179 : memref<32x64xf32, #tpu.memory_space<hbm>>) dst(%arg15 : memref<32x64xf32, #tpu.memory_space<vmem>>)
    %scan3A_180 = arith.constant 0 : i32
    %scan3A_181 = arith.constant 0 : i32
    %scan3A_182 = arith.constant 32 : i32
    %scan3A_183 = arith.addi %scan3A_181, %scan3A_182 : i32
    %scan3A_184 = arith.constant 1 : i32
    scf.for %scan3A_190 = %scan3A_181 to %scan3A_183 step %scan3A_184  : i32 {
      %add3A_191 = arith.constant 480 : i32
      %add3A_192 = arith.addi %add3A_191, %scan3A_190 : i32
      %mul3A_193 = arith.constant 20 : i32
      %mul3A_194 = arith.muli %scan3A_190, %mul3A_193 : i32
      %get3A = arith.index_cast %mul3A_194 : i32 to index
      %get3A_195 = arith.constant 0 : index
      %get3A_196 = tpu.vector_load %arg17[%get3A, %get3A_195] {strides = array<i32>} : memref<640x64xf32, #tpu.memory_space<vmem>>, vector<1x16xf32>,
      %get3A_197 = vector.shape_cast %get3A_196 : vector<1x16xf32> to vector<16xf32>
      %get3A_198 = arith.index_cast %mul3A_194 : i32 to index
      %get3A_199 = arith.constant 16 : index
      %get3A_200 = tpu.vector_load %arg17[%get3A_198, %get3A_199] {strides = array<i32>} : memref<640x64xf32, #tpu.memory_space<vmem>>, vector<1x16xf32>,
      %get3A_201 = vector.shape_cast %get3A_200 : vector<1x16xf32> to vector<16xf32>
      %get3A_202 = arith.index_cast %mul3A_194 : i32 to index
      %get3A_203 = arith.constant 32 : index
      %get3A_204 = tpu.vector_load %arg17[%get3A_202, %get3A_203] {strides = array<i32>} : memref<640x64xf32, #tpu.memory_space<vmem>>, vector<1x16xf32>,
      %get3A_205 = vector.shape_cast %get3A_204 : vector<1x16xf32> to vector<16xf32>
      %get3A_206 = arith.index_cast %mul3A_194 : i32 to index
      %get3A_207 = arith.constant 48 : index
      %get3A_208 = tpu.vector_load %arg17[%get3A_206, %get3A_207] {strides = array<i32>} : memref<640x64xf32, #tpu.memory_space<vmem>>, vector<1x16xf32>,
      %get3A_209 = vector.shape_cast %get3A_208 : vector<1x16xf32> to vector<16xf32>
      %add3A_210 = arith.constant 1 : i32
      %add3A_211 = arith.addi %mul3A_194, %add3A_210 : i32
      %get3A_212 = arith.index_cast %add3A_211 : i32 to index
      %get3A_213 = arith.constant 0 : index
      %get3A_214 = tpu.vector_load %arg17[%get3A_212, %get3A_213] {strides = array<i32>} : memref<640x64xf32, #tpu.memory_space<vmem>>, vector<1x16xf32>,
      %get3A_215 = vector.shape_cast %get3A_214 : vector<1x16xf32> to vector<16xf32>
      %add3A_216 = arith.addf %get3A_197, %get3A_215 : vector<16xf32>
      %add3A_217 = arith.constant 1 : i32
      %add3A_218 = arith.addi %mul3A_194, %add3A_217 : i32
      %get3A_219 = arith.index_cast %add3A_218 : i32 to index
      %get3A_220 = arith.constant 16 : index
      %get3A_221 = tpu.vector_load %arg17[%get3A_219, %get3A_220] {strides = array<i32>} : memref<640x64xf32, #tpu.memory_space<vmem>>, vector<1x16xf32>,
      %get3A_222 = vector.shape_cast %get3A_221 : vector<1x16xf32> to vector<16xf32>
      %add3A_223 = arith.addf %get3A_201, %get3A_222 : vector<16xf32>
      %add3A_224 = arith.constant 1 : i32
      %add3A_225 = arith.addi %mul3A_194, %add3A_224 : i32
      %get3A_226 = arith.index_cast %add3A_225 : i32 to index
      %get3A_227 = arith.constant 32 : index
      %get3A_228 = tpu.vector_load %arg17[%get3A_226, %get3A_227] {strides = array<i32>} : memref<640x64xf32, #tpu.memory_space<vmem>>, vector<1x16xf32>,
      %get3A_229 = vector.shape_cast %get3A_228 : vector<1x16xf32> to vector<16xf32>
      %add3A_230 = arith.addf %get3A_205, %get3A_229 : vector<16xf32>
      %add3A_231 = arith.constant 1 : i32
      %add3A_232 = arith.addi %mul3A_194, %add3A_231 : i32
      %get3A_233 = arith.index_cast %add3A_232 : i32 to index
      %get3A_234 = arith.constant 48 : index
      %get3A_235 = tpu.vector_load %arg17[%get3A_233, %get3A_234] {strides = array<i32>} : memref<640x64xf32, #tpu.memory_space<vmem>>, vector<1x16xf32>,
      %get3A_236 = vector.shape_cast %get3A_235 : vector<1x16xf32> to vector<16xf32>
      %add3A_237 = arith.addf %get3A_209, %get3A_236 : vector<16xf32>
      %add3A_238 = arith.constant 2 : i32
      %add3A_239 = arith.addi %mul3A_194, %add3A_238 : i32
      %get3A_240 = arith.index_cast %add3A_239 : i32 to index
      %get3A_241 = arith.constant 0 : index
      %get3A_242 = tpu.vector_load %arg17[%get3A_240, %get3A_241] {strides = array<i32>} : memref<640x64xf32, #tpu.memory_space<vmem>>, vector<1x16xf32>,
      %get3A_243 = vector.shape_cast %get3A_242 : vector<1x16xf32> to vector<16xf32>
      %add3A_244 = arith.addf %add3A_216, %get3A_243 : vector<16xf32>
      %add3A_245 = arith.constant 2 : i32
      %add3A_246 = arith.addi %mul3A_194, %add3A_245 : i32
      %get3A_247 = arith.index_cast %add3A_246 : i32 to index
      %get3A_248 = arith.constant 16 : index
      %get3A_249 = tpu.vector_load %arg17[%get3A_247, %get3A_248] {strides = array<i32>} : memref<640x64xf32, #tpu.memory_space<vmem>>, vector<1x16xf32>,
      %get3A_250 = vector.shape_cast %get3A_249 : vector<1x16xf32> to vector<16xf32>
      %add3A_251 = arith.addf %add3A_223, %get3A_250 : vector<16xf32>
      %add3A_252 = arith.constant 2 : i32
      %add3A_253 = arith.addi %mul3A_194, %add3A_252 : i32
      %get3A_254 = arith.index_cast %add3A_253 : i32 to index
      %get3A_255 = arith.constant 32 : index
      %get3A_256 = tpu.vector_load %arg17[%get3A_254, %get3A_255] {strides = array<i32>} : memref<640x64xf32, #tpu.memory_space<vmem>>, vector<1x16xf32>,
      %get3A_257 = vector.shape_cast %get3A_256 : vector<1x16xf32> to vector<16xf32>
      %add3A_258 = arith.addf %add3A_230, %get3A_257 : vector<16xf32>
      %add3A_259 = arith.constant 2 : i32
      %add3A_260 = arith.addi %mul3A_194, %add3A_259 : i32
      %get3A_261 = arith.index_cast %add3A_260 : i32 to index
      %get3A_262 = arith.constant 48 : index
      %get3A_263 = tpu.vector_load %arg17[%get3A_261, %get3A_262] {strides = array<i32>} : memref<640x64xf32, #tpu.memory_space<vmem>>, vector<1x16xf32>,
      %get3A_264 = vector.shape_cast %get3A_263 : vector<1x16xf32> to vector<16xf32>
      %add3A_265 = arith.addf %add3A_237, %get3A_264 : vector<16xf32>
      %add3A_266 = arith.constant 3 : i32
      %add3A_267 = arith.addi %mul3A_194, %add3A_266 : i32
      %get3A_268 = arith.index_cast %add3A_267 : i32 to index
      %get3A_269 = arith.constant 0 : index
      %get3A_270 = tpu.vector_load %arg17[%get3A_268, %get3A_269] {strides = array<i32>} : memref<640x64xf32, #tpu.memory_space<vmem>>, vector<1x16xf32>,
      %get3A_271 = vector.shape_cast %get3A_270 : vector<1x16xf32> to vector<16xf32>
      %add3A_272 = arith.addf %add3A_244, %get3A_271 : vector<16xf32>
      %add3A_273 = arith.constant 3 : i32
      %add3A_274 = arith.addi %mul3A_194, %add3A_273 : i32
      %get3A_275 = arith.index_cast %add3A_274 : i32 to index
      %get3A_276 = arith.constant 16 : index
      %get3A_277 = tpu.vector_load %arg17[%get3A_275, %get3A_276] {strides = array<i32>} : memref<640x64xf32, #tpu.memory_space<vmem>>, vector<1x16xf32>,
      %get3A_278 = vector.shape_cast %get3A_277 : vector<1x16xf32> to vector<16xf32>
      %add3A_279 = arith.addf %add3A_251, %get3A_278 : vector<16xf32>
      %add3A_280 = arith.constant 3 : i32
      %add3A_281 = arith.addi %mul3A_194, %add3A_280 : i32
      %get3A_282 = arith.index_cast %add3A_281 : i32 to index
      %get3A_283 = arith.constant 32 : index
      %get3A_284 = tpu.vector_load %arg17[%get3A_282, %get3A_283] {strides = array<i32>} : memref<640x64xf32, #tpu.memory_space<vmem>>, vector<1x16xf32>,
      %get3A_285 = vector.shape_cast %get3A_284 : vector<1x16xf32> to vector<16xf32>
      %add3A_286 = arith.addf %add3A_258, %get3A_285 : vector<16xf32>
      %add3A_287 = arith.constant 3 : i32
      %add3A_288 = arith.addi %mul3A_194, %add3A_287 : i32
      %get3A_289 = arith.index_cast %add3A_288 : i32 to index
      %get3A_290 = arith.constant 48 : index
      %get3A_291 = tpu.vector_load %arg17[%get3A_289, %get3A_290] {strides = array<i32>} : memref<640x64xf32, #tpu.memory_space<vmem>>, vector<1x16xf32>,
      %get3A_292 = vector.shape_cast %get3A_291 : vector<1x16xf32> to vector<16xf32>
      %add3A_293 = arith.addf %add3A_265, %get3A_292 : vector<16xf32>
      %add3A_294 = arith.constant 4 : i32
      %add3A_295 = arith.addi %mul3A_194, %add3A_294 : i32
      %get3A_296 = arith.index_cast %add3A_295 : i32 to index
      %get3A_297 = arith.constant 0 : index
      %get3A_298 = tpu.vector_load %arg17[%get3A_296, %get3A_297] {strides = array<i32>} : memref<640x64xf32, #tpu.memory_space<vmem>>, vector<1x16xf32>,
      %get3A_299 = vector.shape_cast %get3A_298 : vector<1x16xf32> to vector<16xf32>
      %add3A_300 = arith.addf %add3A_272, %get3A_299 : vector<16xf32>
      %add3A_301 = arith.constant 4 : i32
      %add3A_302 = arith.addi %mul3A_194, %add3A_301 : i32
      %get3A_303 = arith.index_cast %add3A_302 : i32 to index
      %get3A_304 = arith.constant 16 : index
      %get3A_305 = tpu.vector_load %arg17[%get3A_303, %get3A_304] {strides = array<i32>} : memref<640x64xf32, #tpu.memory_space<vmem>>, vector<1x16xf32>,
      %get3A_306 = vector.shape_cast %get3A_305 : vector<1x16xf32> to vector<16xf32>
      %add3A_307 = arith.addf %add3A_279, %get3A_306 : vector<16xf32>
      %add3A_308 = arith.constant 4 : i32
      %add3A_309 = arith.addi %mul3A_194, %add3A_308 : i32
      %get3A_310 = arith.index_cast %add3A_309 : i32 to index
      %get3A_311 = arith.constant 32 : index
      %get3A_312 = tpu.vector_load %arg17[%get3A_310, %get3A_311] {strides = array<i32>} : memref<640x64xf32, #tpu.memory_space<vmem>>, vector<1x16xf32>,
      %get3A_313 = vector.shape_cast %get3A_312 : vector<1x16xf32> to vector<16xf32>
      %add3A_314 = arith.addf %add3A_286, %get3A_313 : vector<16xf32>
      %add3A_315 = arith.constant 4 : i32
      %add3A_316 = arith.addi %mul3A_194, %add3A_315 : i32
      %get3A_317 = arith.index_cast %add3A_316 : i32 to index
      %get3A_318 = arith.constant 48 : index
      %get3A_319 = tpu.vector_load %arg17[%get3A_317, %get3A_318] {strides = array<i32>} : memref<640x64xf32, #tpu.memory_space<vmem>>, vector<1x16xf32>,
      %get3A_320 = vector.shape_cast %get3A_319 : vector<1x16xf32> to vector<16xf32>
      %add3A_321 = arith.addf %add3A_293, %get3A_320 : vector<16xf32>
      %add3A_322 = arith.constant 5 : i32
      %add3A_323 = arith.addi %mul3A_194, %add3A_322 : i32
      %get3A_324 = arith.index_cast %add3A_323 : i32 to index
      %get3A_325 = arith.constant 0 : index
      %get3A_326 = tpu.vector_load %arg17[%get3A_324, %get3A_325] {strides = array<i32>} : memref<640x64xf32, #tpu.memory_space<vmem>>, vector<1x16xf32>,
      %get3A_327 = vector.shape_cast %get3A_326 : vector<1x16xf32> to vector<16xf32>
      %add3A_328 = arith.addf %add3A_300, %get3A_327 : vector<16xf32>
      %add3A_329 = arith.constant 5 : i32
      %add3A_330 = arith.addi %mul3A_194, %add3A_329 : i32
      %get3A_331 = arith.index_cast %add3A_330 : i32 to index
      %get3A_332 = arith.constant 16 : index
      %get3A_333 = tpu.vector_load %arg17[%get3A_331, %get3A_332] {strides = array<i32>} : memref<640x64xf32, #tpu.memory_space<vmem>>, vector<1x16xf32>,
      %get3A_334 = vector.shape_cast %get3A_333 : vector<1x16xf32> to vector<16xf32>
      %add3A_335 = arith.addf %add3A_307, %get3A_334 : vector<16xf32>
      %add3A_336 = arith.constant 5 : i32
      %add3A_337 = arith.addi %mul3A_194, %add3A_336 : i32
      %get3A_338 = arith.index_cast %add3A_337 : i32 to index
      %get3A_339 = arith.constant 32 : index
      %get3A_340 = tpu.vector_load %arg17[%get3A_338, %get3A_339] {strides = array<i32>} : memref<640x64xf32, #tpu.memory_space<vmem>>, vector<1x16xf32>,
      %get3A_341 = vector.shape_cast %get3A_340 : vector<1x16xf32> to vector<16xf32>
      %add3A_342 = arith.addf %add3A_314, %get3A_341 : vector<16xf32>
      %add3A_343 = arith.constant 5 : i32
      %add3A_344 = arith.addi %mul3A_194, %add3A_343 : i32
      %get3A_345 = arith.index_cast %add3A_344 : i32 to index
      %get3A_346 = arith.constant 48 : index
      %get3A_347 = tpu.vector_load %arg17[%get3A_345, %get3A_346] {strides = array<i32>} : memref<640x64xf32, #tpu.memory_space<vmem>>, vector<1x16xf32>,
      %get3A_348 = vector.shape_cast %get3A_347 : vector<1x16xf32> to vector<16xf32>
      %add3A_349 = arith.addf %add3A_321, %get3A_348 : vector<16xf32>
      %add3A_350 = arith.constant 6 : i32
      %add3A_351 = arith.addi %mul3A_194, %add3A_350 : i32
      %get3A_352 = arith.index_cast %add3A_351 : i32 to index
      %get3A_353 = arith.constant 0 : index
      %get3A_354 = tpu.vector_load %arg17[%get3A_352, %get3A_353] {strides = array<i32>} : memref<640x64xf32, #tpu.memory_space<vmem>>, vector<1x16xf32>,
      %get3A_355 = vector.shape_cast %get3A_354 : vector<1x16xf32> to vector<16xf32>
      %add3A_356 = arith.addf %add3A_328, %get3A_355 : vector<16xf32>
      %add3A_357 = arith.constant 6 : i32
      %add3A_358 = arith.addi %mul3A_194, %add3A_357 : i32
      %get3A_359 = arith.index_cast %add3A_358 : i32 to index
      %get3A_360 = arith.constant 16 : index
      %get3A_361 = tpu.vector_load %arg17[%get3A_359, %get3A_360] {strides = array<i32>} : memref<640x64xf32, #tpu.memory_space<vmem>>, vector<1x16xf32>,
      %get3A_362 = vector.shape_cast %get3A_361 : vector<1x16xf32> to vector<16xf32>
      %add3A_363 = arith.addf %add3A_335, %get3A_362 : vector<16xf32>
      %add3A_364 = arith.constant 6 : i32
      %add3A_365 = arith.addi %mul3A_194, %add3A_364 : i32
      %get3A_366 = arith.index_cast %add3A_365 : i32 to index
      %get3A_367 = arith.constant 32 : index
      %get3A_368 = tpu.vector_load %arg17[%get3A_366, %get3A_367] {strides = array<i32>} : memref<640x64xf32, #tpu.memory_space<vmem>>, vector<1x16xf32>,
      %get3A_369 = vector.shape_cast %get3A_368 : vector<1x16xf32> to vector<16xf32>
      %add3A_370 = arith.addf %add3A_342, %get3A_369 : vector<16xf32>
      %add3A_371 = arith.constant 6 : i32
      %add3A_372 = arith.addi %mul3A_194, %add3A_371 : i32
      %get3A_373 = arith.index_cast %add3A_372 : i32 to index
      %get3A_374 = arith.constant 48 : index
      %get3A_375 = tpu.vector_load %arg17[%get3A_373, %get3A_374] {strides = array<i32>} : memref<640x64xf32, #tpu.memory_space<vmem>>, vector<1x16xf32>,
      %get3A_376 = vector.shape_cast %get3A_375 : vector<1x16xf32> to vector<16xf32>
      %add3A_377 = arith.addf %add3A_349, %get3A_376 : vector<16xf32>
      %add3A_378 = arith.constant 7 : i32
      %add3A_379 = arith.addi %mul3A_194, %add3A_378 : i32
      %get3A_380 = arith.index_cast %add3A_379 : i32 to index
      %get3A_381 = arith.constant 0 : index
      %get3A_382 = tpu.vector_load %arg17[%get3A_380, %get3A_381] {strides = array<i32>} : memref<640x64xf32, #tpu.memory_space<vmem>>, vector<1x16xf32>,
      %get3A_383 = vector.shape_cast %get3A_382 : vector<1x16xf32> to vector<16xf32>
      %add3A_384 = arith.addf %add3A_356, %get3A_383 : vector<16xf32>
      %add3A_385 = arith.constant 7 : i32
      %add3A_386 = arith.addi %mul3A_194, %add3A_385 : i32
      %get3A_387 = arith.index_cast %add3A_386 : i32 to index
      %get3A_388 = arith.constant 16 : index
      %get3A_389 = tpu.vector_load %arg17[%get3A_387, %get3A_388] {strides = array<i32>} : memref<640x64xf32, #tpu.memory_space<vmem>>, vector<1x16xf32>,
      %get3A_390 = vector.shape_cast %get3A_389 : vector<1x16xf32> to vector<16xf32>
      %add3A_391 = arith.addf %add3A_363, %get3A_390 : vector<16xf32>
      %add3A_392 = arith.constant 7 : i32
      %add3A_393 = arith.addi %mul3A_194, %add3A_392 : i32
      %get3A_394 = arith.index_cast %add3A_393 : i32 to index
      %get3A_395 = arith.constant 32 : index
      %get3A_396 = tpu.vector_load %arg17[%get3A_394, %get3A_395] {strides = array<i32>} : memref<640x64xf32, #tpu.memory_space<vmem>>, vector<1x16xf32>,
      %get3A_397 = vector.shape_cast %get3A_396 : vector<1x16xf32> to vector<16xf32>
      %add3A_398 = arith.addf %add3A_370, %get3A_397 : vector<16xf32>
      %add3A_399 = arith.constant 7 : i32
      %add3A_400 = arith.addi %mul3A_194, %add3A_399 : i32
      %get3A_401 = arith.index_cast %add3A_400 : i32 to index
      %get3A_402 = arith.constant 48 : index
      %get3A_403 = tpu.vector_load %arg17[%get3A_401, %get3A_402] {strides = array<i32>} : memref<640x64xf32, #tpu.memory_space<vmem>>, vector<1x16xf32>,
      %get3A_404 = vector.shape_cast %get3A_403 : vector<1x16xf32> to vector<16xf32>
      %add3A_405 = arith.addf %add3A_377, %get3A_404 : vector<16xf32>
      %add3A_406 = arith.constant 8 : i32
      %add3A_407 = arith.addi %mul3A_194, %add3A_406 : i32
      %get3A_408 = arith.index_cast %add3A_407 : i32 to index
      %get3A_409 = arith.constant 0 : index
      %get3A_410 = tpu.vector_load %arg17[%get3A_408, %get3A_409] {strides = array<i32>} : memref<640x64xf32, #tpu.memory_space<vmem>>, vector<1x16xf32>,
      %get3A_411 = vector.shape_cast %get3A_410 : vector<1x16xf32> to vector<16xf32>
      %add3A_412 = arith.addf %add3A_384, %get3A_411 : vector<16xf32>
      %add3A_413 = arith.constant 8 : i32
      %add3A_414 = arith.addi %mul3A_194, %add3A_413 : i32
      %get3A_415 = arith.index_cast %add3A_414 : i32 to index
      %get3A_416 = arith.constant 16 : index
      %get3A_417 = tpu.vector_load %arg17[%get3A_415, %get3A_416] {strides = array<i32>} : memref<640x64xf32, #tpu.memory_space<vmem>>, vector<1x16xf32>,
      %get3A_418 = vector.shape_cast %get3A_417 : vector<1x16xf32> to vector<16xf32>
      %add3A_419 = arith.addf %add3A_391, %get3A_418 : vector<16xf32>
      %add3A_420 = arith.constant 8 : i32
      %add3A_421 = arith.addi %mul3A_194, %add3A_420 : i32
      %get3A_422 = arith.index_cast %add3A_421 : i32 to index
      %get3A_423 = arith.constant 32 : index
      %get3A_424 = tpu.vector_load %arg17[%get3A_422, %get3A_423] {strides = array<i32>} : memref<640x64xf32, #tpu.memory_space<vmem>>, vector<1x16xf32>,
      %get3A_425 = vector.shape_cast %get3A_424 : vector<1x16xf32> to vector<16xf32>
      %add3A_426 = arith.addf %add3A_398, %get3A_425 : vector<16xf32>
      %add3A_427 = arith.constant 8 : i32
      %add3A_428 = arith.addi %mul3A_194, %add3A_427 : i32
      %get3A_429 = arith.index_cast %add3A_428 : i32 to index
      %get3A_430 = arith.constant 48 : index
      %get3A_431 = tpu.vector_load %arg17[%get3A_429, %get3A_430] {strides = array<i32>} : memref<640x64xf32, #tpu.memory_space<vmem>>, vector<1x16xf32>,
      %get3A_432 = vector.shape_cast %get3A_431 : vector<1x16xf32> to vector<16xf32>
      %add3A_433 = arith.addf %add3A_405, %get3A_432 : vector<16xf32>
      %add3A_434 = arith.constant 9 : i32
      %add3A_435 = arith.addi %mul3A_194, %add3A_434 : i32
      %get3A_436 = arith.index_cast %add3A_435 : i32 to index
      %get3A_437 = arith.constant 0 : index
      %get3A_438 = tpu.vector_load %arg17[%get3A_436, %get3A_437] {strides = array<i32>} : memref<640x64xf32, #tpu.memory_space<vmem>>, vector<1x16xf32>,
      %get3A_439 = vector.shape_cast %get3A_438 : vector<1x16xf32> to vector<16xf32>
      %add3A_440 = arith.addf %add3A_412, %get3A_439 : vector<16xf32>
      %add3A_441 = arith.constant 9 : i32
      %add3A_442 = arith.addi %mul3A_194, %add3A_441 : i32
      %get3A_443 = arith.index_cast %add3A_442 : i32 to index
      %get3A_444 = arith.constant 16 : index
      %get3A_445 = tpu.vector_load %arg17[%get3A_443, %get3A_444] {strides = array<i32>} : memref<640x64xf32, #tpu.memory_space<vmem>>, vector<1x16xf32>,
      %get3A_446 = vector.shape_cast %get3A_445 : vector<1x16xf32> to vector<16xf32>
      %add3A_447 = arith.addf %add3A_419, %get3A_446 : vector<16xf32>
      %add3A_448 = arith.constant 9 : i32
      %add3A_449 = arith.addi %mul3A_194, %add3A_448 : i32
      %get3A_450 = arith.index_cast %add3A_449 : i32 to index
      %get3A_451 = arith.constant 32 : index
      %get3A_452 = tpu.vector_load %arg17[%get3A_450, %get3A_451] {strides = array<i32>} : memref<640x64xf32, #tpu.memory_space<vmem>>, vector<1x16xf32>,
      %get3A_453 = vector.shape_cast %get3A_452 : vector<1x16xf32> to vector<16xf32>
      %add3A_454 = arith.addf %add3A_426, %get3A_453 : vector<16xf32>
      %add3A_455 = arith.constant 9 : i32
      %add3A_456 = arith.addi %mul3A_194, %add3A_455 : i32
      %get3A_457 = arith.index_cast %add3A_456 : i32 to index
      %get3A_458 = arith.constant 48 : index
      %get3A_459 = tpu.vector_load %arg17[%get3A_457, %get3A_458] {strides = array<i32>} : memref<640x64xf32, #tpu.memory_space<vmem>>, vector<1x16xf32>,
      %get3A_460 = vector.shape_cast %get3A_459 : vector<1x16xf32> to vector<16xf32>
      %add3A_461 = arith.addf %add3A_433, %get3A_460 : vector<16xf32>
      %add3A_462 = arith.constant 10 : i32
      %add3A_463 = arith.addi %mul3A_194, %add3A_462 : i32
      %get3A_464 = arith.index_cast %add3A_463 : i32 to index
      %get3A_465 = arith.constant 0 : index
      %get3A_466 = tpu.vector_load %arg17[%get3A_464, %get3A_465] {strides = array<i32>} : memref<640x64xf32, #tpu.memory_space<vmem>>, vector<1x16xf32>,
      %get3A_467 = vector.shape_cast %get3A_466 : vector<1x16xf32> to vector<16xf32>
      %add3A_468 = arith.addf %add3A_440, %get3A_467 : vector<16xf32>
      %add3A_469 = arith.constant 10 : i32
      %add3A_470 = arith.addi %mul3A_194, %add3A_469 : i32
      %get3A_471 = arith.index_cast %add3A_470 : i32 to index
      %get3A_472 = arith.constant 16 : index
      %get3A_473 = tpu.vector_load %arg17[%get3A_471, %get3A_472] {strides = array<i32>} : memref<640x64xf32, #tpu.memory_space<vmem>>, vector<1x16xf32>,
      %get3A_474 = vector.shape_cast %get3A_473 : vector<1x16xf32> to vector<16xf32>
      %add3A_475 = arith.addf %add3A_447, %get3A_474 : vector<16xf32>
      %add3A_476 = arith.constant 10 : i32
      %add3A_477 = arith.addi %mul3A_194, %add3A_476 : i32
      %get3A_478 = arith.index_cast %add3A_477 : i32 to index
      %get3A_479 = arith.constant 32 : index
      %get3A_480 = tpu.vector_load %arg17[%get3A_478, %get3A_479] {strides = array<i32>} : memref<640x64xf32, #tpu.memory_space<vmem>>, vector<1x16xf32>,
      %get3A_481 = vector.shape_cast %get3A_480 : vector<1x16xf32> to vector<16xf32>
      %add3A_482 = arith.addf %add3A_454, %get3A_481 : vector<16xf32>
      %add3A_483 = arith.constant 10 : i32
      %add3A_484 = arith.addi %mul3A_194, %add3A_483 : i32
      %get3A_485 = arith.index_cast %add3A_484 : i32 to index
      %get3A_486 = arith.constant 48 : index
      %get3A_487 = tpu.vector_load %arg17[%get3A_485, %get3A_486] {strides = array<i32>} : memref<640x64xf32, #tpu.memory_space<vmem>>, vector<1x16xf32>,
      %get3A_488 = vector.shape_cast %get3A_487 : vector<1x16xf32> to vector<16xf32>
      %add3A_489 = arith.addf %add3A_461, %get3A_488 : vector<16xf32>
      %add3A_490 = arith.constant 11 : i32
      %add3A_491 = arith.addi %mul3A_194, %add3A_490 : i32
      %get3A_492 = arith.index_cast %add3A_491 : i32 to index
      %get3A_493 = arith.constant 0 : index
      %get3A_494 = tpu.vector_load %arg17[%get3A_492, %get3A_493] {strides = array<i32>} : memref<640x64xf32, #tpu.memory_space<vmem>>, vector<1x16xf32>,
      %get3A_495 = vector.shape_cast %get3A_494 : vector<1x16xf32> to vector<16xf32>
      %add3A_496 = arith.addf %add3A_468, %get3A_495 : vector<16xf32>
      %add3A_497 = arith.constant 11 : i32
      %add3A_498 = arith.addi %mul3A_194, %add3A_497 : i32
      %get3A_499 = arith.index_cast %add3A_498 : i32 to index
      %get3A_500 = arith.constant 16 : index
      %get3A_501 = tpu.vector_load %arg17[%get3A_499, %get3A_500] {strides = array<i32>} : memref<640x64xf32, #tpu.memory_space<vmem>>, vector<1x16xf32>,
      %get3A_502 = vector.shape_cast %get3A_501 : vector<1x16xf32> to vector<16xf32>
      %add3A_503 = arith.addf %add3A_475, %get3A_502 : vector<16xf32>
      %add3A_504 = arith.constant 11 : i32
      %add3A_505 = arith.addi %mul3A_194, %add3A_504 : i32
      %get3A_506 = arith.index_cast %add3A_505 : i32 to index
      %get3A_507 = arith.constant 32 : index
      %get3A_508 = tpu.vector_load %arg17[%get3A_506, %get3A_507] {strides = array<i32>} : memref<640x64xf32, #tpu.memory_space<vmem>>, vector<1x16xf32>,
      %get3A_509 = vector.shape_cast %get3A_508 : vector<1x16xf32> to vector<16xf32>
      %add3A_510 = arith.addf %add3A_482, %get3A_509 : vector<16xf32>
      %add3A_511 = arith.constant 11 : i32
      %add3A_512 = arith.addi %mul3A_194, %add3A_511 : i32
      %get3A_513 = arith.index_cast %add3A_512 : i32 to index
      %get3A_514 = arith.constant 48 : index
      %get3A_515 = tpu.vector_load %arg17[%get3A_513, %get3A_514] {strides = array<i32>} : memref<640x64xf32, #tpu.memory_space<vmem>>, vector<1x16xf32>,
      %get3A_516 = vector.shape_cast %get3A_515 : vector<1x16xf32> to vector<16xf32>
      %add3A_517 = arith.addf %add3A_489, %get3A_516 : vector<16xf32>
      %add3A_518 = arith.constant 12 : i32
      %add3A_519 = arith.addi %mul3A_194, %add3A_518 : i32
      %get3A_520 = arith.index_cast %add3A_519 : i32 to index
      %get3A_521 = arith.constant 0 : index
      %get3A_522 = tpu.vector_load %arg17[%get3A_520, %get3A_521] {strides = array<i32>} : memref<640x64xf32, #tpu.memory_space<vmem>>, vector<1x16xf32>,
      %get3A_523 = vector.shape_cast %get3A_522 : vector<1x16xf32> to vector<16xf32>
      %add3A_524 = arith.addf %add3A_496, %get3A_523 : vector<16xf32>
      %add3A_525 = arith.constant 12 : i32
      %add3A_526 = arith.addi %mul3A_194, %add3A_525 : i32
      %get3A_527 = arith.index_cast %add3A_526 : i32 to index
      %get3A_528 = arith.constant 16 : index
      %get3A_529 = tpu.vector_load %arg17[%get3A_527, %get3A_528] {strides = array<i32>} : memref<640x64xf32, #tpu.memory_space<vmem>>, vector<1x16xf32>,
      %get3A_530 = vector.shape_cast %get3A_529 : vector<1x16xf32> to vector<16xf32>
      %add3A_531 = arith.addf %add3A_503, %get3A_530 : vector<16xf32>
      %add3A_532 = arith.constant 12 : i32
      %add3A_533 = arith.addi %mul3A_194, %add3A_532 : i32
      %get3A_534 = arith.index_cast %add3A_533 : i32 to index
      %get3A_535 = arith.constant 32 : index
      %get3A_536 = tpu.vector_load %arg17[%get3A_534, %get3A_535] {strides = array<i32>} : memref<640x64xf32, #tpu.memory_space<vmem>>, vector<1x16xf32>,
      %get3A_537 = vector.shape_cast %get3A_536 : vector<1x16xf32> to vector<16xf32>
      %add3A_538 = arith.addf %add3A_510, %get3A_537 : vector<16xf32>
      %add3A_539 = arith.constant 12 : i32
      %add3A_540 = arith.addi %mul3A_194, %add3A_539 : i32
      %get3A_541 = arith.index_cast %add3A_540 : i32 to index
      %get3A_542 = arith.constant 48 : index
      %get3A_543 = tpu.vector_load %arg17[%get3A_541, %get3A_542] {strides = array<i32>} : memref<640x64xf32, #tpu.memory_space<vmem>>, vector<1x16xf32>,
      %get3A_544 = vector.shape_cast %get3A_543 : vector<1x16xf32> to vector<16xf32>
      %add3A_545 = arith.addf %add3A_517, %get3A_544 : vector<16xf32>
      %add3A_546 = arith.constant 13 : i32
      %add3A_547 = arith.addi %mul3A_194, %add3A_546 : i32
      %get3A_548 = arith.index_cast %add3A_547 : i32 to index
      %get3A_549 = arith.constant 0 : index
      %get3A_550 = tpu.vector_load %arg17[%get3A_548, %get3A_549] {strides = array<i32>} : memref<640x64xf32, #tpu.memory_space<vmem>>, vector<1x16xf32>,
      %get3A_551 = vector.shape_cast %get3A_550 : vector<1x16xf32> to vector<16xf32>
      %add3A_552 = arith.addf %add3A_524, %get3A_551 : vector<16xf32>
      %add3A_553 = arith.constant 13 : i32
      %add3A_554 = arith.addi %mul3A_194, %add3A_553 : i32
      %get3A_555 = arith.index_cast %add3A_554 : i32 to index
      %get3A_556 = arith.constant 16 : index
      %get3A_557 = tpu.vector_load %arg17[%get3A_555, %get3A_556] {strides = array<i32>} : memref<640x64xf32, #tpu.memory_space<vmem>>, vector<1x16xf32>,
      %get3A_558 = vector.shape_cast %get3A_557 : vector<1x16xf32> to vector<16xf32>
      %add3A_559 = arith.addf %add3A_531, %get3A_558 : vector<16xf32>
      %add3A_560 = arith.constant 13 : i32
      %add3A_561 = arith.addi %mul3A_194, %add3A_560 : i32
      %get3A_562 = arith.index_cast %add3A_561 : i32 to index
      %get3A_563 = arith.constant 32 : index
      %get3A_564 = tpu.vector_load %arg17[%get3A_562, %get3A_563] {strides = array<i32>} : memref<640x64xf32, #tpu.memory_space<vmem>>, vector<1x16xf32>,
      %get3A_565 = vector.shape_cast %get3A_564 : vector<1x16xf32> to vector<16xf32>
      %add3A_566 = arith.addf %add3A_538, %get3A_565 : vector<16xf32>
      %add3A_567 = arith.constant 13 : i32
      %add3A_568 = arith.addi %mul3A_194, %add3A_567 : i32
      %get3A_569 = arith.index_cast %add3A_568 : i32 to index
      %get3A_570 = arith.constant 48 : index
      %get3A_571 = tpu.vector_load %arg17[%get3A_569, %get3A_570] {strides = array<i32>} : memref<640x64xf32, #tpu.memory_space<vmem>>, vector<1x16xf32>,
      %get3A_572 = vector.shape_cast %get3A_571 : vector<1x16xf32> to vector<16xf32>
      %add3A_573 = arith.addf %add3A_545, %get3A_572 : vector<16xf32>
      %add3A_574 = arith.constant 14 : i32
      %add3A_575 = arith.addi %mul3A_194, %add3A_574 : i32
      %get3A_576 = arith.index_cast %add3A_575 : i32 to index
      %get3A_577 = arith.constant 0 : index
      %get3A_578 = tpu.vector_load %arg17[%get3A_576, %get3A_577] {strides = array<i32>} : memref<640x64xf32, #tpu.memory_space<vmem>>, vector<1x16xf32>,
      %get3A_579 = vector.shape_cast %get3A_578 : vector<1x16xf32> to vector<16xf32>
      %add3A_580 = arith.addf %add3A_552, %get3A_579 : vector<16xf32>
      %add3A_581 = arith.constant 14 : i32
      %add3A_582 = arith.addi %mul3A_194, %add3A_581 : i32
      %get3A_583 = arith.index_cast %add3A_582 : i32 to index
      %get3A_584 = arith.constant 16 : index
      %get3A_585 = tpu.vector_load %arg17[%get3A_583, %get3A_584] {strides = array<i32>} : memref<640x64xf32, #tpu.memory_space<vmem>>, vector<1x16xf32>,
      %get3A_586 = vector.shape_cast %get3A_585 : vector<1x16xf32> to vector<16xf32>
      %add3A_587 = arith.addf %add3A_559, %get3A_586 : vector<16xf32>
      %add3A_588 = arith.constant 14 : i32
      %add3A_589 = arith.addi %mul3A_194, %add3A_588 : i32
      %get3A_590 = arith.index_cast %add3A_589 : i32 to index
      %get3A_591 = arith.constant 32 : index
      %get3A_592 = tpu.vector_load %arg17[%get3A_590, %get3A_591] {strides = array<i32>} : memref<640x64xf32, #tpu.memory_space<vmem>>, vector<1x16xf32>,
      %get3A_593 = vector.shape_cast %get3A_592 : vector<1x16xf32> to vector<16xf32>
      %add3A_594 = arith.addf %add3A_566, %get3A_593 : vector<16xf32>
      %add3A_595 = arith.constant 14 : i32
      %add3A_596 = arith.addi %mul3A_194, %add3A_595 : i32
      %get3A_597 = arith.index_cast %add3A_596 : i32 to index
      %get3A_598 = arith.constant 48 : index
      %get3A_599 = tpu.vector_load %arg17[%get3A_597, %get3A_598] {strides = array<i32>} : memref<640x64xf32, #tpu.memory_space<vmem>>, vector<1x16xf32>,
      %get3A_600 = vector.shape_cast %get3A_599 : vector<1x16xf32> to vector<16xf32>
      %add3A_601 = arith.addf %add3A_573, %get3A_600 : vector<16xf32>
      %add3A_602 = arith.constant 15 : i32
      %add3A_603 = arith.addi %mul3A_194, %add3A_602 : i32
      %get3A_604 = arith.index_cast %add3A_603 : i32 to index
      %get3A_605 = arith.constant 0 : index
      %get3A_606 = tpu.vector_load %arg17[%get3A_604, %get3A_605] {strides = array<i32>} : memref<640x64xf32, #tpu.memory_space<vmem>>, vector<1x16xf32>,
      %get3A_607 = vector.shape_cast %get3A_606 : vector<1x16xf32> to vector<16xf32>
      %add3A_608 = arith.addf %add3A_580, %get3A_607 : vector<16xf32>
      %add3A_609 = arith.constant 15 : i32
      %add3A_610 = arith.addi %mul3A_194, %add3A_609 : i32
      %get3A_611 = arith.index_cast %add3A_610 : i32 to index
      %get3A_612 = arith.constant 16 : index
      %get3A_613 = tpu.vector_load %arg17[%get3A_611, %get3A_612] {strides = array<i32>} : memref<640x64xf32, #tpu.memory_space<vmem>>, vector<1x16xf32>,
      %get3A_614 = vector.shape_cast %get3A_613 : vector<1x16xf32> to vector<16xf32>
      %add3A_615 = arith.addf %add3A_587, %get3A_614 : vector<16xf32>
      %add3A_616 = arith.constant 15 : i32
      %add3A_617 = arith.addi %mul3A_194, %add3A_616 : i32
      %get3A_618 = arith.index_cast %add3A_617 : i32 to index
      %get3A_619 = arith.constant 32 : index
      %get3A_620 = tpu.vector_load %arg17[%get3A_618, %get3A_619] {strides = array<i32>} : memref<640x64xf32, #tpu.memory_space<vmem>>, vector<1x16xf32>,
      %get3A_621 = vector.shape_cast %get3A_620 : vector<1x16xf32> to vector<16xf32>
      %add3A_622 = arith.addf %add3A_594, %get3A_621 : vector<16xf32>
      %add3A_623 = arith.constant 15 : i32
      %add3A_624 = arith.addi %mul3A_194, %add3A_623 : i32
      %get3A_625 = arith.index_cast %add3A_624 : i32 to index
      %get3A_626 = arith.constant 48 : index
      %get3A_627 = tpu.vector_load %arg17[%get3A_625, %get3A_626] {strides = array<i32>} : memref<640x64xf32, #tpu.memory_space<vmem>>, vector<1x16xf32>,
      %get3A_628 = vector.shape_cast %get3A_627 : vector<1x16xf32> to vector<16xf32>
      %add3A_629 = arith.addf %add3A_601, %get3A_628 : vector<16xf32>
      %add3A_630 = arith.constant 16 : i32
      %add3A_631 = arith.addi %mul3A_194, %add3A_630 : i32
      %get3A_632 = arith.index_cast %add3A_631 : i32 to index
      %get3A_633 = arith.constant 0 : index
      %get3A_634 = tpu.vector_load %arg17[%get3A_632, %get3A_633] {strides = array<i32>} : memref<640x64xf32, #tpu.memory_space<vmem>>, vector<1x16xf32>,
      %get3A_635 = vector.shape_cast %get3A_634 : vector<1x16xf32> to vector<16xf32>
      %add3A_636 = arith.addf %add3A_608, %get3A_635 : vector<16xf32>
      %add3A_637 = arith.constant 16 : i32
      %add3A_638 = arith.addi %mul3A_194, %add3A_637 : i32
      %get3A_639 = arith.index_cast %add3A_638 : i32 to index
      %get3A_640 = arith.constant 16 : index
      %get3A_641 = tpu.vector_load %arg17[%get3A_639, %get3A_640] {strides = array<i32>} : memref<640x64xf32, #tpu.memory_space<vmem>>, vector<1x16xf32>,
      %get3A_642 = vector.shape_cast %get3A_641 : vector<1x16xf32> to vector<16xf32>
      %add3A_643 = arith.addf %add3A_615, %get3A_642 : vector<16xf32>
      %add3A_644 = arith.constant 16 : i32
      %add3A_645 = arith.addi %mul3A_194, %add3A_644 : i32
      %get3A_646 = arith.index_cast %add3A_645 : i32 to index
      %get3A_647 = arith.constant 32 : index
      %get3A_648 = tpu.vector_load %arg17[%get3A_646, %get3A_647] {strides = array<i32>} : memref<640x64xf32, #tpu.memory_space<vmem>>, vector<1x16xf32>,
      %get3A_649 = vector.shape_cast %get3A_648 : vector<1x16xf32> to vector<16xf32>
      %add3A_650 = arith.addf %add3A_622, %get3A_649 : vector<16xf32>
      %add3A_651 = arith.constant 16 : i32
      %add3A_652 = arith.addi %mul3A_194, %add3A_651 : i32
      %get3A_653 = arith.index_cast %add3A_652 : i32 to index
      %get3A_654 = arith.constant 48 : index
      %get3A_655 = tpu.vector_load %arg17[%get3A_653, %get3A_654] {strides = array<i32>} : memref<640x64xf32, #tpu.memory_space<vmem>>, vector<1x16xf32>,
      %get3A_656 = vector.shape_cast %get3A_655 : vector<1x16xf32> to vector<16xf32>
      %add3A_657 = arith.addf %add3A_629, %get3A_656 : vector<16xf32>
      %add3A_658 = arith.constant 17 : i32
      %add3A_659 = arith.addi %mul3A_194, %add3A_658 : i32
      %get3A_660 = arith.index_cast %add3A_659 : i32 to index
      %get3A_661 = arith.constant 0 : index
      %get3A_662 = tpu.vector_load %arg17[%get3A_660, %get3A_661] {strides = array<i32>} : memref<640x64xf32, #tpu.memory_space<vmem>>, vector<1x16xf32>,
      %get3A_663 = vector.shape_cast %get3A_662 : vector<1x16xf32> to vector<16xf32>
      %add3A_664 = arith.addf %add3A_636, %get3A_663 : vector<16xf32>
      %add3A_665 = arith.constant 17 : i32
      %add3A_666 = arith.addi %mul3A_194, %add3A_665 : i32
      %get3A_667 = arith.index_cast %add3A_666 : i32 to index
      %get3A_668 = arith.constant 16 : index
      %get3A_669 = tpu.vector_load %arg17[%get3A_667, %get3A_668] {strides = array<i32>} : memref<640x64xf32, #tpu.memory_space<vmem>>, vector<1x16xf32>,
      %get3A_670 = vector.shape_cast %get3A_669 : vector<1x16xf32> to vector<16xf32>
      %add3A_671 = arith.addf %add3A_643, %get3A_670 : vector<16xf32>
      %add3A_672 = arith.constant 17 : i32
      %add3A_673 = arith.addi %mul3A_194, %add3A_672 : i32
      %get3A_674 = arith.index_cast %add3A_673 : i32 to index
      %get3A_675 = arith.constant 32 : index
      %get3A_676 = tpu.vector_load %arg17[%get3A_674, %get3A_675] {strides = array<i32>} : memref<640x64xf32, #tpu.memory_space<vmem>>, vector<1x16xf32>,
      %get3A_677 = vector.shape_cast %get3A_676 : vector<1x16xf32> to vector<16xf32>
      %add3A_678 = arith.addf %add3A_650, %get3A_677 : vector<16xf32>
      %add3A_679 = arith.constant 17 : i32
      %add3A_680 = arith.addi %mul3A_194, %add3A_679 : i32
      %get3A_681 = arith.index_cast %add3A_680 : i32 to index
      %get3A_682 = arith.constant 48 : index
      %get3A_683 = tpu.vector_load %arg17[%get3A_681, %get3A_682] {strides = array<i32>} : memref<640x64xf32, #tpu.memory_space<vmem>>, vector<1x16xf32>,
      %get3A_684 = vector.shape_cast %get3A_683 : vector<1x16xf32> to vector<16xf32>
      %add3A_685 = arith.addf %add3A_657, %get3A_684 : vector<16xf32>
      %add3A_686 = arith.constant 18 : i32
      %add3A_687 = arith.addi %mul3A_194, %add3A_686 : i32
      %get3A_688 = arith.index_cast %add3A_687 : i32 to index
      %get3A_689 = arith.constant 0 : index
      %get3A_690 = tpu.vector_load %arg17[%get3A_688, %get3A_689] {strides = array<i32>} : memref<640x64xf32, #tpu.memory_space<vmem>>, vector<1x16xf32>,
      %get3A_691 = vector.shape_cast %get3A_690 : vector<1x16xf32> to vector<16xf32>
      %add3A_692 = arith.addf %add3A_664, %get3A_691 : vector<16xf32>
      %add3A_693 = arith.constant 18 : i32
      %add3A_694 = arith.addi %mul3A_194, %add3A_693 : i32
      %get3A_695 = arith.index_cast %add3A_694 : i32 to index
      %get3A_696 = arith.constant 16 : index
      %get3A_697 = tpu.vector_load %arg17[%get3A_695, %get3A_696] {strides = array<i32>} : memref<640x64xf32, #tpu.memory_space<vmem>>, vector<1x16xf32>,
      %get3A_698 = vector.shape_cast %get3A_697 : vector<1x16xf32> to vector<16xf32>
      %add3A_699 = arith.addf %add3A_671, %get3A_698 : vector<16xf32>
      %add3A_700 = arith.constant 18 : i32
      %add3A_701 = arith.addi %mul3A_194, %add3A_700 : i32
      %get3A_702 = arith.index_cast %add3A_701 : i32 to index
      %get3A_703 = arith.constant 32 : index
      %get3A_704 = tpu.vector_load %arg17[%get3A_702, %get3A_703] {strides = array<i32>} : memref<640x64xf32, #tpu.memory_space<vmem>>, vector<1x16xf32>,
      %get3A_705 = vector.shape_cast %get3A_704 : vector<1x16xf32> to vector<16xf32>
      %add3A_706 = arith.addf %add3A_678, %get3A_705 : vector<16xf32>
      %add3A_707 = arith.constant 18 : i32
      %add3A_708 = arith.addi %mul3A_194, %add3A_707 : i32
      %get3A_709 = arith.index_cast %add3A_708 : i32 to index
      %get3A_710 = arith.constant 48 : index
      %get3A_711 = tpu.vector_load %arg17[%get3A_709, %get3A_710] {strides = array<i32>} : memref<640x64xf32, #tpu.memory_space<vmem>>, vector<1x16xf32>,
      %get3A_712 = vector.shape_cast %get3A_711 : vector<1x16xf32> to vector<16xf32>
      %add3A_713 = arith.addf %add3A_685, %get3A_712 : vector<16xf32>
      %add3A_714 = arith.constant 19 : i32
      %add3A_715 = arith.addi %mul3A_194, %add3A_714 : i32
      %get3A_716 = arith.index_cast %add3A_715 : i32 to index
      %get3A_717 = arith.constant 0 : index
      %get3A_718 = tpu.vector_load %arg17[%get3A_716, %get3A_717] {strides = array<i32>} : memref<640x64xf32, #tpu.memory_space<vmem>>, vector<1x16xf32>,
      %get3A_719 = vector.shape_cast %get3A_718 : vector<1x16xf32> to vector<16xf32>
      %add3A_720 = arith.addf %add3A_692, %get3A_719 : vector<16xf32>
      %add3A_721 = arith.constant 19 : i32
      %add3A_722 = arith.addi %mul3A_194, %add3A_721 : i32
      %get3A_723 = arith.index_cast %add3A_722 : i32 to index
      %get3A_724 = arith.constant 16 : index
      %get3A_725 = tpu.vector_load %arg17[%get3A_723, %get3A_724] {strides = array<i32>} : memref<640x64xf32, #tpu.memory_space<vmem>>, vector<1x16xf32>,
      %get3A_726 = vector.shape_cast %get3A_725 : vector<1x16xf32> to vector<16xf32>
      %add3A_727 = arith.addf %add3A_699, %get3A_726 : vector<16xf32>
      %add3A_728 = arith.constant 19 : i32
      %add3A_729 = arith.addi %mul3A_194, %add3A_728 : i32
      %get3A_730 = arith.index_cast %add3A_729 : i32 to index
      %get3A_731 = arith.constant 32 : index
      %get3A_732 = tpu.vector_load %arg17[%get3A_730, %get3A_731] {strides = array<i32>} : memref<640x64xf32, #tpu.memory_space<vmem>>, vector<1x16xf32>,
      %get3A_733 = vector.shape_cast %get3A_732 : vector<1x16xf32> to vector<16xf32>
      %add3A_734 = arith.addf %add3A_706, %get3A_733 : vector<16xf32>
      %add3A_735 = arith.constant 19 : i32
      %add3A_736 = arith.addi %mul3A_194, %add3A_735 : i32
      %get3A_737 = arith.index_cast %add3A_736 : i32 to index
      %get3A_738 = arith.constant 48 : index
      %get3A_739 = tpu.vector_load %arg17[%get3A_737, %get3A_738] {strides = array<i32>} : memref<640x64xf32, #tpu.memory_space<vmem>>, vector<1x16xf32>,
      %get3A_740 = vector.shape_cast %get3A_739 : vector<1x16xf32> to vector<16xf32>
      %add3A_741 = arith.addf %add3A_713, %get3A_740 : vector<16xf32>
      %get3A_742 = arith.index_cast %scan3A_190 : i32 to index
      %get3A_743 = arith.constant 0 : index
      %get3A_744 = tpu.vector_load %arg13[%get3A_742, %get3A_743] {strides = array<i32>} : memref<32x64xf32, #tpu.memory_space<vmem>>, vector<1x16xf32>,
      %get3A_745 = vector.shape_cast %get3A_744 : vector<1x16xf32> to vector<16xf32>
      %get3A_746 = arith.index_cast %scan3A_190 : i32 to index
      %get3A_747 = arith.constant 0 : index
      %get3A_748 = tpu.vector_load %arg15[%get3A_746, %get3A_747] {strides = array<i32>} : memref<32x64xf32, #tpu.memory_space<vmem>>, vector<1x16xf32>,
      %get3A_749 = vector.shape_cast %get3A_748 : vector<1x16xf32> to vector<16xf32>
      %mul3A_750 = arith.mulf %add3A_720, %get3A_745 : vector<16xf32>
      %mul3A_751 = arith.mulf %get3A_745, %get3A_749 : vector<16xf32>
      %get3A_752 = arith.index_cast %scan3A_190 : i32 to index
      %get3A_753 = arith.constant 16 : index
      %get3A_754 = tpu.vector_load %arg13[%get3A_752, %get3A_753] {strides = array<i32>} : memref<32x64xf32, #tpu.memory_space<vmem>>, vector<1x16xf32>,
      %get3A_755 = vector.shape_cast %get3A_754 : vector<1x16xf32> to vector<16xf32>
      %get3A_756 = arith.index_cast %scan3A_190 : i32 to index
      %get3A_757 = arith.constant 16 : index
      %get3A_758 = tpu.vector_load %arg15[%get3A_756, %get3A_757] {strides = array<i32>} : memref<32x64xf32, #tpu.memory_space<vmem>>, vector<1x16xf32>,
      %get3A_759 = vector.shape_cast %get3A_758 : vector<1x16xf32> to vector<16xf32>
      %mul3A_760 = arith.mulf %add3A_727, %get3A_755 : vector<16xf32>
      %mul3A_761 = arith.mulf %get3A_755, %get3A_759 : vector<16xf32>
      %add3A_762 = arith.addf %mul3A_750, %mul3A_760 : vector<16xf32>
      %add3A_763 = arith.addf %mul3A_751, %mul3A_761 : vector<16xf32>
      %get3A_764 = arith.index_cast %scan3A_190 : i32 to index
      %get3A_765 = arith.constant 32 : index
      %get3A_766 = tpu.vector_load %arg13[%get3A_764, %get3A_765] {strides = array<i32>} : memref<32x64xf32, #tpu.memory_space<vmem>>, vector<1x16xf32>,
      %get3A_767 = vector.shape_cast %get3A_766 : vector<1x16xf32> to vector<16xf32>
      %get3A_768 = arith.index_cast %scan3A_190 : i32 to index
      %get3A_769 = arith.constant 32 : index
      %get3A_770 = tpu.vector_load %arg15[%get3A_768, %get3A_769] {strides = array<i32>} : memref<32x64xf32, #tpu.memory_space<vmem>>, vector<1x16xf32>,
      %get3A_771 = vector.shape_cast %get3A_770 : vector<1x16xf32> to vector<16xf32>
      %mul3A_772 = arith.mulf %add3A_734, %get3A_767 : vector<16xf32>
      %mul3A_773 = arith.mulf %get3A_767, %get3A_771 : vector<16xf32>
      %add3A_774 = arith.addf %add3A_762, %mul3A_772 : vector<16xf32>
      %add3A_775 = arith.addf %add3A_763, %mul3A_773 : vector<16xf32>
      %get3A_776 = arith.index_cast %scan3A_190 : i32 to index
      %get3A_777 = arith.constant 48 : index
      %get3A_778 = tpu.vector_load %arg13[%get3A_776, %get3A_777] {strides = array<i32>} : memref<32x64xf32, #tpu.memory_space<vmem>>, vector<1x16xf32>,
      %get3A_779 = vector.shape_cast %get3A_778 : vector<1x16xf32> to vector<16xf32>
      %get3A_780 = arith.index_cast %scan3A_190 : i32 to index
      %get3A_781 = arith.constant 48 : index
      %get3A_782 = tpu.vector_load %arg15[%get3A_780, %get3A_781] {strides = array<i32>} : memref<32x64xf32, #tpu.memory_space<vmem>>, vector<1x16xf32>,
      %get3A_783 = vector.shape_cast %get3A_782 : vector<1x16xf32> to vector<16xf32>
      %mul3A_784 = arith.mulf %add3A_741, %get3A_779 : vector<16xf32>
      %mul3A_785 = arith.mulf %get3A_779, %get3A_783 : vector<16xf32>
      %add3A_786 = arith.addf %add3A_774, %mul3A_784 : vector<16xf32>
      %add3A_787 = arith.addf %add3A_775, %mul3A_785 : vector<16xf32>
      %swap3A = arith.index_cast %add3A_192 : i32 to index
      %swap3A_788 = arith.constant 0 : index
      %swap3A_789 = tpu.vector_load %arg18[%swap3A, %swap3A_788] {strides = array<i32>} : memref<512x16xf32, #tpu.memory_space<vmem>>, vector<1x16xf32>,
      %swap3A_790 = vector.shape_cast %swap3A_789 : vector<1x16xf32> to vector<16xf32>
      %swap3A_791 = vector.shape_cast %add3A_787 : vector<16xf32> to vector<1x16xf32>
      tpu.vector_store %arg18[%swap3A, %swap3A_788], %swap3A_791 {strides = array<i32>} : memref<512x16xf32, #tpu.memory_space<vmem>>, vector<1x16xf32>,
      %swap3A_792 = arith.index_cast %add3A_192 : i32 to index
      %swap3A_793 = arith.constant 0 : index
      %swap3A_794 = tpu.vector_load %arg19[%swap3A_792, %swap3A_793] {strides = array<i32>} : memref<512x16xf32, #tpu.memory_space<vmem>>, vector<1x16xf32>,
      %swap3A_795 = vector.shape_cast %swap3A_794 : vector<1x16xf32> to vector<16xf32>
      %swap3A_796 = vector.shape_cast %add3A_786 : vector<16xf32> to vector<1x16xf32>
      tpu.vector_store %arg19[%swap3A_792, %swap3A_793], %swap3A_796 {strides = array<i32>} : memref<512x16xf32, #tpu.memory_space<vmem>>, vector<1x16xf32>,
    }
    %scan3A_185 = arith.constant 32 : i32
    %mul3A_186 = arith.constant 512 : i32
    %mul3A_187 = arith.muli %add3A, %mul3A_186 : i32
    "tpu.region"() ({
      %run_scoped3A = tpu.sem_alloc : memref<!tpu.dma_semaphore, #tpu.memory_space<semaphore_mem>>
      %dma_start3A_190 = arith.constant 0 : i32
      %dma_start3A_191 = tpu.memref_slice %arg7[%mul3A_187, %dma_start3A_190] : memref<16384x16xf32, #tpu.memory_space<hbm>> -> memref<512x16xf32, #tpu.memory_space<hbm>>
      %dma_start3A_192 = arith.constant 0 : i32
      %dma_start3A_193 = tpu.memref_slice %arg7[%mul3A_187, %dma_start3A_192] : memref<16384x16xf32, #tpu.memory_space<hbm>> -> memref<512x16xf32, #tpu.memory_space<hbm>>
      tpu.enqueue_dma source(%arg18 : memref<512x16xf32, #tpu.memory_space<vmem>>) target(%dma_start3A_193 : memref<512x16xf32, #tpu.memory_space<hbm>>) target_semaphore(%run_scoped3A : memref<!tpu.dma_semaphore, #tpu.memory_space<semaphore_mem>>)
      %dma_wait3A_194 = arith.constant 0 : i32
      %dma_wait3A_195 = tpu.memref_slice %arg7[%mul3A_187, %dma_wait3A_194] : memref<16384x16xf32, #tpu.memory_space<hbm>> -> memref<512x16xf32, #tpu.memory_space<hbm>>
      %dma_wait3A_196 = arith.constant 0 : i32
      %dma_wait3A_197 = tpu.memref_slice %arg7[%mul3A_187, %dma_wait3A_196] : memref<16384x16xf32, #tpu.memory_space<hbm>> -> memref<512x16xf32, #tpu.memory_space<hbm>>
      tpu.wait_dma2 semaphore(%run_scoped3A : memref<!tpu.dma_semaphore, #tpu.memory_space<semaphore_mem>>) src(%arg18 : memref<512x16xf32, #tpu.memory_space<vmem>>) dst(%dma_wait3A_197 : memref<512x16xf32, #tpu.memory_space<hbm>>)
      tpu.yield
    }) : () -> ()
    %mul3A_188 = arith.constant 512 : i32
    %mul3A_189 = arith.muli %add3A, %mul3A_188 : i32
    "tpu.region"() ({
      %run_scoped3A = tpu.sem_alloc : memref<!tpu.dma_semaphore, #tpu.memory_space<semaphore_mem>>
      %dma_start3A_190 = arith.constant 0 : i32
      %dma_start3A_191 = tpu.memref_slice %arg8[%mul3A_189, %dma_start3A_190] : memref<16384x16xf32, #tpu.memory_space<hbm>> -> memref<512x16xf32, #tpu.memory_space<hbm>>
      %dma_start3A_192 = arith.constant 0 : i32
      %dma_start3A_193 = tpu.memref_slice %arg8[%mul3A_189, %dma_start3A_192] : memref<16384x16xf32, #tpu.memory_space<hbm>> -> memref<512x16xf32, #tpu.memory_space<hbm>>
      tpu.enqueue_dma source(%arg19 : memref<512x16xf32, #tpu.memory_space<vmem>>) target(%dma_start3A_193 : memref<512x16xf32, #tpu.memory_space<hbm>>) target_semaphore(%run_scoped3A : memref<!tpu.dma_semaphore, #tpu.memory_space<semaphore_mem>>)
      %dma_wait3A_194 = arith.constant 0 : i32
      %dma_wait3A_195 = tpu.memref_slice %arg8[%mul3A_189, %dma_wait3A_194] : memref<16384x16xf32, #tpu.memory_space<hbm>> -> memref<512x16xf32, #tpu.memory_space<hbm>>
      %dma_wait3A_196 = arith.constant 0 : i32
      %dma_wait3A_197 = tpu.memref_slice %arg8[%mul3A_189, %dma_wait3A_196] : memref<16384x16xf32, #tpu.memory_space<hbm>> -> memref<512x16xf32, #tpu.memory_space<hbm>>
      tpu.wait_dma2 semaphore(%run_scoped3A : memref<!tpu.dma_semaphore, #tpu.memory_space<semaphore_mem>>) src(%arg19 : memref<512x16xf32, #tpu.memory_space<vmem>>) dst(%dma_wait3A_197 : memref<512x16xf32, #tpu.memory_space<hbm>>)
      tpu.yield
    }) : () -> ()
    return
  }
}

module attributes {stable_mosaic.version = 14 : i64} {
  func.func @_tc_reduce_body(%arg0: memref<2048x128xf32, #tpu.memory_space<vmem>>, %arg1: memref<2048x128xf32, #tpu.memory_space<vmem>>, %arg2: memref<1x1xf32, #tpu.memory_space<smem>>) attributes {dimension_semantics = [], scalar_prefetch = 0 : i64, scratch_operands = 0 : i64, tpu.core_type = #tpu.core_type<tc>} {
    %iota3A = tpu.iota {dimensions = array<i32: 0>} : vector<128x8xi32>
    %iota3A_0 = tpu.iota {dimensions = array<i32: 1>} : vector<128x8xi32>
    %jit3A = arith.constant 16 : i32
    %div3A = vector.broadcast %jit3A : i32 to vector<128x8xi32>
    %div3A_1 = arith.divsi %iota3A, %div3A : vector<128x8xi32>
    %sign3A = arith.constant 0 : i32
    %sign3A_2 = vector.broadcast %sign3A : i32 to vector<128x8xi32>
    %sign3A_3 = arith.cmpi sgt, %iota3A, %sign3A_2 : vector<128x8xi32>
    %sign3A_4 = arith.extui %sign3A_3 : vector<128x8xi1> to vector<128x8xi32>
    %sign3A_5 = arith.constant 0 : i32
    %sign3A_6 = vector.broadcast %sign3A_5 : i32 to vector<128x8xi32>
    %sign3A_7 = arith.cmpi slt, %iota3A, %sign3A_6 : vector<128x8xi32>
    %sign3A_8 = arith.extui %sign3A_7 : vector<128x8xi1> to vector<128x8xi32>
    %sign3A_9 = arith.subi %sign3A_4, %sign3A_8 : vector<128x8xi32>
    %sign3A_10 = arith.constant 0 : i32
    %sign3A_11 = arith.cmpi sgt, %jit3A, %sign3A_10 : i32
    %sign3A_12 = arith.extui %sign3A_11 : i1 to i32
    %sign3A_13 = arith.constant 0 : i32
    %sign3A_14 = arith.cmpi slt, %jit3A, %sign3A_13 : i32
    %sign3A_15 = arith.extui %sign3A_14 : i1 to i32
    %sign3A_16 = arith.subi %sign3A_12, %sign3A_15 : i32
    %ne3A = vector.broadcast %sign3A_16 : i32 to vector<128x8xi32>
    %ne3A_17 = arith.cmpi ne, %sign3A_9, %ne3A : vector<128x8xi32>
    %rem3A = vector.broadcast %jit3A : i32 to vector<128x8xi32>
    %rem3A_18 = arith.remsi %iota3A, %rem3A : vector<128x8xi32>
    %ne3A_19 = arith.constant 0 : i32
    %ne3A_20 = vector.broadcast %ne3A_19 : i32 to vector<128x8xi32>
    %ne3A_21 = arith.cmpi ne, %rem3A_18, %ne3A_20 : vector<128x8xi32>
    %and3A = arith.andi %ne3A_17, %ne3A_21 : vector<128x8xi1>
    %sub3A = arith.constant 1 : i32
    %sub3A_22 = vector.broadcast %sub3A : i32 to vector<128x8xi32>
    %sub3A_23 = arith.subi %div3A_1, %sub3A_22 : vector<128x8xi32>
    %select_n3A = arith.select %and3A, %sub3A_23, %div3A_1 : vector<128x8xi1>, vector<128x8xi32>
    %eq3A = arith.cmpi eq, %select_n3A, %iota3A_0 : vector<128x8xi32>
    %jit3A_24 = arith.constant 1.000000e+00 : f32
    %jit3A_25 = arith.constant 0.000000e+00 : f32
    %broadcast_in_dim3A = vector.broadcast %jit3A_24 : f32 to vector<128x8xf32>
    %broadcast_in_dim3A_26 = vector.broadcast %jit3A_25 : f32 to vector<128x8xf32>
    %select_n3A_27 = arith.select %eq3A, %broadcast_in_dim3A, %broadcast_in_dim3A_26 : vector<128x8xi1>, vector<128x8xf32>
    %get3A = arith.constant 0 : index
    %get3A_28 = arith.constant 0 : index
    %get3A_29 = vector.load %arg0[%get3A, %get3A_28] : memref<2048x128xf32, #tpu.memory_space<vmem>>, vector<2048x128xf32>
    %dot_general3A = arith.constant dense<0.000000e+00> : vector<2048x8xf32>
    %dot_general3A_30 = tpu.matmul %get3A_29, %select_n3A_27, %dot_general3A {dimension_numbers = #tpu.dot_dimension_numbers<[1], [0], [0], [1], [0, 0, 1, 1], [], []>, precision = #tpu.contract_precision<fp32>, transpose_lhs_hint = false} : vector<2048x128xf32>, vector<128x8xf32>, vector<2048x8xf32> -> vector<2048x8xf32>
    %get3A_31 = arith.constant 0 : index
    %get3A_32 = arith.constant 0 : index
    %get3A_33 = vector.load %arg1[%get3A_31, %get3A_32] : memref<2048x128xf32, #tpu.memory_space<vmem>>, vector<2048x128xf32>
    %dot_general3A_34 = arith.constant dense<0.000000e+00> : vector<2048x8xf32>
    %dot_general3A_35 = tpu.matmul %get3A_33, %select_n3A_27, %dot_general3A_34 {dimension_numbers = #tpu.dot_dimension_numbers<[1], [0], [0], [1], [0, 0, 1, 1], [], []>, precision = #tpu.contract_precision<fp32>, transpose_lhs_hint = false} : vector<2048x128xf32>, vector<128x8xf32>, vector<2048x8xf32> -> vector<2048x8xf32>
    %min3A = arith.constant 0.000000e+00 : f32
    %min3A_36 = vector.broadcast %min3A : f32 to vector<2048x8xf32>
    %min3A_37 = arith.minimumf %dot_general3A_30, %min3A_36 : vector<2048x8xf32>
    %abs3A = math.absf %dot_general3A_30 : vector<2048x8xf32>
    %neg3A = arith.constant 0.000000e+00 : f32
    %neg3A_38 = vector.broadcast %neg3A : f32 to vector<2048x8xf32>
    %neg3A_39 = arith.subf %neg3A_38, %abs3A : vector<2048x8xf32>
    %exp3A = math.exp %neg3A_39 : vector<2048x8xf32>
    %log1p3A = math.log1p %exp3A : vector<2048x8xf32>
    %sub3A_40 = arith.subf %min3A_37, %log1p3A : vector<2048x8xf32>
    %reduce_sum3A = vector.shape_cast %sub3A_40 : vector<2048x8xf32> to vector<1x2048x8xf32>
    %reduce_sum3A_41 = arith.constant dense<0.000000e+00> : vector<1xf32>
    %reduce_sum3A_42 = vector.multi_reduction <add>, %reduce_sum3A, %reduce_sum3A_41 [1, 2] : vector<1x2048x8xf32> to vector<1xf32>
    %reduce_sum3A_43 = vector.shape_cast %reduce_sum3A_42 : vector<1xf32> to vector<1x1x1xf32>
    %reduce_sum3A_44 = vector.extract %reduce_sum3A_43[0, 0, 0] : f32 from vector<1x1x1xf32>
    %neg3A_45 = arith.constant 0.000000e+00 : f32
    %neg3A_46 = vector.broadcast %neg3A_45 : f32 to vector<2048x8xf32>
    %neg3A_47 = arith.subf %neg3A_46, %dot_general3A_35 : vector<2048x8xf32>
    %min3A_48 = arith.constant 0.000000e+00 : f32
    %min3A_49 = vector.broadcast %min3A_48 : f32 to vector<2048x8xf32>
    %min3A_50 = arith.minimumf %neg3A_47, %min3A_49 : vector<2048x8xf32>
    %abs3A_51 = math.absf %neg3A_47 : vector<2048x8xf32>
    %neg3A_52 = arith.constant 0.000000e+00 : f32
    %neg3A_53 = vector.broadcast %neg3A_52 : f32 to vector<2048x8xf32>
    %neg3A_54 = arith.subf %neg3A_53, %abs3A_51 : vector<2048x8xf32>
    %exp3A_55 = math.exp %neg3A_54 : vector<2048x8xf32>
    %log1p3A_56 = math.log1p %exp3A_55 : vector<2048x8xf32>
    %sub3A_57 = arith.subf %min3A_50, %log1p3A_56 : vector<2048x8xf32>
    %reduce_sum3A_58 = vector.shape_cast %sub3A_57 : vector<2048x8xf32> to vector<1x2048x8xf32>
    %reduce_sum3A_59 = arith.constant dense<0.000000e+00> : vector<1xf32>
    %reduce_sum3A_60 = vector.multi_reduction <add>, %reduce_sum3A_58, %reduce_sum3A_59 [1, 2] : vector<1x2048x8xf32> to vector<1xf32>
    %reduce_sum3A_61 = vector.shape_cast %reduce_sum3A_60 : vector<1xf32> to vector<1x1x1xf32>
    %reduce_sum3A_62 = vector.extract %reduce_sum3A_61[0, 0, 0] : f32 from vector<1x1x1xf32>
    %add3A = arith.addf %reduce_sum3A_44, %reduce_sum3A_62 : f32
    %neg3A_63 = arith.constant 0.000000e+00 : f32
    %neg3A_64 = arith.subf %neg3A_63, %add3A : f32
    %swap3A = arith.constant 0 : index
    %swap3A_65 = arith.constant 0 : index
    %swap3A_66 = memref.load %arg2[%swap3A, %swap3A_65] : memref<1x1xf32, #tpu.memory_space<smem>>
    memref.store %neg3A_64, %arg2[%swap3A, %swap3A_65] : memref<1x1xf32, #tpu.memory_space<smem>>
    return
  }
}

</mosaic_0001>

<sc_bundles>
// kernel: kernel.4.cloned.1.call-start
scs
__scs_entry_jumppad:
0x0: {  	(pc) =	sbr.rel $0x88, $3  }
0x1: {  	(tag) =	ssettag $0x0;
	lr =	simm.s32 $0x1  }
0x2: {  	[smem:$0x3F9C] =	sst lr;
	_ =	strace $0xD0000000  }
0x3: {  	_ = 	snop  }
0x4: {  	_ = 	snop  }
0x5: {  	_ = 	snop  }
0x6: {  	_ = 	snop  }
0x7: {  	_ = 	snop  }
__scs_overlays_trampoline_lowered:
0x8: {  	[smem:$0x3FAB] =	sst s0  }
0x9: {  	[smem:$0x3FAC] =	sst s1  }
0xa: {  	[smem:$0x3FAD] =	sst s2  }
0xb: {  	[smem:$0x3FAE] =	sst s3  }
0xc: {  	[smem:$0x3FAF] =	sst s4  }
0xd: {  	[smem:$0x3FB0] =	sst s5  }
0xe: {  	[smem:$0x3FB1] =	sst s6  }
0xf: {  	[smem:$0x3FB2] =	sst s7  }
0x10: {  	[smem:$0x3FB3] =	sst s8  }
0x11: {  	[smem:$0x3FB4] =	sst s9;
	s0 =	simm.s32 @!p0 $0x0  }
0x12: {  	s1 =	sld [smem:$0x3F9A];
	s0 =	simm.s32 @p0 $0x1  }
0x13: {  	[smem:$0x3FB5] =	sst s0;
	s0 =	simm.s32 @!p1 $0x0  }
0x14: {  	s2 =	sld [smem:$0x3F99];
	s0 =	simm.s32 @p1 $0x1  }
0x15: {  	[smem:$0x3FB6] =	sst s0;
	s0 =	simm.s32 @!p2 $0x0  }
0x16: {  	s3 =	sld [smem:$0x3FDB];
	s0 =	simm.s32 @p2 $0x1  }
0x17: {  	s4 =	simm.s32 $0x1BF5;
	[smem:$0x3FB8] =	sst s0  }
0x18: {  	s0 =	sld [smem:$0x3F9B];
	_ =	swait.ge [sflag:s4], $0x0  }
0x19: {  	s7 =	sld [smem:$0x3F9C]  }
0x1a: {  	s8 =	sadd.s32 $0xFFFFE003, lr  }
0x1b: {  	s9 =	sadd.s32 $0xFFFFFEF7, lr;
	s5 =	simm.s32 $0xFFFFFFFF;
	p2 =	slt.u32 s8, $0xFFFFF086  }
0x1c: {  	p1 =	slt.u32 s9, $0xF7A;
	s5 =	simm.s32 @!p2 $0x0  }
0x1d: {  	s5 =	simm.s32 @p1 $0x1;
	p0 =	seq.s32 s7, s2  }
0x1e: {  	s7 =	smul.u32 @!p0 $0xF7A, s2;
	p2 =	seq.s32 @!p0 s5, $0x0  }
0x1f: {  	s9 =	smul.u32 $0xF7A, s1;
	s8 =	simm.s32 @!p0 $0x1BF5;
	p2 =	por !p2, p0  }
0x20: {  	[sflag:s8] =	ssyncset.s32 @!p0 $0xFFFFF086;
	s6 =	sadd.s32 @!p0 s3, s7;
	s7 =	simm.s32 @!p0 $0x108  }
0x21: {  	s3 =	sadd.s32 s3, s9;
	s6 =	sadd.s32 @!p0 $0x88, s6;
	s7 =	simm.s32 @p2 $0x1082  }
0x22: {  	[simem:s7], [sflag:s8] =	dma.local @!p0 [hbm:s6], $0xF7A  }
0x23: {  	s9 =	sor.u32 $0xD0000000, s2;
	s6 =	simm.s32 $0x108;
	_ =	swait.ge @!p0 [sflag:s8], $0x0  }
0x24: {  	s3 =	sadd.s32 $0x88, s3;
	s6 =	simm.s32 @!p1 $0x1082;
	[sflag:s4] =	ssyncset.s32 $0xFFFFF086  }
0x25: {  	[simem:s6], [sflag:s4] =	dma.local [hbm:s3], $0xF7A  }
0x26: {  	[smem:$0x3F9C] =	sst s1;
	(tag) =	ssettag s2;
	_ =	strace s9  }
0x27: {  	s1 =	sld [smem:$0x3FAC]  }
0x28: {  	s2 =	sld [smem:$0x3FAD]  }
0x29: {  	s4 =	sld [smem:$0x3FAF]  }
0x2a: {  	p0 =	seq.s32 s5, $0x0;
	s5 =	sld [smem:$0x3FB0]  }
0x2b: {  	s6 =	sld [smem:$0x3FB1]  }
0x2c: {  	s7 =	sld [smem:$0x3FB2]  }
0x2d: {  	s3 =	simm.s32 $0x108;
	s8 =	sld [smem:$0x3FB3]  }
0x2e: {  	s3 =	simm.s32 @!p0 $0x1082;
	s9 =	sld [smem:$0x3FB4]  }
0x2f: {  	lr =	sadd.s32 s0, s3;
	s0 =	sld [smem:$0x3FAB]  }
0x30: {  	s3 =	sld [smem:$0x3FAE]  }
0x31: {  	[smem:$0x3FB7] =	sst s10  }
0x32: {  	s10 =	sld [smem:$0x3FB5];
	_ =	sdelay $0x3  }
0x33: {  	p0 =	seq.s32 s10, $0x1;
	s10 =	sld [smem:$0x3FB7];
	_ =	sdelay $0x3  }
0x34: {  	[smem:$0x3FB7] =	sst s10  }
0x35: {  	s10 =	sld [smem:$0x3FB6];
	_ =	sdelay $0x3  }
0x36: {  	p1 =	seq.s32 s10, $0x1;
	s10 =	sld [smem:$0x3FB7];
	_ =	sdelay $0x3  }
0x37: {  	[smem:$0x3FB7] =	sst s10  }
0x38: {  	s10 =	sld [smem:$0x3FB8]  }
0x39: {  	_ = 	snop;
	(pc) =	sbr.ind lr, $3  }
0x3a: {  	_ = 	snop  }
0x3b: {  	_ = 	snop  }
0x3c: {  	p2 =	seq.s32 s10, $0x1;
	s10 =	sld [smem:$0x3FB7]  }
0x3d: {  	_ =	shalt  }
0x3e: {  	_ =	shalt  }
0x3f: {  	_ =	shalt  }
0x40: {  	_ =	shalt  }
0x41: {  	_ =	shalt  }
0x42: {  	_ =	shalt  }
0x43: {  	_ =	shalt  }
0x44: {  	_ =	shalt  }
0x45: {  	_ =	shalt  }
0x46: {  	_ =	shalt  }
0x47: {  	_ =	shalt  }
0x48: {  	_ =	shalt  }
0x49: {  	_ =	shalt  }
0x4a: {  	_ =	shalt  }
0x4b: {  	_ =	shalt  }
0x4c: {  	_ =	shalt  }
0x4d: {  	_ =	shalt  }
0x4e: {  	_ =	shalt  }
0x4f: {  	_ =	shalt  }
0x50: {  	_ =	shalt  }
0x51: {  	_ =	shalt  }
0x52: {  	_ =	shalt  }
0x53: {  	_ =	shalt  }
0x54: {  	_ =	shalt  }
0x55: {  	_ =	shalt  }
0x56: {  	_ =	shalt  }
0x57: {  	_ =	shalt  }
0x58: {  	_ =	shalt  }
0x59: {  	_ =	shalt  }
0x5a: {  	_ =	shalt  }
0x5b: {  	_ =	shalt  }
0x5c: {  	_ =	shalt  }
0x5d: {  	_ =	shalt  }
0x5e: {  	_ =	shalt  }
0x5f: {  	_ =	shalt  }
0x60: {  	_ =	shalt  }
0x61: {  	_ =	shalt  }
0x62: {  	_ =	shalt  }
0x63: {  	_ =	shalt  }
0x64: {  	_ =	shalt  }
0x65: {  	_ =	shalt  }
0x66: {  	_ =	shalt  }
0x67: {  	_ =	shalt  }
0x68: {  	_ =	shalt  }
0x69: {  	_ =	shalt  }
0x6a: {  	_ =	shalt  }
0x6b: {  	_ =	shalt  }
0x6c: {  	_ =	shalt  }
0x6d: {  	_ =	shalt  }
0x6e: {  	_ =	shalt  }
0x6f: {  	_ =	shalt  }
0x70: {  	_ =	shalt  }
0x71: {  	_ =	shalt  }
0x72: {  	_ =	shalt  }
0x73: {  	_ =	shalt  }
0x74: {  	_ =	shalt  }
0x75: {  	_ =	shalt  }
0x76: {  	_ =	shalt  }
0x77: {  	_ =	shalt  }
0x78: {  	_ =	shalt  }
0x79: {  	_ =	shalt  }
0x7a: {  	_ =	shalt  }
0x7b: {  	_ =	shalt  }
0x7c: {  	_ =	shalt  }
0x7d: {  	_ =	shalt  }
0x7e: {  	_ =	shalt  }
0x7f: {  	_ =	shalt  }
0x80: {  	_ =	shalt  }
0x81: {  	_ =	shalt  }
0x82: {  	_ =	shalt  }
0x83: {  	_ =	shalt  }
0x84: {  	_ =	shalt  }
0x85: {  	_ =	shalt  }
0x86: {  	_ =	shalt  }
0x87: {  	_ =	shalt  }
.Lfunc_end0:
.L_simem_size_0:
called_computation_lowered:
.L_overlay_start_0:
0x88: {  	s2 =	sld [smem:$0x3FD9]  }
0x89: {  	s3 =	sld [smem:$0x3FFE];
	_ =	sdelay $0x1  }
0x8a: {  	s1 =	srdreg.scid  }
0x8b: {  	s0 =	sand.u32 $0x1, s1  }
0x8c: {  	s17 =	sshll.u32 s0, $0xA;
	s2 =	sadd.s32 s3, s2  }
0x8d: {  	s2 =	sadd.s32 s2, s17  }
0x8e: {  	[smem:$0x3FC3] =	sst s2  }
0x8f: {  	_ = 	snop  }
0x90: {  	s2 =	sld [smem:$0x3FC9]  }
0x91: {  	s18 =	sld [smem:$0x3FC8];
	(tm) =	ssettm $0x1  }
0x92: {  	s4 =	sld [smem:$0x3FFB];
	_ =	sdelay $0x3  }
0x93: {  	_ =	strace s4  }
0x94: {  	s4 =	sld [smem:$0x3FFC];
	_ =	sdelay $0x3  }
0x95: {  	_ =	strace s4  }
0x96: {  	s4 =	sld [smem:$0x3FFD];
	_ =	sdelay $0x3  }
0x97: {  	_ =	strace s4  }
0x98: {  	_ =	strace $0x8FFFFFFF  }
0x99: {  	s19 =	sld [smem:$0x3FDB];
	_ =	sdelay $0x1  }
0x9a: {  	s5 =	simm.s32 $_scs_section_size  }
0x9b: {  	s6 =	simm.s32 $_size__tile_overlayer_lowered;
	s7 =	simm.s32 $_tile_overlayer_lowered  }
0x9c: {  	s22 =	simm.s32 $0x1BFF;
	s21 =	sshll.u32 s7, $0x1;
	s4 =	sadd.s32 s5, s19  }
0x9d: {  	s8 =	simm.s32 $0x0;
	s20 =	sshll.u32 s6, $0x1;
	s6 =	sadd.s32 s21, s4  }
0x9e: {  	[timem:s8], [sflag:s22] =	dma.local [hbm:s6], s20  }
0x9f: {  	_ =	swait.ge [sflag:s22], s20  }
0xa0: {  	s5 =	ssub.s32 $0x0, s20;
	[sflag:s22] =	ssyncset.done $0x0  }
0xa1: {  	[sflag:s22] =	ssyncadd.s32 s5;
	_ =	sdelay $0x1  }
0xa2: {  	s23 =	simm.s32 $0x1B8B  }
0xa3: {  	_ =	swait.ge [sflag:s23], $0x1  }
0xa4: {  	[sflag:s23] =	ssyncset.done $0x0  }
0xa5: {  	s25 =	simm.s32 $0x1B8E;
	s24 =	sld [smem:$0x3FFE];
	[sflag:s23] =	ssyncadd.s32 $0xFFFFFFFF  }
0xa6: {  	s26 =	simm.s32 $execute0_lowered;
	[smem:$0x3FD2] =	sst s25  }
0xa7: {  	s6 =	sshll.u32 s26, $0x1;
	_ =	strace $0x80000046;
	[dreg:$0x1] =	wrdreg $0xFFFFFFFF  }
0xa8: {  	s28 =	simm.s32 $_size_execute0_lowered;
	s4 =	sadd.s32 s4, s6;
	[dreg:$0x0] =	wrdreg $0x0  }
0xa9: {  	s6 =	sshll.u32 s28, $0x1;
	[dreg:$0x2] =	wrdreg s4  }
0xaa: {  	[dreg:$0x3] =	wrdreg s6  }
0xab: {  	[dreg:$0x4] =	wrdreg $0xC0  }
0xac: {  	_ =	task [dreg:s8], $0x5FFFF  }
0xad: {  	[dreg:$0x1] =	wrdreg $0xFFFFFFFF  }
0xae: {  	[dreg:$0x0] =	wrdreg $0x60  }
0xaf: {  	[dreg:$0x2] =	wrdreg s2  }
0xb0: {  	[dreg:$0x3] =	wrdreg s18  }
0xb1: {  	[dreg:$0x4] =	wrdreg s24  }
0xb2: {  	[dreg:$0x5] =	wrdreg $0x9  }
0xb3: {  	_ =	task.clear_ibuf [dreg:s8], $0x6FFFF;
	_ =	strace $0x90000046  }
0xb4: {  	s29 =	simm.s32 $0x9;
	_ =	strace $0x80000048  }
0xb5: {  	_ =	swait.ge [sflag:s29], $0x1  }
0xb6: {  	[sflag:s29] =	ssyncadd.s32 $0xFFFFFFFF  }
0xb7: {  	_ =	strace $0x90000048  }
0xb8: {  	_ =	sfence  }
0xb9: {  	s30 =	sld [smem:$0x0];
	_ =	sdelay $0x2  }
0xba: {  	s31 =	sshll.u32 s1, $0xD;
	s1 =	sshrl.u32 s1, $0x2  }
0xbb: {  	s3 =	sand.u32 $0x4000, s31;
	s1 =	sadd.s32 s1, s30  }
0xbc: {  	s0 =	sor.u32 s3, s0;
	s1 =	sshll.u32 s1, $0x11  }
0xbd: {  	s0 =	sor.u32 s1, s0  }
0xbe: {  	s0 =	sadd.s32 $0x8F2B, s0  }
0xbf: {  	[sflag:s0] =	ssyncadd.remote.s32 $0x1  }
0xc0: {  	_ =	sfence.sel $0xFFFF  }
0xc1: {  	[dreg:$0x0] =	wrdreg $0xFFFFFFFF;
	(pc) =	sbr.abs _section_cstart, $3  }
0xc2: {  	[dreg:$0x1] =	wrdreg $0xFFFFFFFF  }
0xc3: {  	_ =	task.clear_ibuf [dreg:s8], $0x2FFFF;
	_ =	strace $0x9FFFFFFF  }
0xc4: {  	(tm) =	ssettm $0x7FFFFFFF  }
0xc5: {  	_ =	shalt  }
tec
execute0_lowered:
.L_overlay_start_1:
0x0: {  	(tag) =	ssettag $0x1  }
0x1: {  	s0 =	rddreg [dreg:$0x0];
	s1 =	srdreg.scid  }
0x2: {  	s3 =	stileid.u32;
	s2 =	rddreg [dreg:$0x1]  }
0x3: {  	s5 =	rddreg [dreg:$0x2];
	s10 =	simm.s32 $0x0;
	s14 =	simm.s32 $0x80  }
0x4: {  	s17 =	simm.s32 $0x6C00;
	s19 =	simm.s32 $0x8C00;
	s21 =	simm.s32 $0xAC00  }
0x5: {  	s29 =	simm.s32 $0xEC00;
	s31 =	simm.s32 $0x10C00;
	s18 =	simm.s32 $0x14C00  }
0x6: {  	s22 =	simm.s32 $0x16C00;
	s28 =	simm.s32 $0x3400;
	s16 =	simm.s32 $0x1  }
0x7: {  	s20 =	simm.s32 $0x2;
	s1 =	sand.u32 $0x1, s1;
	s3 =	sshll.u32 s3, $0x1  }
0x8: {  	[smem:$0x7FF] =	sst s10;
	s4 =	sadd.s32 $0xF43200, s5;
	s6 =	sor.u32 s1, s3  }
0x9: {  	_ =	strace $0x80000047;
	s1 =	ssub.s32 $0x2, s1;
	s3 =	smul.u32 $0x500, s6  }
0xa: {  	s8 =	sshll.u32 s6, $0xA;
	s9 =	sshrl.u32 s1, $0x1;
	s6 =	sshll.u32 s6, $0x6  }
0xb: {  	s1 =	ssub.s32 s1, s9;
	s0 =	sadd.s32 s0, s6;
	s23 =	sadd.s32 s2, s6  }
0xc: {  	s6 =	simm.s32 $0x0;
	s7 =	sadd.s32 s3, s5;
	[dreg:$0x4] =	wrdreg s0  }
0xd: {  	s3 =	sadd.s32 $0x16E4400, s5;
	[dreg:$0x5] =	wrdreg s23;
	s30 =	smax.u32 s1, $0x1  }
0xe: {  	s5 =	sadd.s32 s8, s5;
	s24 =	sadd.s32 $0xE00, s7;
	[dreg:$0x9] =	wrdreg s30  }
0xf: {  	s23 =	simm.s32 $0xCC00;
	s25 =	sadd.s32 $0xAE00, s5;
	[dreg:$0x6] =	wrdreg s24  }
0x10: {  	s0 =	simm.s32 $0x12C00;
	s26 =	sadd.s32 $0x12E00, s5;
	[dreg:$0x7] =	wrdreg s25  }
0x11: {  	s1 =	simm.s32 $0x4400;
	s5 =	simm.s32 $0x3;
	[dreg:$0x8] =	wrdreg s26  }
0x12: {  	s24 =	simm.s32 $0x20;
	s25 =	simm.s32 $0x2C00;
	s26 =	simm.s32 $0x3C00  }
.LBB2_1:
0x13: {  	[dreg:$0xa] =	wrdreg s6  }
0x14: {  	s2 =	rddreg [dreg:$0x4]  }
0x15: {  	[tilespmem:s10], [sflag:$0x3] =	stream.linear.gather [hbm4b:s2+s10], $0x200, $0x38;
	[tilespmem:$0x1CC00] =	vst v63  }
0x16: {  	_ =	swait.ge [sflag:s5], $0x200  }
0x17: {  	[sflag:s5] =	ssyncset.done $0x0  }
0x18: {  	s13 =	simm.s32 $0x200;
	s12 =	rddreg [dreg:$0x5];
	[sflag:s5] =	ssyncadd.s32 $0xFFFFFE00  }
0x19: {  	[tilespmem:s13], [sflag:$0x3] =	stream.linear.gather [hbm4b:s12+s10], $0x200, $0x38;
	[tilespmem:$0x1CC00] =	vst v63  }
0x1a: {  	_ =	swait.ge [sflag:s5], $0x200  }
0x1b: {  	[sflag:s5] =	ssyncset.done $0x0  }
0x1c: {  	s7 =	simm.s32 $0x400;
	s15 =	rddreg [dreg:$0x6];
	[sflag:s5] =	ssyncadd.s32 $0xFFFFFE00  }
0x1d: {  	[tilespmem:s7], [sflag:$0x3] =	stream.linear.gather [hbm4b:s15+s10], $0x2800, $0x38;
	[tilespmem:$0x1CC00] =	vst v63  }
0x1e: {  	_ =	swait.ge [sflag:s5], $0x2800  }
0x1f: {  	[sflag:s5] =	ssyncset.done $0x0  }
0x20: {  	s30 =	simm.s32 $0x4C00;
	[sflag:s5] =	ssyncadd.s32 $0xFFFFD800  }
0x21: {  	[tilespmem:s30], [sflag:$0x1] =	stream.indirect.gather [hbm4b:s4+s14], $0x40, s7, s14, $0xb8;
	[tilespmem:$0x1CC00] =	vst v63  }
0x22: {  	s5 =	simm.s32 $0x480  }
0x23: {  	[tilespmem:s17], [sflag:$0x1] =	stream.indirect.gather [hbm4b:s4+s14], $0x40, s5, s14, $0xb8;
	[tilespmem:$0x1CC00] =	vst v63  }
0x24: {  	s7 =	simm.s32 $0x500  }
0x25: {  	[tilespmem:s19], [sflag:$0x1] =	stream.indirect.gather [hbm4b:s4+s14], $0x40, s7, s14, $0xb8;
	[tilespmem:$0x1CC00] =	vst v63  }
0x26: {  	s8 =	simm.s32 $0x580  }
0x27: {  	[tilespmem:s21], [sflag:$0x1] =	stream.indirect.gather [hbm4b:s4+s14], $0x40, s8, s14, $0xb8;
	[tilespmem:$0x1CC00] =	vst v63  }
0x28: {  	s9 =	simm.s32 $0x600  }
0x29: {  	[tilespmem:s23], [sflag:$0x1] =	stream.indirect.gather [hbm4b:s4+s14], $0x40, s9, s14, $0xb8;
	[tilespmem:$0x1CC00] =	vst v63  }
0x2a: {  	_ = 	snop  }
0x2b: {  	[tilespmem:s25], [sflag:$0x1] =	stream.indirect.gather [hbm4b:s3+s24], $0x40, s10, s24, $0xb8;
	[tilespmem:$0x1CC00] =	vst v63  }
0x2c: {  	_ = 	snop  }
0x2d: {  	[tilespmem:s26], [sflag:$0x1] =	stream.indirect.gather [hbm4b:s4+s24], $0x40, s13, s24, $0xb8;
	[tilespmem:$0x1CC00] =	vst v63  }
0x2e: {  	s10 =	simm.s32 $0x680  }
0x2f: {  	[tilespmem:s29], [sflag:$0x2] =	stream.indirect.gather [hbm4b:s4+s14], $0x40, s10, s14, $0xb8;
	[tilespmem:$0x1CC00] =	vst v63  }
0x30: {  	s11 =	simm.s32 $0x700  }
0x31: {  	[tilespmem:s31], [sflag:$0x2] =	stream.indirect.gather [hbm4b:s4+s14], $0x40, s11, s14, $0xb8;
	[tilespmem:$0x1CC00] =	vst v63  }
0x32: {  	s12 =	simm.s32 $0x780  }
0x33: {  	[tilespmem:s0], [sflag:$0x2] =	stream.indirect.gather [hbm4b:s4+s14], $0x40, s12, s14, $0xb8;
	[tilespmem:$0x1CC00] =	vst v63  }
0x34: {  	s13 =	simm.s32 $0x800  }
0x35: {  	[tilespmem:s18], [sflag:$0x2] =	stream.indirect.gather [hbm4b:s4+s14], $0x40, s13, s14, $0xb8;
	[tilespmem:$0x1CC00] =	vst v63  }
0x36: {  	s15 =	simm.s32 $0x880  }
0x37: {  	[tilespmem:s22], [sflag:$0x2] =	stream.indirect.gather [hbm4b:s4+s14], $0x40, s15, s14, $0xb8;
	[tilespmem:$0x1CC00] =	vst v63  }
0x38: {  	s6 =	simm.s32 $0x1AC00;
	s30 =	simm.s32 $0x220;
	s5 =	simm.s32 $0x18C00  }
0x39: {  	[tilespmem:s28], [sflag:$0x2] =	stream.indirect.gather [hbm4b:s3+s24], $0x40, s24, s24, $0xb8;
	[tilespmem:$0x1CC00] =	vst v63  }
0x3a: {  	s7 =	simm.s32 $0x0;
	s12 =	simm.s32 $0x18E00;
	s13 =	simm.s32 $0x1AE00  }
0x3b: {  	[tilespmem:s1], [sflag:$0x2] =	stream.indirect.gather [hbm4b:s4+s24], $0x40, s30, s24, $0xb8;
	[tilespmem:$0x1CC00] =	vst v63  }
.LBB2_2:
0x3c: {  	_ =	swait.ge [sflag:s16], $0xA000  }
0x3d: {  	[sflag:s16] =	ssyncset.done $0x0  }
0x3e: {  	[sflag:s16] =	ssyncadd.s32 $0xFFFF6000  }
0x3f: {  	_ =	swait.ge [sflag:s16], $0x800  }
0x40: {  	[sflag:s16] =	ssyncset.done $0x0  }
0x41: {  	[sflag:s16] =	ssyncadd.s32 $0xFFFFF800  }
0x42: {  	_ =	swait.ge [sflag:s16], $0x800  }
0x43: {  	[sflag:s16] =	ssyncset.done $0x0  }
0x44: {  	s8 =	simm.s32 $0x3C20;
	[sflag:s16] =	ssyncadd.s32 $0xFFFFF800  }
0x45: {  	v2 =	vld [tilespmem:s8+$0x10]  }
0x46: {  	s2 =	simm.s32 $0x4E80;
	v1 =	vld [tilespmem:s8+$0x0]  }
0x47: {  	v0 =	vld [tilespmem:s2+$0x230]  }
0x48: {  	v3 =	vld [tilespmem:s8+$0xFFFFFFE0]  }
0x49: {  	v4 =	vld [tilespmem:s8+$0xFFFFFFF0]  }
0x4a: {  	v5 =	vld [tilespmem:s2+$0x240]  }
0x4b: {  	v6 =	vld [tilespmem:s2+$0x250]  }
0x4c: {  	v7 =	vld [tilespmem:s2+$0x220]  }
0x4d: {  	v8 =	vld [tilespmem:s2+$0x200]  }
0x4e: {  	v9 =	vld [tilespmem:s2+$0x1E0]  }
0x4f: {  	v10 =	vld [tilespmem:s2+$0x1C0]  }
0x50: {  	v11 =	vld [tilespmem:s2+$0x1A0]  }
0x51: {  	v12 =	vld [tilespmem:s2+$0x180]  }
0x52: {  	v13 =	vld [tilespmem:s2+$0x160]  }
0x53: {  	v14 =	vld [tilespmem:s2+$0x140]  }
0x54: {  	v15 =	vld [tilespmem:s2+$0x120]  }
0x55: {  	v16 =	vld [tilespmem:s2+$0x100]  }
0x56: {  	v17 =	vld [tilespmem:s2+$0xE0]  }
0x57: {  	v18 =	vld [tilespmem:s2+$0xC0]  }
0x58: {  	v19 =	vld [tilespmem:s2+$0xA0]  }
0x59: {  	v20 =	vld [tilespmem:s2+$0x80]  }
0x5a: {  	v21 =	vld [tilespmem:s2+$0x60]  }
0x5b: {  	v22 =	vld [tilespmem:s2+$0x40]  }
0x5c: {  	v23 =	vld [tilespmem:s2+$0x20]  }
0x5d: {  	v24 =	vld [tilespmem:s2+$0x0]  }
0x5e: {  	v25 =	vld [tilespmem:s2+$0xFFFFFFE0]  }
0x5f: {  	v26 =	vld [tilespmem:s2+$0xFFFFFFC0]  }
0x60: {  	v27 =	vld [tilespmem:s2+$0xFFFFFFA0]  }
0x61: {  	v28 =	vld [tilespmem:s2+$0xFFFFFF80]  }
0x62: {  	v29 =	vld [tilespmem:s2+$0xFFFFFF60]  }
0x63: {  	v30 =	vld [tilespmem:s2+$0xFFFFFF40]  }
0x64: {  	v31 =	vld [tilespmem:s2+$0xFFFFFF20]  }
0x65: {  	v32 =	vld [tilespmem:s2+$0xFFFFFF00]  }
0x66: {  	v33 =	vld [tilespmem:s2+$0xFFFFFEE0]  }
0x67: {  	v34 =	vld [tilespmem:s2+$0xFFFFFEC0]  }
0x68: {  	v35 =	vld [tilespmem:s2+$0xFFFFFEA0]  }
0x69: {  	v36 =	vld [tilespmem:s2+$0xFFFFFE80]  }
0x6a: {  	v37 =	vld [tilespmem:s2+$0xFFFFFE60]  }
0x6b: {  	v38 =	vld [tilespmem:s2+$0xFFFFFE40]  }
0x6c: {  	v39 =	vld [tilespmem:s2+$0xFFFFFE20]  }
0x6d: {  	v40 =	vld [tilespmem:s2+$0xFFFFFDF0]  }
0x6e: {  	v41 =	vld [tilespmem:s2+$0xFFFFFE00]  }
0x6f: {  	v42 =	vld [tilespmem:s2+$0xFFFFFDE0]  }
0x70: {  	v43 =	vld [tilespmem:s2+$0xFFFFFDC0]  }
0x71: {  	v44 =	vld [tilespmem:s2+$0xFFFFFD80]  }
0x72: {  	v45 =	vld [tilespmem:s2+$0xFFFFFDD0]  }
0x73: {  	v46 =	vld [tilespmem:s2+$0xFFFFFD90]  }
0x74: {  	v47 =	vld [tilespmem:s2+$0xFFFFFDA0]  }
0x75: {  	v48 =	vld [tilespmem:s2+$0xFFFFFE10]  }
0x76: {  	v49 =	vld [tilespmem:s2+$0xFFFFFDB0]  }
0x77: {  	v50 =	vld [tilespmem:s2+$0xFFFFFE50]  }
0x78: {  	v57 =	vld [tilespmem:s2+$0xFFFFFE30];
	v43 =	vadd.f32 v43, v44;
	v56 =	vadd.f32 v45, v46  }
0x79: {  	v58 =	vld [tilespmem:s2+$0xFFFFFE90];
	v42 =	vadd.f32 v42, v47  }
0x7a: {  	v60 =	vld [tilespmem:s2+$0xFFFFFE70];
	v41 =	vadd.f32 v41, v43;
	v59 =	vadd.f32 v48, v56  }
0x7b: {  	v61 =	vld [tilespmem:s2+$0xFFFFFED0];
	v40 =	vadd.f32 v40, v49;
	v39 =	vadd.f32 v39, v42  }
0x7c: {  	v63 =	vld [tilespmem:s2+$0xFFFFFEB0];
	v38 =	vadd.f32 v38, v41;
	v62 =	vadd.f32 v50, v59  }
0x7d: {  	v47 =	vld [tilespmem:s2+$0xFFFFFF10];
	v40 =	vadd.f32 v57, v40;
	v37 =	vadd.f32 v37, v39  }
0x7e: {  	v49 =	vld [tilespmem:s2+$0xFFFFFEF0];
	v36 =	vadd.f32 v36, v38;
	v48 =	vadd.f32 v58, v62  }
0x7f: {  	v40 =	vadd.f32 v60, v40;
	v50 =	vld [tilespmem:s2+$0xFFFFFF50];
	v35 =	vadd.f32 v35, v37  }
0x80: {  	v52 =	vld [tilespmem:s2+$0xFFFFFF30];
	v34 =	vadd.f32 v34, v36;
	v51 =	vadd.f32 v61, v48  }
0x81: {  	v53 =	vld [tilespmem:s2+$0xFFFFFF90];
	v40 =	vadd.f32 v63, v40;
	v33 =	vadd.f32 v33, v35  }
0x82: {  	v55 =	vld [tilespmem:s2+$0xFFFFFF70];
	v32 =	vadd.f32 v32, v34;
	v54 =	vadd.f32 v47, v51  }
0x83: {  	v57 =	vld [tilespmem:s2+$0xFFFFFFD0];
	v56 =	vadd.f32 v49, v40;
	v31 =	vadd.f32 v31, v33  }
0x84: {  	v59 =	vld [tilespmem:s2+$0xFFFFFFB0];
	v30 =	vadd.f32 v30, v32;
	v58 =	vadd.f32 v50, v54  }
0x85: {  	v60 =	vadd.f32 v52, v56;
	v29 =	vadd.f32 v29, v31;
	v31 =	vld [tilespmem:s2+$0x10]  }
0x86: {  	v61 =	vld [tilespmem:s2+$0xFFFFFFF0];
	v28 =	vadd.f32 v28, v30;
	v30 =	vadd.f32 v53, v58  }
0x87: {  	v62 =	vadd.f32 v55, v60;
	v27 =	vadd.f32 v27, v29;
	v29 =	vld [tilespmem:s2+$0x50]  }
0x88: {  	v26 =	vadd.f32 v26, v28;
	v28 =	vadd.f32 v57, v30;
	v30 =	vld [tilespmem:s2+$0x30]  }
0x89: {  	v63 =	vadd.f32 v59, v62;
	v25 =	vadd.f32 v25, v27;
	v27 =	vld [tilespmem:s2+$0x90]  }
0x8a: {  	v24 =	vadd.f32 v24, v26;
	v26 =	vadd.f32 v31, v28;
	v28 =	vld [tilespmem:s2+$0x70]  }
0x8b: {  	v31 =	vadd.f32 v61, v63;
	v23 =	vadd.f32 v23, v25;
	v25 =	vld [tilespmem:s2+$0xD0]  }
0x8c: {  	v22 =	vadd.f32 v22, v24;
	v24 =	vadd.f32 v29, v26;
	v26 =	vld [tilespmem:s2+$0xB0]  }
0x8d: {  	v21 =	vadd.f32 v21, v23;
	v23 =	vld [tilespmem:s2+$0x110];
	v29 =	vadd.f32 v30, v31  }
0x8e: {  	v20 =	vadd.f32 v20, v22;
	v22 =	vadd.f32 v27, v24;
	v24 =	vld [tilespmem:s2+$0xF0]  }
0x8f: {  	v19 =	vadd.f32 v19, v21;
	v21 =	vld [tilespmem:s2+$0x150];
	v27 =	vadd.f32 v28, v29  }
0x90: {  	v18 =	vadd.f32 v18, v20;
	v20 =	vadd.f32 v25, v22;
	v22 =	vld [tilespmem:s2+$0x130]  }
0x91: {  	v17 =	vadd.f32 v17, v19;
	v19 =	vld [tilespmem:s2+$0x190];
	v25 =	vadd.f32 v26, v27  }
0x92: {  	v16 =	vadd.f32 v16, v18;
	v18 =	vadd.f32 v23, v20;
	v20 =	vld [tilespmem:s2+$0x170]  }
0x93: {  	v15 =	vadd.f32 v15, v17;
	v17 =	vld [tilespmem:s2+$0x1D0];
	v23 =	vadd.f32 v24, v25  }
0x94: {  	v14 =	vadd.f32 v14, v16;
	v16 =	vadd.f32 v21, v18;
	v18 =	vld [tilespmem:s2+$0x1B0]  }
0x95: {  	v13 =	vadd.f32 v13, v15;
	v15 =	vld [tilespmem:s2+$0x210];
	v21 =	vadd.f32 v22, v23  }
0x96: {  	s8 =	simm.s32 $0x2C20;
	v12 =	vadd.f32 v12, v14;
	v14 =	vadd.f32 v19, v16;
	v16 =	vld [tilespmem:s2+$0x1F0]  }
0x97: {  	v11 =	vadd.f32 v11, v13;
	v13 =	vld [tilespmem:s8+$0xFFFFFFE0];
	v19 =	vadd.f32 v20, v21  }
0x98: {  	v10 =	vadd.f32 v10, v12;
	v12 =	vadd.f32 v17, v14;
	v14 =	vld [tilespmem:s8+$0xFFFFFFF0]  }
0x99: {  	v9 =	vadd.f32 v9, v11;
	v11 =	vld [tilespmem:s2+$0x260];
	v17 =	vadd.f32 v18, v19  }
0x9a: {  	v8 =	vadd.f32 v8, v10;
	v10 =	vadd.f32 v15, v12;
	v12 =	vld [tilespmem:s8+$0x0]  }
0x9b: {  	v7 =	vadd.f32 v7, v9;
	v9 =	vld [tilespmem:s2+$0x270];
	v15 =	vadd.f32 v16, v17  }
0x9c: {  	v5 =	vadd.f32 v5, v8;
	v6 =	vadd.f32 v6, v10;
	v8 =	vld [tilespmem:s8+$0x10]  }
0x9d: {  	v3 =	vmul.f32 v3, v13;
	v10 =	vadd.f32 v0, v15;
	v4 =	vmul.f32 v4, v14  }
0x9e: {  	v7 =	vadd.f32 v11, v7;
	v5 =	vmul.f32 v13, v5;
	v6 =	vmul.f32 v14, v6  }
0x9f: {  	v0 =	vmov s5;
	v3 =	vadd.f32 v4, v3;
	v4 =	vmul.f32 v1, v12  }
0xa0: {  	v9 =	vadd.f32 v9, v10;
	v5 =	vadd.f32 v6, v5;
	v6 =	vmul.f32 v12, v7  }
0xa1: {  	v1 =	vmov s6;
	v3 =	vadd.f32 v4, v3;
	v2 =	vmul.f32 v2, v8  }
0xa2: {  	v4 =	vadd.f32 v6, v5;
	v5 =	vmul.f32 v8, v9  }
0xa3: {  	v2 =	vadd.f32 v2, v3  }
0xa4: {  	s15 =	simm.s32 $0x0;
	v3 =	vadd.f32 v5, v4  }
0xa5: {  	[tilespmem:v0+s15+$0x0 ss:$0x1] =	vst.idx.msk $0xffff, v2  }
0xa6: {  	s2 =	simm.s32 $0x3C60;
	[tilespmem:v1+s15+$0x0 ss:$0x1] =	vst.idx.msk $0xffff, v3  }
0xa7: {  	v2 =	vld [tilespmem:s2+$0x10]  }
0xa8: {  	s9 =	simm.s32 $0x5380;
	v3 =	vld [tilespmem:s2+$0x0]  }
0xa9: {  	v4 =	vld [tilespmem:s9+$0x230]  }
0xaa: {  	v5 =	vld [tilespmem:s2+$0xFFFFFFE0]  }
0xab: {  	v6 =	vld [tilespmem:s2+$0xFFFFFFF0]  }
0xac: {  	v7 =	vld [tilespmem:s9+$0x240]  }
0xad: {  	v8 =	vld [tilespmem:s9+$0x250]  }
0xae: {  	v9 =	vld [tilespmem:s9+$0x220]  }
0xaf: {  	v10 =	vld [tilespmem:s9+$0x200]  }
0xb0: {  	v11 =	vld [tilespmem:s9+$0x1E0]  }
0xb1: {  	v12 =	vld [tilespmem:s9+$0x1C0]  }
0xb2: {  	v13 =	vld [tilespmem:s9+$0x1A0]  }
0xb3: {  	v14 =	vld [tilespmem:s9+$0x180]  }
0xb4: {  	v15 =	vld [tilespmem:s9+$0x160]  }
0xb5: {  	v16 =	vld [tilespmem:s9+$0x140]  }
0xb6: {  	v17 =	vld [tilespmem:s9+$0x120]  }
0xb7: {  	v18 =	vld [tilespmem:s9+$0x100]  }
0xb8: {  	v19 =	vld [tilespmem:s9+$0xE0]  }
0xb9: {  	v20 =	vld [tilespmem:s9+$0xC0]  }
0xba: {  	v21 =	vld [tilespmem:s9+$0xA0]  }
0xbb: {  	v22 =	vld [tilespmem:s9+$0x80]  }
0xbc: {  	v23 =	vld [tilespmem:s9+$0x60]  }
0xbd: {  	v24 =	vld [tilespmem:s9+$0x40]  }
0xbe: {  	v25 =	vld [tilespmem:s9+$0x20]  }
0xbf: {  	v26 =	vld [tilespmem:s9+$0x0]  }
0xc0: {  	v27 =	vld [tilespmem:s9+$0xFFFFFFE0]  }
0xc1: {  	v28 =	vld [tilespmem:s9+$0xFFFFFFC0]  }
0xc2: {  	v29 =	vld [tilespmem:s9+$0xFFFFFFA0]  }
0xc3: {  	v30 =	vld [tilespmem:s9+$0xFFFFFF80]  }
0xc4: {  	v31 =	vld [tilespmem:s9+$0xFFFFFF60]  }
0xc5: {  	v32 =	vld [tilespmem:s9+$0xFFFFFF40]  }
0xc6: {  	v33 =	vld [tilespmem:s9+$0xFFFFFF20]  }
0xc7: {  	v34 =	vld [tilespmem:s9+$0xFFFFFF00]  }
0xc8: {  	v35 =	vld [tilespmem:s9+$0xFFFFFEE0]  }
0xc9: {  	v36 =	vld [tilespmem:s9+$0xFFFFFEC0]  }
0xca: {  	v37 =	vld [tilespmem:s9+$0xFFFFFEA0]  }
0xcb: {  	v38 =	vld [tilespmem:s9+$0xFFFFFE80]  }
0xcc: {  	v39 =	vld [tilespmem:s9+$0xFFFFFE60]  }
0xcd: {  	v40 =	vld [tilespmem:s9+$0xFFFFFE40]  }
0xce: {  	v41 =	vld [tilespmem:s9+$0xFFFFFE20]  }
0xcf: {  	v42 =	vld [tilespmem:s9+$0xFFFFFDF0]  }
0xd0: {  	v43 =	vld [tilespmem:s9+$0xFFFFFE00]  }
0xd1: {  	v44 =	vld [tilespmem:s9+$0xFFFFFDE0]  }
0xd2: {  	v45 =	vld [tilespmem:s9+$0xFFFFFDC0]  }
0xd3: {  	v46 =	vld [tilespmem:s9+$0xFFFFFD80]  }
0xd4: {  	v47 =	vld [tilespmem:s9+$0xFFFFFDD0]  }
0xd5: {  	s10 =	simm.s32 $0x40;
	s30 =	simm.s32 $0x80;
	v48 =	vld [tilespmem:s9+$0xFFFFFD90]  }
.LBB2_3:
0xd6: {  	p0 =	sne.s32 s30, $0x7C0;
	v49 =	vld [tilespmem:s9+$0xFFFFFDA0]  }
0xd7: {  	v50 =	vld [tilespmem:s9+$0xFFFFFE10]  }
0xd8: {  	v51 =	vld [tilespmem:s9+$0xFFFFFDB0]  }
0xd9: {  	v52 =	vld [tilespmem:s9+$0xFFFFFE50]  }
0xda: {  	v45 =	vadd.f32 v45, v46;
	v46 =	vadd.f32 v47, v48;
	v47 =	vld [tilespmem:s9+$0xFFFFFE30]  }
0xdb: {  	v44 =	vadd.f32 v44, v49;
	v48 =	vld [tilespmem:s9+$0xFFFFFE90]  }
0xdc: {  	v43 =	vadd.f32 v43, v45;
	v45 =	vadd.f32 v50, v46;
	v46 =	vld [tilespmem:s9+$0xFFFFFE70]  }
0xdd: {  	v42 =	vadd.f32 v42, v51;
	v41 =	vadd.f32 v41, v44;
	v44 =	vld [tilespmem:s9+$0xFFFFFED0]  }
0xde: {  	v40 =	vadd.f32 v40, v43;
	v43 =	vadd.f32 v52, v45;
	v45 =	vld [tilespmem:s9+$0xFFFFFEB0]  }
0xdf: {  	v42 =	vadd.f32 v47, v42;
	v39 =	vadd.f32 v39, v41;
	v41 =	vld [tilespmem:s9+$0xFFFFFF10]  }
0xe0: {  	v38 =	vadd.f32 v38, v40;
	v40 =	vadd.f32 v48, v43;
	v43 =	vld [tilespmem:s9+$0xFFFFFEF0]  }
0xe1: {  	v42 =	vadd.f32 v46, v42;
	v37 =	vadd.f32 v37, v39;
	v39 =	vld [tilespmem:s9+$0xFFFFFF50]  }
0xe2: {  	v36 =	vadd.f32 v36, v38;
	v38 =	vadd.f32 v44, v40;
	v40 =	vld [tilespmem:s9+$0xFFFFFF30]  }
0xe3: {  	v42 =	vadd.f32 v45, v42;
	v35 =	vadd.f32 v35, v37;
	v37 =	vld [tilespmem:s9+$0xFFFFFF90]  }
0xe4: {  	v34 =	vadd.f32 v34, v36;
	v36 =	vadd.f32 v41, v38;
	v38 =	vld [tilespmem:s9+$0xFFFFFF70]  }
0xe5: {  	v41 =	vadd.f32 v43, v42;
	v33 =	vadd.f32 v33, v35;
	v35 =	vld [tilespmem:s9+$0xFFFFFFD0]  }
0xe6: {  	v32 =	vadd.f32 v32, v34;
	v34 =	vadd.f32 v39, v36;
	v36 =	vld [tilespmem:s9+$0xFFFFFFB0]  }
0xe7: {  	v39 =	vadd.f32 v40, v41;
	v31 =	vadd.f32 v31, v33;
	v33 =	vld [tilespmem:s9+$0x10]  }
0xe8: {  	v30 =	vadd.f32 v30, v32;
	v32 =	vadd.f32 v37, v34;
	v34 =	vld [tilespmem:s9+$0xFFFFFFF0]  }
0xe9: {  	v37 =	vadd.f32 v38, v39;
	v29 =	vadd.f32 v29, v31;
	v31 =	vld [tilespmem:s9+$0x50]  }
0xea: {  	v28 =	vadd.f32 v28, v30;
	v30 =	vadd.f32 v35, v32;
	v32 =	vld [tilespmem:s9+$0x30]  }
0xeb: {  	v35 =	vadd.f32 v36, v37;
	v27 =	vadd.f32 v27, v29;
	v29 =	vld [tilespmem:s9+$0x90]  }
0xec: {  	v26 =	vadd.f32 v26, v28;
	v28 =	vadd.f32 v33, v30;
	v30 =	vld [tilespmem:s9+$0x70]  }
0xed: {  	v33 =	vadd.f32 v34, v35;
	v25 =	vadd.f32 v25, v27;
	v27 =	vld [tilespmem:s9+$0xD0]  }
0xee: {  	v24 =	vadd.f32 v24, v26;
	v26 =	vadd.f32 v31, v28;
	v28 =	vld [tilespmem:s9+$0xB0]  }
0xef: {  	v31 =	vadd.f32 v32, v33;
	v23 =	vadd.f32 v23, v25;
	v25 =	vld [tilespmem:s9+$0x110]  }
0xf0: {  	v22 =	vadd.f32 v22, v24;
	v24 =	vadd.f32 v29, v26;
	v26 =	vld [tilespmem:s9+$0xF0]  }
0xf1: {  	v29 =	vadd.f32 v30, v31;
	v21 =	vadd.f32 v21, v23;
	v23 =	vld [tilespmem:s9+$0x150]  }
0xf2: {  	v20 =	vadd.f32 v20, v22;
	v22 =	vadd.f32 v27, v24;
	v24 =	vld [tilespmem:s9+$0x130]  }
0xf3: {  	v27 =	vadd.f32 v28, v29;
	v19 =	vadd.f32 v19, v21;
	v21 =	vld [tilespmem:s9+$0x190]  }
0xf4: {  	v18 =	vadd.f32 v18, v20;
	v20 =	vadd.f32 v25, v22;
	v22 =	vld [tilespmem:s9+$0x170]  }
0xf5: {  	v25 =	vadd.f32 v26, v27;
	v17 =	vadd.f32 v17, v19;
	v19 =	vld [tilespmem:s9+$0x1D0]  }
0xf6: {  	v16 =	vadd.f32 v16, v18;
	v18 =	vadd.f32 v23, v20;
	v20 =	vld [tilespmem:s9+$0x1B0]  }
0xf7: {  	v23 =	vadd.f32 v24, v25;
	v15 =	vadd.f32 v15, v17;
	v17 =	vld [tilespmem:s9+$0x210]  }
0xf8: {  	s8 =	sadd.s32 $0x40, s8;
	v14 =	vadd.f32 v14, v16;
	v16 =	vadd.f32 v21, v18;
	v18 =	vld [tilespmem:s9+$0x1F0]  }
0xf9: {  	v21 =	vadd.f32 v22, v23;
	v13 =	vadd.f32 v13, v15;
	v15 =	vld [tilespmem:s8+$0xFFFFFFE0]  }
0xfa: {  	v12 =	vadd.f32 v12, v14;
	v14 =	vadd.f32 v19, v16;
	v16 =	vld [tilespmem:s8+$0xFFFFFFF0]  }
0xfb: {  	v19 =	vadd.f32 v20, v21;
	v11 =	vadd.f32 v11, v13;
	v13 =	vld [tilespmem:s9+$0x260]  }
0xfc: {  	v10 =	vadd.f32 v10, v12;
	v12 =	vadd.f32 v17, v14;
	v14 =	vld [tilespmem:s8+$0x0]  }
0xfd: {  	v17 =	vadd.f32 v18, v19;
	v9 =	vadd.f32 v9, v11;
	v11 =	vld [tilespmem:s9+$0x270]  }
0xfe: {  	v7 =	vadd.f32 v7, v10;
	v8 =	vadd.f32 v8, v12;
	v10 =	vld [tilespmem:s8+$0x10]  }
0xff: {  	v5 =	vmul.f32 v5, v15;
	v4 =	vadd.f32 v4, v17;
	v6 =	vmul.f32 v6, v16  }
0x100: {  	v7 =	vmul.f32 v15, v7;
	v9 =	vadd.f32 v13, v9;
	v8 =	vmul.f32 v16, v8  }
0x101: {  	v5 =	vadd.f32 v6, v5;
	v3 =	vmul.f32 v3, v14  }
0x102: {  	v4 =	vadd.f32 v11, v4;
	v6 =	vadd.f32 v8, v7;
	v7 =	vmul.f32 v14, v9  }
0x103: {  	v3 =	vadd.f32 v3, v5;
	v2 =	vmul.f32 v2, v10  }
0x104: {  	v5 =	vadd.f32 v7, v6;
	v4 =	vmul.f32 v10, v4  }
0x105: {  	v2 =	vadd.f32 v2, v3  }
0x106: {  	s11 =	sshra.s32 s10, $0x2;
	s10 =	smov.u32 s30;
	v3 =	vadd.f32 v4, v5  }
0x107: {  	[tilespmem:v0+s11+$0x0 ss:$0x1] =	vst.idx.msk $0xffff, v2  }
0x108: {  	s2 =	sadd.s32 $0x40, s2;
	[tilespmem:v1+s11+$0x0 ss:$0x1] =	vst.idx.msk $0xffff, v3  }
0x109: {  	v2 =	vld [tilespmem:s2+$0x10]  }
0x10a: {  	s9 =	sadd.s32 $0x500, s9;
	v3 =	vld [tilespmem:s2+$0x0]  }
0x10b: {  	v4 =	vld [tilespmem:s9+$0x230]  }
0x10c: {  	v5 =	vld [tilespmem:s2+$0xFFFFFFE0]  }
0x10d: {  	v6 =	vld [tilespmem:s2+$0xFFFFFFF0]  }
0x10e: {  	v7 =	vld [tilespmem:s9+$0x240]  }
0x10f: {  	v8 =	vld [tilespmem:s9+$0x250]  }
0x110: {  	v9 =	vld [tilespmem:s9+$0x220]  }
0x111: {  	v10 =	vld [tilespmem:s9+$0x200]  }
0x112: {  	v11 =	vld [tilespmem:s9+$0x1E0]  }
0x113: {  	v12 =	vld [tilespmem:s9+$0x1C0]  }
0x114: {  	v13 =	vld [tilespmem:s9+$0x1A0]  }
0x115: {  	v14 =	vld [tilespmem:s9+$0x180]  }
0x116: {  	v15 =	vld [tilespmem:s9+$0x160]  }
0x117: {  	v16 =	vld [tilespmem:s9+$0x140]  }
0x118: {  	v17 =	vld [tilespmem:s9+$0x120]  }
0x119: {  	v18 =	vld [tilespmem:s9+$0x100]  }
0x11a: {  	v19 =	vld [tilespmem:s9+$0xE0]  }
0x11b: {  	v20 =	vld [tilespmem:s9+$0xC0]  }
0x11c: {  	v21 =	vld [tilespmem:s9+$0xA0]  }
0x11d: {  	v22 =	vld [tilespmem:s9+$0x80]  }
0x11e: {  	v23 =	vld [tilespmem:s9+$0x60]  }
0x11f: {  	v24 =	vld [tilespmem:s9+$0x40]  }
0x120: {  	v25 =	vld [tilespmem:s9+$0x20]  }
0x121: {  	v26 =	vld [tilespmem:s9+$0x0]  }
0x122: {  	v27 =	vld [tilespmem:s9+$0xFFFFFFE0]  }
0x123: {  	v28 =	vld [tilespmem:s9+$0xFFFFFFC0]  }
0x124: {  	v29 =	vld [tilespmem:s9+$0xFFFFFFA0]  }
0x125: {  	v30 =	vld [tilespmem:s9+$0xFFFFFF80]  }
0x126: {  	v31 =	vld [tilespmem:s9+$0xFFFFFF60]  }
0x127: {  	v32 =	vld [tilespmem:s9+$0xFFFFFF40]  }
0x128: {  	v33 =	vld [tilespmem:s9+$0xFFFFFF20]  }
0x129: {  	v34 =	vld [tilespmem:s9+$0xFFFFFF00]  }
0x12a: {  	v35 =	vld [tilespmem:s9+$0xFFFFFEE0]  }
0x12b: {  	v36 =	vld [tilespmem:s9+$0xFFFFFEC0]  }
0x12c: {  	v37 =	vld [tilespmem:s9+$0xFFFFFEA0]  }
0x12d: {  	v38 =	vld [tilespmem:s9+$0xFFFFFE80]  }
0x12e: {  	v39 =	vld [tilespmem:s9+$0xFFFFFE60]  }
0x12f: {  	v40 =	vld [tilespmem:s9+$0xFFFFFE40]  }
0x130: {  	v41 =	vld [tilespmem:s9+$0xFFFFFE20]  }
0x131: {  	v42 =	vld [tilespmem:s9+$0xFFFFFDF0]  }
0x132: {  	v43 =	vld [tilespmem:s9+$0xFFFFFE00]  }
.Ltmp0:
0x133: {  	v44 =	vld [tilespmem:s9+$0xFFFFFDE0];
	(pc) =	sbr.rel @p0 .LBB2_3-.Ltmp0, $4  }
0x134: {  	v45 =	vld [tilespmem:s9+$0xFFFFFDC0]  }
0x135: {  	v46 =	vld [tilespmem:s9+$0xFFFFFD80]  }
0x136: {  	v47 =	vld [tilespmem:s9+$0xFFFFFDD0]  }
0x137: {  	s30 =	sadd.s32 $0x40, s30;
	v48 =	vld [tilespmem:s9+$0xFFFFFD90]  }
0x138: {  	v49 =	vld [tilespmem:s9+$0xFFFFFDA0]  }
0x139: {  	v50 =	vld [tilespmem:s9+$0xFFFFFE10]  }
0x13a: {  	v51 =	vld [tilespmem:s9+$0xFFFFFDB0]  }
0x13b: {  	v52 =	vld [tilespmem:s9+$0xFFFFFE50];
	v45 =	vadd.f32 v45, v46  }
0x13c: {  	v62 =	vld [tilespmem:s9+$0xFFFFFE30];
	v61 =	vadd.f32 v47, v48  }
0x13d: {  	v63 =	vld [tilespmem:s9+$0xFFFFFE90];
	v43 =	vadd.f32 v43, v45;
	v44 =	vadd.f32 v44, v49  }
0x13e: {  	v54 =	vld [tilespmem:s9+$0xFFFFFE70];
	v53 =	vadd.f32 v50, v61  }
0x13f: {  	v55 =	vld [tilespmem:s9+$0xFFFFFED0];
	v40 =	vadd.f32 v40, v43;
	v41 =	vadd.f32 v41, v44  }
0x140: {  	v57 =	vld [tilespmem:s9+$0xFFFFFEB0];
	v42 =	vadd.f32 v42, v51;
	v56 =	vadd.f32 v52, v53  }
0x141: {  	v58 =	vld [tilespmem:s9+$0xFFFFFF10];
	v38 =	vadd.f32 v38, v40;
	v39 =	vadd.f32 v39, v41  }
0x142: {  	v60 =	vld [tilespmem:s9+$0xFFFFFEF0];
	v42 =	vadd.f32 v62, v42;
	v59 =	vadd.f32 v63, v56  }
0x143: {  	v61 =	vld [tilespmem:s9+$0xFFFFFF50];
	v36 =	vadd.f32 v36, v38;
	v37 =	vadd.f32 v37, v39  }
0x144: {  	v44 =	vld [tilespmem:s9+$0xFFFFFF90];
	v42 =	vadd.f32 v54, v42;
	v62 =	vadd.f32 v55, v59  }
0x145: {  	v63 =	vld [tilespmem:s9+$0xFFFFFF30];
	v34 =	vadd.f32 v34, v36;
	v35 =	vadd.f32 v35, v37  }
0x146: {  	v46 =	vld [tilespmem:s9+$0xFFFFFF70];
	v42 =	vadd.f32 v57, v42;
	v45 =	vadd.f32 v58, v62  }
0x147: {  	v48 =	vld [tilespmem:s9+$0xFFFFFFD0];
	v32 =	vadd.f32 v32, v34;
	v33 =	vadd.f32 v33, v35  }
0x148: {  	v50 =	vld [tilespmem:s9+$0xFFFFFFB0];
	v47 =	vadd.f32 v60, v42;
	v49 =	vadd.f32 v61, v45  }
0x149: {  	v52 =	vld [tilespmem:s9+$0x10];
	v30 =	vadd.f32 v30, v32;
	v31 =	vadd.f32 v31, v33  }
0x14a: {  	v54 =	vld [tilespmem:s9+$0xFFFFFFF0];
	v51 =	vadd.f32 v63, v47;
	v53 =	vadd.f32 v44, v49  }
0x14b: {  	v28 =	vadd.f32 v28, v30;
	v29 =	vadd.f32 v29, v31;
	v31 =	vld [tilespmem:s9+$0x50]  }
0x14c: {  	v56 =	vld [tilespmem:s9+$0x30];
	v55 =	vadd.f32 v46, v51;
	v30 =	vadd.f32 v48, v53  }
0x14d: {  	v26 =	vadd.f32 v26, v28;
	v27 =	vadd.f32 v27, v29;
	v29 =	vld [tilespmem:s9+$0x90]  }
0x14e: {  	v57 =	vadd.f32 v50, v55;
	v28 =	vadd.f32 v52, v30;
	v30 =	vld [tilespmem:s9+$0x70]  }
0x14f: {  	v24 =	vadd.f32 v24, v26;
	v25 =	vadd.f32 v25, v27;
	v27 =	vld [tilespmem:s9+$0xD0]  }
0x150: {  	v58 =	vadd.f32 v54, v57;
	v26 =	vadd.f32 v31, v28;
	v28 =	vld [tilespmem:s9+$0xB0]  }
0x151: {  	v22 =	vadd.f32 v22, v24;
	v23 =	vadd.f32 v23, v25;
	v25 =	vld [tilespmem:s9+$0x110]  }
0x152: {  	v31 =	vadd.f32 v56, v58;
	v24 =	vadd.f32 v29, v26;
	v26 =	vld [tilespmem:s9+$0xF0]  }
0x153: {  	v20 =	vadd.f32 v20, v22;
	v21 =	vadd.f32 v21, v23;
	v23 =	vld [tilespmem:s9+$0x150]  }
0x154: {  	v29 =	vadd.f32 v30, v31;
	v22 =	vadd.f32 v27, v24;
	v24 =	vld [tilespmem:s9+$0x130]  }
0x155: {  	v18 =	vadd.f32 v18, v20;
	v19 =	vadd.f32 v19, v21;
	v21 =	vld [tilespmem:s9+$0x190]  }
0x156: {  	v27 =	vadd.f32 v28, v29;
	v20 =	vadd.f32 v25, v22;
	v22 =	vld [tilespmem:s9+$0x170]  }
0x157: {  	v16 =	vadd.f32 v16, v18;
	v17 =	vadd.f32 v17, v19;
	v19 =	vld [tilespmem:s9+$0x1D0]  }
0x158: {  	v25 =	vadd.f32 v26, v27;
	v18 =	vadd.f32 v23, v20;
	v20 =	vld [tilespmem:s9+$0x1B0]  }
0x159: {  	v14 =	vadd.f32 v14, v16;
	v15 =	vadd.f32 v15, v17;
	v17 =	vld [tilespmem:s9+$0x210]  }
0x15a: {  	s2 =	sadd.s32 $0x40, s8;
	v23 =	vadd.f32 v24, v25;
	v16 =	vadd.f32 v21, v18;
	v18 =	vld [tilespmem:s9+$0x1F0]  }
0x15b: {  	v12 =	vadd.f32 v12, v14;
	v13 =	vadd.f32 v13, v15;
	v15 =	vld [tilespmem:s2+$0xFFFFFFE0]  }
0x15c: {  	v21 =	vadd.f32 v22, v23;
	v14 =	vadd.f32 v19, v16;
	v16 =	vld [tilespmem:s2+$0xFFFFFFF0]  }
0x15d: {  	v10 =	vadd.f32 v10, v12;
	v11 =	vadd.f32 v11, v13;
	v13 =	vld [tilespmem:s9+$0x260]  }
0x15e: {  	v19 =	vadd.f32 v20, v21;
	v12 =	vadd.f32 v17, v14;
	v14 =	vld [tilespmem:s2+$0x0]  }
0x15f: {  	v7 =	vadd.f32 v7, v10;
	v9 =	vadd.f32 v9, v11;
	v11 =	vld [tilespmem:s9+$0x270]  }
0x160: {  	v10 =	vld [tilespmem:s2+$0x10];
	v17 =	vadd.f32 v18, v19;
	v8 =	vadd.f32 v8, v12;
	v5 =	vmul.f32 v5, v15  }
0x161: {  	v7 =	vmul.f32 v15, v7;
	v6 =	vmul.f32 v6, v16  }
0x162: {  	v4 =	vadd.f32 v4, v17;
	v9 =	vadd.f32 v13, v9;
	v8 =	vmul.f32 v16, v8  }
0x163: {  	v5 =	vadd.f32 v6, v5;
	v3 =	vmul.f32 v3, v14  }
0x164: {  	v4 =	vadd.f32 v11, v4;
	v6 =	vadd.f32 v8, v7;
	v7 =	vmul.f32 v14, v9  }
0x165: {  	s8 =	sshll.u32 s7, $0x1;
	v2 =	vmul.f32 v2, v10;
	v3 =	vadd.f32 v3, v5  }
0x166: {  	s2 =	sadd.s32 $0x2, s8;
	v5 =	vadd.f32 v7, v6;
	v4 =	vmul.f32 v10, v4  }
0x167: {  	s11 =	smul.u32 $0xA00, s2;
	v2 =	vadd.f32 v2, v3  }
0x168: {  	s10 =	sshra.s32 s10, $0x2;
	v3 =	vadd.f32 v4, v5  }
0x169: {  	s9 =	sshra.s32 s11, $0x2;
	[tilespmem:v0+s10+$0x0 ss:$0x1] =	vst.idx.msk $0xffff, v2  }
0x16a: {  	s11 =	simm.s32 $0x4C00;
	s15 =	sadd.s32 $0x400, s9;
	[tilespmem:v1+s10+$0x0 ss:$0x1] =	vst.idx.msk $0xffff, v3  }
0x16b: {  	[tilespmem:s11], [sflag:$0x1] =	stream.indirect.gather [hbm4b:s4+s14], $0x40, s15, s14, $0xb8;
	[tilespmem:$0x1CC00] =	vst v63  }
0x16c: {  	s15 =	sadd.s32 $0x480, s9  }
0x16d: {  	[tilespmem:s17], [sflag:$0x1] =	stream.indirect.gather [hbm4b:s4+s14], $0x40, s15, s14, $0xb8;
	[tilespmem:$0x1CC00] =	vst v63  }
0x16e: {  	s11 =	sadd.s32 $0x500, s9  }
0x16f: {  	[tilespmem:s19], [sflag:$0x1] =	stream.indirect.gather [hbm4b:s4+s14], $0x40, s11, s14, $0xb8;
	[tilespmem:$0x1CC00] =	vst v63  }
0x170: {  	s15 =	sadd.s32 $0x580, s9  }
0x171: {  	[tilespmem:s21], [sflag:$0x1] =	stream.indirect.gather [hbm4b:s4+s14], $0x40, s15, s14, $0xb8;
	[tilespmem:$0x1CC00] =	vst v63  }
0x172: {  	s9 =	sadd.s32 $0x600, s9  }
0x173: {  	[tilespmem:s23], [sflag:$0x1] =	stream.indirect.gather [hbm4b:s4+s14], $0x40, s9, s14, $0xb8;
	[tilespmem:$0x1CC00] =	vst v63  }
0x174: {  	s2 =	sshll.u32 s2, $0x5  }
0x175: {  	[tilespmem:s25], [sflag:$0x1] =	stream.indirect.gather [hbm4b:s3+s24], $0x40, s2, s24, $0xb8;
	[tilespmem:$0x1CC00] =	vst v63  }
0x176: {  	s2 =	sadd.s32 $0x200, s2  }
0x177: {  	[tilespmem:s26], [sflag:$0x1] =	stream.indirect.gather [hbm4b:s4+s24], $0x40, s2, s24, $0xb8;
	[tilespmem:$0x1CC00] =	vst v63  }
0x178: {  	_ =	swait.ge [sflag:s20], $0xA000  }
0x179: {  	[sflag:s20] =	ssyncset.done $0x0  }
0x17a: {  	[sflag:s20] =	ssyncadd.s32 $0xFFFF6000  }
0x17b: {  	_ =	swait.ge [sflag:s20], $0x800  }
0x17c: {  	[sflag:s20] =	ssyncset.done $0x0  }
0x17d: {  	[sflag:s20] =	ssyncadd.s32 $0xFFFFF800  }
0x17e: {  	_ =	swait.ge [sflag:s20], $0x800  }
0x17f: {  	[sflag:s20] =	ssyncset.done $0x0  }
0x180: {  	s10 =	simm.s32 $0x4420;
	[sflag:s20] =	ssyncadd.s32 $0xFFFFF800  }
0x181: {  	v2 =	vld [tilespmem:s10+$0x10]  }
0x182: {  	s11 =	simm.s32 $0xEE80;
	v1 =	vld [tilespmem:s10+$0x0]  }
0x183: {  	v0 =	vld [tilespmem:s11+$0x230]  }
0x184: {  	v3 =	vld [tilespmem:s10+$0xFFFFFFE0]  }
0x185: {  	v4 =	vld [tilespmem:s10+$0xFFFFFFF0]  }
0x186: {  	v5 =	vld [tilespmem:s11+$0x240]  }
0x187: {  	v6 =	vld [tilespmem:s11+$0x250]  }
0x188: {  	v7 =	vld [tilespmem:s11+$0x220]  }
0x189: {  	v8 =	vld [tilespmem:s11+$0x200]  }
0x18a: {  	v9 =	vld [tilespmem:s11+$0x1E0]  }
0x18b: {  	v10 =	vld [tilespmem:s11+$0x1C0]  }
0x18c: {  	v11 =	vld [tilespmem:s11+$0x1A0]  }
0x18d: {  	v12 =	vld [tilespmem:s11+$0x180]  }
0x18e: {  	v13 =	vld [tilespmem:s11+$0x160]  }
0x18f: {  	v14 =	vld [tilespmem:s11+$0x140]  }
0x190: {  	v15 =	vld [tilespmem:s11+$0x120]  }
0x191: {  	v16 =	vld [tilespmem:s11+$0x100]  }
0x192: {  	v17 =	vld [tilespmem:s11+$0xE0]  }
0x193: {  	v18 =	vld [tilespmem:s11+$0xC0]  }
0x194: {  	v19 =	vld [tilespmem:s11+$0xA0]  }
0x195: {  	v20 =	vld [tilespmem:s11+$0x80]  }
0x196: {  	v21 =	vld [tilespmem:s11+$0x60]  }
0x197: {  	v22 =	vld [tilespmem:s11+$0x40]  }
0x198: {  	v23 =	vld [tilespmem:s11+$0x20]  }
0x199: {  	v24 =	vld [tilespmem:s11+$0x0]  }
0x19a: {  	v25 =	vld [tilespmem:s11+$0xFFFFFFE0]  }
0x19b: {  	v26 =	vld [tilespmem:s11+$0xFFFFFFC0]  }
0x19c: {  	v27 =	vld [tilespmem:s11+$0xFFFFFFA0]  }
0x19d: {  	v28 =	vld [tilespmem:s11+$0xFFFFFF80]  }
0x19e: {  	v29 =	vld [tilespmem:s11+$0xFFFFFF60]  }
0x19f: {  	v30 =	vld [tilespmem:s11+$0xFFFFFF40]  }
0x1a0: {  	v31 =	vld [tilespmem:s11+$0xFFFFFF20]  }
0x1a1: {  	v32 =	vld [tilespmem:s11+$0xFFFFFF00]  }
0x1a2: {  	v33 =	vld [tilespmem:s11+$0xFFFFFEE0]  }
0x1a3: {  	v34 =	vld [tilespmem:s11+$0xFFFFFEC0]  }
0x1a4: {  	v35 =	vld [tilespmem:s11+$0xFFFFFEA0]  }
0x1a5: {  	v36 =	vld [tilespmem:s11+$0xFFFFFE80]  }
0x1a6: {  	v37 =	vld [tilespmem:s11+$0xFFFFFE60]  }
0x1a7: {  	v38 =	vld [tilespmem:s11+$0xFFFFFE40]  }
0x1a8: {  	v39 =	vld [tilespmem:s11+$0xFFFFFE20]  }
0x1a9: {  	v40 =	vld [tilespmem:s11+$0xFFFFFDF0]  }
0x1aa: {  	v41 =	vld [tilespmem:s11+$0xFFFFFE00]  }
0x1ab: {  	v59 =	vld [tilespmem:s11+$0xFFFFFDE0]  }
0x1ac: {  	v60 =	vld [tilespmem:s11+$0xFFFFFDC0]  }
0x1ad: {  	v61 =	vld [tilespmem:s11+$0xFFFFFD80]  }
0x1ae: {  	v62 =	vld [tilespmem:s11+$0xFFFFFDD0]  }
0x1af: {  	v63 =	vld [tilespmem:s11+$0xFFFFFD90]  }
0x1b0: {  	v52 =	vld [tilespmem:s11+$0xFFFFFDA0]  }
0x1b1: {  	v53 =	vld [tilespmem:s11+$0xFFFFFE10]  }
0x1b2: {  	v54 =	vld [tilespmem:s11+$0xFFFFFDB0]  }
0x1b3: {  	v55 =	vld [tilespmem:s11+$0xFFFFFE50]  }
0x1b4: {  	v57 =	vld [tilespmem:s11+$0xFFFFFE30];
	v43 =	vadd.f32 v60, v61;
	v56 =	vadd.f32 v62, v63  }
0x1b5: {  	v58 =	vld [tilespmem:s11+$0xFFFFFE90];
	v42 =	vadd.f32 v59, v52  }
0x1b6: {  	v60 =	vld [tilespmem:s11+$0xFFFFFE70];
	v41 =	vadd.f32 v41, v43;
	v59 =	vadd.f32 v53, v56  }
0x1b7: {  	v40 =	vadd.f32 v40, v54;
	v61 =	vld [tilespmem:s11+$0xFFFFFED0];
	v39 =	vadd.f32 v39, v42  }
0x1b8: {  	v63 =	vld [tilespmem:s11+$0xFFFFFEB0];
	v38 =	vadd.f32 v38, v41;
	v62 =	vadd.f32 v55, v59  }
0x1b9: {  	v47 =	vld [tilespmem:s11+$0xFFFFFF10];
	v40 =	vadd.f32 v57, v40;
	v37 =	vadd.f32 v37, v39  }
0x1ba: {  	v49 =	vld [tilespmem:s11+$0xFFFFFEF0];
	v36 =	vadd.f32 v36, v38;
	v48 =	vadd.f32 v58, v62  }
0x1bb: {  	v50 =	vld [tilespmem:s11+$0xFFFFFF50];
	v40 =	vadd.f32 v60, v40;
	v35 =	vadd.f32 v35, v37  }
0x1bc: {  	v52 =	vld [tilespmem:s11+$0xFFFFFF30];
	v34 =	vadd.f32 v34, v36;
	v51 =	vadd.f32 v61, v48  }
0x1bd: {  	v53 =	vld [tilespmem:s11+$0xFFFFFF90];
	v40 =	vadd.f32 v63, v40;
	v33 =	vadd.f32 v33, v35  }
0x1be: {  	v55 =	vld [tilespmem:s11+$0xFFFFFF70];
	v32 =	vadd.f32 v32, v34;
	v54 =	vadd.f32 v47, v51  }
0x1bf: {  	v57 =	vld [tilespmem:s11+$0xFFFFFFD0];
	v56 =	vadd.f32 v49, v40;
	v31 =	vadd.f32 v31, v33  }
0x1c0: {  	v59 =	vld [tilespmem:s11+$0xFFFFFFB0];
	v30 =	vadd.f32 v30, v32;
	v58 =	vadd.f32 v50, v54  }
0x1c1: {  	v60 =	vadd.f32 v52, v56;
	v29 =	vadd.f32 v29, v31;
	v31 =	vld [tilespmem:s11+$0x10]  }
0x1c2: {  	v61 =	vld [tilespmem:s11+$0xFFFFFFF0];
	v28 =	vadd.f32 v28, v30;
	v30 =	vadd.f32 v53, v58  }
0x1c3: {  	v62 =	vadd.f32 v55, v60;
	v27 =	vadd.f32 v27, v29;
	v29 =	vld [tilespmem:s11+$0x50]  }
0x1c4: {  	v26 =	vadd.f32 v26, v28;
	v28 =	vadd.f32 v57, v30;
	v30 =	vld [tilespmem:s11+$0x30]  }
0x1c5: {  	v63 =	vadd.f32 v59, v62;
	v25 =	vadd.f32 v25, v27;
	v27 =	vld [tilespmem:s11+$0x90]  }
0x1c6: {  	v24 =	vadd.f32 v24, v26;
	v26 =	vadd.f32 v31, v28;
	v28 =	vld [tilespmem:s11+$0x70]  }
0x1c7: {  	v31 =	vadd.f32 v61, v63;
	v23 =	vadd.f32 v23, v25;
	v25 =	vld [tilespmem:s11+$0xD0]  }
0x1c8: {  	v22 =	vadd.f32 v22, v24;
	v24 =	vadd.f32 v29, v26;
	v26 =	vld [tilespmem:s11+$0xB0]  }
0x1c9: {  	v21 =	vadd.f32 v21, v23;
	v23 =	vld [tilespmem:s11+$0x110];
	v29 =	vadd.f32 v30, v31  }
0x1ca: {  	v20 =	vadd.f32 v20, v22;
	v22 =	vadd.f32 v27, v24;
	v24 =	vld [tilespmem:s11+$0xF0]  }
0x1cb: {  	v19 =	vadd.f32 v19, v21;
	v21 =	vld [tilespmem:s11+$0x150];
	v27 =	vadd.f32 v28, v29  }
0x1cc: {  	v18 =	vadd.f32 v18, v20;
	v20 =	vadd.f32 v25, v22;
	v22 =	vld [tilespmem:s11+$0x130]  }
0x1cd: {  	v17 =	vadd.f32 v17, v19;
	v19 =	vld [tilespmem:s11+$0x190];
	v25 =	vadd.f32 v26, v27  }
0x1ce: {  	v16 =	vadd.f32 v16, v18;
	v18 =	vadd.f32 v23, v20;
	v20 =	vld [tilespmem:s11+$0x170]  }
0x1cf: {  	v15 =	vadd.f32 v15, v17;
	v17 =	vld [tilespmem:s11+$0x1D0];
	v23 =	vadd.f32 v24, v25  }
0x1d0: {  	v14 =	vadd.f32 v14, v16;
	v16 =	vadd.f32 v21, v18;
	v18 =	vld [tilespmem:s11+$0x1B0]  }
0x1d1: {  	v13 =	vadd.f32 v13, v15;
	v15 =	vld [tilespmem:s11+$0x210];
	v21 =	vadd.f32 v22, v23  }
0x1d2: {  	s9 =	simm.s32 $0x3420;
	v12 =	vadd.f32 v12, v14;
	v14 =	vadd.f32 v19, v16;
	v16 =	vld [tilespmem:s11+$0x1F0]  }
0x1d3: {  	v11 =	vadd.f32 v11, v13;
	v13 =	vld [tilespmem:s9+$0xFFFFFFE0];
	v19 =	vadd.f32 v20, v21  }
0x1d4: {  	v10 =	vadd.f32 v10, v12;
	v12 =	vadd.f32 v17, v14;
	v14 =	vld [tilespmem:s9+$0xFFFFFFF0]  }
0x1d5: {  	v9 =	vadd.f32 v9, v11;
	v11 =	vld [tilespmem:s11+$0x260];
	v17 =	vadd.f32 v18, v19  }
0x1d6: {  	v8 =	vadd.f32 v8, v10;
	v10 =	vadd.f32 v15, v12;
	v12 =	vld [tilespmem:s9+$0x0]  }
0x1d7: {  	v7 =	vadd.f32 v7, v9;
	v9 =	vld [tilespmem:s11+$0x270];
	v15 =	vadd.f32 v16, v17  }
0x1d8: {  	v5 =	vadd.f32 v5, v8;
	v6 =	vadd.f32 v6, v10;
	v8 =	vld [tilespmem:s9+$0x10]  }
0x1d9: {  	v3 =	vmul.f32 v3, v13;
	v10 =	vadd.f32 v0, v15;
	v4 =	vmul.f32 v4, v14  }
0x1da: {  	v7 =	vadd.f32 v11, v7;
	v5 =	vmul.f32 v13, v5;
	v6 =	vmul.f32 v14, v6  }
0x1db: {  	v0 =	vmov s12;
	v3 =	vadd.f32 v4, v3;
	v4 =	vmul.f32 v1, v12  }
0x1dc: {  	v9 =	vadd.f32 v9, v10;
	v5 =	vadd.f32 v6, v5;
	v6 =	vmul.f32 v12, v7  }
0x1dd: {  	v1 =	vmov s13;
	v3 =	vadd.f32 v4, v3;
	v2 =	vmul.f32 v2, v8  }
0x1de: {  	v4 =	vadd.f32 v6, v5;
	v5 =	vmul.f32 v8, v9  }
0x1df: {  	v2 =	vadd.f32 v2, v3  }
0x1e0: {  	s15 =	simm.s32 $0x0;
	v3 =	vadd.f32 v5, v4  }
0x1e1: {  	[tilespmem:v0+s15+$0x0 ss:$0x1] =	vst.idx.msk $0xffff, v2  }
0x1e2: {  	s30 =	simm.s32 $0x4460;
	[tilespmem:v1+s15+$0x0 ss:$0x1] =	vst.idx.msk $0xffff, v3  }
0x1e3: {  	v2 =	vld [tilespmem:s30+$0x10]  }
0x1e4: {  	s10 =	simm.s32 $0xF380;
	v3 =	vld [tilespmem:s30+$0x0]  }
0x1e5: {  	v4 =	vld [tilespmem:s10+$0x230]  }
0x1e6: {  	v5 =	vld [tilespmem:s30+$0xFFFFFFE0]  }
0x1e7: {  	v6 =	vld [tilespmem:s30+$0xFFFFFFF0]  }
0x1e8: {  	v7 =	vld [tilespmem:s10+$0x240]  }
0x1e9: {  	v8 =	vld [tilespmem:s10+$0x250]  }
0x1ea: {  	v9 =	vld [tilespmem:s10+$0x220]  }
0x1eb: {  	v10 =	vld [tilespmem:s10+$0x200]  }
0x1ec: {  	v11 =	vld [tilespmem:s10+$0x1E0]  }
0x1ed: {  	v12 =	vld [tilespmem:s10+$0x1C0]  }
0x1ee: {  	v13 =	vld [tilespmem:s10+$0x1A0]  }
0x1ef: {  	v14 =	vld [tilespmem:s10+$0x180]  }
0x1f0: {  	v15 =	vld [tilespmem:s10+$0x160]  }
0x1f1: {  	v16 =	vld [tilespmem:s10+$0x140]  }
0x1f2: {  	v17 =	vld [tilespmem:s10+$0x120]  }
0x1f3: {  	v18 =	vld [tilespmem:s10+$0x100]  }
0x1f4: {  	v19 =	vld [tilespmem:s10+$0xE0]  }
0x1f5: {  	v20 =	vld [tilespmem:s10+$0xC0]  }
0x1f6: {  	v21 =	vld [tilespmem:s10+$0xA0]  }
0x1f7: {  	v22 =	vld [tilespmem:s10+$0x80]  }
0x1f8: {  	v23 =	vld [tilespmem:s10+$0x60]  }
0x1f9: {  	v24 =	vld [tilespmem:s10+$0x40]  }
0x1fa: {  	v25 =	vld [tilespmem:s10+$0x20]  }
0x1fb: {  	v26 =	vld [tilespmem:s10+$0x0]  }
0x1fc: {  	v27 =	vld [tilespmem:s10+$0xFFFFFFE0]  }
0x1fd: {  	v28 =	vld [tilespmem:s10+$0xFFFFFFC0]  }
0x1fe: {  	v29 =	vld [tilespmem:s10+$0xFFFFFFA0]  }
0x1ff: {  	v30 =	vld [tilespmem:s10+$0xFFFFFF80]  }
0x200: {  	v31 =	vld [tilespmem:s10+$0xFFFFFF60]  }
0x201: {  	v32 =	vld [tilespmem:s10+$0xFFFFFF40]  }
0x202: {  	v33 =	vld [tilespmem:s10+$0xFFFFFF20]  }
0x203: {  	v34 =	vld [tilespmem:s10+$0xFFFFFF00]  }
0x204: {  	v35 =	vld [tilespmem:s10+$0xFFFFFEE0]  }
0x205: {  	v36 =	vld [tilespmem:s10+$0xFFFFFEC0]  }
0x206: {  	v37 =	vld [tilespmem:s10+$0xFFFFFEA0]  }
0x207: {  	v38 =	vld [tilespmem:s10+$0xFFFFFE80]  }
0x208: {  	v39 =	vld [tilespmem:s10+$0xFFFFFE60]  }
0x209: {  	v40 =	vld [tilespmem:s10+$0xFFFFFE40]  }
0x20a: {  	v41 =	vld [tilespmem:s10+$0xFFFFFE20]  }
0x20b: {  	v42 =	vld [tilespmem:s10+$0xFFFFFDF0]  }
0x20c: {  	v43 =	vld [tilespmem:s10+$0xFFFFFE00]  }
0x20d: {  	v44 =	vld [tilespmem:s10+$0xFFFFFDE0]  }
0x20e: {  	v45 =	vld [tilespmem:s10+$0xFFFFFDC0]  }
0x20f: {  	v46 =	vld [tilespmem:s10+$0xFFFFFD80]  }
0x210: {  	v47 =	vld [tilespmem:s10+$0xFFFFFDD0]  }
0x211: {  	s2 =	simm.s32 $0x40;
	s11 =	simm.s32 $0x80;
	v48 =	vld [tilespmem:s10+$0xFFFFFD90]  }
.LBB2_5:
0x212: {  	p0 =	sne.s32 s11, $0x7C0;
	v49 =	vld [tilespmem:s10+$0xFFFFFDA0]  }
0x213: {  	v50 =	vld [tilespmem:s10+$0xFFFFFE10]  }
0x214: {  	v51 =	vld [tilespmem:s10+$0xFFFFFDB0]  }
0x215: {  	v52 =	vld [tilespmem:s10+$0xFFFFFE50]  }
0x216: {  	v45 =	vadd.f32 v45, v46;
	v46 =	vadd.f32 v47, v48;
	v47 =	vld [tilespmem:s10+$0xFFFFFE30]  }
0x217: {  	v44 =	vadd.f32 v44, v49;
	v48 =	vld [tilespmem:s10+$0xFFFFFE90]  }
0x218: {  	v43 =	vadd.f32 v43, v45;
	v45 =	vadd.f32 v50, v46;
	v46 =	vld [tilespmem:s10+$0xFFFFFE70]  }
0x219: {  	v42 =	vadd.f32 v42, v51;
	v41 =	vadd.f32 v41, v44;
	v44 =	vld [tilespmem:s10+$0xFFFFFED0]  }
0x21a: {  	v40 =	vadd.f32 v40, v43;
	v43 =	vadd.f32 v52, v45;
	v45 =	vld [tilespmem:s10+$0xFFFFFEB0]  }
0x21b: {  	v42 =	vadd.f32 v47, v42;
	v39 =	vadd.f32 v39, v41;
	v41 =	vld [tilespmem:s10+$0xFFFFFF10]  }
0x21c: {  	v38 =	vadd.f32 v38, v40;
	v40 =	vadd.f32 v48, v43;
	v43 =	vld [tilespmem:s10+$0xFFFFFEF0]  }
0x21d: {  	v42 =	vadd.f32 v46, v42;
	v37 =	vadd.f32 v37, v39;
	v39 =	vld [tilespmem:s10+$0xFFFFFF50]  }
0x21e: {  	v36 =	vadd.f32 v36, v38;
	v38 =	vadd.f32 v44, v40;
	v40 =	vld [tilespmem:s10+$0xFFFFFF30]  }
0x21f: {  	v42 =	vadd.f32 v45, v42;
	v35 =	vadd.f32 v35, v37;
	v37 =	vld [tilespmem:s10+$0xFFFFFF90]  }
0x220: {  	v34 =	vadd.f32 v34, v36;
	v36 =	vadd.f32 v41, v38;
	v38 =	vld [tilespmem:s10+$0xFFFFFF70]  }
0x221: {  	v41 =	vadd.f32 v43, v42;
	v33 =	vadd.f32 v33, v35;
	v35 =	vld [tilespmem:s10+$0xFFFFFFD0]  }
0x222: {  	v32 =	vadd.f32 v32, v34;
	v34 =	vadd.f32 v39, v36;
	v36 =	vld [tilespmem:s10+$0xFFFFFFB0]  }
0x223: {  	v39 =	vadd.f32 v40, v41;
	v31 =	vadd.f32 v31, v33;
	v33 =	vld [tilespmem:s10+$0x10]  }
0x224: {  	v30 =	vadd.f32 v30, v32;
	v32 =	vadd.f32 v37, v34;
	v34 =	vld [tilespmem:s10+$0xFFFFFFF0]  }
0x225: {  	v37 =	vadd.f32 v38, v39;
	v29 =	vadd.f32 v29, v31;
	v31 =	vld [tilespmem:s10+$0x50]  }
0x226: {  	v28 =	vadd.f32 v28, v30;
	v30 =	vadd.f32 v35, v32;
	v32 =	vld [tilespmem:s10+$0x30]  }
0x227: {  	v35 =	vadd.f32 v36, v37;
	v27 =	vadd.f32 v27, v29;
	v29 =	vld [tilespmem:s10+$0x90]  }
0x228: {  	v26 =	vadd.f32 v26, v28;
	v28 =	vadd.f32 v33, v30;
	v30 =	vld [tilespmem:s10+$0x70]  }
0x229: {  	v33 =	vadd.f32 v34, v35;
	v25 =	vadd.f32 v25, v27;
	v27 =	vld [tilespmem:s10+$0xD0]  }
0x22a: {  	v24 =	vadd.f32 v24, v26;
	v26 =	vadd.f32 v31, v28;
	v28 =	vld [tilespmem:s10+$0xB0]  }
0x22b: {  	v31 =	vadd.f32 v32, v33;
	v23 =	vadd.f32 v23, v25;
	v25 =	vld [tilespmem:s10+$0x110]  }
0x22c: {  	v22 =	vadd.f32 v22, v24;
	v24 =	vadd.f32 v29, v26;
	v26 =	vld [tilespmem:s10+$0xF0]  }
0x22d: {  	v29 =	vadd.f32 v30, v31;
	v21 =	vadd.f32 v21, v23;
	v23 =	vld [tilespmem:s10+$0x150]  }
0x22e: {  	v20 =	vadd.f32 v20, v22;
	v22 =	vadd.f32 v27, v24;
	v24 =	vld [tilespmem:s10+$0x130]  }
0x22f: {  	v27 =	vadd.f32 v28, v29;
	v19 =	vadd.f32 v19, v21;
	v21 =	vld [tilespmem:s10+$0x190]  }
0x230: {  	v18 =	vadd.f32 v18, v20;
	v20 =	vadd.f32 v25, v22;
	v22 =	vld [tilespmem:s10+$0x170]  }
0x231: {  	v25 =	vadd.f32 v26, v27;
	v17 =	vadd.f32 v17, v19;
	v19 =	vld [tilespmem:s10+$0x1D0]  }
0x232: {  	v16 =	vadd.f32 v16, v18;
	v18 =	vadd.f32 v23, v20;
	v20 =	vld [tilespmem:s10+$0x1B0]  }
0x233: {  	v23 =	vadd.f32 v24, v25;
	v15 =	vadd.f32 v15, v17;
	v17 =	vld [tilespmem:s10+$0x210]  }
0x234: {  	s9 =	sadd.s32 $0x40, s9;
	v14 =	vadd.f32 v14, v16;
	v16 =	vadd.f32 v21, v18;
	v18 =	vld [tilespmem:s10+$0x1F0]  }
0x235: {  	v21 =	vadd.f32 v22, v23;
	v13 =	vadd.f32 v13, v15;
	v15 =	vld [tilespmem:s9+$0xFFFFFFE0]  }
0x236: {  	v12 =	vadd.f32 v12, v14;
	v14 =	vadd.f32 v19, v16;
	v16 =	vld [tilespmem:s9+$0xFFFFFFF0]  }
0x237: {  	v19 =	vadd.f32 v20, v21;
	v11 =	vadd.f32 v11, v13;
	v13 =	vld [tilespmem:s10+$0x260]  }
0x238: {  	v10 =	vadd.f32 v10, v12;
	v12 =	vadd.f32 v17, v14;
	v14 =	vld [tilespmem:s9+$0x0]  }
0x239: {  	v17 =	vadd.f32 v18, v19;
	v9 =	vadd.f32 v9, v11;
	v11 =	vld [tilespmem:s10+$0x270]  }
0x23a: {  	v7 =	vadd.f32 v7, v10;
	v8 =	vadd.f32 v8, v12;
	v10 =	vld [tilespmem:s9+$0x10]  }
0x23b: {  	v5 =	vmul.f32 v5, v15;
	v4 =	vadd.f32 v4, v17;
	v6 =	vmul.f32 v6, v16  }
0x23c: {  	v7 =	vmul.f32 v15, v7;
	v9 =	vadd.f32 v13, v9;
	v8 =	vmul.f32 v16, v8  }
0x23d: {  	v5 =	vadd.f32 v6, v5;
	v3 =	vmul.f32 v3, v14  }
0x23e: {  	v4 =	vadd.f32 v11, v4;
	v6 =	vadd.f32 v8, v7;
	v7 =	vmul.f32 v14, v9  }
0x23f: {  	v3 =	vadd.f32 v3, v5;
	v2 =	vmul.f32 v2, v10  }
0x240: {  	v5 =	vadd.f32 v7, v6;
	v4 =	vmul.f32 v10, v4  }
0x241: {  	v2 =	vadd.f32 v2, v3  }
0x242: {  	s15 =	sshra.s32 s2, $0x2;
	s2 =	smov.u32 s11;
	v3 =	vadd.f32 v4, v5  }
0x243: {  	[tilespmem:v0+s15+$0x0 ss:$0x1] =	vst.idx.msk $0xffff, v2  }
0x244: {  	s30 =	sadd.s32 $0x40, s30;
	[tilespmem:v1+s15+$0x0 ss:$0x1] =	vst.idx.msk $0xffff, v3  }
0x245: {  	v2 =	vld [tilespmem:s30+$0x10]  }
0x246: {  	s10 =	sadd.s32 $0x500, s10;
	v3 =	vld [tilespmem:s30+$0x0]  }
0x247: {  	v4 =	vld [tilespmem:s10+$0x230]  }
0x248: {  	v5 =	vld [tilespmem:s30+$0xFFFFFFE0]  }
0x249: {  	v6 =	vld [tilespmem:s30+$0xFFFFFFF0]  }
0x24a: {  	v7 =	vld [tilespmem:s10+$0x240]  }
0x24b: {  	v8 =	vld [tilespmem:s10+$0x250]  }
0x24c: {  	v9 =	vld [tilespmem:s10+$0x220]  }
0x24d: {  	v10 =	vld [tilespmem:s10+$0x200]  }
0x24e: {  	v11 =	vld [tilespmem:s10+$0x1E0]  }
0x24f: {  	v12 =	vld [tilespmem:s10+$0x1C0]  }
0x250: {  	v13 =	vld [tilespmem:s10+$0x1A0]  }
0x251: {  	v14 =	vld [tilespmem:s10+$0x180]  }
0x252: {  	v15 =	vld [tilespmem:s10+$0x160]  }
0x253: {  	v16 =	vld [tilespmem:s10+$0x140]  }
0x254: {  	v17 =	vld [tilespmem:s10+$0x120]  }
0x255: {  	v18 =	vld [tilespmem:s10+$0x100]  }
0x256: {  	v19 =	vld [tilespmem:s10+$0xE0]  }
0x257: {  	v20 =	vld [tilespmem:s10+$0xC0]  }
0x258: {  	v21 =	vld [tilespmem:s10+$0xA0]  }
0x259: {  	v22 =	vld [tilespmem:s10+$0x80]  }
0x25a: {  	v23 =	vld [tilespmem:s10+$0x60]  }
0x25b: {  	v24 =	vld [tilespmem:s10+$0x40]  }
0x25c: {  	v25 =	vld [tilespmem:s10+$0x20]  }
0x25d: {  	v26 =	vld [tilespmem:s10+$0x0]  }
0x25e: {  	v27 =	vld [tilespmem:s10+$0xFFFFFFE0]  }
0x25f: {  	v28 =	vld [tilespmem:s10+$0xFFFFFFC0]  }
0x260: {  	v29 =	vld [tilespmem:s10+$0xFFFFFFA0]  }
0x261: {  	v30 =	vld [tilespmem:s10+$0xFFFFFF80]  }
0x262: {  	v31 =	vld [tilespmem:s10+$0xFFFFFF60]  }
0x263: {  	v32 =	vld [tilespmem:s10+$0xFFFFFF40]  }
0x264: {  	v33 =	vld [tilespmem:s10+$0xFFFFFF20]  }
0x265: {  	v34 =	vld [tilespmem:s10+$0xFFFFFF00]  }
0x266: {  	v35 =	vld [tilespmem:s10+$0xFFFFFEE0]  }
0x267: {  	v36 =	vld [tilespmem:s10+$0xFFFFFEC0]  }
0x268: {  	v37 =	vld [tilespmem:s10+$0xFFFFFEA0]  }
0x269: {  	v38 =	vld [tilespmem:s10+$0xFFFFFE80]  }
0x26a: {  	v39 =	vld [tilespmem:s10+$0xFFFFFE60]  }
0x26b: {  	v40 =	vld [tilespmem:s10+$0xFFFFFE40]  }
0x26c: {  	v41 =	vld [tilespmem:s10+$0xFFFFFE20]  }
0x26d: {  	v42 =	vld [tilespmem:s10+$0xFFFFFDF0]  }
0x26e: {  	v43 =	vld [tilespmem:s10+$0xFFFFFE00]  }
.Ltmp1:
0x26f: {  	v44 =	vld [tilespmem:s10+$0xFFFFFDE0];
	(pc) =	sbr.rel @p0 .LBB2_5-.Ltmp1, $4  }
0x270: {  	v45 =	vld [tilespmem:s10+$0xFFFFFDC0]  }
0x271: {  	v46 =	vld [tilespmem:s10+$0xFFFFFD80]  }
0x272: {  	v47 =	vld [tilespmem:s10+$0xFFFFFDD0]  }
0x273: {  	s11 =	sadd.s32 $0x40, s11;
	v48 =	vld [tilespmem:s10+$0xFFFFFD90]  }
0x274: {  	v49 =	vld [tilespmem:s10+$0xFFFFFDA0]  }
0x275: {  	v50 =	vld [tilespmem:s10+$0xFFFFFE10]  }
0x276: {  	v51 =	vld [tilespmem:s10+$0xFFFFFDB0]  }
0x277: {  	v52 =	vld [tilespmem:s10+$0xFFFFFE50];
	v45 =	vadd.f32 v45, v46  }
0x278: {  	v62 =	vld [tilespmem:s10+$0xFFFFFE30];
	v61 =	vadd.f32 v47, v48  }
0x279: {  	v63 =	vld [tilespmem:s10+$0xFFFFFE90];
	v43 =	vadd.f32 v43, v45  }
0x27a: {  	v44 =	vadd.f32 v44, v49;
	v49 =	vadd.f32 v50, v61;
	v50 =	vld [tilespmem:s10+$0xFFFFFE70]  }
0x27b: {  	v42 =	vadd.f32 v42, v51;
	v51 =	vld [tilespmem:s10+$0xFFFFFED0];
	v40 =	vadd.f32 v40, v43  }
0x27c: {  	v53 =	vld [tilespmem:s10+$0xFFFFFEB0];
	v41 =	vadd.f32 v41, v44;
	v52 =	vadd.f32 v52, v49  }
0x27d: {  	v54 =	vld [tilespmem:s10+$0xFFFFFF10];
	v42 =	vadd.f32 v62, v42;
	v38 =	vadd.f32 v38, v40  }
0x27e: {  	v56 =	vld [tilespmem:s10+$0xFFFFFEF0];
	v39 =	vadd.f32 v39, v41;
	v55 =	vadd.f32 v63, v52  }
0x27f: {  	v57 =	vld [tilespmem:s10+$0xFFFFFF50];
	v36 =	vadd.f32 v36, v38;
	v42 =	vadd.f32 v50, v42  }
0x280: {  	v59 =	vld [tilespmem:s10+$0xFFFFFF30];
	v37 =	vadd.f32 v37, v39;
	v58 =	vadd.f32 v51, v55  }
0x281: {  	v60 =	vld [tilespmem:s10+$0xFFFFFF90];
	v34 =	vadd.f32 v34, v36;
	v42 =	vadd.f32 v53, v42  }
0x282: {  	v62 =	vld [tilespmem:s10+$0xFFFFFF70];
	v35 =	vadd.f32 v35, v37;
	v61 =	vadd.f32 v54, v58  }
0x283: {  	v32 =	vadd.f32 v32, v34;
	v63 =	vadd.f32 v56, v42;
	v42 =	vld [tilespmem:s10+$0xFFFFFFD0]  }
0x284: {  	v44 =	vld [tilespmem:s10+$0xFFFFFFB0];
	v33 =	vadd.f32 v33, v35;
	v43 =	vadd.f32 v57, v61  }
0x285: {  	v46 =	vld [tilespmem:s10+$0x10];
	v30 =	vadd.f32 v30, v32;
	v45 =	vadd.f32 v59, v63  }
0x286: {  	v48 =	vld [tilespmem:s10+$0xFFFFFFF0];
	v31 =	vadd.f32 v31, v33;
	v47 =	vadd.f32 v60, v43  }
0x287: {  	v50 =	vld [tilespmem:s10+$0x50];
	v28 =	vadd.f32 v28, v30;
	v49 =	vadd.f32 v62, v45  }
0x288: {  	v52 =	vld [tilespmem:s10+$0x30];
	v29 =	vadd.f32 v29, v31;
	v51 =	vadd.f32 v42, v47  }
0x289: {  	v54 =	vld [tilespmem:s10+$0x90];
	v26 =	vadd.f32 v26, v28;
	v53 =	vadd.f32 v44, v49  }
0x28a: {  	v56 =	vld [tilespmem:s10+$0x70];
	v27 =	vadd.f32 v27, v29;
	v55 =	vadd.f32 v46, v51  }
0x28b: {  	v58 =	vld [tilespmem:s10+$0xD0];
	v24 =	vadd.f32 v24, v26;
	v57 =	vadd.f32 v48, v53  }
0x28c: {  	v60 =	vld [tilespmem:s10+$0xB0];
	v25 =	vadd.f32 v25, v27;
	v59 =	vadd.f32 v50, v55  }
0x28d: {  	v62 =	vld [tilespmem:s10+$0x110];
	v22 =	vadd.f32 v22, v24;
	v61 =	vadd.f32 v52, v57  }
0x28e: {  	v32 =	vld [tilespmem:s10+$0xF0];
	v23 =	vadd.f32 v23, v25;
	v63 =	vadd.f32 v54, v59  }
0x28f: {  	v34 =	vld [tilespmem:s10+$0x150];
	v20 =	vadd.f32 v20, v22;
	v33 =	vadd.f32 v56, v61  }
0x290: {  	v36 =	vld [tilespmem:s10+$0x130];
	v21 =	vadd.f32 v21, v23;
	v35 =	vadd.f32 v58, v63  }
0x291: {  	v38 =	vld [tilespmem:s10+$0x190];
	v18 =	vadd.f32 v18, v20;
	v37 =	vadd.f32 v60, v33  }
0x292: {  	v40 =	vld [tilespmem:s10+$0x170];
	v19 =	vadd.f32 v19, v21;
	v39 =	vadd.f32 v62, v35  }
0x293: {  	v42 =	vld [tilespmem:s10+$0x1D0];
	v16 =	vadd.f32 v16, v18;
	v41 =	vadd.f32 v32, v37  }
0x294: {  	v44 =	vld [tilespmem:s10+$0x1B0];
	v17 =	vadd.f32 v17, v19;
	v43 =	vadd.f32 v34, v39  }
0x295: {  	v46 =	vld [tilespmem:s10+$0x210];
	v14 =	vadd.f32 v14, v16;
	v45 =	vadd.f32 v36, v41  }
0x296: {  	s9 =	sadd.s32 $0x40, s9;
	v48 =	vld [tilespmem:s10+$0x1F0];
	v15 =	vadd.f32 v15, v17;
	v47 =	vadd.f32 v38, v43  }
0x297: {  	v50 =	vld [tilespmem:s9+$0xFFFFFFE0];
	v12 =	vadd.f32 v12, v14;
	v49 =	vadd.f32 v40, v45  }
0x298: {  	v52 =	vld [tilespmem:s9+$0xFFFFFFF0];
	v13 =	vadd.f32 v13, v15;
	v51 =	vadd.f32 v42, v47  }
0x299: {  	v54 =	vld [tilespmem:s10+$0x260];
	v10 =	vadd.f32 v10, v12;
	v53 =	vadd.f32 v44, v49  }
0x29a: {  	v56 =	vld [tilespmem:s9+$0x0];
	v11 =	vadd.f32 v11, v13;
	v55 =	vadd.f32 v46, v51  }
0x29b: {  	v58 =	vld [tilespmem:s10+$0x270];
	v7 =	vadd.f32 v7, v10;
	v57 =	vadd.f32 v48, v53  }
0x29c: {  	v59 =	vld [tilespmem:s9+$0x10];
	v5 =	vmul.f32 v5, v50;
	v9 =	vadd.f32 v9, v11;
	v8 =	vadd.f32 v8, v55  }
0x29d: {  	v6 =	vmul.f32 v6, v52;
	v7 =	vmul.f32 v50, v7  }
0x29e: {  	v4 =	vadd.f32 v4, v57;
	v9 =	vadd.f32 v54, v9;
	v8 =	vmul.f32 v52, v8  }
0x29f: {  	v5 =	vadd.f32 v6, v5;
	v3 =	vmul.f32 v3, v56  }
0x2a0: {  	v4 =	vadd.f32 v58, v4;
	v61 =	vmul.f32 v56, v9;
	v60 =	vadd.f32 v8, v7  }
0x2a1: {  	v2 =	vmul.f32 v2, v59;
	v3 =	vadd.f32 v3, v5  }
0x2a2: {  	s8 =	sadd.s32 $0x3, s8;
	v4 =	vmul.f32 v59, v4;
	v62 =	vadd.f32 v61, v60  }
0x2a3: {  	s11 =	smul.u32 $0xA00, s8;
	v2 =	vadd.f32 v2, v3  }
0x2a4: {  	s2 =	sshra.s32 s2, $0x2;
	v63 =	vadd.f32 v4, v62  }
0x2a5: {  	s9 =	sshra.s32 s11, $0x2;
	[tilespmem:v0+s2+$0x0 ss:$0x1] =	vst.idx.msk $0xffff, v2  }
0x2a6: {  	s15 =	sadd.s32 $0x400, s9;
	[tilespmem:v1+s2+$0x0 ss:$0x1] =	vst.idx.msk $0xffff, v63  }
0x2a7: {  	[tilespmem:s29], [sflag:$0x2] =	stream.indirect.gather [hbm4b:s4+s14], $0x40, s15, s14, $0xb8;
	[tilespmem:$0x1CC00] =	vst v63  }
0x2a8: {  	s30 =	sadd.s32 $0x480, s9  }
0x2a9: {  	[tilespmem:s31], [sflag:$0x2] =	stream.indirect.gather [hbm4b:s4+s14], $0x40, s30, s14, $0xb8;
	[tilespmem:$0x1CC00] =	vst v63  }
0x2aa: {  	s10 =	sadd.s32 $0x500, s9  }
0x2ab: {  	[tilespmem:s0], [sflag:$0x2] =	stream.indirect.gather [hbm4b:s4+s14], $0x40, s10, s14, $0xb8;
	[tilespmem:$0x1CC00] =	vst v63  }
0x2ac: {  	s7 =	sadd.s32 $0x1, s7;
	s11 =	sadd.s32 $0x580, s9  }
0x2ad: {  	[tilespmem:s18], [sflag:$0x2] =	stream.indirect.gather [hbm4b:s4+s14], $0x40, s11, s14, $0xb8;
	[tilespmem:$0x1CC00] =	vst v63  }
0x2ae: {  	p0 =	sne.s32 s7, $0x7;
	s15 =	sadd.s32 $0x600, s9  }
0x2af: {  	[tilespmem:s22], [sflag:$0x2] =	stream.indirect.gather [hbm4b:s4+s14], $0x40, s15, s14, $0xb8;
	[tilespmem:$0x1CC00] =	vst v63  }
.Ltmp2:
0x2b0: {  	_ = 	snop;
	(pc) =	sbr.rel @p0 .LBB2_2-.Ltmp2, $4  }
0x2b1: {  	s6 =	sadd.s32 $0x400, s6;
	s5 =	sadd.s32 $0x400, s5;
	s30 =	sshll.u32 s8, $0x5  }
0x2b2: {  	[tilespmem:s28], [sflag:$0x2] =	stream.indirect.gather [hbm4b:s3+s24], $0x40, s30, s24, $0xb8;
	[tilespmem:$0x1CC00] =	vst v63  }
0x2b3: {  	s12 =	sadd.s32 $0x400, s12;
	s13 =	sadd.s32 $0x400, s13;
	s2 =	sadd.s32 $0x200, s30  }
0x2b4: {  	[tilespmem:s1], [sflag:$0x2] =	stream.indirect.gather [hbm4b:s4+s24], $0x40, s2, s24, $0xb8;
	[tilespmem:$0x1CC00] =	vst v63  }
0x2b5: {  	_ =	swait.ge [sflag:s16], $0xA000  }
0x2b6: {  	[sflag:s16] =	ssyncset.done $0x0  }
0x2b7: {  	[sflag:s16] =	ssyncadd.s32 $0xFFFF6000  }
0x2b8: {  	_ =	swait.ge [sflag:s16], $0x800  }
0x2b9: {  	[sflag:s16] =	ssyncset.done $0x0  }
0x2ba: {  	[sflag:s16] =	ssyncadd.s32 $0xFFFFF800  }
0x2bb: {  	_ =	swait.ge [sflag:s16], $0x800  }
0x2bc: {  	s2 =	simm.s32 $0x0;
	s5 =	simm.s32 $0x4E80;
	[sflag:s16] =	ssyncset.done $0x0  }
0x2bd: {  	s6 =	simm.s32 $0x3C20;
	s7 =	simm.s32 $0x2C20;
	[sflag:s16] =	ssyncadd.s32 $0xFFFFF800  }
.LBB2_8:
0x2be: {  	v0 =	vld [tilespmem:s5+$0xFFFFFD80]  }
0x2bf: {  	v1 =	vld [tilespmem:s5+$0xFFFFFD90]  }
0x2c0: {  	v2 =	vld [tilespmem:s5+$0xFFFFFDA0]  }
0x2c1: {  	v3 =	vld [tilespmem:s5+$0xFFFFFDB0]  }
0x2c2: {  	v4 =	vld [tilespmem:s5+$0xFFFFFDC0]  }
0x2c3: {  	v5 =	vld [tilespmem:s5+$0xFFFFFDD0]  }
0x2c4: {  	v6 =	vld [tilespmem:s5+$0xFFFFFDE0]  }
0x2c5: {  	v7 =	vld [tilespmem:s5+$0xFFFFFDF0]  }
0x2c6: {  	v8 =	vld [tilespmem:s5+$0xFFFFFE00]  }
0x2c7: {  	v9 =	vld [tilespmem:s5+$0xFFFFFE10]  }
0x2c8: {  	v10 =	vld [tilespmem:s5+$0xFFFFFE20]  }
0x2c9: {  	v11 =	vld [tilespmem:s5+$0xFFFFFE30]  }
0x2ca: {  	v12 =	vld [tilespmem:s5+$0xFFFFFE40]  }
0x2cb: {  	v13 =	vld [tilespmem:s5+$0xFFFFFE50]  }
0x2cc: {  	v14 =	vld [tilespmem:s5+$0xFFFFFE60]  }
0x2cd: {  	v15 =	vld [tilespmem:s5+$0xFFFFFE70]  }
0x2ce: {  	v16 =	vld [tilespmem:s5+$0xFFFFFE80]  }
0x2cf: {  	v17 =	vld [tilespmem:s5+$0xFFFFFE90]  }
0x2d0: {  	v18 =	vld [tilespmem:s5+$0xFFFFFEA0]  }
0x2d1: {  	v19 =	vld [tilespmem:s5+$0xFFFFFEB0]  }
0x2d2: {  	v20 =	vld [tilespmem:s5+$0xFFFFFEC0]  }
0x2d3: {  	v21 =	vld [tilespmem:s5+$0xFFFFFED0]  }
0x2d4: {  	v22 =	vld [tilespmem:s5+$0xFFFFFEE0]  }
0x2d5: {  	v23 =	vld [tilespmem:s5+$0xFFFFFEF0]  }
0x2d6: {  	v24 =	vld [tilespmem:s5+$0xFFFFFF00]  }
0x2d7: {  	v25 =	vld [tilespmem:s5+$0xFFFFFF10]  }
0x2d8: {  	v26 =	vld [tilespmem:s5+$0xFFFFFF20]  }
0x2d9: {  	v27 =	vld [tilespmem:s5+$0xFFFFFF30]  }
0x2da: {  	v28 =	vld [tilespmem:s5+$0xFFFFFF40]  }
0x2db: {  	v29 =	vld [tilespmem:s5+$0xFFFFFF50]  }
0x2dc: {  	v30 =	vld [tilespmem:s5+$0xFFFFFF60]  }
0x2dd: {  	v31 =	vld [tilespmem:s5+$0xFFFFFF70]  }
0x2de: {  	v32 =	vld [tilespmem:s5+$0xFFFFFF80]  }
0x2df: {  	v33 =	vld [tilespmem:s5+$0xFFFFFF90]  }
0x2e0: {  	v34 =	vld [tilespmem:s5+$0xFFFFFFA0]  }
0x2e1: {  	v35 =	vld [tilespmem:s5+$0xFFFFFFB0]  }
0x2e2: {  	v36 =	vld [tilespmem:s5+$0xFFFFFFC0]  }
0x2e3: {  	v37 =	vld [tilespmem:s5+$0xFFFFFFD0]  }
0x2e4: {  	v38 =	vld [tilespmem:s5+$0xFFFFFFE0]  }
0x2e5: {  	v39 =	vld [tilespmem:s5+$0xFFFFFFF0]  }
0x2e6: {  	v40 =	vld [tilespmem:s5+$0x0]  }
0x2e7: {  	v41 =	vld [tilespmem:s5+$0x10]  }
0x2e8: {  	v42 =	vld [tilespmem:s5+$0x20]  }
0x2e9: {  	v43 =	vld [tilespmem:s5+$0x30]  }
0x2ea: {  	v44 =	vld [tilespmem:s5+$0x40]  }
0x2eb: {  	v45 =	vld [tilespmem:s5+$0x50]  }
0x2ec: {  	v46 =	vld [tilespmem:s5+$0x60]  }
0x2ed: {  	v47 =	vld [tilespmem:s5+$0x70]  }
0x2ee: {  	v48 =	vld [tilespmem:s5+$0x80]  }
0x2ef: {  	v49 =	vld [tilespmem:s5+$0x90]  }
0x2f0: {  	v50 =	vld [tilespmem:s5+$0xA0]  }
0x2f1: {  	v51 =	vld [tilespmem:s5+$0xB0];
	v0 =	vadd.f32 v4, v0;
	v1 =	vadd.f32 v5, v1  }
0x2f2: {  	v52 =	vld [tilespmem:s5+$0xC0];
	v2 =	vadd.f32 v6, v2  }
0x2f3: {  	v53 =	vld [tilespmem:s5+$0xD0];
	v0 =	vadd.f32 v8, v0;
	v1 =	vadd.f32 v9, v1  }
0x2f4: {  	v54 =	vld [tilespmem:s5+$0xE0];
	v3 =	vadd.f32 v7, v3;
	v2 =	vadd.f32 v10, v2  }
0x2f5: {  	v55 =	vld [tilespmem:s5+$0xF0];
	v0 =	vadd.f32 v12, v0;
	v1 =	vadd.f32 v13, v1  }
0x2f6: {  	v56 =	vld [tilespmem:s5+$0x100];
	v3 =	vadd.f32 v11, v3;
	v2 =	vadd.f32 v14, v2  }
0x2f7: {  	v57 =	vld [tilespmem:s5+$0x110];
	v0 =	vadd.f32 v16, v0;
	v1 =	vadd.f32 v17, v1  }
0x2f8: {  	v58 =	vld [tilespmem:s5+$0x120];
	v3 =	vadd.f32 v15, v3;
	v2 =	vadd.f32 v18, v2  }
0x2f9: {  	v59 =	vld [tilespmem:s5+$0x130];
	v0 =	vadd.f32 v20, v0;
	v1 =	vadd.f32 v21, v1  }
0x2fa: {  	v60 =	vld [tilespmem:s5+$0x140];
	v3 =	vadd.f32 v19, v3;
	v2 =	vadd.f32 v22, v2  }
0x2fb: {  	v61 =	vld [tilespmem:s5+$0x150];
	v0 =	vadd.f32 v24, v0;
	v1 =	vadd.f32 v25, v1  }
0x2fc: {  	v62 =	vld [tilespmem:s5+$0x160];
	v3 =	vadd.f32 v23, v3;
	v2 =	vadd.f32 v26, v2  }
0x2fd: {  	v63 =	vld [tilespmem:s5+$0x170];
	v0 =	vadd.f32 v28, v0;
	v1 =	vadd.f32 v29, v1  }
0x2fe: {  	v3 =	vadd.f32 v27, v3;
	v2 =	vadd.f32 v30, v2;
	v30 =	vld [tilespmem:s5+$0x180]  }
0x2ff: {  	v0 =	vadd.f32 v32, v0;
	v1 =	vadd.f32 v33, v1;
	v33 =	vld [tilespmem:s5+$0x190]  }
0x300: {  	v3 =	vadd.f32 v31, v3;
	v2 =	vadd.f32 v34, v2;
	v34 =	vld [tilespmem:s5+$0x1A0]  }
0x301: {  	v0 =	vadd.f32 v36, v0;
	v1 =	vadd.f32 v37, v1;
	v36 =	vld [tilespmem:s5+$0x1B0]  }
0x302: {  	v3 =	vadd.f32 v35, v3;
	v2 =	vadd.f32 v38, v2;
	v37 =	vld [tilespmem:s5+$0x1C0]  }
0x303: {  	v38 =	vld [tilespmem:s5+$0x1D0];
	v0 =	vadd.f32 v40, v0;
	v1 =	vadd.f32 v41, v1  }
0x304: {  	v3 =	vadd.f32 v39, v3;
	v2 =	vadd.f32 v42, v2;
	v40 =	vld [tilespmem:s5+$0x1E0]  }
0x305: {  	v41 =	vld [tilespmem:s5+$0x1F0];
	v0 =	vadd.f32 v44, v0;
	v1 =	vadd.f32 v45, v1  }
0x306: {  	v3 =	vadd.f32 v43, v3;
	v42 =	vld [tilespmem:s5+$0x200];
	v2 =	vadd.f32 v46, v2  }
0x307: {  	v43 =	vld [tilespmem:s5+$0x210];
	v0 =	vadd.f32 v48, v0;
	v1 =	vadd.f32 v49, v1  }
0x308: {  	v3 =	vadd.f32 v47, v3;
	v44 =	vld [tilespmem:s5+$0x220];
	v2 =	vadd.f32 v50, v2  }
0x309: {  	v45 =	vld [tilespmem:s5+$0x230];
	v0 =	vadd.f32 v52, v0;
	v1 =	vadd.f32 v53, v1  }
0x30a: {  	v46 =	vld [tilespmem:s5+$0x240];
	v3 =	vadd.f32 v51, v3;
	v2 =	vadd.f32 v54, v2  }
0x30b: {  	v47 =	vld [tilespmem:s5+$0x250];
	v0 =	vadd.f32 v56, v0;
	v1 =	vadd.f32 v57, v1  }
0x30c: {  	v48 =	vld [tilespmem:s5+$0x260];
	v3 =	vadd.f32 v55, v3;
	v2 =	vadd.f32 v58, v2  }
0x30d: {  	v49 =	vld [tilespmem:s5+$0x270];
	v0 =	vadd.f32 v60, v0;
	v1 =	vadd.f32 v61, v1  }
0x30e: {  	v50 =	vld [tilespmem:s7+$0xFFFFFFE0];
	v3 =	vadd.f32 v59, v3;
	v2 =	vadd.f32 v62, v2  }
0x30f: {  	v51 =	vld [tilespmem:s6+$0xFFFFFFE0];
	v0 =	vadd.f32 v30, v0;
	v1 =	vadd.f32 v33, v1  }
0x310: {  	v52 =	vld [tilespmem:s7+$0xFFFFFFF0];
	v3 =	vadd.f32 v63, v3;
	v2 =	vadd.f32 v34, v2  }
0x311: {  	v53 =	vld [tilespmem:s6+$0xFFFFFFF0];
	v0 =	vadd.f32 v37, v0;
	v1 =	vadd.f32 v38, v1  }
0x312: {  	v54 =	vld [tilespmem:s7+$0x0];
	v3 =	vadd.f32 v36, v3;
	v2 =	vadd.f32 v40, v2  }
0x313: {  	v55 =	vld [tilespmem:s6+$0x0];
	v0 =	vadd.f32 v42, v0;
	v1 =	vadd.f32 v43, v1  }
0x314: {  	v56 =	vld [tilespmem:s7+$0x10];
	v3 =	vadd.f32 v41, v3;
	v2 =	vadd.f32 v44, v2  }
0x315: {  	v57 =	vld [tilespmem:s6+$0x10];
	v0 =	vadd.f32 v46, v0;
	v1 =	vadd.f32 v47, v1  }
0x316: {  	v58 =	vmul.f32 v51, v50;
	v59 =	vmul.f32 v53, v52;
	v3 =	vadd.f32 v45, v3  }
0x317: {  	v2 =	vadd.f32 v48, v2;
	v0 =	vmul.f32 v50, v0;
	v1 =	vmul.f32 v52, v1  }
0x318: {  	v60 =	vmul.f32 v55, v54;
	v5 =	vadd.f32 v59, v58  }
0x319: {  	v3 =	vadd.f32 v49, v3;
	v61 =	vmul.f32 v54, v2;
	v0 =	vadd.f32 v1, v0  }
0x31a: {  	p0 =	sne.s32 s2, $0x7C0;
	v4 =	vmul.f32 v57, v56;
	v62 =	vadd.f32 v60, v5  }
.Ltmp3:
0x31b: {  	v63 =	vmul.f32 v56, v3;
	v0 =	vadd.f32 v61, v0;
	(pc) =	sbr.rel @p0 .LBB2_8-.Ltmp3, $4  }
0x31c: {  	v2 =	vadd.f32 v4, v62  }
0x31d: {  	s8 =	sshra.s32 s2, $0x2;
	v0 =	vadd.f32 v63, v0  }
0x31e: {  	s2 =	sadd.s32 $0x40, s2;
	[tilespmem:s8+$0x1A800] =	vst v2  }
0x31f: {  	s5 =	sadd.s32 $0x500, s5;
	s6 =	sadd.s32 $0x40, s6;
	s7 =	sadd.s32 $0x40, s7;
	[tilespmem:s8+$0x1C800] =	vst v0  }
0x320: {  	_ =	swait.ge [sflag:s20], $0xA000  }
0x321: {  	[sflag:s20] =	ssyncset.done $0x0  }
0x322: {  	[sflag:s20] =	ssyncadd.s32 $0xFFFF6000  }
0x323: {  	_ =	swait.ge [sflag:s20], $0x800  }
0x324: {  	[sflag:s20] =	ssyncset.done $0x0  }
0x325: {  	[sflag:s20] =	ssyncadd.s32 $0xFFFFF800  }
0x326: {  	s2 =	simm.s32 $0x0;
	_ =	swait.ge [sflag:s20], $0x800  }
0x327: {  	s5 =	simm.s32 $0xEE80;
	s6 =	simm.s32 $0x4420;
	[sflag:s20] =	ssyncset.done $0x0  }
0x328: {  	s7 =	simm.s32 $0x3420;
	s10 =	simm.s32 $0x0;
	[sflag:s20] =	ssyncadd.s32 $0xFFFFF800  }
.LBB2_10:
0x329: {  	v0 =	vld [tilespmem:s5+$0xFFFFFD80]  }
0x32a: {  	v1 =	vld [tilespmem:s5+$0xFFFFFD90]  }
0x32b: {  	v2 =	vld [tilespmem:s5+$0xFFFFFDA0]  }
0x32c: {  	v3 =	vld [tilespmem:s5+$0xFFFFFDB0]  }
0x32d: {  	v4 =	vld [tilespmem:s5+$0xFFFFFDC0]  }
0x32e: {  	v5 =	vld [tilespmem:s5+$0xFFFFFDD0]  }
0x32f: {  	v6 =	vld [tilespmem:s5+$0xFFFFFDE0]  }
0x330: {  	v7 =	vld [tilespmem:s5+$0xFFFFFDF0]  }
0x331: {  	v8 =	vld [tilespmem:s5+$0xFFFFFE00]  }
0x332: {  	v9 =	vld [tilespmem:s5+$0xFFFFFE10]  }
0x333: {  	v10 =	vld [tilespmem:s5+$0xFFFFFE20]  }
0x334: {  	v11 =	vld [tilespmem:s5+$0xFFFFFE30]  }
0x335: {  	v12 =	vld [tilespmem:s5+$0xFFFFFE40]  }
0x336: {  	v13 =	vld [tilespmem:s5+$0xFFFFFE50]  }
0x337: {  	v14 =	vld [tilespmem:s5+$0xFFFFFE60]  }
0x338: {  	v15 =	vld [tilespmem:s5+$0xFFFFFE70]  }
0x339: {  	v16 =	vld [tilespmem:s5+$0xFFFFFE80]  }
0x33a: {  	v17 =	vld [tilespmem:s5+$0xFFFFFE90]  }
0x33b: {  	v18 =	vld [tilespmem:s5+$0xFFFFFEA0]  }
0x33c: {  	v19 =	vld [tilespmem:s5+$0xFFFFFEB0]  }
0x33d: {  	v20 =	vld [tilespmem:s5+$0xFFFFFEC0]  }
0x33e: {  	v21 =	vld [tilespmem:s5+$0xFFFFFED0]  }
0x33f: {  	v22 =	vld [tilespmem:s5+$0xFFFFFEE0]  }
0x340: {  	v23 =	vld [tilespmem:s5+$0xFFFFFEF0]  }
0x341: {  	v24 =	vld [tilespmem:s5+$0xFFFFFF00]  }
0x342: {  	v25 =	vld [tilespmem:s5+$0xFFFFFF10]  }
0x343: {  	v26 =	vld [tilespmem:s5+$0xFFFFFF20]  }
0x344: {  	v27 =	vld [tilespmem:s5+$0xFFFFFF30]  }
0x345: {  	v28 =	vld [tilespmem:s5+$0xFFFFFF40]  }
0x346: {  	v29 =	vld [tilespmem:s5+$0xFFFFFF50]  }
0x347: {  	v30 =	vld [tilespmem:s5+$0xFFFFFF60]  }
0x348: {  	v31 =	vld [tilespmem:s5+$0xFFFFFF70]  }
0x349: {  	v32 =	vld [tilespmem:s5+$0xFFFFFF80]  }
0x34a: {  	v33 =	vld [tilespmem:s5+$0xFFFFFF90]  }
0x34b: {  	v34 =	vld [tilespmem:s5+$0xFFFFFFA0]  }
0x34c: {  	v35 =	vld [tilespmem:s5+$0xFFFFFFB0]  }
0x34d: {  	v36 =	vld [tilespmem:s5+$0xFFFFFFC0]  }
0x34e: {  	v37 =	vld [tilespmem:s5+$0xFFFFFFD0]  }
0x34f: {  	v38 =	vld [tilespmem:s5+$0xFFFFFFE0]  }
0x350: {  	v39 =	vld [tilespmem:s5+$0xFFFFFFF0]  }
0x351: {  	v40 =	vld [tilespmem:s5+$0x0]  }
0x352: {  	v41 =	vld [tilespmem:s5+$0x10]  }
0x353: {  	v42 =	vld [tilespmem:s5+$0x20]  }
0x354: {  	v43 =	vld [tilespmem:s5+$0x30]  }
0x355: {  	v44 =	vld [tilespmem:s5+$0x40]  }
0x356: {  	v45 =	vld [tilespmem:s5+$0x50]  }
0x357: {  	v46 =	vld [tilespmem:s5+$0x60]  }
0x358: {  	v47 =	vld [tilespmem:s5+$0x70]  }
0x359: {  	v48 =	vld [tilespmem:s5+$0x80]  }
0x35a: {  	v49 =	vld [tilespmem:s5+$0x90]  }
0x35b: {  	v50 =	vld [tilespmem:s5+$0xA0]  }
0x35c: {  	v51 =	vld [tilespmem:s5+$0xB0];
	v0 =	vadd.f32 v4, v0;
	v1 =	vadd.f32 v5, v1  }
0x35d: {  	v52 =	vld [tilespmem:s5+$0xC0];
	v2 =	vadd.f32 v6, v2  }
0x35e: {  	v53 =	vld [tilespmem:s5+$0xD0];
	v0 =	vadd.f32 v8, v0;
	v1 =	vadd.f32 v9, v1  }
0x35f: {  	v54 =	vld [tilespmem:s5+$0xE0];
	v3 =	vadd.f32 v7, v3;
	v2 =	vadd.f32 v10, v2  }
0x360: {  	v55 =	vld [tilespmem:s5+$0xF0];
	v0 =	vadd.f32 v12, v0;
	v1 =	vadd.f32 v13, v1  }
0x361: {  	v56 =	vld [tilespmem:s5+$0x100];
	v3 =	vadd.f32 v11, v3;
	v2 =	vadd.f32 v14, v2  }
0x362: {  	v57 =	vld [tilespmem:s5+$0x110];
	v0 =	vadd.f32 v16, v0;
	v1 =	vadd.f32 v17, v1  }
0x363: {  	v58 =	vld [tilespmem:s5+$0x120];
	v3 =	vadd.f32 v15, v3;
	v2 =	vadd.f32 v18, v2  }
0x364: {  	v59 =	vld [tilespmem:s5+$0x130];
	v0 =	vadd.f32 v20, v0;
	v1 =	vadd.f32 v21, v1  }
0x365: {  	v60 =	vld [tilespmem:s5+$0x140];
	v3 =	vadd.f32 v19, v3;
	v2 =	vadd.f32 v22, v2  }
0x366: {  	v61 =	vld [tilespmem:s5+$0x150];
	v0 =	vadd.f32 v24, v0;
	v1 =	vadd.f32 v25, v1  }
0x367: {  	v62 =	vld [tilespmem:s5+$0x160];
	v3 =	vadd.f32 v23, v3;
	v2 =	vadd.f32 v26, v2  }
0x368: {  	v63 =	vld [tilespmem:s5+$0x170];
	v0 =	vadd.f32 v28, v0;
	v1 =	vadd.f32 v29, v1  }
0x369: {  	v3 =	vadd.f32 v27, v3;
	v2 =	vadd.f32 v30, v2;
	v30 =	vld [tilespmem:s5+$0x180]  }
0x36a: {  	v0 =	vadd.f32 v32, v0;
	v1 =	vadd.f32 v33, v1;
	v33 =	vld [tilespmem:s5+$0x190]  }
0x36b: {  	v3 =	vadd.f32 v31, v3;
	v2 =	vadd.f32 v34, v2;
	v34 =	vld [tilespmem:s5+$0x1A0]  }
0x36c: {  	v0 =	vadd.f32 v36, v0;
	v1 =	vadd.f32 v37, v1;
	v36 =	vld [tilespmem:s5+$0x1B0]  }
0x36d: {  	v3 =	vadd.f32 v35, v3;
	v2 =	vadd.f32 v38, v2;
	v37 =	vld [tilespmem:s5+$0x1C0]  }
0x36e: {  	v38 =	vld [tilespmem:s5+$0x1D0];
	v0 =	vadd.f32 v40, v0;
	v1 =	vadd.f32 v41, v1  }
0x36f: {  	v3 =	vadd.f32 v39, v3;
	v2 =	vadd.f32 v42, v2;
	v40 =	vld [tilespmem:s5+$0x1E0]  }
0x370: {  	v41 =	vld [tilespmem:s5+$0x1F0];
	v0 =	vadd.f32 v44, v0;
	v1 =	vadd.f32 v45, v1  }
0x371: {  	v3 =	vadd.f32 v43, v3;
	v42 =	vld [tilespmem:s5+$0x200];
	v2 =	vadd.f32 v46, v2  }
0x372: {  	v43 =	vld [tilespmem:s5+$0x210];
	v0 =	vadd.f32 v48, v0;
	v1 =	vadd.f32 v49, v1  }
0x373: {  	v3 =	vadd.f32 v47, v3;
	v44 =	vld [tilespmem:s5+$0x220];
	v2 =	vadd.f32 v50, v2  }
0x374: {  	v45 =	vld [tilespmem:s5+$0x230];
	v0 =	vadd.f32 v52, v0;
	v1 =	vadd.f32 v53, v1  }
0x375: {  	v46 =	vld [tilespmem:s5+$0x240];
	v3 =	vadd.f32 v51, v3;
	v2 =	vadd.f32 v54, v2  }
0x376: {  	v47 =	vld [tilespmem:s5+$0x250];
	v0 =	vadd.f32 v56, v0;
	v1 =	vadd.f32 v57, v1  }
0x377: {  	v48 =	vld [tilespmem:s5+$0x260];
	v3 =	vadd.f32 v55, v3;
	v2 =	vadd.f32 v58, v2  }
0x378: {  	v49 =	vld [tilespmem:s5+$0x270];
	v0 =	vadd.f32 v60, v0;
	v1 =	vadd.f32 v61, v1  }
0x379: {  	v50 =	vld [tilespmem:s7+$0xFFFFFFE0];
	v3 =	vadd.f32 v59, v3;
	v2 =	vadd.f32 v62, v2  }
0x37a: {  	v51 =	vld [tilespmem:s6+$0xFFFFFFE0];
	v0 =	vadd.f32 v30, v0;
	v1 =	vadd.f32 v33, v1  }
0x37b: {  	v52 =	vld [tilespmem:s7+$0xFFFFFFF0];
	v3 =	vadd.f32 v63, v3;
	v2 =	vadd.f32 v34, v2  }
0x37c: {  	v53 =	vld [tilespmem:s6+$0xFFFFFFF0];
	v0 =	vadd.f32 v37, v0;
	v1 =	vadd.f32 v38, v1  }
0x37d: {  	v54 =	vld [tilespmem:s7+$0x0];
	v3 =	vadd.f32 v36, v3;
	v2 =	vadd.f32 v40, v2  }
0x37e: {  	v55 =	vld [tilespmem:s6+$0x0];
	v0 =	vadd.f32 v42, v0;
	v1 =	vadd.f32 v43, v1  }
0x37f: {  	v56 =	vld [tilespmem:s7+$0x10];
	v3 =	vadd.f32 v41, v3;
	v2 =	vadd.f32 v44, v2  }
0x380: {  	v57 =	vld [tilespmem:s6+$0x10];
	v0 =	vadd.f32 v46, v0;
	v1 =	vadd.f32 v47, v1  }
0x381: {  	v58 =	vmul.f32 v51, v50;
	v59 =	vmul.f32 v53, v52;
	v3 =	vadd.f32 v45, v3  }
0x382: {  	v2 =	vadd.f32 v48, v2;
	v0 =	vmul.f32 v50, v0;
	v1 =	vmul.f32 v52, v1  }
0x383: {  	v60 =	vmul.f32 v55, v54;
	v5 =	vadd.f32 v59, v58  }
0x384: {  	v3 =	vadd.f32 v49, v3;
	v61 =	vmul.f32 v54, v2;
	v0 =	vadd.f32 v1, v0  }
0x385: {  	p0 =	sne.s32 s2, $0x7C0;
	v4 =	vmul.f32 v57, v56;
	v62 =	vadd.f32 v60, v5  }
.Ltmp4:
0x386: {  	v63 =	vmul.f32 v56, v3;
	v0 =	vadd.f32 v61, v0;
	(pc) =	sbr.rel @p0 .LBB2_10-.Ltmp4, $4  }
0x387: {  	v2 =	vadd.f32 v4, v62  }
0x388: {  	s8 =	sshra.s32 s2, $0x2;
	v0 =	vadd.f32 v63, v0  }
0x389: {  	s2 =	sadd.s32 $0x40, s2;
	[tilespmem:s8+$0x1AA00] =	vst v2  }
0x38a: {  	s5 =	sadd.s32 $0x500, s5;
	s6 =	sadd.s32 $0x40, s6;
	s7 =	sadd.s32 $0x40, s7;
	[tilespmem:s8+$0x1CA00] =	vst v0  }
0x38b: {  	s2 =	rddreg [dreg:$0x7];
	s5 =	simm.s32 $0x18C00  }
0x38c: {  	[hbm4b:s2+s10] =	stream.linear.scatter [tilespmem:s5], [sflag:$0x3], $0x2000, $0x38;
	[tilespmem:$0x1CC00] =	vst v63  }
0x38d: {  	s5 =	simm.s32 $0x3  }
0x38e: {  	_ =	swait.ge [sflag:s5], $0x2000  }
0x38f: {  	[sflag:s5] =	ssyncset.done $0x0  }
0x390: {  	s6 =	simm.s32 $0x1AC00;
	s13 =	rddreg [dreg:$0x8];
	[sflag:s5] =	ssyncadd.s32 $0xFFFFE000  }
0x391: {  	[hbm4b:s13+s10] =	stream.linear.scatter [tilespmem:s6], [sflag:$0x3], $0x2000, $0x38;
	[tilespmem:$0x1CC00] =	vst v63  }
0x392: {  	_ =	swait.ge [sflag:s5], $0x2000  }
0x393: {  	s15 =	rddreg [dreg:$0xa]  }
0x394: {  	s30 =	rddreg [dreg:$0x9];
	s6 =	sadd.s32 $0x1, s15  }
0x395: {  	p0 =	sne.s32 s6, s30  }
.Ltmp5:
0x396: {  	_ = 	snop;
	(pc) =	sbr.rel @p0 .LBB2_1-.Ltmp5, $3  }
0x397: {  	_ =	sdelay $0x1  }
0x398: {  	[sflag:s5] =	ssyncset.done $0x0  }
0x399: {  	[sflag:s5] =	ssyncadd.s32 $0xFFFFE000  }
0x39a: {  	_ =	sfence.sel $0x180000  }
0x39b: {  	[bflag:$0x0] =	sbarrier.arrive $0xFFFF  }
0x39c: {  	_ =	strace $0x90000047  }
0x39d: {  	s0 =	stileid.u32;
	[bflag:$0x2] =	sbarrier.arrive $0xFFFF  }
0x39e: {  	p0 =	sne.s32 s0, $0x0;
	s0 =	rddreg [dreg:$0x3]  }
0x39f: {  	s0 =	sadd.s32 @!p0 $0x100000, s0  }
0x3a0: {  	[sflag:s0] =	ssyncadd.tile.s32 @!p0 $0x1;
	_ =	shalt  }
.Lfunc_end2:
_tile_overlayer_lowered:
.L_overlay_start_2:
0x3a1: {  	(tag) =	ssettag $0x2  }
0x3a2: {  	s0 =	rddreg [dreg:$0x0];
	s2 =	stileid.u32  }
0x3a3: {  	s1 =	rddreg [dreg:$0x1];
	p0 =	sne.s32 s2, $0x0  }
0x3a4: {  	s3 =	rddreg [dreg:$0x2];
	[bflag:$0x3] =	sbarrier.arrive $0xFFFF;
	s2 =	simm.s32 @!p0 $0x1C03  }
0x3a5: {  	[timem:s3], [sflag:s2] =	dma.local @!p0 [hbm:s0], s1  }
0x3a6: {  	s0 =	simm.s32 @!p0 $0x3  }
0x3a7: {  	_ =	swait.ge @!p0 [sflag:s0], s1  }
0x3a8: {  	s1 =	ssub.s32 @!p0 $0x0, s1;
	[sflag:s0] =	ssyncset.done @!p0 $0x0  }
0x3a9: {  	[sflag:s0] =	ssyncadd.s32 @!p0 s1  }
0x3aa: {  	[bflag:$0x3] =	sbarrier.arrive $0xFFFF  }
0x3ab: {  	_ =	shalt  }

</sc_bundles>
